<compile_context>
chip_gen: v7x
topology: tpu7x:2x2x1
jax: 0.10.2.dev20260603
libtpu: 0.0.44.dev20260713+nightly
codegen_flags: <defaults>
</compile_context>

<pallas_src>
import functools

import jax
import jax.numpy as jnp
from jax import lax
from jax.experimental import pallas as pl
from jax.experimental.pallas import tpu as pltpu
from jax.experimental.pallas import tpu_sc as plsc

N = 10000
E = 320000
D = 128

NC = 2
NS = 16
NW = NC * NS

CH = 128
NT = 80
EP = NW * NT * CH
NCHUNK = EP // CH
NP = 10240
RPT = NP // NS
_ZCHUNKS = (128, 128, 128, 128, 128)

@functools.lru_cache(maxsize=None)
def _sc_mesh():
    return plsc.VectorSubcoreMesh(
        core_axis_name="c", subcore_axis_name="s", num_cores=NC,
        num_subcores=NS,
    )


def _fill_f32(ref, nrows, ncols16, value):
    vec = jnp.full((16,), value, jnp.float32)

    def body(i, carry):
        for k in range(ncols16):
            ref[i, pl.ds(16 * k, 16)] = vec
        return carry

    lax.fori_loop(0, nrows, body, 0)


@functools.lru_cache(maxsize=None)
def _sc_degree_kernel():
    return pl.kernel(
        _sc_degree_body,
        out_type=jax.ShapeDtypeStruct((NC * NP,), jnp.float32),
        mesh=_sc_mesh(),
        scratch_types=[
            pltpu.VMEM((NT, CH), jnp.int32),
            pltpu.VMEM((CH,), jnp.float32),
            pltpu.VMEM((RPT,), jnp.float32),
            pltpu.VMEM_SHARED((NP,), jnp.float32),
        ],
    )


def _sc_degree_body(dst2d, out, dsts_v, ones_v, zero_v, acc_sh):
    c = lax.axis_index("c")
    s = lax.axis_index("s")
    wid = s * NC + c

    one = jnp.ones((16,), jnp.float32)
    zero = jnp.zeros((16,), jnp.float32)
    for k in range(CH // 16):
        ones_v[pl.ds(16 * k, 16)] = one

    def zfill(i, carry):
        zero_v[pl.ds(i * 16, 16)] = zero
        return carry

    lax.fori_loop(0, RPT // 16, zfill, 0)
    pltpu.sync_copy(zero_v, acc_sh.at[pl.ds(s * RPT, RPT)])
    plsc.subcore_barrier()

    pltpu.sync_copy(dst2d.at[pl.ds(wid * NT, NT)], dsts_v)

    def body(j, carry):
        pltpu.sync_copy(ones_v, acc_sh.at[dsts_v.at[j]], add=True)
        return carry

    lax.fori_loop(0, NT, body, 0)
    plsc.subcore_barrier()

    pltpu.sync_copy(
        acc_sh.at[pl.ds(s * RPT, RPT)],
        out.at[pl.ds(c * NP + s * RPT, RPT)],
    )


@functools.lru_cache(maxsize=None)
def _sc_edge_sum_kernel():
    return pl.kernel(
        _sc_edge_sum_body,
        out_type=jax.ShapeDtypeStruct((NC, NP, D), jnp.float32),
        mesh=_sc_mesh(),
        scratch_types=[
            pltpu.VMEM((NT // 2, CH), jnp.int32),
            pltpu.VMEM((NT // 2, CH), jnp.int32),
            pltpu.VMEM((CH, D), jnp.float32),
            pltpu.VMEM((CH, D), jnp.float32),
            pltpu.VMEM_SHARED((NP, D), jnp.float32),
            pltpu.SemaphoreType.DMA,
            pltpu.SemaphoreType.DMA,
        ],
    )


def _sc_edge_sum_body(g, src2d, dst2d, out, srcs_v, dsts_v, rows0, rows1,
                      acc_sh, sem0, sem1):
    c = lax.axis_index("c")
    s = lax.axis_index("s")
    wid = s * NC + c

    _fill_f32(rows0, CH, D // 16, 0.0)
    off = 0
    for z in _ZCHUNKS:
        pltpu.sync_copy(
            rows0.at[pl.ds(0, z)],
            acc_sh.at[pl.ds(s * RPT + off, z)],
        )
        off += z
    plsc.subcore_barrier()

    NH = NT // 2
    NLIVE = E // CH
    hi = jnp.clip(NLIVE - wid * NT, 0, NT)

    for h in range(2):
        nh_live = jnp.clip(hi - h * NH, 0, NH)

        def group(gi, carry):
            j0 = gi * 2

            pltpu.make_async_copy(g.at[pl.ds(0, CH)], rows0, sem0).wait()
            pltpu.sync_copy(rows0, acc_sh.at[dsts_v.at[j0]], add=True)

            @pl.when(j0 + 2 < nh_live)
            def _():
                pltpu.async_copy(g.at[srcs_v.at[j0 + 2]], rows0, sem0)

            pltpu.make_async_copy(g.at[pl.ds(0, CH)], rows1, sem1).wait()
            pltpu.sync_copy(rows1, acc_sh.at[dsts_v.at[j0 + 1]], add=True)

            @pl.when(j0 + 3 < nh_live)
            def _():
                pltpu.async_copy(g.at[srcs_v.at[j0 + 3]], rows1, sem1)

            return carry

        pltpu.sync_copy(src2d.at[pl.ds(wid * NT + h * NH, NH)], srcs_v)
        pltpu.sync_copy(dst2d.at[pl.ds(wid * NT + h * NH, NH)], dsts_v)

        @pl.when(nh_live > 0)
        def _():
            pltpu.async_copy(g.at[srcs_v.at[0]], rows0, sem0)

        @pl.when(nh_live > 1)
        def _():
            pltpu.async_copy(g.at[srcs_v.at[1]], rows1, sem1)

        lax.fori_loop(0, nh_live // 2, group, 0)

    plsc.subcore_barrier()

    pltpu.sync_copy(
        acc_sh.at[pl.ds(s * RPT, RPT)],
        out.at[c, pl.ds(s * RPT, RPT)],
    )


RB = 2000
GRID = N // RB


def _dinv(dp_ref):
    return lax.rsqrt(dp_ref[0] + dp_ref[1] + 1.0)


def _tc_head_body(x_ref, dp_ref, w0_ref, b0_ref, w1_ref, g1_ref):
    dinv = _dinv(dp_ref)
    h0 = jax.nn.sigmoid(
        jnp.dot(x_ref[...], w0_ref[...], preferred_element_type=jnp.float32)
        + b0_ref[...]
    )
    g1_ref[...] = dinv * jnp.dot(
        h0, w1_ref[...], preferred_element_type=jnp.float32
    )


def _tc_mid_body(sp_ref, g_ref, dp_ref, b_ref, wn_ref, gn_ref):
    dinv = _dinv(dp_ref)
    conv = dinv * (sp_ref[0] + sp_ref[1] + g_ref[...]) + b_ref[...]
    h = jax.nn.sigmoid(conv)
    gn_ref[...] = dinv * jnp.dot(
        h, wn_ref[...], preferred_element_type=jnp.float32
    )


def _tc_tail_body(sp_ref, g_ref, dp_ref, b_ref, wf1_ref, bf1_ref, wf2_ref,
                  bf2_ref, out_ref):
    dinv = _dinv(dp_ref)
    conv = dinv * (sp_ref[0] + sp_ref[1] + g_ref[...]) + b_ref[...]
    h = jax.nn.sigmoid(conv)
    t = jax.nn.sigmoid(
        jnp.dot(h, wf1_ref[...], preferred_element_type=jnp.float32)
        + bf1_ref[...]
    )
    out_ref[...] = (
        jnp.dot(t, wf2_ref[...], preferred_element_type=jnp.float32)
        + bf2_ref[...]
    )


def _row_spec(cols):
    return pl.BlockSpec((RB, cols), lambda i: (i, 0))


def _part_spec(cols):
    return pl.BlockSpec((NC, RB, cols), lambda i: (0, i, 0))


def _full_spec(r, cols):
    return pl.BlockSpec((r, cols), lambda i: (0, 0))


_tc_head = pl.pallas_call(
    _tc_head_body,
    grid=(GRID,),
    in_specs=[_row_spec(D), _part_spec(1), _full_spec(D, D),
              _full_spec(1, D), _full_spec(D, D)],
    out_specs=_row_spec(D),
    out_shape=jax.ShapeDtypeStruct((NP, D), jnp.float32),
)

_tc_mid = pl.pallas_call(
    _tc_mid_body,
    grid=(GRID,),
    in_specs=[_part_spec(D), _row_spec(D), _part_spec(1),
              _full_spec(1, D), _full_spec(D, D)],
    out_specs=_row_spec(D),
    out_shape=jax.ShapeDtypeStruct((NP, D), jnp.float32),
)

_tc_tail = pl.pallas_call(
    _tc_tail_body,
    grid=(GRID,),
    in_specs=[_part_spec(D), _row_spec(D), _part_spec(1),
              _full_spec(1, D), _full_spec(D, 256), _full_spec(1, 256),
              _full_spec(256, 1), _full_spec(1, 1)],
    out_specs=_row_spec(1),
    out_shape=jax.ShapeDtypeStruct((N, 1), jnp.float32),
)


def kernel(x, edge_index, W0, b0, W1, b1, W2, b2, W3, b3, Wf1, bf1, Wf2, bf2):
    b0 = b0.reshape(1, D)
    b1 = b1.reshape(1, D)
    b2 = b2.reshape(1, D)
    b3 = b3.reshape(1, D)
    bf1 = bf1.reshape(1, 256)
    bf2 = bf2.reshape(1, 1)

    sc_degree = _sc_degree_kernel()
    sc_edge_sum = _sc_edge_sum_kernel()

    pad_rows = N + (jnp.arange(EP - E, dtype=jnp.int32) % (NP - N))
    pad = jnp.broadcast_to(pad_rows, (2, EP - E))
    ei = jnp.concatenate([edge_index, pad], axis=1)
    src2d = ei[0].reshape(NCHUNK, CH)
    dst2d = ei[1].reshape(NCHUNK, CH)

    deg_p = sc_degree(dst2d).reshape(NC, NP, 1)

    g1 = _tc_head(x, deg_p, W0, b0, W1)
    s1 = sc_edge_sum(g1, src2d, dst2d)
    g2 = _tc_mid(s1, g1, deg_p, b1, W2)
    s2 = sc_edge_sum(g2, src2d, dst2d)
    g3 = _tc_mid(s2, g2, deg_p, b2, W3)
    s3 = sc_edge_sum(g3, src2d, dst2d)
    return _tc_tail(s3, g3, deg_p, b3, Wf1, bf1, Wf2, bf2)

# --- scband reference (transcript-rebuilt; emitter-appended) ---
"""Pipeline reference for scband-custom-model-85572928406083 (READ-ONLY COPY).

The authoritative reference and input builder live on the scoring server;
editing this copy changes nothing except your own understanding.
"""

import jax, jax.numpy as jnp
import numpy as np

N = 10000
E = 320000
D = 128


def gcn_conv(x, edge_index, W, b):
    # GCNConv with self-loops and symmetric normalization (PyG default)
    src = edge_index[0]
    dst = edge_index[1]
    loop = jnp.arange(N, dtype=src.dtype)
    src = jnp.concatenate([src, loop])
    dst = jnp.concatenate([dst, loop])
    deg = jnp.zeros((N,), dtype=x.dtype).at[dst].add(1.0)
    dinv = jax.lax.rsqrt(deg)
    norm = dinv[src] * dinv[dst]
    h = x @ W
    msgs = h[src] * norm[:, None]
    out = jax.ops.segment_sum(msgs, dst, num_segments=N)
    return out + b


def setup_inputs(seed: int = 0) -> dict:
    key = jax.random.key(seed)
    ks = jax.random.split(key, 20)
    inp = {}
    inp['x'] = jax.random.normal(ks[0], (N, D), dtype=jnp.float32)
    inp['edge_index'] = jax.random.randint(ks[1], (2, E), 0, N, dtype=jnp.int32)
    s = 0.05
    inp['W0'] = jax.random.normal(ks[2], (D, D), dtype=jnp.float32) * s
    inp['b0'] = jnp.zeros((D,), dtype=jnp.float32)
    inp['W1'] = jax.random.normal(ks[3], (D, D), dtype=jnp.float32) * s
    inp['b1'] = jnp.zeros((D,), dtype=jnp.float32)
    inp['W2'] = jax.random.normal(ks[4], (D, D), dtype=jnp.float32) * s
    inp['b2'] = jnp.zeros((D,), dtype=jnp.float32)
    inp['W3'] = jax.random.normal(ks[5], (D, D), dtype=jnp.float32) * s
    inp['b3'] = jnp.zeros((D,), dtype=jnp.float32)
    inp['Wf1'] = jax.random.normal(ks[6], (D, 256), dtype=jnp.float32) * s
    inp['bf1'] = jnp.zeros((256,), dtype=jnp.float32)
    inp['Wf2'] = jax.random.normal(ks[7], (256, 1), dtype=jnp.float32) * s
    inp['bf2'] = jnp.zeros((1,), dtype=jnp.float32)
    return inp


def reference(x, edge_index, W0, b0, W1, b1, W2, b2, W3, b3, Wf1, bf1, Wf2, bf2):
    h = jax.nn.sigmoid(x @ W0 + b0)
    h = jax.nn.sigmoid(gcn_conv(h, edge_index, W1, b1))
    h = jax.nn.sigmoid(gcn_conv(h, edge_index, W2, b2))
    h = jax.nn.sigmoid(gcn_conv(h, edge_index, W3, b3))
    h = jax.nn.sigmoid(h @ Wf1 + bf1)
    # dropout p=0.5 is identity in eval mode (training=False)
    out_node = h @ Wf2 + bf2
    return out_node

if __name__ == "__main__":
    import jax
    _d = setup_inputs()
    print(jax.jit(kernel)(*tuple(_d.values())))

</pallas_src>

<mosaic_0001>
#map = affine_map<(d0, d1) -> (0, 0)>
#map1 = affine_map<(d0, d1) -> (0, 0, 0)>
module attributes {stable_mosaic.version = 14 : i64} {
  func.func @_sc_edge_sum_body(%arg0: i32, %arg1: i32, %arg2: memref<10240x128xf32, #tpu.memory_space<hbm>>, %arg3: memref<2560x128xi32, #tpu.memory_space<hbm>>, %arg4: memref<2560x128xi32, #tpu.memory_space<hbm>>, %arg5: memref<2x10240x128xf32, #tpu.memory_space<hbm>>, %arg6: memref<40x128xi32, #tpu.memory_space<vmem>>, %arg7: memref<40x128xi32, #tpu.memory_space<vmem>>, %arg8: memref<128x128xf32, #tpu.memory_space<vmem>>, %arg9: memref<128x128xf32, #tpu.memory_space<vmem>>, %arg10: memref<10240x128xf32, #tpu.memory_space<vmem_shared>>, %arg11: memref<!tpu.dma_semaphore, #tpu.memory_space<semaphore_mem>>, %arg12: memref<!tpu.dma_semaphore, #tpu.memory_space<semaphore_mem>>) attributes {dimension_semantics = [#tpu.dimension_semantics<core_parallel>, #tpu.dimension_semantics<subcore_parallel>], iteration_bounds = array<i64: 2, 16>, scalar_prefetch = 0 : i64, scratch_operands = 7 : i64, tpu.core_type = #tpu.core_type<sc_vector_subcore>, window_params = [{transform_indices = #map}, {transform_indices = #map}, {transform_indices = #map}, {transform_indices = #map1}]} {
    %mul3A = arith.constant 2 : i32
    %mul3A_0 = arith.muli %arg1, %mul3A : i32
    %add3A = arith.addi %mul3A_0, %arg0 : i32
    %broadcast_in_dim3A = arith.constant 0.000000e+00 : f32
    %broadcast_in_dim3A_1 = vector.broadcast %broadcast_in_dim3A : f32 to vector<16xf32>
    %scan3A = arith.constant 0 : i32
    %scan3A_2 = arith.constant 0 : i32
    %scan3A_3 = arith.constant 128 : i32
    %scan3A_4 = arith.addi %scan3A_2, %scan3A_3 : i32
    %scan3A_5 = arith.constant 1 : i32
    scf.for %scan3A_142 = %scan3A_2 to %scan3A_4 step %scan3A_5  : i32 {
      %swap3A = arith.index_cast %scan3A_142 : i32 to index
      %swap3A_143 = arith.constant 0 : index
      %swap3A_144 = tpu.vector_load %arg8[%swap3A, %swap3A_143] {strides = array<i32>} : memref<128x128xf32, #tpu.memory_space<vmem>>, vector<1x16xf32>,
      %swap3A_145 = vector.shape_cast %swap3A_144 : vector<1x16xf32> to vector<16xf32>
      %swap3A_146 = vector.shape_cast %broadcast_in_dim3A_1 : vector<16xf32> to vector<1x16xf32>
      tpu.vector_store %arg8[%swap3A, %swap3A_143], %swap3A_146 {strides = array<i32>} : memref<128x128xf32, #tpu.memory_space<vmem>>, vector<1x16xf32>,
      %swap3A_147 = arith.index_cast %scan3A_142 : i32 to index
      %swap3A_148 = arith.constant 16 : index
      %swap3A_149 = tpu.vector_load %arg8[%swap3A_147, %swap3A_148] {strides = array<i32>} : memref<128x128xf32, #tpu.memory_space<vmem>>, vector<1x16xf32>,
      %swap3A_150 = vector.shape_cast %swap3A_149 : vector<1x16xf32> to vector<16xf32>
      %swap3A_151 = vector.shape_cast %broadcast_in_dim3A_1 : vector<16xf32> to vector<1x16xf32>
      tpu.vector_store %arg8[%swap3A_147, %swap3A_148], %swap3A_151 {strides = array<i32>} : memref<128x128xf32, #tpu.memory_space<vmem>>, vector<1x16xf32>,
      %swap3A_152 = arith.index_cast %scan3A_142 : i32 to index
      %swap3A_153 = arith.constant 32 : index
      %swap3A_154 = tpu.vector_load %arg8[%swap3A_152, %swap3A_153] {strides = array<i32>} : memref<128x128xf32, #tpu.memory_space<vmem>>, vector<1x16xf32>,
      %swap3A_155 = vector.shape_cast %swap3A_154 : vector<1x16xf32> to vector<16xf32>
      %swap3A_156 = vector.shape_cast %broadcast_in_dim3A_1 : vector<16xf32> to vector<1x16xf32>
      tpu.vector_store %arg8[%swap3A_152, %swap3A_153], %swap3A_156 {strides = array<i32>} : memref<128x128xf32, #tpu.memory_space<vmem>>, vector<1x16xf32>,
      %swap3A_157 = arith.index_cast %scan3A_142 : i32 to index
      %swap3A_158 = arith.constant 48 : index
      %swap3A_159 = tpu.vector_load %arg8[%swap3A_157, %swap3A_158] {strides = array<i32>} : memref<128x128xf32, #tpu.memory_space<vmem>>, vector<1x16xf32>,
      %swap3A_160 = vector.shape_cast %swap3A_159 : vector<1x16xf32> to vector<16xf32>
      %swap3A_161 = vector.shape_cast %broadcast_in_dim3A_1 : vector<16xf32> to vector<1x16xf32>
      tpu.vector_store %arg8[%swap3A_157, %swap3A_158], %swap3A_161 {strides = array<i32>} : memref<128x128xf32, #tpu.memory_space<vmem>>, vector<1x16xf32>,
      %swap3A_162 = arith.index_cast %scan3A_142 : i32 to index
      %swap3A_163 = arith.constant 64 : index
      %swap3A_164 = tpu.vector_load %arg8[%swap3A_162, %swap3A_163] {strides = array<i32>} : memref<128x128xf32, #tpu.memory_space<vmem>>, vector<1x16xf32>,
      %swap3A_165 = vector.shape_cast %swap3A_164 : vector<1x16xf32> to vector<16xf32>
      %swap3A_166 = vector.shape_cast %broadcast_in_dim3A_1 : vector<16xf32> to vector<1x16xf32>
      tpu.vector_store %arg8[%swap3A_162, %swap3A_163], %swap3A_166 {strides = array<i32>} : memref<128x128xf32, #tpu.memory_space<vmem>>, vector<1x16xf32>,
      %swap3A_167 = arith.index_cast %scan3A_142 : i32 to index
      %swap3A_168 = arith.constant 80 : index
      %swap3A_169 = tpu.vector_load %arg8[%swap3A_167, %swap3A_168] {strides = array<i32>} : memref<128x128xf32, #tpu.memory_space<vmem>>, vector<1x16xf32>,
      %swap3A_170 = vector.shape_cast %swap3A_169 : vector<1x16xf32> to vector<16xf32>
      %swap3A_171 = vector.shape_cast %broadcast_in_dim3A_1 : vector<16xf32> to vector<1x16xf32>
      tpu.vector_store %arg8[%swap3A_167, %swap3A_168], %swap3A_171 {strides = array<i32>} : memref<128x128xf32, #tpu.memory_space<vmem>>, vector<1x16xf32>,
      %swap3A_172 = arith.index_cast %scan3A_142 : i32 to index
      %swap3A_173 = arith.constant 96 : index
      %swap3A_174 = tpu.vector_load %arg8[%swap3A_172, %swap3A_173] {strides = array<i32>} : memref<128x128xf32, #tpu.memory_space<vmem>>, vector<1x16xf32>,
      %swap3A_175 = vector.shape_cast %swap3A_174 : vector<1x16xf32> to vector<16xf32>
      %swap3A_176 = vector.shape_cast %broadcast_in_dim3A_1 : vector<16xf32> to vector<1x16xf32>
      tpu.vector_store %arg8[%swap3A_172, %swap3A_173], %swap3A_176 {strides = array<i32>} : memref<128x128xf32, #tpu.memory_space<vmem>>, vector<1x16xf32>,
      %swap3A_177 = arith.index_cast %scan3A_142 : i32 to index
      %swap3A_178 = arith.constant 112 : index
      %swap3A_179 = tpu.vector_load %arg8[%swap3A_177, %swap3A_178] {strides = array<i32>} : memref<128x128xf32, #tpu.memory_space<vmem>>, vector<1x16xf32>,
      %swap3A_180 = vector.shape_cast %swap3A_179 : vector<1x16xf32> to vector<16xf32>
      %swap3A_181 = vector.shape_cast %broadcast_in_dim3A_1 : vector<16xf32> to vector<1x16xf32>
      tpu.vector_store %arg8[%swap3A_177, %swap3A_178], %swap3A_181 {strides = array<i32>} : memref<128x128xf32, #tpu.memory_space<vmem>>, vector<1x16xf32>,
    }
    %scan3A_6 = arith.constant 128 : i32
    %mul3A_7 = arith.constant 640 : i32
    %mul3A_8 = arith.muli %arg1, %mul3A_7 : i32
    %add3A_9 = arith.constant 0 : i32
    %add3A_10 = arith.addi %mul3A_8, %add3A_9 : i32
    "tpu.region"() ({
      %run_scoped3A = tpu.sem_alloc : memref<!tpu.dma_semaphore, #tpu.memory_space<semaphore_mem>>
      %dma_start3A = arith.constant 0 : i32
      %dma_start3A_142 = arith.constant 0 : i32
      %dma_start3A_143 = tpu.memref_slice %arg8[%dma_start3A, %dma_start3A_142] : memref<128x128xf32, #tpu.memory_space<vmem>> -> memref<128x128xf32, #tpu.memory_space<vmem>>
      %dma_start3A_144 = arith.constant 0 : i32
      %dma_start3A_145 = tpu.memref_slice %arg10[%add3A_10, %dma_start3A_144] : memref<10240x128xf32, #tpu.memory_space<vmem_shared>> -> memref<128x128xf32, #tpu.memory_space<vmem_shared>>
      %dma_start3A_146 = arith.constant 0 : i32
      %dma_start3A_147 = tpu.memref_slice %arg10[%add3A_10, %dma_start3A_146] : memref<10240x128xf32, #tpu.memory_space<vmem_shared>> -> memref<128x128xf32, #tpu.memory_space<vmem_shared>>
      %dma_start3A_148 = arith.constant 0 : i32
      %dma_start3A_149 = arith.constant 0 : i32
      %dma_start3A_150 = tpu.memref_slice %arg8[%dma_start3A_148, %dma_start3A_149] : memref<128x128xf32, #tpu.memory_space<vmem>> -> memref<128x128xf32, #tpu.memory_space<vmem>>
      tpu.enqueue_dma source(%dma_start3A_150 : memref<128x128xf32, #tpu.memory_space<vmem>>) target(%dma_start3A_147 : memref<128x128xf32, #tpu.memory_space<vmem_shared>>) target_semaphore(%run_scoped3A : memref<!tpu.dma_semaphore, #tpu.memory_space<semaphore_mem>>)
      %dma_wait3A = arith.constant 0 : i32
      %dma_wait3A_151 = arith.constant 0 : i32
      %dma_wait3A_152 = tpu.memref_slice %arg8[%dma_wait3A, %dma_wait3A_151] : memref<128x128xf32, #tpu.memory_space<vmem>> -> memref<128x128xf32, #tpu.memory_space<vmem>>
      %dma_wait3A_153 = arith.constant 0 : i32
      %dma_wait3A_154 = tpu.memref_slice %arg10[%add3A_10, %dma_wait3A_153] : memref<10240x128xf32, #tpu.memory_space<vmem_shared>> -> memref<128x128xf32, #tpu.memory_space<vmem_shared>>
      %dma_wait3A_155 = arith.constant 0 : i32
      %dma_wait3A_156 = tpu.memref_slice %arg10[%add3A_10, %dma_wait3A_155] : memref<10240x128xf32, #tpu.memory_space<vmem_shared>> -> memref<128x128xf32, #tpu.memory_space<vmem_shared>>
      %dma_wait3A_157 = arith.constant 0 : i32
      %dma_wait3A_158 = arith.constant 0 : i32
      %dma_wait3A_159 = tpu.memref_slice %arg8[%dma_wait3A_157, %dma_wait3A_158] : memref<128x128xf32, #tpu.memory_space<vmem>> -> memref<128x128xf32, #tpu.memory_space<vmem>>
      tpu.wait_dma2 semaphore(%run_scoped3A : memref<!tpu.dma_semaphore, #tpu.memory_space<semaphore_mem>>) src(%dma_wait3A_159 : memref<128x128xf32, #tpu.memory_space<vmem>>) dst(%dma_wait3A_156 : memref<128x128xf32, #tpu.memory_space<vmem_shared>>)
      tpu.yield
    }) : () -> ()
    %mul3A_11 = arith.constant 640 : i32
    %mul3A_12 = arith.muli %arg1, %mul3A_11 : i32
    %add3A_13 = arith.constant 128 : i32
    %add3A_14 = arith.addi %mul3A_12, %add3A_13 : i32
    "tpu.region"() ({
      %run_scoped3A = tpu.sem_alloc : memref<!tpu.dma_semaphore, #tpu.memory_space<semaphore_mem>>
      %dma_start3A = arith.constant 0 : i32
      %dma_start3A_142 = arith.constant 0 : i32
      %dma_start3A_143 = tpu.memref_slice %arg8[%dma_start3A, %dma_start3A_142] : memref<128x128xf32, #tpu.memory_space<vmem>> -> memref<128x128xf32, #tpu.memory_space<vmem>>
      %dma_start3A_144 = arith.constant 0 : i32
      %dma_start3A_145 = tpu.memref_slice %arg10[%add3A_14, %dma_start3A_144] : memref<10240x128xf32, #tpu.memory_space<vmem_shared>> -> memref<128x128xf32, #tpu.memory_space<vmem_shared>>
      %dma_start3A_146 = arith.constant 0 : i32
      %dma_start3A_147 = tpu.memref_slice %arg10[%add3A_14, %dma_start3A_146] : memref<10240x128xf32, #tpu.memory_space<vmem_shared>> -> memref<128x128xf32, #tpu.memory_space<vmem_shared>>
      %dma_start3A_148 = arith.constant 0 : i32
      %dma_start3A_149 = arith.constant 0 : i32
      %dma_start3A_150 = tpu.memref_slice %arg8[%dma_start3A_148, %dma_start3A_149] : memref<128x128xf32, #tpu.memory_space<vmem>> -> memref<128x128xf32, #tpu.memory_space<vmem>>
      tpu.enqueue_dma source(%dma_start3A_150 : memref<128x128xf32, #tpu.memory_space<vmem>>) target(%dma_start3A_147 : memref<128x128xf32, #tpu.memory_space<vmem_shared>>) target_semaphore(%run_scoped3A : memref<!tpu.dma_semaphore, #tpu.memory_space<semaphore_mem>>)
      %dma_wait3A = arith.constant 0 : i32
      %dma_wait3A_151 = arith.constant 0 : i32
      %dma_wait3A_152 = tpu.memref_slice %arg8[%dma_wait3A, %dma_wait3A_151] : memref<128x128xf32, #tpu.memory_space<vmem>> -> memref<128x128xf32, #tpu.memory_space<vmem>>
      %dma_wait3A_153 = arith.constant 0 : i32
      %dma_wait3A_154 = tpu.memref_slice %arg10[%add3A_14, %dma_wait3A_153] : memref<10240x128xf32, #tpu.memory_space<vmem_shared>> -> memref<128x128xf32, #tpu.memory_space<vmem_shared>>
      %dma_wait3A_155 = arith.constant 0 : i32
      %dma_wait3A_156 = tpu.memref_slice %arg10[%add3A_14, %dma_wait3A_155] : memref<10240x128xf32, #tpu.memory_space<vmem_shared>> -> memref<128x128xf32, #tpu.memory_space<vmem_shared>>
      %dma_wait3A_157 = arith.constant 0 : i32
      %dma_wait3A_158 = arith.constant 0 : i32
      %dma_wait3A_159 = tpu.memref_slice %arg8[%dma_wait3A_157, %dma_wait3A_158] : memref<128x128xf32, #tpu.memory_space<vmem>> -> memref<128x128xf32, #tpu.memory_space<vmem>>
      tpu.wait_dma2 semaphore(%run_scoped3A : memref<!tpu.dma_semaphore, #tpu.memory_space<semaphore_mem>>) src(%dma_wait3A_159 : memref<128x128xf32, #tpu.memory_space<vmem>>) dst(%dma_wait3A_156 : memref<128x128xf32, #tpu.memory_space<vmem_shared>>)
      tpu.yield
    }) : () -> ()
    %mul3A_15 = arith.constant 640 : i32
    %mul3A_16 = arith.muli %arg1, %mul3A_15 : i32
    %add3A_17 = arith.constant 256 : i32
    %add3A_18 = arith.addi %mul3A_16, %add3A_17 : i32
    "tpu.region"() ({
      %run_scoped3A = tpu.sem_alloc : memref<!tpu.dma_semaphore, #tpu.memory_space<semaphore_mem>>
      %dma_start3A = arith.constant 0 : i32
      %dma_start3A_142 = arith.constant 0 : i32
      %dma_start3A_143 = tpu.memref_slice %arg8[%dma_start3A, %dma_start3A_142] : memref<128x128xf32, #tpu.memory_space<vmem>> -> memref<128x128xf32, #tpu.memory_space<vmem>>
      %dma_start3A_144 = arith.constant 0 : i32
      %dma_start3A_145 = tpu.memref_slice %arg10[%add3A_18, %dma_start3A_144] : memref<10240x128xf32, #tpu.memory_space<vmem_shared>> -> memref<128x128xf32, #tpu.memory_space<vmem_shared>>
      %dma_start3A_146 = arith.constant 0 : i32
      %dma_start3A_147 = tpu.memref_slice %arg10[%add3A_18, %dma_start3A_146] : memref<10240x128xf32, #tpu.memory_space<vmem_shared>> -> memref<128x128xf32, #tpu.memory_space<vmem_shared>>
      %dma_start3A_148 = arith.constant 0 : i32
      %dma_start3A_149 = arith.constant 0 : i32
      %dma_start3A_150 = tpu.memref_slice %arg8[%dma_start3A_148, %dma_start3A_149] : memref<128x128xf32, #tpu.memory_space<vmem>> -> memref<128x128xf32, #tpu.memory_space<vmem>>
      tpu.enqueue_dma source(%dma_start3A_150 : memref<128x128xf32, #tpu.memory_space<vmem>>) target(%dma_start3A_147 : memref<128x128xf32, #tpu.memory_space<vmem_shared>>) target_semaphore(%run_scoped3A : memref<!tpu.dma_semaphore, #tpu.memory_space<semaphore_mem>>)
      %dma_wait3A = arith.constant 0 : i32
      %dma_wait3A_151 = arith.constant 0 : i32
      %dma_wait3A_152 = tpu.memref_slice %arg8[%dma_wait3A, %dma_wait3A_151] : memref<128x128xf32, #tpu.memory_space<vmem>> -> memref<128x128xf32, #tpu.memory_space<vmem>>
      %dma_wait3A_153 = arith.constant 0 : i32
      %dma_wait3A_154 = tpu.memref_slice %arg10[%add3A_18, %dma_wait3A_153] : memref<10240x128xf32, #tpu.memory_space<vmem_shared>> -> memref<128x128xf32, #tpu.memory_space<vmem_shared>>
      %dma_wait3A_155 = arith.constant 0 : i32
      %dma_wait3A_156 = tpu.memref_slice %arg10[%add3A_18, %dma_wait3A_155] : memref<10240x128xf32, #tpu.memory_space<vmem_shared>> -> memref<128x128xf32, #tpu.memory_space<vmem_shared>>
      %dma_wait3A_157 = arith.constant 0 : i32
      %dma_wait3A_158 = arith.constant 0 : i32
      %dma_wait3A_159 = tpu.memref_slice %arg8[%dma_wait3A_157, %dma_wait3A_158] : memref<128x128xf32, #tpu.memory_space<vmem>> -> memref<128x128xf32, #tpu.memory_space<vmem>>
      tpu.wait_dma2 semaphore(%run_scoped3A : memref<!tpu.dma_semaphore, #tpu.memory_space<semaphore_mem>>) src(%dma_wait3A_159 : memref<128x128xf32, #tpu.memory_space<vmem>>) dst(%dma_wait3A_156 : memref<128x128xf32, #tpu.memory_space<vmem_shared>>)
      tpu.yield
    }) : () -> ()
    %mul3A_19 = arith.constant 640 : i32
    %mul3A_20 = arith.muli %arg1, %mul3A_19 : i32
    %add3A_21 = arith.constant 384 : i32
    %add3A_22 = arith.addi %mul3A_20, %add3A_21 : i32
    "tpu.region"() ({
      %run_scoped3A = tpu.sem_alloc : memref<!tpu.dma_semaphore, #tpu.memory_space<semaphore_mem>>
      %dma_start3A = arith.constant 0 : i32
      %dma_start3A_142 = arith.constant 0 : i32
      %dma_start3A_143 = tpu.memref_slice %arg8[%dma_start3A, %dma_start3A_142] : memref<128x128xf32, #tpu.memory_space<vmem>> -> memref<128x128xf32, #tpu.memory_space<vmem>>
      %dma_start3A_144 = arith.constant 0 : i32
      %dma_start3A_145 = tpu.memref_slice %arg10[%add3A_22, %dma_start3A_144] : memref<10240x128xf32, #tpu.memory_space<vmem_shared>> -> memref<128x128xf32, #tpu.memory_space<vmem_shared>>
      %dma_start3A_146 = arith.constant 0 : i32
      %dma_start3A_147 = tpu.memref_slice %arg10[%add3A_22, %dma_start3A_146] : memref<10240x128xf32, #tpu.memory_space<vmem_shared>> -> memref<128x128xf32, #tpu.memory_space<vmem_shared>>
      %dma_start3A_148 = arith.constant 0 : i32
      %dma_start3A_149 = arith.constant 0 : i32
      %dma_start3A_150 = tpu.memref_slice %arg8[%dma_start3A_148, %dma_start3A_149] : memref<128x128xf32, #tpu.memory_space<vmem>> -> memref<128x128xf32, #tpu.memory_space<vmem>>
      tpu.enqueue_dma source(%dma_start3A_150 : memref<128x128xf32, #tpu.memory_space<vmem>>) target(%dma_start3A_147 : memref<128x128xf32, #tpu.memory_space<vmem_shared>>) target_semaphore(%run_scoped3A : memref<!tpu.dma_semaphore, #tpu.memory_space<semaphore_mem>>)
      %dma_wait3A = arith.constant 0 : i32
      %dma_wait3A_151 = arith.constant 0 : i32
      %dma_wait3A_152 = tpu.memref_slice %arg8[%dma_wait3A, %dma_wait3A_151] : memref<128x128xf32, #tpu.memory_space<vmem>> -> memref<128x128xf32, #tpu.memory_space<vmem>>
      %dma_wait3A_153 = arith.constant 0 : i32
      %dma_wait3A_154 = tpu.memref_slice %arg10[%add3A_22, %dma_wait3A_153] : memref<10240x128xf32, #tpu.memory_space<vmem_shared>> -> memref<128x128xf32, #tpu.memory_space<vmem_shared>>
      %dma_wait3A_155 = arith.constant 0 : i32
      %dma_wait3A_156 = tpu.memref_slice %arg10[%add3A_22, %dma_wait3A_155] : memref<10240x128xf32, #tpu.memory_space<vmem_shared>> -> memref<128x128xf32, #tpu.memory_space<vmem_shared>>
      %dma_wait3A_157 = arith.constant 0 : i32
      %dma_wait3A_158 = arith.constant 0 : i32
      %dma_wait3A_159 = tpu.memref_slice %arg8[%dma_wait3A_157, %dma_wait3A_158] : memref<128x128xf32, #tpu.memory_space<vmem>> -> memref<128x128xf32, #tpu.memory_space<vmem>>
      tpu.wait_dma2 semaphore(%run_scoped3A : memref<!tpu.dma_semaphore, #tpu.memory_space<semaphore_mem>>) src(%dma_wait3A_159 : memref<128x128xf32, #tpu.memory_space<vmem>>) dst(%dma_wait3A_156 : memref<128x128xf32, #tpu.memory_space<vmem_shared>>)
      tpu.yield
    }) : () -> ()
    %mul3A_23 = arith.constant 640 : i32
    %mul3A_24 = arith.muli %arg1, %mul3A_23 : i32
    %add3A_25 = arith.constant 512 : i32
    %add3A_26 = arith.addi %mul3A_24, %add3A_25 : i32
    "tpu.region"() ({
      %run_scoped3A = tpu.sem_alloc : memref<!tpu.dma_semaphore, #tpu.memory_space<semaphore_mem>>
      %dma_start3A = arith.constant 0 : i32
      %dma_start3A_142 = arith.constant 0 : i32
      %dma_start3A_143 = tpu.memref_slice %arg8[%dma_start3A, %dma_start3A_142] : memref<128x128xf32, #tpu.memory_space<vmem>> -> memref<128x128xf32, #tpu.memory_space<vmem>>
      %dma_start3A_144 = arith.constant 0 : i32
      %dma_start3A_145 = tpu.memref_slice %arg10[%add3A_26, %dma_start3A_144] : memref<10240x128xf32, #tpu.memory_space<vmem_shared>> -> memref<128x128xf32, #tpu.memory_space<vmem_shared>>
      %dma_start3A_146 = arith.constant 0 : i32
      %dma_start3A_147 = tpu.memref_slice %arg10[%add3A_26, %dma_start3A_146] : memref<10240x128xf32, #tpu.memory_space<vmem_shared>> -> memref<128x128xf32, #tpu.memory_space<vmem_shared>>
      %dma_start3A_148 = arith.constant 0 : i32
      %dma_start3A_149 = arith.constant 0 : i32
      %dma_start3A_150 = tpu.memref_slice %arg8[%dma_start3A_148, %dma_start3A_149] : memref<128x128xf32, #tpu.memory_space<vmem>> -> memref<128x128xf32, #tpu.memory_space<vmem>>
      tpu.enqueue_dma source(%dma_start3A_150 : memref<128x128xf32, #tpu.memory_space<vmem>>) target(%dma_start3A_147 : memref<128x128xf32, #tpu.memory_space<vmem_shared>>) target_semaphore(%run_scoped3A : memref<!tpu.dma_semaphore, #tpu.memory_space<semaphore_mem>>)
      %dma_wait3A = arith.constant 0 : i32
      %dma_wait3A_151 = arith.constant 0 : i32
      %dma_wait3A_152 = tpu.memref_slice %arg8[%dma_wait3A, %dma_wait3A_151] : memref<128x128xf32, #tpu.memory_space<vmem>> -> memref<128x128xf32, #tpu.memory_space<vmem>>
      %dma_wait3A_153 = arith.constant 0 : i32
      %dma_wait3A_154 = tpu.memref_slice %arg10[%add3A_26, %dma_wait3A_153] : memref<10240x128xf32, #tpu.memory_space<vmem_shared>> -> memref<128x128xf32, #tpu.memory_space<vmem_shared>>
      %dma_wait3A_155 = arith.constant 0 : i32
      %dma_wait3A_156 = tpu.memref_slice %arg10[%add3A_26, %dma_wait3A_155] : memref<10240x128xf32, #tpu.memory_space<vmem_shared>> -> memref<128x128xf32, #tpu.memory_space<vmem_shared>>
      %dma_wait3A_157 = arith.constant 0 : i32
      %dma_wait3A_158 = arith.constant 0 : i32
      %dma_wait3A_159 = tpu.memref_slice %arg8[%dma_wait3A_157, %dma_wait3A_158] : memref<128x128xf32, #tpu.memory_space<vmem>> -> memref<128x128xf32, #tpu.memory_space<vmem>>
      tpu.wait_dma2 semaphore(%run_scoped3A : memref<!tpu.dma_semaphore, #tpu.memory_space<semaphore_mem>>) src(%dma_wait3A_159 : memref<128x128xf32, #tpu.memory_space<vmem>>) dst(%dma_wait3A_156 : memref<128x128xf32, #tpu.memory_space<vmem_shared>>)
      tpu.yield
    }) : () -> ()
    %barrier3A = arith.constant 0 : index
    tpu.barrier barrier_id(%barrier3A)
    %mul3A_27 = arith.constant 80 : i32
    %mul3A_28 = arith.muli %add3A, %mul3A_27 : i32
    %sub3A = arith.constant 2500 : i32
    %sub3A_29 = arith.subi %sub3A, %mul3A_28 : i32
    %jit3A = arith.constant 0 : i32
    %jit3A_30 = arith.constant 80 : i32
    %max3A = arith.maxsi %jit3A, %sub3A_29 : i32
    %min3A = arith.minsi %jit3A_30, %max3A : i32
    %sub3A_31 = arith.constant 0 : i32
    %sub3A_32 = arith.subi %min3A, %sub3A_31 : i32
    %jit3A_33 = arith.constant 0 : i32
    %jit3A_34 = arith.constant 40 : i32
    %max3A_35 = arith.maxsi %jit3A_33, %sub3A_32 : i32
    %min3A_36 = arith.minsi %jit3A_34, %max3A_35 : i32
    %mul3A_37 = arith.constant 80 : i32
    %mul3A_38 = arith.muli %add3A, %mul3A_37 : i32
    %add3A_39 = arith.constant 0 : i32
    %add3A_40 = arith.addi %mul3A_38, %add3A_39 : i32
    "tpu.region"() ({
      %run_scoped3A = tpu.sem_alloc : memref<!tpu.dma_semaphore, #tpu.memory_space<semaphore_mem>>
      %dma_start3A = arith.constant 0 : i32
      %dma_start3A_142 = tpu.memref_slice %arg3[%add3A_40, %dma_start3A] : memref<2560x128xi32, #tpu.memory_space<hbm>> -> memref<40x128xi32, #tpu.memory_space<hbm>>
      %dma_start3A_143 = arith.constant 0 : i32
      %dma_start3A_144 = tpu.memref_slice %arg3[%add3A_40, %dma_start3A_143] : memref<2560x128xi32, #tpu.memory_space<hbm>> -> memref<40x128xi32, #tpu.memory_space<hbm>>
      tpu.enqueue_dma source(%dma_start3A_144 : memref<40x128xi32, #tpu.memory_space<hbm>>) target(%arg6 : memref<40x128xi32, #tpu.memory_space<vmem>>) target_semaphore(%run_scoped3A : memref<!tpu.dma_semaphore, #tpu.memory_space<semaphore_mem>>)
      %dma_wait3A = arith.constant 0 : i32
      %dma_wait3A_145 = tpu.memref_slice %arg3[%add3A_40, %dma_wait3A] : memref<2560x128xi32, #tpu.memory_space<hbm>> -> memref<40x128xi32, #tpu.memory_space<hbm>>
      %dma_wait3A_146 = arith.constant 0 : i32
      %dma_wait3A_147 = tpu.memref_slice %arg3[%add3A_40, %dma_wait3A_146] : memref<2560x128xi32, #tpu.memory_space<hbm>> -> memref<40x128xi32, #tpu.memory_space<hbm>>
      tpu.wait_dma2 semaphore(%run_scoped3A : memref<!tpu.dma_semaphore, #tpu.memory_space<semaphore_mem>>) src(%dma_wait3A_147 : memref<40x128xi32, #tpu.memory_space<hbm>>) dst(%arg6 : memref<40x128xi32, #tpu.memory_space<vmem>>)
      tpu.yield
    }) : () -> ()
    %mul3A_41 = arith.constant 80 : i32
    %mul3A_42 = arith.muli %add3A, %mul3A_41 : i32
    %add3A_43 = arith.constant 0 : i32
    %add3A_44 = arith.addi %mul3A_42, %add3A_43 : i32
    "tpu.region"() ({
      %run_scoped3A = tpu.sem_alloc : memref<!tpu.dma_semaphore, #tpu.memory_space<semaphore_mem>>
      %dma_start3A = arith.constant 0 : i32
      %dma_start3A_142 = tpu.memref_slice %arg4[%add3A_44, %dma_start3A] : memref<2560x128xi32, #tpu.memory_space<hbm>> -> memref<40x128xi32, #tpu.memory_space<hbm>>
      %dma_start3A_143 = arith.constant 0 : i32
      %dma_start3A_144 = tpu.memref_slice %arg4[%add3A_44, %dma_start3A_143] : memref<2560x128xi32, #tpu.memory_space<hbm>> -> memref<40x128xi32, #tpu.memory_space<hbm>>
      tpu.enqueue_dma source(%dma_start3A_144 : memref<40x128xi32, #tpu.memory_space<hbm>>) target(%arg7 : memref<40x128xi32, #tpu.memory_space<vmem>>) target_semaphore(%run_scoped3A : memref<!tpu.dma_semaphore, #tpu.memory_space<semaphore_mem>>)
      %dma_wait3A = arith.constant 0 : i32
      %dma_wait3A_145 = tpu.memref_slice %arg4[%add3A_44, %dma_wait3A] : memref<2560x128xi32, #tpu.memory_space<hbm>> -> memref<40x128xi32, #tpu.memory_space<hbm>>
      %dma_wait3A_146 = arith.constant 0 : i32
      %dma_wait3A_147 = tpu.memref_slice %arg4[%add3A_44, %dma_wait3A_146] : memref<2560x128xi32, #tpu.memory_space<hbm>> -> memref<40x128xi32, #tpu.memory_space<hbm>>
      tpu.wait_dma2 semaphore(%run_scoped3A : memref<!tpu.dma_semaphore, #tpu.memory_space<semaphore_mem>>) src(%dma_wait3A_147 : memref<40x128xi32, #tpu.memory_space<hbm>>) dst(%arg7 : memref<40x128xi32, #tpu.memory_space<vmem>>)
      tpu.yield
    }) : () -> ()
    %gt3A = arith.constant 0 : i32
    %gt3A_45 = arith.cmpi sgt, %min3A_36, %gt3A : i32
    %convert_element_type3A = arith.extui %gt3A_45 : i1 to i32
    %cond3A = arith.constant 0 : i32
    %cond3A_46 = arith.cmpi ne, %convert_element_type3A, %cond3A : i32
    scf.if %cond3A_46 {
      %dma_start3A = arith.constant 0 : i32
      %dma_start3A_142 = arith.constant 0 : i32
      %dma_start3A_143 = tpu.memref_slice %arg6[%dma_start3A, %dma_start3A_142] : memref<40x128xi32, #tpu.memory_space<vmem>> -> memref<1x128xi32, #tpu.memory_space<vmem>>
      %dma_start3A_144 = tpu.memref_squeeze %dma_start3A_143 : memref<1x128xi32, #tpu.memory_space<vmem>> -> memref<128xi32, #tpu.memory_space<vmem>>
      %dma_start3A_145 = arith.constant 0 : i32
      %dma_start3A_146 = arith.constant 0 : i32
      %dma_start3A_147 = tpu.memref_slice %arg2[%dma_start3A_145, %dma_start3A_146] : memref<10240x128xf32, #tpu.memory_space<hbm>> -> memref<10240x128xf32, #tpu.memory_space<hbm>>
      tpu.enqueue_indirect_dma source(%dma_start3A_147 : memref<10240x128xf32, #tpu.memory_space<hbm>>) target(%arg8 : memref<128x128xf32, #tpu.memory_space<vmem>>) offsets(%dma_start3A_144 : memref<128xi32, #tpu.memory_space<vmem>>) semaphore(%arg11 : memref<!tpu.dma_semaphore, #tpu.memory_space<semaphore_mem>>)
    } else {
    }
    %gt3A_47 = arith.constant 1 : i32
    %gt3A_48 = arith.cmpi sgt, %min3A_36, %gt3A_47 : i32
    %convert_element_type3A_49 = arith.extui %gt3A_48 : i1 to i32
    %cond3A_50 = arith.constant 0 : i32
    %cond3A_51 = arith.cmpi ne, %convert_element_type3A_49, %cond3A_50 : i32
    scf.if %cond3A_51 {
      %dma_start3A = arith.constant 1 : i32
      %dma_start3A_142 = arith.constant 0 : i32
      %dma_start3A_143 = tpu.memref_slice %arg6[%dma_start3A, %dma_start3A_142] : memref<40x128xi32, #tpu.memory_space<vmem>> -> memref<1x128xi32, #tpu.memory_space<vmem>>
      %dma_start3A_144 = tpu.memref_squeeze %dma_start3A_143 : memref<1x128xi32, #tpu.memory_space<vmem>> -> memref<128xi32, #tpu.memory_space<vmem>>
      %dma_start3A_145 = arith.constant 0 : i32
      %dma_start3A_146 = arith.constant 0 : i32
      %dma_start3A_147 = tpu.memref_slice %arg2[%dma_start3A_145, %dma_start3A_146] : memref<10240x128xf32, #tpu.memory_space<hbm>> -> memref<10240x128xf32, #tpu.memory_space<hbm>>
      tpu.enqueue_indirect_dma source(%dma_start3A_147 : memref<10240x128xf32, #tpu.memory_space<hbm>>) target(%arg9 : memref<128x128xf32, #tpu.memory_space<vmem>>) offsets(%dma_start3A_144 : memref<128xi32, #tpu.memory_space<vmem>>) semaphore(%arg12 : memref<!tpu.dma_semaphore, #tpu.memory_space<semaphore_mem>>)
    } else {
    }
    %jit3A_52 = arith.constant 2 : i32
    %div3A = arith.divsi %min3A_36, %jit3A_52 : i32
    %sign3A = arith.constant 0 : i32
    %sign3A_53 = arith.cmpi sgt, %min3A_36, %sign3A : i32
    %sign3A_54 = arith.extui %sign3A_53 : i1 to i32
    %sign3A_55 = arith.constant 0 : i32
    %sign3A_56 = arith.cmpi slt, %min3A_36, %sign3A_55 : i32
    %sign3A_57 = arith.extui %sign3A_56 : i1 to i32
    %sign3A_58 = arith.subi %sign3A_54, %sign3A_57 : i32
    %sign3A_59 = arith.constant 0 : i32
    %sign3A_60 = arith.cmpi sgt, %jit3A_52, %sign3A_59 : i32
    %sign3A_61 = arith.extui %sign3A_60 : i1 to i32
    %sign3A_62 = arith.constant 0 : i32
    %sign3A_63 = arith.cmpi slt, %jit3A_52, %sign3A_62 : i32
    %sign3A_64 = arith.extui %sign3A_63 : i1 to i32
    %sign3A_65 = arith.subi %sign3A_61, %sign3A_64 : i32
    %ne3A = arith.cmpi ne, %sign3A_58, %sign3A_65 : i32
    %rem3A = arith.remsi %min3A_36, %jit3A_52 : i32
    %ne3A_66 = arith.constant 0 : i32
    %ne3A_67 = arith.cmpi ne, %rem3A, %ne3A_66 : i32
    %and3A = arith.andi %ne3A, %ne3A_67 : i1
    %sub3A_68 = arith.constant 1 : i32
    %sub3A_69 = arith.subi %div3A, %sub3A_68 : i32
    %select_n3A = arith.select %and3A, %sub3A_69, %div3A : i32
    %while3A = arith.constant 0 : i32
    %while3A_70 = arith.constant 0 : i32
    %while3A_71 = arith.subi %select_n3A, %while3A_70 : i32
    %while3A_72 = arith.addi %while3A_70, %while3A_71 : i32
    %while3A_73 = arith.constant 1 : i32
    %while3A_74 = arith.divsi %while3A_71, %while3A_73 : i32
    %while3A_75 = arith.muli %while3A_74, %while3A_73 : i32
    %while3A_76 = arith.addi %while3A_70, %while3A_75 : i32
    %while3A_77 = arith.constant 1 : i32
    scf.for %while3A_142 = %while3A_70 to %while3A_76 step %while3A_77  : i32 {
      %mul3A_143 = arith.constant 2 : i32
      %mul3A_144 = arith.muli %while3A_142, %mul3A_143 : i32
      %dma_wait3A = arith.constant 0 : i32
      %dma_wait3A_145 = arith.constant 0 : i32
      %dma_wait3A_146 = tpu.memref_slice %arg2[%dma_wait3A, %dma_wait3A_145] : memref<10240x128xf32, #tpu.memory_space<hbm>> -> memref<128x128xf32, #tpu.memory_space<hbm>>
      %dma_wait3A_147 = arith.constant 0 : i32
      %dma_wait3A_148 = arith.constant 0 : i32
      %dma_wait3A_149 = tpu.memref_slice %arg2[%dma_wait3A_147, %dma_wait3A_148] : memref<10240x128xf32, #tpu.memory_space<hbm>> -> memref<128x128xf32, #tpu.memory_space<hbm>>
      tpu.wait_dma2 semaphore(%arg11 : memref<!tpu.dma_semaphore, #tpu.memory_space<semaphore_mem>>) src(%dma_wait3A_149 : memref<128x128xf32, #tpu.memory_space<hbm>>) dst(%arg8 : memref<128x128xf32, #tpu.memory_space<vmem>>)
      "tpu.region"() ({
        %run_scoped3A = tpu.sem_alloc : memref<!tpu.dma_semaphore, #tpu.memory_space<semaphore_mem>>
        %dma_start3A = arith.constant 0 : i32
        %dma_start3A_169 = tpu.memref_slice %arg7[%mul3A_144, %dma_start3A] : memref<40x128xi32, #tpu.memory_space<vmem>> -> memref<1x128xi32, #tpu.memory_space<vmem>>
        %dma_start3A_170 = tpu.memref_squeeze %dma_start3A_169 : memref<1x128xi32, #tpu.memory_space<vmem>> -> memref<128xi32, #tpu.memory_space<vmem>>
        %dma_start3A_171 = arith.constant 0 : i32
        %dma_start3A_172 = arith.constant 0 : i32
        %dma_start3A_173 = tpu.memref_slice %arg10[%dma_start3A_171, %dma_start3A_172] : memref<10240x128xf32, #tpu.memory_space<vmem_shared>> -> memref<10240x128xf32, #tpu.memory_space<vmem_shared>>
        tpu.enqueue_indirect_dma source(%arg8 : memref<128x128xf32, #tpu.memory_space<vmem>>) target(%dma_start3A_173 : memref<10240x128xf32, #tpu.memory_space<vmem_shared>>) offsets(%dma_start3A_170 : memref<128xi32, #tpu.memory_space<vmem>>) semaphore(%run_scoped3A : memref<!tpu.dma_semaphore, #tpu.memory_space<semaphore_mem>>) {add = true}
        %dma_wait3A_174 = arith.constant 0 : i32
        %dma_wait3A_175 = tpu.memref_slice %arg7[%mul3A_144, %dma_wait3A_174] : memref<40x128xi32, #tpu.memory_space<vmem>> -> memref<1x128xi32, #tpu.memory_space<vmem>>
        %dma_wait3A_176 = tpu.memref_squeeze %dma_wait3A_175 : memref<1x128xi32, #tpu.memory_space<vmem>> -> memref<128xi32, #tpu.memory_space<vmem>>
        %dma_wait3A_177 = arith.constant 0 : i32
        %dma_wait3A_178 = arith.constant 0 : i32
        %dma_wait3A_179 = tpu.memref_slice %arg10[%dma_wait3A_177, %dma_wait3A_178] : memref<10240x128xf32, #tpu.memory_space<vmem_shared>> -> memref<10240x128xf32, #tpu.memory_space<vmem_shared>>
        tpu.wait_indirect_dma semaphore(%run_scoped3A : memref<!tpu.dma_semaphore, #tpu.memory_space<semaphore_mem>>) src(%arg8 : memref<128x128xf32, #tpu.memory_space<vmem>>) dst(%dma_wait3A_179 : memref<10240x128xf32, #tpu.memory_space<vmem_shared>>)
        tpu.yield
      }) : () -> ()
      %add3A_150 = arith.constant 2 : i32
      %add3A_151 = arith.addi %mul3A_144, %add3A_150 : i32
      %lt3A = arith.cmpi slt, %add3A_151, %min3A_36 : i32
      %convert_element_type3A_152 = arith.extui %lt3A : i1 to i32
      %cond3A_153 = arith.constant 0 : i32
      %cond3A_154 = arith.cmpi ne, %convert_element_type3A_152, %cond3A_153 : i32
      scf.if %cond3A_154 {
        %add3A_169 = arith.constant 2 : i32
        %add3A_170 = arith.addi %mul3A_144, %add3A_169 : i32
        %dma_start3A = arith.constant 0 : i32
        %dma_start3A_171 = tpu.memref_slice %arg6[%add3A_170, %dma_start3A] : memref<40x128xi32, #tpu.memory_space<vmem>> -> memref<1x128xi32, #tpu.memory_space<vmem>>
        %dma_start3A_172 = tpu.memref_squeeze %dma_start3A_171 : memref<1x128xi32, #tpu.memory_space<vmem>> -> memref<128xi32, #tpu.memory_space<vmem>>
        %dma_start3A_173 = arith.constant 0 : i32
        %dma_start3A_174 = arith.constant 0 : i32
        %dma_start3A_175 = tpu.memref_slice %arg2[%dma_start3A_173, %dma_start3A_174] : memref<10240x128xf32, #tpu.memory_space<hbm>> -> memref<10240x128xf32, #tpu.memory_space<hbm>>
        tpu.enqueue_indirect_dma source(%dma_start3A_175 : memref<10240x128xf32, #tpu.memory_space<hbm>>) target(%arg8 : memref<128x128xf32, #tpu.memory_space<vmem>>) offsets(%dma_start3A_172 : memref<128xi32, #tpu.memory_space<vmem>>) semaphore(%arg11 : memref<!tpu.dma_semaphore, #tpu.memory_space<semaphore_mem>>)
      } else {
      }
      %dma_wait3A_155 = arith.constant 0 : i32
      %dma_wait3A_156 = arith.constant 0 : i32
      %dma_wait3A_157 = tpu.memref_slice %arg2[%dma_wait3A_155, %dma_wait3A_156] : memref<10240x128xf32, #tpu.memory_space<hbm>> -> memref<128x128xf32, #tpu.memory_space<hbm>>
      %dma_wait3A_158 = arith.constant 0 : i32
      %dma_wait3A_159 = arith.constant 0 : i32
      %dma_wait3A_160 = tpu.memref_slice %arg2[%dma_wait3A_158, %dma_wait3A_159] : memref<10240x128xf32, #tpu.memory_space<hbm>> -> memref<128x128xf32, #tpu.memory_space<hbm>>
      tpu.wait_dma2 semaphore(%arg12 : memref<!tpu.dma_semaphore, #tpu.memory_space<semaphore_mem>>) src(%dma_wait3A_160 : memref<128x128xf32, #tpu.memory_space<hbm>>) dst(%arg9 : memref<128x128xf32, #tpu.memory_space<vmem>>)
      %add3A_161 = arith.constant 1 : i32
      %add3A_162 = arith.addi %mul3A_144, %add3A_161 : i32
      "tpu.region"() ({
        %run_scoped3A = tpu.sem_alloc : memref<!tpu.dma_semaphore, #tpu.memory_space<semaphore_mem>>
        %dma_start3A = arith.constant 0 : i32
        %dma_start3A_169 = tpu.memref_slice %arg7[%add3A_162, %dma_start3A] : memref<40x128xi32, #tpu.memory_space<vmem>> -> memref<1x128xi32, #tpu.memory_space<vmem>>
        %dma_start3A_170 = tpu.memref_squeeze %dma_start3A_169 : memref<1x128xi32, #tpu.memory_space<vmem>> -> memref<128xi32, #tpu.memory_space<vmem>>
        %dma_start3A_171 = arith.constant 0 : i32
        %dma_start3A_172 = arith.constant 0 : i32
        %dma_start3A_173 = tpu.memref_slice %arg10[%dma_start3A_171, %dma_start3A_172] : memref<10240x128xf32, #tpu.memory_space<vmem_shared>> -> memref<10240x128xf32, #tpu.memory_space<vmem_shared>>
        tpu.enqueue_indirect_dma source(%arg9 : memref<128x128xf32, #tpu.memory_space<vmem>>) target(%dma_start3A_173 : memref<10240x128xf32, #tpu.memory_space<vmem_shared>>) offsets(%dma_start3A_170 : memref<128xi32, #tpu.memory_space<vmem>>) semaphore(%run_scoped3A : memref<!tpu.dma_semaphore, #tpu.memory_space<semaphore_mem>>) {add = true}
        %dma_wait3A_174 = arith.constant 0 : i32
        %dma_wait3A_175 = tpu.memref_slice %arg7[%add3A_162, %dma_wait3A_174] : memref<40x128xi32, #tpu.memory_space<vmem>> -> memref<1x128xi32, #tpu.memory_space<vmem>>
        %dma_wait3A_176 = tpu.memref_squeeze %dma_wait3A_175 : memref<1x128xi32, #tpu.memory_space<vmem>> -> memref<128xi32, #tpu.memory_space<vmem>>
        %dma_wait3A_177 = arith.constant 0 : i32
        %dma_wait3A_178 = arith.constant 0 : i32
        %dma_wait3A_179 = tpu.memref_slice %arg10[%dma_wait3A_177, %dma_wait3A_178] : memref<10240x128xf32, #tpu.memory_space<vmem_shared>> -> memref<10240x128xf32, #tpu.memory_space<vmem_shared>>
        tpu.wait_indirect_dma semaphore(%run_scoped3A : memref<!tpu.dma_semaphore, #tpu.memory_space<semaphore_mem>>) src(%arg9 : memref<128x128xf32, #tpu.memory_space<vmem>>) dst(%dma_wait3A_179 : memref<10240x128xf32, #tpu.memory_space<vmem_shared>>)
        tpu.yield
      }) : () -> ()
      %add3A_163 = arith.constant 3 : i32
      %add3A_164 = arith.addi %mul3A_144, %add3A_163 : i32
      %lt3A_165 = arith.cmpi slt, %add3A_164, %min3A_36 : i32
      %convert_element_type3A_166 = arith.extui %lt3A_165 : i1 to i32
      %cond3A_167 = arith.constant 0 : i32
      %cond3A_168 = arith.cmpi ne, %convert_element_type3A_166, %cond3A_167 : i32
      scf.if %cond3A_168 {
        %add3A_169 = arith.constant 3 : i32
        %add3A_170 = arith.addi %mul3A_144, %add3A_169 : i32
        %dma_start3A = arith.constant 0 : i32
        %dma_start3A_171 = tpu.memref_slice %arg6[%add3A_170, %dma_start3A] : memref<40x128xi32, #tpu.memory_space<vmem>> -> memref<1x128xi32, #tpu.memory_space<vmem>>
        %dma_start3A_172 = tpu.memref_squeeze %dma_start3A_171 : memref<1x128xi32, #tpu.memory_space<vmem>> -> memref<128xi32, #tpu.memory_space<vmem>>
        %dma_start3A_173 = arith.constant 0 : i32
        %dma_start3A_174 = arith.constant 0 : i32
        %dma_start3A_175 = tpu.memref_slice %arg2[%dma_start3A_173, %dma_start3A_174] : memref<10240x128xf32, #tpu.memory_space<hbm>> -> memref<10240x128xf32, #tpu.memory_space<hbm>>
        tpu.enqueue_indirect_dma source(%dma_start3A_175 : memref<10240x128xf32, #tpu.memory_space<hbm>>) target(%arg9 : memref<128x128xf32, #tpu.memory_space<vmem>>) offsets(%dma_start3A_172 : memref<128xi32, #tpu.memory_space<vmem>>) semaphore(%arg12 : memref<!tpu.dma_semaphore, #tpu.memory_space<semaphore_mem>>)
      } else {
      }
    }
    %while3A_78 = arith.constant 1 : i32
    scf.for %while3A_142 = %while3A_76 to %while3A_72 step %while3A_78  : i32 {
      %mul3A_143 = arith.constant 2 : i32
      %mul3A_144 = arith.muli %while3A_142, %mul3A_143 : i32
      %dma_wait3A = arith.constant 0 : i32
      %dma_wait3A_145 = arith.constant 0 : i32
      %dma_wait3A_146 = tpu.memref_slice %arg2[%dma_wait3A, %dma_wait3A_145] : memref<10240x128xf32, #tpu.memory_space<hbm>> -> memref<128x128xf32, #tpu.memory_space<hbm>>
      %dma_wait3A_147 = arith.constant 0 : i32
      %dma_wait3A_148 = arith.constant 0 : i32
      %dma_wait3A_149 = tpu.memref_slice %arg2[%dma_wait3A_147, %dma_wait3A_148] : memref<10240x128xf32, #tpu.memory_space<hbm>> -> memref<128x128xf32, #tpu.memory_space<hbm>>
      tpu.wait_dma2 semaphore(%arg11 : memref<!tpu.dma_semaphore, #tpu.memory_space<semaphore_mem>>) src(%dma_wait3A_149 : memref<128x128xf32, #tpu.memory_space<hbm>>) dst(%arg8 : memref<128x128xf32, #tpu.memory_space<vmem>>)
      "tpu.region"() ({
        %run_scoped3A = tpu.sem_alloc : memref<!tpu.dma_semaphore, #tpu.memory_space<semaphore_mem>>
        %dma_start3A = arith.constant 0 : i32
        %dma_start3A_169 = tpu.memref_slice %arg7[%mul3A_144, %dma_start3A] : memref<40x128xi32, #tpu.memory_space<vmem>> -> memref<1x128xi32, #tpu.memory_space<vmem>>
        %dma_start3A_170 = tpu.memref_squeeze %dma_start3A_169 : memref<1x128xi32, #tpu.memory_space<vmem>> -> memref<128xi32, #tpu.memory_space<vmem>>
        %dma_start3A_171 = arith.constant 0 : i32
        %dma_start3A_172 = arith.constant 0 : i32
        %dma_start3A_173 = tpu.memref_slice %arg10[%dma_start3A_171, %dma_start3A_172] : memref<10240x128xf32, #tpu.memory_space<vmem_shared>> -> memref<10240x128xf32, #tpu.memory_space<vmem_shared>>
        tpu.enqueue_indirect_dma source(%arg8 : memref<128x128xf32, #tpu.memory_space<vmem>>) target(%dma_start3A_173 : memref<10240x128xf32, #tpu.memory_space<vmem_shared>>) offsets(%dma_start3A_170 : memref<128xi32, #tpu.memory_space<vmem>>) semaphore(%run_scoped3A : memref<!tpu.dma_semaphore, #tpu.memory_space<semaphore_mem>>) {add = true}
        %dma_wait3A_174 = arith.constant 0 : i32
        %dma_wait3A_175 = tpu.memref_slice %arg7[%mul3A_144, %dma_wait3A_174] : memref<40x128xi32, #tpu.memory_space<vmem>> -> memref<1x128xi32, #tpu.memory_space<vmem>>
        %dma_wait3A_176 = tpu.memref_squeeze %dma_wait3A_175 : memref<1x128xi32, #tpu.memory_space<vmem>> -> memref<128xi32, #tpu.memory_space<vmem>>
        %dma_wait3A_177 = arith.constant 0 : i32
        %dma_wait3A_178 = arith.constant 0 : i32
        %dma_wait3A_179 = tpu.memref_slice %arg10[%dma_wait3A_177, %dma_wait3A_178] : memref<10240x128xf32, #tpu.memory_space<vmem_shared>> -> memref<10240x128xf32, #tpu.memory_space<vmem_shared>>
        tpu.wait_indirect_dma semaphore(%run_scoped3A : memref<!tpu.dma_semaphore, #tpu.memory_space<semaphore_mem>>) src(%arg8 : memref<128x128xf32, #tpu.memory_space<vmem>>) dst(%dma_wait3A_179 : memref<10240x128xf32, #tpu.memory_space<vmem_shared>>)
        tpu.yield
      }) : () -> ()
      %add3A_150 = arith.constant 2 : i32
      %add3A_151 = arith.addi %mul3A_144, %add3A_150 : i32
      %lt3A = arith.cmpi slt, %add3A_151, %min3A_36 : i32
      %convert_element_type3A_152 = arith.extui %lt3A : i1 to i32
      %cond3A_153 = arith.constant 0 : i32
      %cond3A_154 = arith.cmpi ne, %convert_element_type3A_152, %cond3A_153 : i32
      scf.if %cond3A_154 {
        %add3A_169 = arith.constant 2 : i32
        %add3A_170 = arith.addi %mul3A_144, %add3A_169 : i32
        %dma_start3A = arith.constant 0 : i32
        %dma_start3A_171 = tpu.memref_slice %arg6[%add3A_170, %dma_start3A] : memref<40x128xi32, #tpu.memory_space<vmem>> -> memref<1x128xi32, #tpu.memory_space<vmem>>
        %dma_start3A_172 = tpu.memref_squeeze %dma_start3A_171 : memref<1x128xi32, #tpu.memory_space<vmem>> -> memref<128xi32, #tpu.memory_space<vmem>>
        %dma_start3A_173 = arith.constant 0 : i32
        %dma_start3A_174 = arith.constant 0 : i32
        %dma_start3A_175 = tpu.memref_slice %arg2[%dma_start3A_173, %dma_start3A_174] : memref<10240x128xf32, #tpu.memory_space<hbm>> -> memref<10240x128xf32, #tpu.memory_space<hbm>>
        tpu.enqueue_indirect_dma source(%dma_start3A_175 : memref<10240x128xf32, #tpu.memory_space<hbm>>) target(%arg8 : memref<128x128xf32, #tpu.memory_space<vmem>>) offsets(%dma_start3A_172 : memref<128xi32, #tpu.memory_space<vmem>>) semaphore(%arg11 : memref<!tpu.dma_semaphore, #tpu.memory_space<semaphore_mem>>)
      } else {
      }
      %dma_wait3A_155 = arith.constant 0 : i32
      %dma_wait3A_156 = arith.constant 0 : i32
      %dma_wait3A_157 = tpu.memref_slice %arg2[%dma_wait3A_155, %dma_wait3A_156] : memref<10240x128xf32, #tpu.memory_space<hbm>> -> memref<128x128xf32, #tpu.memory_space<hbm>>
      %dma_wait3A_158 = arith.constant 0 : i32
      %dma_wait3A_159 = arith.constant 0 : i32
      %dma_wait3A_160 = tpu.memref_slice %arg2[%dma_wait3A_158, %dma_wait3A_159] : memref<10240x128xf32, #tpu.memory_space<hbm>> -> memref<128x128xf32, #tpu.memory_space<hbm>>
      tpu.wait_dma2 semaphore(%arg12 : memref<!tpu.dma_semaphore, #tpu.memory_space<semaphore_mem>>) src(%dma_wait3A_160 : memref<128x128xf32, #tpu.memory_space<hbm>>) dst(%arg9 : memref<128x128xf32, #tpu.memory_space<vmem>>)
      %add3A_161 = arith.constant 1 : i32
      %add3A_162 = arith.addi %mul3A_144, %add3A_161 : i32
      "tpu.region"() ({
        %run_scoped3A = tpu.sem_alloc : memref<!tpu.dma_semaphore, #tpu.memory_space<semaphore_mem>>
        %dma_start3A = arith.constant 0 : i32
        %dma_start3A_169 = tpu.memref_slice %arg7[%add3A_162, %dma_start3A] : memref<40x128xi32, #tpu.memory_space<vmem>> -> memref<1x128xi32, #tpu.memory_space<vmem>>
        %dma_start3A_170 = tpu.memref_squeeze %dma_start3A_169 : memref<1x128xi32, #tpu.memory_space<vmem>> -> memref<128xi32, #tpu.memory_space<vmem>>
        %dma_start3A_171 = arith.constant 0 : i32
        %dma_start3A_172 = arith.constant 0 : i32
        %dma_start3A_173 = tpu.memref_slice %arg10[%dma_start3A_171, %dma_start3A_172] : memref<10240x128xf32, #tpu.memory_space<vmem_shared>> -> memref<10240x128xf32, #tpu.memory_space<vmem_shared>>
        tpu.enqueue_indirect_dma source(%arg9 : memref<128x128xf32, #tpu.memory_space<vmem>>) target(%dma_start3A_173 : memref<10240x128xf32, #tpu.memory_space<vmem_shared>>) offsets(%dma_start3A_170 : memref<128xi32, #tpu.memory_space<vmem>>) semaphore(%run_scoped3A : memref<!tpu.dma_semaphore, #tpu.memory_space<semaphore_mem>>) {add = true}
        %dma_wait3A_174 = arith.constant 0 : i32
        %dma_wait3A_175 = tpu.memref_slice %arg7[%add3A_162, %dma_wait3A_174] : memref<40x128xi32, #tpu.memory_space<vmem>> -> memref<1x128xi32, #tpu.memory_space<vmem>>
        %dma_wait3A_176 = tpu.memref_squeeze %dma_wait3A_175 : memref<1x128xi32, #tpu.memory_space<vmem>> -> memref<128xi32, #tpu.memory_space<vmem>>
        %dma_wait3A_177 = arith.constant 0 : i32
        %dma_wait3A_178 = arith.constant 0 : i32
        %dma_wait3A_179 = tpu.memref_slice %arg10[%dma_wait3A_177, %dma_wait3A_178] : memref<10240x128xf32, #tpu.memory_space<vmem_shared>> -> memref<10240x128xf32, #tpu.memory_space<vmem_shared>>
        tpu.wait_indirect_dma semaphore(%run_scoped3A : memref<!tpu.dma_semaphore, #tpu.memory_space<semaphore_mem>>) src(%arg9 : memref<128x128xf32, #tpu.memory_space<vmem>>) dst(%dma_wait3A_179 : memref<10240x128xf32, #tpu.memory_space<vmem_shared>>)
        tpu.yield
      }) : () -> ()
      %add3A_163 = arith.constant 3 : i32
      %add3A_164 = arith.addi %mul3A_144, %add3A_163 : i32
      %lt3A_165 = arith.cmpi slt, %add3A_164, %min3A_36 : i32
      %convert_element_type3A_166 = arith.extui %lt3A_165 : i1 to i32
      %cond3A_167 = arith.constant 0 : i32
      %cond3A_168 = arith.cmpi ne, %convert_element_type3A_166, %cond3A_167 : i32
      scf.if %cond3A_168 {
        %add3A_169 = arith.constant 3 : i32
        %add3A_170 = arith.addi %mul3A_144, %add3A_169 : i32
        %dma_start3A = arith.constant 0 : i32
        %dma_start3A_171 = tpu.memref_slice %arg6[%add3A_170, %dma_start3A] : memref<40x128xi32, #tpu.memory_space<vmem>> -> memref<1x128xi32, #tpu.memory_space<vmem>>
        %dma_start3A_172 = tpu.memref_squeeze %dma_start3A_171 : memref<1x128xi32, #tpu.memory_space<vmem>> -> memref<128xi32, #tpu.memory_space<vmem>>
        %dma_start3A_173 = arith.constant 0 : i32
        %dma_start3A_174 = arith.constant 0 : i32
        %dma_start3A_175 = tpu.memref_slice %arg2[%dma_start3A_173, %dma_start3A_174] : memref<10240x128xf32, #tpu.memory_space<hbm>> -> memref<10240x128xf32, #tpu.memory_space<hbm>>
        tpu.enqueue_indirect_dma source(%dma_start3A_175 : memref<10240x128xf32, #tpu.memory_space<hbm>>) target(%arg9 : memref<128x128xf32, #tpu.memory_space<vmem>>) offsets(%dma_start3A_172 : memref<128xi32, #tpu.memory_space<vmem>>) semaphore(%arg12 : memref<!tpu.dma_semaphore, #tpu.memory_space<semaphore_mem>>)
      } else {
      }
    }
    %sub3A_79 = arith.constant 40 : i32
    %sub3A_80 = arith.subi %min3A, %sub3A_79 : i32
    %jit3A_81 = arith.constant 0 : i32
    %jit3A_82 = arith.constant 40 : i32
    %max3A_83 = arith.maxsi %jit3A_81, %sub3A_80 : i32
    %min3A_84 = arith.minsi %jit3A_82, %max3A_83 : i32
    %mul3A_85 = arith.constant 80 : i32
    %mul3A_86 = arith.muli %add3A, %mul3A_85 : i32
    %add3A_87 = arith.constant 40 : i32
    %add3A_88 = arith.addi %mul3A_86, %add3A_87 : i32
    "tpu.region"() ({
      %run_scoped3A = tpu.sem_alloc : memref<!tpu.dma_semaphore, #tpu.memory_space<semaphore_mem>>
      %dma_start3A = arith.constant 0 : i32
      %dma_start3A_142 = tpu.memref_slice %arg3[%add3A_88, %dma_start3A] : memref<2560x128xi32, #tpu.memory_space<hbm>> -> memref<40x128xi32, #tpu.memory_space<hbm>>
      %dma_start3A_143 = arith.constant 0 : i32
      %dma_start3A_144 = tpu.memref_slice %arg3[%add3A_88, %dma_start3A_143] : memref<2560x128xi32, #tpu.memory_space<hbm>> -> memref<40x128xi32, #tpu.memory_space<hbm>>
      tpu.enqueue_dma source(%dma_start3A_144 : memref<40x128xi32, #tpu.memory_space<hbm>>) target(%arg6 : memref<40x128xi32, #tpu.memory_space<vmem>>) target_semaphore(%run_scoped3A : memref<!tpu.dma_semaphore, #tpu.memory_space<semaphore_mem>>)
      %dma_wait3A = arith.constant 0 : i32
      %dma_wait3A_145 = tpu.memref_slice %arg3[%add3A_88, %dma_wait3A] : memref<2560x128xi32, #tpu.memory_space<hbm>> -> memref<40x128xi32, #tpu.memory_space<hbm>>
      %dma_wait3A_146 = arith.constant 0 : i32
      %dma_wait3A_147 = tpu.memref_slice %arg3[%add3A_88, %dma_wait3A_146] : memref<2560x128xi32, #tpu.memory_space<hbm>> -> memref<40x128xi32, #tpu.memory_space<hbm>>
      tpu.wait_dma2 semaphore(%run_scoped3A : memref<!tpu.dma_semaphore, #tpu.memory_space<semaphore_mem>>) src(%dma_wait3A_147 : memref<40x128xi32, #tpu.memory_space<hbm>>) dst(%arg6 : memref<40x128xi32, #tpu.memory_space<vmem>>)
      tpu.yield
    }) : () -> ()
    %mul3A_89 = arith.constant 80 : i32
    %mul3A_90 = arith.muli %add3A, %mul3A_89 : i32
    %add3A_91 = arith.constant 40 : i32
    %add3A_92 = arith.addi %mul3A_90, %add3A_91 : i32
    "tpu.region"() ({
      %run_scoped3A = tpu.sem_alloc : memref<!tpu.dma_semaphore, #tpu.memory_space<semaphore_mem>>
      %dma_start3A = arith.constant 0 : i32
      %dma_start3A_142 = tpu.memref_slice %arg4[%add3A_92, %dma_start3A] : memref<2560x128xi32, #tpu.memory_space<hbm>> -> memref<40x128xi32, #tpu.memory_space<hbm>>
      %dma_start3A_143 = arith.constant 0 : i32
      %dma_start3A_144 = tpu.memref_slice %arg4[%add3A_92, %dma_start3A_143] : memref<2560x128xi32, #tpu.memory_space<hbm>> -> memref<40x128xi32, #tpu.memory_space<hbm>>
      tpu.enqueue_dma source(%dma_start3A_144 : memref<40x128xi32, #tpu.memory_space<hbm>>) target(%arg7 : memref<40x128xi32, #tpu.memory_space<vmem>>) target_semaphore(%run_scoped3A : memref<!tpu.dma_semaphore, #tpu.memory_space<semaphore_mem>>)
      %dma_wait3A = arith.constant 0 : i32
      %dma_wait3A_145 = tpu.memref_slice %arg4[%add3A_92, %dma_wait3A] : memref<2560x128xi32, #tpu.memory_space<hbm>> -> memref<40x128xi32, #tpu.memory_space<hbm>>
      %dma_wait3A_146 = arith.constant 0 : i32
      %dma_wait3A_147 = tpu.memref_slice %arg4[%add3A_92, %dma_wait3A_146] : memref<2560x128xi32, #tpu.memory_space<hbm>> -> memref<40x128xi32, #tpu.memory_space<hbm>>
      tpu.wait_dma2 semaphore(%run_scoped3A : memref<!tpu.dma_semaphore, #tpu.memory_space<semaphore_mem>>) src(%dma_wait3A_147 : memref<40x128xi32, #tpu.memory_space<hbm>>) dst(%arg7 : memref<40x128xi32, #tpu.memory_space<vmem>>)
      tpu.yield
    }) : () -> ()
    %gt3A_93 = arith.constant 0 : i32
    %gt3A_94 = arith.cmpi sgt, %min3A_84, %gt3A_93 : i32
    %convert_element_type3A_95 = arith.extui %gt3A_94 : i1 to i32
    %cond3A_96 = arith.constant 0 : i32
    %cond3A_97 = arith.cmpi ne, %convert_element_type3A_95, %cond3A_96 : i32
    scf.if %cond3A_97 {
      %dma_start3A = arith.constant 0 : i32
      %dma_start3A_142 = arith.constant 0 : i32
      %dma_start3A_143 = tpu.memref_slice %arg6[%dma_start3A, %dma_start3A_142] : memref<40x128xi32, #tpu.memory_space<vmem>> -> memref<1x128xi32, #tpu.memory_space<vmem>>
      %dma_start3A_144 = tpu.memref_squeeze %dma_start3A_143 : memref<1x128xi32, #tpu.memory_space<vmem>> -> memref<128xi32, #tpu.memory_space<vmem>>
      %dma_start3A_145 = arith.constant 0 : i32
      %dma_start3A_146 = arith.constant 0 : i32
      %dma_start3A_147 = tpu.memref_slice %arg2[%dma_start3A_145, %dma_start3A_146] : memref<10240x128xf32, #tpu.memory_space<hbm>> -> memref<10240x128xf32, #tpu.memory_space<hbm>>
      tpu.enqueue_indirect_dma source(%dma_start3A_147 : memref<10240x128xf32, #tpu.memory_space<hbm>>) target(%arg8 : memref<128x128xf32, #tpu.memory_space<vmem>>) offsets(%dma_start3A_144 : memref<128xi32, #tpu.memory_space<vmem>>) semaphore(%arg11 : memref<!tpu.dma_semaphore, #tpu.memory_space<semaphore_mem>>)
    } else {
    }
    %gt3A_98 = arith.constant 1 : i32
    %gt3A_99 = arith.cmpi sgt, %min3A_84, %gt3A_98 : i32
    %convert_element_type3A_100 = arith.extui %gt3A_99 : i1 to i32
    %cond3A_101 = arith.constant 0 : i32
    %cond3A_102 = arith.cmpi ne, %convert_element_type3A_100, %cond3A_101 : i32
    scf.if %cond3A_102 {
      %dma_start3A = arith.constant 1 : i32
      %dma_start3A_142 = arith.constant 0 : i32
      %dma_start3A_143 = tpu.memref_slice %arg6[%dma_start3A, %dma_start3A_142] : memref<40x128xi32, #tpu.memory_space<vmem>> -> memref<1x128xi32, #tpu.memory_space<vmem>>
      %dma_start3A_144 = tpu.memref_squeeze %dma_start3A_143 : memref<1x128xi32, #tpu.memory_space<vmem>> -> memref<128xi32, #tpu.memory_space<vmem>>
      %dma_start3A_145 = arith.constant 0 : i32
      %dma_start3A_146 = arith.constant 0 : i32
      %dma_start3A_147 = tpu.memref_slice %arg2[%dma_start3A_145, %dma_start3A_146] : memref<10240x128xf32, #tpu.memory_space<hbm>> -> memref<10240x128xf32, #tpu.memory_space<hbm>>
      tpu.enqueue_indirect_dma source(%dma_start3A_147 : memref<10240x128xf32, #tpu.memory_space<hbm>>) target(%arg9 : memref<128x128xf32, #tpu.memory_space<vmem>>) offsets(%dma_start3A_144 : memref<128xi32, #tpu.memory_space<vmem>>) semaphore(%arg12 : memref<!tpu.dma_semaphore, #tpu.memory_space<semaphore_mem>>)
    } else {
    }
    %jit3A_103 = arith.constant 2 : i32
    %div3A_104 = arith.divsi %min3A_84, %jit3A_103 : i32
    %sign3A_105 = arith.constant 0 : i32
    %sign3A_106 = arith.cmpi sgt, %min3A_84, %sign3A_105 : i32
    %sign3A_107 = arith.extui %sign3A_106 : i1 to i32
    %sign3A_108 = arith.constant 0 : i32
    %sign3A_109 = arith.cmpi slt, %min3A_84, %sign3A_108 : i32
    %sign3A_110 = arith.extui %sign3A_109 : i1 to i32
    %sign3A_111 = arith.subi %sign3A_107, %sign3A_110 : i32
    %sign3A_112 = arith.constant 0 : i32
    %sign3A_113 = arith.cmpi sgt, %jit3A_103, %sign3A_112 : i32
    %sign3A_114 = arith.extui %sign3A_113 : i1 to i32
    %sign3A_115 = arith.constant 0 : i32
    %sign3A_116 = arith.cmpi slt, %jit3A_103, %sign3A_115 : i32
    %sign3A_117 = arith.extui %sign3A_116 : i1 to i32
    %sign3A_118 = arith.subi %sign3A_114, %sign3A_117 : i32
    %ne3A_119 = arith.cmpi ne, %sign3A_111, %sign3A_118 : i32
    %rem3A_120 = arith.remsi %min3A_84, %jit3A_103 : i32
    %ne3A_121 = arith.constant 0 : i32
    %ne3A_122 = arith.cmpi ne, %rem3A_120, %ne3A_121 : i32
    %and3A_123 = arith.andi %ne3A_119, %ne3A_122 : i1
    %sub3A_124 = arith.constant 1 : i32
    %sub3A_125 = arith.subi %div3A_104, %sub3A_124 : i32
    %select_n3A_126 = arith.select %and3A_123, %sub3A_125, %div3A_104 : i32
    %while3A_127 = arith.constant 0 : i32
    %while3A_128 = arith.constant 0 : i32
    %while3A_129 = arith.subi %select_n3A_126, %while3A_128 : i32
    %while3A_130 = arith.addi %while3A_128, %while3A_129 : i32
    %while3A_131 = arith.constant 1 : i32
    %while3A_132 = arith.divsi %while3A_129, %while3A_131 : i32
    %while3A_133 = arith.muli %while3A_132, %while3A_131 : i32
    %while3A_134 = arith.addi %while3A_128, %while3A_133 : i32
    %while3A_135 = arith.constant 1 : i32
    scf.for %while3A_142 = %while3A_128 to %while3A_134 step %while3A_135  : i32 {
      %mul3A_143 = arith.constant 2 : i32
      %mul3A_144 = arith.muli %while3A_142, %mul3A_143 : i32
      %dma_wait3A = arith.constant 0 : i32
      %dma_wait3A_145 = arith.constant 0 : i32
      %dma_wait3A_146 = tpu.memref_slice %arg2[%dma_wait3A, %dma_wait3A_145] : memref<10240x128xf32, #tpu.memory_space<hbm>> -> memref<128x128xf32, #tpu.memory_space<hbm>>
      %dma_wait3A_147 = arith.constant 0 : i32
      %dma_wait3A_148 = arith.constant 0 : i32
      %dma_wait3A_149 = tpu.memref_slice %arg2[%dma_wait3A_147, %dma_wait3A_148] : memref<10240x128xf32, #tpu.memory_space<hbm>> -> memref<128x128xf32, #tpu.memory_space<hbm>>
      tpu.wait_dma2 semaphore(%arg11 : memref<!tpu.dma_semaphore, #tpu.memory_space<semaphore_mem>>) src(%dma_wait3A_149 : memref<128x128xf32, #tpu.memory_space<hbm>>) dst(%arg8 : memref<128x128xf32, #tpu.memory_space<vmem>>)
      "tpu.region"() ({
        %run_scoped3A = tpu.sem_alloc : memref<!tpu.dma_semaphore, #tpu.memory_space<semaphore_mem>>
        %dma_start3A = arith.constant 0 : i32
        %dma_start3A_169 = tpu.memref_slice %arg7[%mul3A_144, %dma_start3A] : memref<40x128xi32, #tpu.memory_space<vmem>> -> memref<1x128xi32, #tpu.memory_space<vmem>>
        %dma_start3A_170 = tpu.memref_squeeze %dma_start3A_169 : memref<1x128xi32, #tpu.memory_space<vmem>> -> memref<128xi32, #tpu.memory_space<vmem>>
        %dma_start3A_171 = arith.constant 0 : i32
        %dma_start3A_172 = arith.constant 0 : i32
        %dma_start3A_173 = tpu.memref_slice %arg10[%dma_start3A_171, %dma_start3A_172] : memref<10240x128xf32, #tpu.memory_space<vmem_shared>> -> memref<10240x128xf32, #tpu.memory_space<vmem_shared>>
        tpu.enqueue_indirect_dma source(%arg8 : memref<128x128xf32, #tpu.memory_space<vmem>>) target(%dma_start3A_173 : memref<10240x128xf32, #tpu.memory_space<vmem_shared>>) offsets(%dma_start3A_170 : memref<128xi32, #tpu.memory_space<vmem>>) semaphore(%run_scoped3A : memref<!tpu.dma_semaphore, #tpu.memory_space<semaphore_mem>>) {add = true}
        %dma_wait3A_174 = arith.constant 0 : i32
        %dma_wait3A_175 = tpu.memref_slice %arg7[%mul3A_144, %dma_wait3A_174] : memref<40x128xi32, #tpu.memory_space<vmem>> -> memref<1x128xi32, #tpu.memory_space<vmem>>
        %dma_wait3A_176 = tpu.memref_squeeze %dma_wait3A_175 : memref<1x128xi32, #tpu.memory_space<vmem>> -> memref<128xi32, #tpu.memory_space<vmem>>
        %dma_wait3A_177 = arith.constant 0 : i32
        %dma_wait3A_178 = arith.constant 0 : i32
        %dma_wait3A_179 = tpu.memref_slice %arg10[%dma_wait3A_177, %dma_wait3A_178] : memref<10240x128xf32, #tpu.memory_space<vmem_shared>> -> memref<10240x128xf32, #tpu.memory_space<vmem_shared>>
        tpu.wait_indirect_dma semaphore(%run_scoped3A : memref<!tpu.dma_semaphore, #tpu.memory_space<semaphore_mem>>) src(%arg8 : memref<128x128xf32, #tpu.memory_space<vmem>>) dst(%dma_wait3A_179 : memref<10240x128xf32, #tpu.memory_space<vmem_shared>>)
        tpu.yield
      }) : () -> ()
      %add3A_150 = arith.constant 2 : i32
      %add3A_151 = arith.addi %mul3A_144, %add3A_150 : i32
      %lt3A = arith.cmpi slt, %add3A_151, %min3A_84 : i32
      %convert_element_type3A_152 = arith.extui %lt3A : i1 to i32
      %cond3A_153 = arith.constant 0 : i32
      %cond3A_154 = arith.cmpi ne, %convert_element_type3A_152, %cond3A_153 : i32
      scf.if %cond3A_154 {
        %add3A_169 = arith.constant 2 : i32
        %add3A_170 = arith.addi %mul3A_144, %add3A_169 : i32
        %dma_start3A = arith.constant 0 : i32
        %dma_start3A_171 = tpu.memref_slice %arg6[%add3A_170, %dma_start3A] : memref<40x128xi32, #tpu.memory_space<vmem>> -> memref<1x128xi32, #tpu.memory_space<vmem>>
        %dma_start3A_172 = tpu.memref_squeeze %dma_start3A_171 : memref<1x128xi32, #tpu.memory_space<vmem>> -> memref<128xi32, #tpu.memory_space<vmem>>
        %dma_start3A_173 = arith.constant 0 : i32
        %dma_start3A_174 = arith.constant 0 : i32
        %dma_start3A_175 = tpu.memref_slice %arg2[%dma_start3A_173, %dma_start3A_174] : memref<10240x128xf32, #tpu.memory_space<hbm>> -> memref<10240x128xf32, #tpu.memory_space<hbm>>
        tpu.enqueue_indirect_dma source(%dma_start3A_175 : memref<10240x128xf32, #tpu.memory_space<hbm>>) target(%arg8 : memref<128x128xf32, #tpu.memory_space<vmem>>) offsets(%dma_start3A_172 : memref<128xi32, #tpu.memory_space<vmem>>) semaphore(%arg11 : memref<!tpu.dma_semaphore, #tpu.memory_space<semaphore_mem>>)
      } else {
      }
      %dma_wait3A_155 = arith.constant 0 : i32
      %dma_wait3A_156 = arith.constant 0 : i32
      %dma_wait3A_157 = tpu.memref_slice %arg2[%dma_wait3A_155, %dma_wait3A_156] : memref<10240x128xf32, #tpu.memory_space<hbm>> -> memref<128x128xf32, #tpu.memory_space<hbm>>
      %dma_wait3A_158 = arith.constant 0 : i32
      %dma_wait3A_159 = arith.constant 0 : i32
      %dma_wait3A_160 = tpu.memref_slice %arg2[%dma_wait3A_158, %dma_wait3A_159] : memref<10240x128xf32, #tpu.memory_space<hbm>> -> memref<128x128xf32, #tpu.memory_space<hbm>>
      tpu.wait_dma2 semaphore(%arg12 : memref<!tpu.dma_semaphore, #tpu.memory_space<semaphore_mem>>) src(%dma_wait3A_160 : memref<128x128xf32, #tpu.memory_space<hbm>>) dst(%arg9 : memref<128x128xf32, #tpu.memory_space<vmem>>)
      %add3A_161 = arith.constant 1 : i32
      %add3A_162 = arith.addi %mul3A_144, %add3A_161 : i32
      "tpu.region"() ({
        %run_scoped3A = tpu.sem_alloc : memref<!tpu.dma_semaphore, #tpu.memory_space<semaphore_mem>>
        %dma_start3A = arith.constant 0 : i32
        %dma_start3A_169 = tpu.memref_slice %arg7[%add3A_162, %dma_start3A] : memref<40x128xi32, #tpu.memory_space<vmem>> -> memref<1x128xi32, #tpu.memory_space<vmem>>
        %dma_start3A_170 = tpu.memref_squeeze %dma_start3A_169 : memref<1x128xi32, #tpu.memory_space<vmem>> -> memref<128xi32, #tpu.memory_space<vmem>>
        %dma_start3A_171 = arith.constant 0 : i32
        %dma_start3A_172 = arith.constant 0 : i32
        %dma_start3A_173 = tpu.memref_slice %arg10[%dma_start3A_171, %dma_start3A_172] : memref<10240x128xf32, #tpu.memory_space<vmem_shared>> -> memref<10240x128xf32, #tpu.memory_space<vmem_shared>>
        tpu.enqueue_indirect_dma source(%arg9 : memref<128x128xf32, #tpu.memory_space<vmem>>) target(%dma_start3A_173 : memref<10240x128xf32, #tpu.memory_space<vmem_shared>>) offsets(%dma_start3A_170 : memref<128xi32, #tpu.memory_space<vmem>>) semaphore(%run_scoped3A : memref<!tpu.dma_semaphore, #tpu.memory_space<semaphore_mem>>) {add = true}
        %dma_wait3A_174 = arith.constant 0 : i32
        %dma_wait3A_175 = tpu.memref_slice %arg7[%add3A_162, %dma_wait3A_174] : memref<40x128xi32, #tpu.memory_space<vmem>> -> memref<1x128xi32, #tpu.memory_space<vmem>>
        %dma_wait3A_176 = tpu.memref_squeeze %dma_wait3A_175 : memref<1x128xi32, #tpu.memory_space<vmem>> -> memref<128xi32, #tpu.memory_space<vmem>>
        %dma_wait3A_177 = arith.constant 0 : i32
        %dma_wait3A_178 = arith.constant 0 : i32
        %dma_wait3A_179 = tpu.memref_slice %arg10[%dma_wait3A_177, %dma_wait3A_178] : memref<10240x128xf32, #tpu.memory_space<vmem_shared>> -> memref<10240x128xf32, #tpu.memory_space<vmem_shared>>
        tpu.wait_indirect_dma semaphore(%run_scoped3A : memref<!tpu.dma_semaphore, #tpu.memory_space<semaphore_mem>>) src(%arg9 : memref<128x128xf32, #tpu.memory_space<vmem>>) dst(%dma_wait3A_179 : memref<10240x128xf32, #tpu.memory_space<vmem_shared>>)
        tpu.yield
      }) : () -> ()
      %add3A_163 = arith.constant 3 : i32
      %add3A_164 = arith.addi %mul3A_144, %add3A_163 : i32
      %lt3A_165 = arith.cmpi slt, %add3A_164, %min3A_84 : i32
      %convert_element_type3A_166 = arith.extui %lt3A_165 : i1 to i32
      %cond3A_167 = arith.constant 0 : i32
      %cond3A_168 = arith.cmpi ne, %convert_element_type3A_166, %cond3A_167 : i32
      scf.if %cond3A_168 {
        %add3A_169 = arith.constant 3 : i32
        %add3A_170 = arith.addi %mul3A_144, %add3A_169 : i32
        %dma_start3A = arith.constant 0 : i32
        %dma_start3A_171 = tpu.memref_slice %arg6[%add3A_170, %dma_start3A] : memref<40x128xi32, #tpu.memory_space<vmem>> -> memref<1x128xi32, #tpu.memory_space<vmem>>
        %dma_start3A_172 = tpu.memref_squeeze %dma_start3A_171 : memref<1x128xi32, #tpu.memory_space<vmem>> -> memref<128xi32, #tpu.memory_space<vmem>>
        %dma_start3A_173 = arith.constant 0 : i32
        %dma_start3A_174 = arith.constant 0 : i32
        %dma_start3A_175 = tpu.memref_slice %arg2[%dma_start3A_173, %dma_start3A_174] : memref<10240x128xf32, #tpu.memory_space<hbm>> -> memref<10240x128xf32, #tpu.memory_space<hbm>>
        tpu.enqueue_indirect_dma source(%dma_start3A_175 : memref<10240x128xf32, #tpu.memory_space<hbm>>) target(%arg9 : memref<128x128xf32, #tpu.memory_space<vmem>>) offsets(%dma_start3A_172 : memref<128xi32, #tpu.memory_space<vmem>>) semaphore(%arg12 : memref<!tpu.dma_semaphore, #tpu.memory_space<semaphore_mem>>)
      } else {
      }
    }
    %while3A_136 = arith.constant 1 : i32
    scf.for %while3A_142 = %while3A_134 to %while3A_130 step %while3A_136  : i32 {
      %mul3A_143 = arith.constant 2 : i32
      %mul3A_144 = arith.muli %while3A_142, %mul3A_143 : i32
      %dma_wait3A = arith.constant 0 : i32
      %dma_wait3A_145 = arith.constant 0 : i32
      %dma_wait3A_146 = tpu.memref_slice %arg2[%dma_wait3A, %dma_wait3A_145] : memref<10240x128xf32, #tpu.memory_space<hbm>> -> memref<128x128xf32, #tpu.memory_space<hbm>>
      %dma_wait3A_147 = arith.constant 0 : i32
      %dma_wait3A_148 = arith.constant 0 : i32
      %dma_wait3A_149 = tpu.memref_slice %arg2[%dma_wait3A_147, %dma_wait3A_148] : memref<10240x128xf32, #tpu.memory_space<hbm>> -> memref<128x128xf32, #tpu.memory_space<hbm>>
      tpu.wait_dma2 semaphore(%arg11 : memref<!tpu.dma_semaphore, #tpu.memory_space<semaphore_mem>>) src(%dma_wait3A_149 : memref<128x128xf32, #tpu.memory_space<hbm>>) dst(%arg8 : memref<128x128xf32, #tpu.memory_space<vmem>>)
      "tpu.region"() ({
        %run_scoped3A = tpu.sem_alloc : memref<!tpu.dma_semaphore, #tpu.memory_space<semaphore_mem>>
        %dma_start3A = arith.constant 0 : i32
        %dma_start3A_169 = tpu.memref_slice %arg7[%mul3A_144, %dma_start3A] : memref<40x128xi32, #tpu.memory_space<vmem>> -> memref<1x128xi32, #tpu.memory_space<vmem>>
        %dma_start3A_170 = tpu.memref_squeeze %dma_start3A_169 : memref<1x128xi32, #tpu.memory_space<vmem>> -> memref<128xi32, #tpu.memory_space<vmem>>
        %dma_start3A_171 = arith.constant 0 : i32
        %dma_start3A_172 = arith.constant 0 : i32
        %dma_start3A_173 = tpu.memref_slice %arg10[%dma_start3A_171, %dma_start3A_172] : memref<10240x128xf32, #tpu.memory_space<vmem_shared>> -> memref<10240x128xf32, #tpu.memory_space<vmem_shared>>
        tpu.enqueue_indirect_dma source(%arg8 : memref<128x128xf32, #tpu.memory_space<vmem>>) target(%dma_start3A_173 : memref<10240x128xf32, #tpu.memory_space<vmem_shared>>) offsets(%dma_start3A_170 : memref<128xi32, #tpu.memory_space<vmem>>) semaphore(%run_scoped3A : memref<!tpu.dma_semaphore, #tpu.memory_space<semaphore_mem>>) {add = true}
        %dma_wait3A_174 = arith.constant 0 : i32
        %dma_wait3A_175 = tpu.memref_slice %arg7[%mul3A_144, %dma_wait3A_174] : memref<40x128xi32, #tpu.memory_space<vmem>> -> memref<1x128xi32, #tpu.memory_space<vmem>>
        %dma_wait3A_176 = tpu.memref_squeeze %dma_wait3A_175 : memref<1x128xi32, #tpu.memory_space<vmem>> -> memref<128xi32, #tpu.memory_space<vmem>>
        %dma_wait3A_177 = arith.constant 0 : i32
        %dma_wait3A_178 = arith.constant 0 : i32
        %dma_wait3A_179 = tpu.memref_slice %arg10[%dma_wait3A_177, %dma_wait3A_178] : memref<10240x128xf32, #tpu.memory_space<vmem_shared>> -> memref<10240x128xf32, #tpu.memory_space<vmem_shared>>
        tpu.wait_indirect_dma semaphore(%run_scoped3A : memref<!tpu.dma_semaphore, #tpu.memory_space<semaphore_mem>>) src(%arg8 : memref<128x128xf32, #tpu.memory_space<vmem>>) dst(%dma_wait3A_179 : memref<10240x128xf32, #tpu.memory_space<vmem_shared>>)
        tpu.yield
      }) : () -> ()
      %add3A_150 = arith.constant 2 : i32
      %add3A_151 = arith.addi %mul3A_144, %add3A_150 : i32
      %lt3A = arith.cmpi slt, %add3A_151, %min3A_84 : i32
      %convert_element_type3A_152 = arith.extui %lt3A : i1 to i32
      %cond3A_153 = arith.constant 0 : i32
      %cond3A_154 = arith.cmpi ne, %convert_element_type3A_152, %cond3A_153 : i32
      scf.if %cond3A_154 {
        %add3A_169 = arith.constant 2 : i32
        %add3A_170 = arith.addi %mul3A_144, %add3A_169 : i32
        %dma_start3A = arith.constant 0 : i32
        %dma_start3A_171 = tpu.memref_slice %arg6[%add3A_170, %dma_start3A] : memref<40x128xi32, #tpu.memory_space<vmem>> -> memref<1x128xi32, #tpu.memory_space<vmem>>
        %dma_start3A_172 = tpu.memref_squeeze %dma_start3A_171 : memref<1x128xi32, #tpu.memory_space<vmem>> -> memref<128xi32, #tpu.memory_space<vmem>>
        %dma_start3A_173 = arith.constant 0 : i32
        %dma_start3A_174 = arith.constant 0 : i32
        %dma_start3A_175 = tpu.memref_slice %arg2[%dma_start3A_173, %dma_start3A_174] : memref<10240x128xf32, #tpu.memory_space<hbm>> -> memref<10240x128xf32, #tpu.memory_space<hbm>>
        tpu.enqueue_indirect_dma source(%dma_start3A_175 : memref<10240x128xf32, #tpu.memory_space<hbm>>) target(%arg8 : memref<128x128xf32, #tpu.memory_space<vmem>>) offsets(%dma_start3A_172 : memref<128xi32, #tpu.memory_space<vmem>>) semaphore(%arg11 : memref<!tpu.dma_semaphore, #tpu.memory_space<semaphore_mem>>)
      } else {
      }
      %dma_wait3A_155 = arith.constant 0 : i32
      %dma_wait3A_156 = arith.constant 0 : i32
      %dma_wait3A_157 = tpu.memref_slice %arg2[%dma_wait3A_155, %dma_wait3A_156] : memref<10240x128xf32, #tpu.memory_space<hbm>> -> memref<128x128xf32, #tpu.memory_space<hbm>>
      %dma_wait3A_158 = arith.constant 0 : i32
      %dma_wait3A_159 = arith.constant 0 : i32
      %dma_wait3A_160 = tpu.memref_slice %arg2[%dma_wait3A_158, %dma_wait3A_159] : memref<10240x128xf32, #tpu.memory_space<hbm>> -> memref<128x128xf32, #tpu.memory_space<hbm>>
      tpu.wait_dma2 semaphore(%arg12 : memref<!tpu.dma_semaphore, #tpu.memory_space<semaphore_mem>>) src(%dma_wait3A_160 : memref<128x128xf32, #tpu.memory_space<hbm>>) dst(%arg9 : memref<128x128xf32, #tpu.memory_space<vmem>>)
      %add3A_161 = arith.constant 1 : i32
      %add3A_162 = arith.addi %mul3A_144, %add3A_161 : i32
      "tpu.region"() ({
        %run_scoped3A = tpu.sem_alloc : memref<!tpu.dma_semaphore, #tpu.memory_space<semaphore_mem>>
        %dma_start3A = arith.constant 0 : i32
        %dma_start3A_169 = tpu.memref_slice %arg7[%add3A_162, %dma_start3A] : memref<40x128xi32, #tpu.memory_space<vmem>> -> memref<1x128xi32, #tpu.memory_space<vmem>>
        %dma_start3A_170 = tpu.memref_squeeze %dma_start3A_169 : memref<1x128xi32, #tpu.memory_space<vmem>> -> memref<128xi32, #tpu.memory_space<vmem>>
        %dma_start3A_171 = arith.constant 0 : i32
        %dma_start3A_172 = arith.constant 0 : i32
        %dma_start3A_173 = tpu.memref_slice %arg10[%dma_start3A_171, %dma_start3A_172] : memref<10240x128xf32, #tpu.memory_space<vmem_shared>> -> memref<10240x128xf32, #tpu.memory_space<vmem_shared>>
        tpu.enqueue_indirect_dma source(%arg9 : memref<128x128xf32, #tpu.memory_space<vmem>>) target(%dma_start3A_173 : memref<10240x128xf32, #tpu.memory_space<vmem_shared>>) offsets(%dma_start3A_170 : memref<128xi32, #tpu.memory_space<vmem>>) semaphore(%run_scoped3A : memref<!tpu.dma_semaphore, #tpu.memory_space<semaphore_mem>>) {add = true}
        %dma_wait3A_174 = arith.constant 0 : i32
        %dma_wait3A_175 = tpu.memref_slice %arg7[%add3A_162, %dma_wait3A_174] : memref<40x128xi32, #tpu.memory_space<vmem>> -> memref<1x128xi32, #tpu.memory_space<vmem>>
        %dma_wait3A_176 = tpu.memref_squeeze %dma_wait3A_175 : memref<1x128xi32, #tpu.memory_space<vmem>> -> memref<128xi32, #tpu.memory_space<vmem>>
        %dma_wait3A_177 = arith.constant 0 : i32
        %dma_wait3A_178 = arith.constant 0 : i32
        %dma_wait3A_179 = tpu.memref_slice %arg10[%dma_wait3A_177, %dma_wait3A_178] : memref<10240x128xf32, #tpu.memory_space<vmem_shared>> -> memref<10240x128xf32, #tpu.memory_space<vmem_shared>>
        tpu.wait_indirect_dma semaphore(%run_scoped3A : memref<!tpu.dma_semaphore, #tpu.memory_space<semaphore_mem>>) src(%arg9 : memref<128x128xf32, #tpu.memory_space<vmem>>) dst(%dma_wait3A_179 : memref<10240x128xf32, #tpu.memory_space<vmem_shared>>)
        tpu.yield
      }) : () -> ()
      %add3A_163 = arith.constant 3 : i32
      %add3A_164 = arith.addi %mul3A_144, %add3A_163 : i32
      %lt3A_165 = arith.cmpi slt, %add3A_164, %min3A_84 : i32
      %convert_element_type3A_166 = arith.extui %lt3A_165 : i1 to i32
      %cond3A_167 = arith.constant 0 : i32
      %cond3A_168 = arith.cmpi ne, %convert_element_type3A_166, %cond3A_167 : i32
      scf.if %cond3A_168 {
        %add3A_169 = arith.constant 3 : i32
        %add3A_170 = arith.addi %mul3A_144, %add3A_169 : i32
        %dma_start3A = arith.constant 0 : i32
        %dma_start3A_171 = tpu.memref_slice %arg6[%add3A_170, %dma_start3A] : memref<40x128xi32, #tpu.memory_space<vmem>> -> memref<1x128xi32, #tpu.memory_space<vmem>>
        %dma_start3A_172 = tpu.memref_squeeze %dma_start3A_171 : memref<1x128xi32, #tpu.memory_space<vmem>> -> memref<128xi32, #tpu.memory_space<vmem>>
        %dma_start3A_173 = arith.constant 0 : i32
        %dma_start3A_174 = arith.constant 0 : i32
        %dma_start3A_175 = tpu.memref_slice %arg2[%dma_start3A_173, %dma_start3A_174] : memref<10240x128xf32, #tpu.memory_space<hbm>> -> memref<10240x128xf32, #tpu.memory_space<hbm>>
        tpu.enqueue_indirect_dma source(%dma_start3A_175 : memref<10240x128xf32, #tpu.memory_space<hbm>>) target(%arg9 : memref<128x128xf32, #tpu.memory_space<vmem>>) offsets(%dma_start3A_172 : memref<128xi32, #tpu.memory_space<vmem>>) semaphore(%arg12 : memref<!tpu.dma_semaphore, #tpu.memory_space<semaphore_mem>>)
      } else {
      }
    }
    %barrier3A_137 = arith.constant 0 : index
    tpu.barrier barrier_id(%barrier3A_137)
    %mul3A_138 = arith.constant 640 : i32
    %mul3A_139 = arith.muli %arg1, %mul3A_138 : i32
    %mul3A_140 = arith.constant 640 : i32
    %mul3A_141 = arith.muli %arg1, %mul3A_140 : i32
    "tpu.region"() ({
      %run_scoped3A = tpu.sem_alloc : memref<!tpu.dma_semaphore, #tpu.memory_space<semaphore_mem>>
      %dma_start3A = arith.constant 0 : i32
      %dma_start3A_142 = tpu.memref_slice %arg5[%arg0, %mul3A_141, %dma_start3A] : memref<2x10240x128xf32, #tpu.memory_space<hbm>> -> memref<1x640x128xf32, #tpu.memory_space<hbm>>
      %dma_start3A_143 = tpu.memref_squeeze %dma_start3A_142 : memref<1x640x128xf32, #tpu.memory_space<hbm>> -> memref<640x128xf32, #tpu.memory_space<hbm>>
      %dma_start3A_144 = arith.constant 0 : i32
      %dma_start3A_145 = tpu.memref_slice %arg10[%mul3A_139, %dma_start3A_144] : memref<10240x128xf32, #tpu.memory_space<vmem_shared>> -> memref<640x128xf32, #tpu.memory_space<vmem_shared>>
      tpu.enqueue_dma source(%dma_start3A_145 : memref<640x128xf32, #tpu.memory_space<vmem_shared>>) target(%dma_start3A_143 : memref<640x128xf32, #tpu.memory_space<hbm>>) target_semaphore(%run_scoped3A : memref<!tpu.dma_semaphore, #tpu.memory_space<semaphore_mem>>)
      %dma_wait3A = arith.constant 0 : i32
      %dma_wait3A_146 = tpu.memref_slice %arg5[%arg0, %mul3A_141, %dma_wait3A] : memref<2x10240x128xf32, #tpu.memory_space<hbm>> -> memref<1x640x128xf32, #tpu.memory_space<hbm>>
      %dma_wait3A_147 = tpu.memref_squeeze %dma_wait3A_146 : memref<1x640x128xf32, #tpu.memory_space<hbm>> -> memref<640x128xf32, #tpu.memory_space<hbm>>
      %dma_wait3A_148 = arith.constant 0 : i32
      %dma_wait3A_149 = tpu.memref_slice %arg10[%mul3A_139, %dma_wait3A_148] : memref<10240x128xf32, #tpu.memory_space<vmem_shared>> -> memref<640x128xf32, #tpu.memory_space<vmem_shared>>
      tpu.wait_dma2 semaphore(%run_scoped3A : memref<!tpu.dma_semaphore, #tpu.memory_space<semaphore_mem>>) src(%dma_wait3A_149 : memref<640x128xf32, #tpu.memory_space<vmem_shared>>) dst(%dma_wait3A_147 : memref<640x128xf32, #tpu.memory_space<hbm>>)
      tpu.yield
    }) : () -> ()
    return
  }
}

#map = affine_map<(d0, d1) -> (0, 0)>
#map1 = affine_map<(d0, d1) -> (0, 0, 0)>
module attributes {stable_mosaic.version = 14 : i64} {
  func.func @_sc_edge_sum_body(%arg0: i32, %arg1: i32, %arg2: memref<10240x128xf32, #tpu.memory_space<hbm>>, %arg3: memref<2560x128xi32, #tpu.memory_space<hbm>>, %arg4: memref<2560x128xi32, #tpu.memory_space<hbm>>, %arg5: memref<2x10240x128xf32, #tpu.memory_space<hbm>>, %arg6: memref<40x128xi32, #tpu.memory_space<vmem>>, %arg7: memref<40x128xi32, #tpu.memory_space<vmem>>, %arg8: memref<128x128xf32, #tpu.memory_space<vmem>>, %arg9: memref<128x128xf32, #tpu.memory_space<vmem>>, %arg10: memref<10240x128xf32, #tpu.memory_space<vmem_shared>>, %arg11: memref<!tpu.dma_semaphore, #tpu.memory_space<semaphore_mem>>, %arg12: memref<!tpu.dma_semaphore, #tpu.memory_space<semaphore_mem>>) attributes {dimension_semantics = [#tpu.dimension_semantics<core_parallel>, #tpu.dimension_semantics<subcore_parallel>], iteration_bounds = array<i64: 2, 16>, scalar_prefetch = 0 : i64, scratch_operands = 7 : i64, tpu.core_type = #tpu.core_type<sc_vector_subcore>, window_params = [{transform_indices = #map}, {transform_indices = #map}, {transform_indices = #map}, {transform_indices = #map1}]} {
    %mul3A = arith.constant 2 : i32
    %mul3A_0 = arith.muli %arg1, %mul3A : i32
    %add3A = arith.addi %mul3A_0, %arg0 : i32
    %broadcast_in_dim3A = arith.constant 0.000000e+00 : f32
    %broadcast_in_dim3A_1 = vector.broadcast %broadcast_in_dim3A : f32 to vector<16xf32>
    %scan3A = arith.constant 0 : i32
    %scan3A_2 = arith.constant 0 : i32
    %scan3A_3 = arith.constant 128 : i32
    %scan3A_4 = arith.addi %scan3A_2, %scan3A_3 : i32
    %scan3A_5 = arith.constant 1 : i32
    scf.for %scan3A_142 = %scan3A_2 to %scan3A_4 step %scan3A_5  : i32 {
      %swap3A = arith.index_cast %scan3A_142 : i32 to index
      %swap3A_143 = arith.constant 0 : index
      %swap3A_144 = tpu.vector_load %arg8[%swap3A, %swap3A_143] {strides = array<i32>} : memref<128x128xf32, #tpu.memory_space<vmem>>, vector<1x16xf32>,
      %swap3A_145 = vector.shape_cast %swap3A_144 : vector<1x16xf32> to vector<16xf32>
      %swap3A_146 = vector.shape_cast %broadcast_in_dim3A_1 : vector<16xf32> to vector<1x16xf32>
      tpu.vector_store %arg8[%swap3A, %swap3A_143], %swap3A_146 {strides = array<i32>} : memref<128x128xf32, #tpu.memory_space<vmem>>, vector<1x16xf32>,
      %swap3A_147 = arith.index_cast %scan3A_142 : i32 to index
      %swap3A_148 = arith.constant 16 : index
      %swap3A_149 = tpu.vector_load %arg8[%swap3A_147, %swap3A_148] {strides = array<i32>} : memref<128x128xf32, #tpu.memory_space<vmem>>, vector<1x16xf32>,
      %swap3A_150 = vector.shape_cast %swap3A_149 : vector<1x16xf32> to vector<16xf32>
      %swap3A_151 = vector.shape_cast %broadcast_in_dim3A_1 : vector<16xf32> to vector<1x16xf32>
      tpu.vector_store %arg8[%swap3A_147, %swap3A_148], %swap3A_151 {strides = array<i32>} : memref<128x128xf32, #tpu.memory_space<vmem>>, vector<1x16xf32>,
      %swap3A_152 = arith.index_cast %scan3A_142 : i32 to index
      %swap3A_153 = arith.constant 32 : index
      %swap3A_154 = tpu.vector_load %arg8[%swap3A_152, %swap3A_153] {strides = array<i32>} : memref<128x128xf32, #tpu.memory_space<vmem>>, vector<1x16xf32>,
      %swap3A_155 = vector.shape_cast %swap3A_154 : vector<1x16xf32> to vector<16xf32>
      %swap3A_156 = vector.shape_cast %broadcast_in_dim3A_1 : vector<16xf32> to vector<1x16xf32>
      tpu.vector_store %arg8[%swap3A_152, %swap3A_153], %swap3A_156 {strides = array<i32>} : memref<128x128xf32, #tpu.memory_space<vmem>>, vector<1x16xf32>,
      %swap3A_157 = arith.index_cast %scan3A_142 : i32 to index
      %swap3A_158 = arith.constant 48 : index
      %swap3A_159 = tpu.vector_load %arg8[%swap3A_157, %swap3A_158] {strides = array<i32>} : memref<128x128xf32, #tpu.memory_space<vmem>>, vector<1x16xf32>,
      %swap3A_160 = vector.shape_cast %swap3A_159 : vector<1x16xf32> to vector<16xf32>
      %swap3A_161 = vector.shape_cast %broadcast_in_dim3A_1 : vector<16xf32> to vector<1x16xf32>
      tpu.vector_store %arg8[%swap3A_157, %swap3A_158], %swap3A_161 {strides = array<i32>} : memref<128x128xf32, #tpu.memory_space<vmem>>, vector<1x16xf32>,
      %swap3A_162 = arith.index_cast %scan3A_142 : i32 to index
      %swap3A_163 = arith.constant 64 : index
      %swap3A_164 = tpu.vector_load %arg8[%swap3A_162, %swap3A_163] {strides = array<i32>} : memref<128x128xf32, #tpu.memory_space<vmem>>, vector<1x16xf32>,
      %swap3A_165 = vector.shape_cast %swap3A_164 : vector<1x16xf32> to vector<16xf32>
      %swap3A_166 = vector.shape_cast %broadcast_in_dim3A_1 : vector<16xf32> to vector<1x16xf32>
      tpu.vector_store %arg8[%swap3A_162, %swap3A_163], %swap3A_166 {strides = array<i32>} : memref<128x128xf32, #tpu.memory_space<vmem>>, vector<1x16xf32>,
      %swap3A_167 = arith.index_cast %scan3A_142 : i32 to index
      %swap3A_168 = arith.constant 80 : index
      %swap3A_169 = tpu.vector_load %arg8[%swap3A_167, %swap3A_168] {strides = array<i32>} : memref<128x128xf32, #tpu.memory_space<vmem>>, vector<1x16xf32>,
      %swap3A_170 = vector.shape_cast %swap3A_169 : vector<1x16xf32> to vector<16xf32>
      %swap3A_171 = vector.shape_cast %broadcast_in_dim3A_1 : vector<16xf32> to vector<1x16xf32>
      tpu.vector_store %arg8[%swap3A_167, %swap3A_168], %swap3A_171 {strides = array<i32>} : memref<128x128xf32, #tpu.memory_space<vmem>>, vector<1x16xf32>,
      %swap3A_172 = arith.index_cast %scan3A_142 : i32 to index
      %swap3A_173 = arith.constant 96 : index
      %swap3A_174 = tpu.vector_load %arg8[%swap3A_172, %swap3A_173] {strides = array<i32>} : memref<128x128xf32, #tpu.memory_space<vmem>>, vector<1x16xf32>,
      %swap3A_175 = vector.shape_cast %swap3A_174 : vector<1x16xf32> to vector<16xf32>
      %swap3A_176 = vector.shape_cast %broadcast_in_dim3A_1 : vector<16xf32> to vector<1x16xf32>
      tpu.vector_store %arg8[%swap3A_172, %swap3A_173], %swap3A_176 {strides = array<i32>} : memref<128x128xf32, #tpu.memory_space<vmem>>, vector<1x16xf32>,
      %swap3A_177 = arith.index_cast %scan3A_142 : i32 to index
      %swap3A_178 = arith.constant 112 : index
      %swap3A_179 = tpu.vector_load %arg8[%swap3A_177, %swap3A_178] {strides = array<i32>} : memref<128x128xf32, #tpu.memory_space<vmem>>, vector<1x16xf32>,
      %swap3A_180 = vector.shape_cast %swap3A_179 : vector<1x16xf32> to vector<16xf32>
      %swap3A_181 = vector.shape_cast %broadcast_in_dim3A_1 : vector<16xf32> to vector<1x16xf32>
      tpu.vector_store %arg8[%swap3A_177, %swap3A_178], %swap3A_181 {strides = array<i32>} : memref<128x128xf32, #tpu.memory_space<vmem>>, vector<1x16xf32>,
    }
    %scan3A_6 = arith.constant 128 : i32
    %mul3A_7 = arith.constant 640 : i32
    %mul3A_8 = arith.muli %arg1, %mul3A_7 : i32
    %add3A_9 = arith.constant 0 : i32
    %add3A_10 = arith.addi %mul3A_8, %add3A_9 : i32
    "tpu.region"() ({
      %run_scoped3A = tpu.sem_alloc : memref<!tpu.dma_semaphore, #tpu.memory_space<semaphore_mem>>
      %dma_start3A = arith.constant 0 : i32
      %dma_start3A_142 = arith.constant 0 : i32
      %dma_start3A_143 = tpu.memref_slice %arg8[%dma_start3A, %dma_start3A_142] : memref<128x128xf32, #tpu.memory_space<vmem>> -> memref<128x128xf32, #tpu.memory_space<vmem>>
      %dma_start3A_144 = arith.constant 0 : i32
      %dma_start3A_145 = tpu.memref_slice %arg10[%add3A_10, %dma_start3A_144] : memref<10240x128xf32, #tpu.memory_space<vmem_shared>> -> memref<128x128xf32, #tpu.memory_space<vmem_shared>>
      %dma_start3A_146 = arith.constant 0 : i32
      %dma_start3A_147 = tpu.memref_slice %arg10[%add3A_10, %dma_start3A_146] : memref<10240x128xf32, #tpu.memory_space<vmem_shared>> -> memref<128x128xf32, #tpu.memory_space<vmem_shared>>
      %dma_start3A_148 = arith.constant 0 : i32
      %dma_start3A_149 = arith.constant 0 : i32
      %dma_start3A_150 = tpu.memref_slice %arg8[%dma_start3A_148, %dma_start3A_149] : memref<128x128xf32, #tpu.memory_space<vmem>> -> memref<128x128xf32, #tpu.memory_space<vmem>>
      tpu.enqueue_dma source(%dma_start3A_150 : memref<128x128xf32, #tpu.memory_space<vmem>>) target(%dma_start3A_147 : memref<128x128xf32, #tpu.memory_space<vmem_shared>>) target_semaphore(%run_scoped3A : memref<!tpu.dma_semaphore, #tpu.memory_space<semaphore_mem>>)
      %dma_wait3A = arith.constant 0 : i32
      %dma_wait3A_151 = arith.constant 0 : i32
      %dma_wait3A_152 = tpu.memref_slice %arg8[%dma_wait3A, %dma_wait3A_151] : memref<128x128xf32, #tpu.memory_space<vmem>> -> memref<128x128xf32, #tpu.memory_space<vmem>>
      %dma_wait3A_153 = arith.constant 0 : i32
      %dma_wait3A_154 = tpu.memref_slice %arg10[%add3A_10, %dma_wait3A_153] : memref<10240x128xf32, #tpu.memory_space<vmem_shared>> -> memref<128x128xf32, #tpu.memory_space<vmem_shared>>
      %dma_wait3A_155 = arith.constant 0 : i32
      %dma_wait3A_156 = tpu.memref_slice %arg10[%add3A_10, %dma_wait3A_155] : memref<10240x128xf32, #tpu.memory_space<vmem_shared>> -> memref<128x128xf32, #tpu.memory_space<vmem_shared>>
      %dma_wait3A_157 = arith.constant 0 : i32
      %dma_wait3A_158 = arith.constant 0 : i32
      %dma_wait3A_159 = tpu.memref_slice %arg8[%dma_wait3A_157, %dma_wait3A_158] : memref<128x128xf32, #tpu.memory_space<vmem>> -> memref<128x128xf32, #tpu.memory_space<vmem>>
      tpu.wait_dma2 semaphore(%run_scoped3A : memref<!tpu.dma_semaphore, #tpu.memory_space<semaphore_mem>>) src(%dma_wait3A_159 : memref<128x128xf32, #tpu.memory_space<vmem>>) dst(%dma_wait3A_156 : memref<128x128xf32, #tpu.memory_space<vmem_shared>>)
      tpu.yield
    }) : () -> ()
    %mul3A_11 = arith.constant 640 : i32
    %mul3A_12 = arith.muli %arg1, %mul3A_11 : i32
    %add3A_13 = arith.constant 128 : i32
    %add3A_14 = arith.addi %mul3A_12, %add3A_13 : i32
    "tpu.region"() ({
      %run_scoped3A = tpu.sem_alloc : memref<!tpu.dma_semaphore, #tpu.memory_space<semaphore_mem>>
      %dma_start3A = arith.constant 0 : i32
      %dma_start3A_142 = arith.constant 0 : i32
      %dma_start3A_143 = tpu.memref_slice %arg8[%dma_start3A, %dma_start3A_142] : memref<128x128xf32, #tpu.memory_space<vmem>> -> memref<128x128xf32, #tpu.memory_space<vmem>>
      %dma_start3A_144 = arith.constant 0 : i32
      %dma_start3A_145 = tpu.memref_slice %arg10[%add3A_14, %dma_start3A_144] : memref<10240x128xf32, #tpu.memory_space<vmem_shared>> -> memref<128x128xf32, #tpu.memory_space<vmem_shared>>
      %dma_start3A_146 = arith.constant 0 : i32
      %dma_start3A_147 = tpu.memref_slice %arg10[%add3A_14, %dma_start3A_146] : memref<10240x128xf32, #tpu.memory_space<vmem_shared>> -> memref<128x128xf32, #tpu.memory_space<vmem_shared>>
      %dma_start3A_148 = arith.constant 0 : i32
      %dma_start3A_149 = arith.constant 0 : i32
      %dma_start3A_150 = tpu.memref_slice %arg8[%dma_start3A_148, %dma_start3A_149] : memref<128x128xf32, #tpu.memory_space<vmem>> -> memref<128x128xf32, #tpu.memory_space<vmem>>
      tpu.enqueue_dma source(%dma_start3A_150 : memref<128x128xf32, #tpu.memory_space<vmem>>) target(%dma_start3A_147 : memref<128x128xf32, #tpu.memory_space<vmem_shared>>) target_semaphore(%run_scoped3A : memref<!tpu.dma_semaphore, #tpu.memory_space<semaphore_mem>>)
      %dma_wait3A = arith.constant 0 : i32
      %dma_wait3A_151 = arith.constant 0 : i32
      %dma_wait3A_152 = tpu.memref_slice %arg8[%dma_wait3A, %dma_wait3A_151] : memref<128x128xf32, #tpu.memory_space<vmem>> -> memref<128x128xf32, #tpu.memory_space<vmem>>
      %dma_wait3A_153 = arith.constant 0 : i32
      %dma_wait3A_154 = tpu.memref_slice %arg10[%add3A_14, %dma_wait3A_153] : memref<10240x128xf32, #tpu.memory_space<vmem_shared>> -> memref<128x128xf32, #tpu.memory_space<vmem_shared>>
      %dma_wait3A_155 = arith.constant 0 : i32
      %dma_wait3A_156 = tpu.memref_slice %arg10[%add3A_14, %dma_wait3A_155] : memref<10240x128xf32, #tpu.memory_space<vmem_shared>> -> memref<128x128xf32, #tpu.memory_space<vmem_shared>>
      %dma_wait3A_157 = arith.constant 0 : i32
      %dma_wait3A_158 = arith.constant 0 : i32
      %dma_wait3A_159 = tpu.memref_slice %arg8[%dma_wait3A_157, %dma_wait3A_158] : memref<128x128xf32, #tpu.memory_space<vmem>> -> memref<128x128xf32, #tpu.memory_space<vmem>>
      tpu.wait_dma2 semaphore(%run_scoped3A : memref<!tpu.dma_semaphore, #tpu.memory_space<semaphore_mem>>) src(%dma_wait3A_159 : memref<128x128xf32, #tpu.memory_space<vmem>>) dst(%dma_wait3A_156 : memref<128x128xf32, #tpu.memory_space<vmem_shared>>)
      tpu.yield
    }) : () -> ()
    %mul3A_15 = arith.constant 640 : i32
    %mul3A_16 = arith.muli %arg1, %mul3A_15 : i32
    %add3A_17 = arith.constant 256 : i32
    %add3A_18 = arith.addi %mul3A_16, %add3A_17 : i32
    "tpu.region"() ({
      %run_scoped3A = tpu.sem_alloc : memref<!tpu.dma_semaphore, #tpu.memory_space<semaphore_mem>>
      %dma_start3A = arith.constant 0 : i32
      %dma_start3A_142 = arith.constant 0 : i32
      %dma_start3A_143 = tpu.memref_slice %arg8[%dma_start3A, %dma_start3A_142] : memref<128x128xf32, #tpu.memory_space<vmem>> -> memref<128x128xf32, #tpu.memory_space<vmem>>
      %dma_start3A_144 = arith.constant 0 : i32
      %dma_start3A_145 = tpu.memref_slice %arg10[%add3A_18, %dma_start3A_144] : memref<10240x128xf32, #tpu.memory_space<vmem_shared>> -> memref<128x128xf32, #tpu.memory_space<vmem_shared>>
      %dma_start3A_146 = arith.constant 0 : i32
      %dma_start3A_147 = tpu.memref_slice %arg10[%add3A_18, %dma_start3A_146] : memref<10240x128xf32, #tpu.memory_space<vmem_shared>> -> memref<128x128xf32, #tpu.memory_space<vmem_shared>>
      %dma_start3A_148 = arith.constant 0 : i32
      %dma_start3A_149 = arith.constant 0 : i32
      %dma_start3A_150 = tpu.memref_slice %arg8[%dma_start3A_148, %dma_start3A_149] : memref<128x128xf32, #tpu.memory_space<vmem>> -> memref<128x128xf32, #tpu.memory_space<vmem>>
      tpu.enqueue_dma source(%dma_start3A_150 : memref<128x128xf32, #tpu.memory_space<vmem>>) target(%dma_start3A_147 : memref<128x128xf32, #tpu.memory_space<vmem_shared>>) target_semaphore(%run_scoped3A : memref<!tpu.dma_semaphore, #tpu.memory_space<semaphore_mem>>)
      %dma_wait3A = arith.constant 0 : i32
      %dma_wait3A_151 = arith.constant 0 : i32
      %dma_wait3A_152 = tpu.memref_slice %arg8[%dma_wait3A, %dma_wait3A_151] : memref<128x128xf32, #tpu.memory_space<vmem>> -> memref<128x128xf32, #tpu.memory_space<vmem>>
      %dma_wait3A_153 = arith.constant 0 : i32
      %dma_wait3A_154 = tpu.memref_slice %arg10[%add3A_18, %dma_wait3A_153] : memref<10240x128xf32, #tpu.memory_space<vmem_shared>> -> memref<128x128xf32, #tpu.memory_space<vmem_shared>>
      %dma_wait3A_155 = arith.constant 0 : i32
      %dma_wait3A_156 = tpu.memref_slice %arg10[%add3A_18, %dma_wait3A_155] : memref<10240x128xf32, #tpu.memory_space<vmem_shared>> -> memref<128x128xf32, #tpu.memory_space<vmem_shared>>
      %dma_wait3A_157 = arith.constant 0 : i32
      %dma_wait3A_158 = arith.constant 0 : i32
      %dma_wait3A_159 = tpu.memref_slice %arg8[%dma_wait3A_157, %dma_wait3A_158] : memref<128x128xf32, #tpu.memory_space<vmem>> -> memref<128x128xf32, #tpu.memory_space<vmem>>
      tpu.wait_dma2 semaphore(%run_scoped3A : memref<!tpu.dma_semaphore, #tpu.memory_space<semaphore_mem>>) src(%dma_wait3A_159 : memref<128x128xf32, #tpu.memory_space<vmem>>) dst(%dma_wait3A_156 : memref<128x128xf32, #tpu.memory_space<vmem_shared>>)
      tpu.yield
    }) : () -> ()
    %mul3A_19 = arith.constant 640 : i32
    %mul3A_20 = arith.muli %arg1, %mul3A_19 : i32
    %add3A_21 = arith.constant 384 : i32
    %add3A_22 = arith.addi %mul3A_20, %add3A_21 : i32
    "tpu.region"() ({
      %run_scoped3A = tpu.sem_alloc : memref<!tpu.dma_semaphore, #tpu.memory_space<semaphore_mem>>
      %dma_start3A = arith.constant 0 : i32
      %dma_start3A_142 = arith.constant 0 : i32
      %dma_start3A_143 = tpu.memref_slice %arg8[%dma_start3A, %dma_start3A_142] : memref<128x128xf32, #tpu.memory_space<vmem>> -> memref<128x128xf32, #tpu.memory_space<vmem>>
      %dma_start3A_144 = arith.constant 0 : i32
      %dma_start3A_145 = tpu.memref_slice %arg10[%add3A_22, %dma_start3A_144] : memref<10240x128xf32, #tpu.memory_space<vmem_shared>> -> memref<128x128xf32, #tpu.memory_space<vmem_shared>>
      %dma_start3A_146 = arith.constant 0 : i32
      %dma_start3A_147 = tpu.memref_slice %arg10[%add3A_22, %dma_start3A_146] : memref<10240x128xf32, #tpu.memory_space<vmem_shared>> -> memref<128x128xf32, #tpu.memory_space<vmem_shared>>
      %dma_start3A_148 = arith.constant 0 : i32
      %dma_start3A_149 = arith.constant 0 : i32
      %dma_start3A_150 = tpu.memref_slice %arg8[%dma_start3A_148, %dma_start3A_149] : memref<128x128xf32, #tpu.memory_space<vmem>> -> memref<128x128xf32, #tpu.memory_space<vmem>>
      tpu.enqueue_dma source(%dma_start3A_150 : memref<128x128xf32, #tpu.memory_space<vmem>>) target(%dma_start3A_147 : memref<128x128xf32, #tpu.memory_space<vmem_shared>>) target_semaphore(%run_scoped3A : memref<!tpu.dma_semaphore, #tpu.memory_space<semaphore_mem>>)
      %dma_wait3A = arith.constant 0 : i32
      %dma_wait3A_151 = arith.constant 0 : i32
      %dma_wait3A_152 = tpu.memref_slice %arg8[%dma_wait3A, %dma_wait3A_151] : memref<128x128xf32, #tpu.memory_space<vmem>> -> memref<128x128xf32, #tpu.memory_space<vmem>>
      %dma_wait3A_153 = arith.constant 0 : i32
      %dma_wait3A_154 = tpu.memref_slice %arg10[%add3A_22, %dma_wait3A_153] : memref<10240x128xf32, #tpu.memory_space<vmem_shared>> -> memref<128x128xf32, #tpu.memory_space<vmem_shared>>
      %dma_wait3A_155 = arith.constant 0 : i32
      %dma_wait3A_156 = tpu.memref_slice %arg10[%add3A_22, %dma_wait3A_155] : memref<10240x128xf32, #tpu.memory_space<vmem_shared>> -> memref<128x128xf32, #tpu.memory_space<vmem_shared>>
      %dma_wait3A_157 = arith.constant 0 : i32
      %dma_wait3A_158 = arith.constant 0 : i32
      %dma_wait3A_159 = tpu.memref_slice %arg8[%dma_wait3A_157, %dma_wait3A_158] : memref<128x128xf32, #tpu.memory_space<vmem>> -> memref<128x128xf32, #tpu.memory_space<vmem>>
      tpu.wait_dma2 semaphore(%run_scoped3A : memref<!tpu.dma_semaphore, #tpu.memory_space<semaphore_mem>>) src(%dma_wait3A_159 : memref<128x128xf32, #tpu.memory_space<vmem>>) dst(%dma_wait3A_156 : memref<128x128xf32, #tpu.memory_space<vmem_shared>>)
      tpu.yield
    }) : () -> ()
    %mul3A_23 = arith.constant 640 : i32
    %mul3A_24 = arith.muli %arg1, %mul3A_23 : i32
    %add3A_25 = arith.constant 512 : i32
    %add3A_26 = arith.addi %mul3A_24, %add3A_25 : i32
    "tpu.region"() ({
      %run_scoped3A = tpu.sem_alloc : memref<!tpu.dma_semaphore, #tpu.memory_space<semaphore_mem>>
      %dma_start3A = arith.constant 0 : i32
      %dma_start3A_142 = arith.constant 0 : i32
      %dma_start3A_143 = tpu.memref_slice %arg8[%dma_start3A, %dma_start3A_142] : memref<128x128xf32, #tpu.memory_space<vmem>> -> memref<128x128xf32, #tpu.memory_space<vmem>>
      %dma_start3A_144 = arith.constant 0 : i32
      %dma_start3A_145 = tpu.memref_slice %arg10[%add3A_26, %dma_start3A_144] : memref<10240x128xf32, #tpu.memory_space<vmem_shared>> -> memref<128x128xf32, #tpu.memory_space<vmem_shared>>
      %dma_start3A_146 = arith.constant 0 : i32
      %dma_start3A_147 = tpu.memref_slice %arg10[%add3A_26, %dma_start3A_146] : memref<10240x128xf32, #tpu.memory_space<vmem_shared>> -> memref<128x128xf32, #tpu.memory_space<vmem_shared>>
      %dma_start3A_148 = arith.constant 0 : i32
      %dma_start3A_149 = arith.constant 0 : i32
      %dma_start3A_150 = tpu.memref_slice %arg8[%dma_start3A_148, %dma_start3A_149] : memref<128x128xf32, #tpu.memory_space<vmem>> -> memref<128x128xf32, #tpu.memory_space<vmem>>
      tpu.enqueue_dma source(%dma_start3A_150 : memref<128x128xf32, #tpu.memory_space<vmem>>) target(%dma_start3A_147 : memref<128x128xf32, #tpu.memory_space<vmem_shared>>) target_semaphore(%run_scoped3A : memref<!tpu.dma_semaphore, #tpu.memory_space<semaphore_mem>>)
      %dma_wait3A = arith.constant 0 : i32
      %dma_wait3A_151 = arith.constant 0 : i32
      %dma_wait3A_152 = tpu.memref_slice %arg8[%dma_wait3A, %dma_wait3A_151] : memref<128x128xf32, #tpu.memory_space<vmem>> -> memref<128x128xf32, #tpu.memory_space<vmem>>
      %dma_wait3A_153 = arith.constant 0 : i32
      %dma_wait3A_154 = tpu.memref_slice %arg10[%add3A_26, %dma_wait3A_153] : memref<10240x128xf32, #tpu.memory_space<vmem_shared>> -> memref<128x128xf32, #tpu.memory_space<vmem_shared>>
      %dma_wait3A_155 = arith.constant 0 : i32
      %dma_wait3A_156 = tpu.memref_slice %arg10[%add3A_26, %dma_wait3A_155] : memref<10240x128xf32, #tpu.memory_space<vmem_shared>> -> memref<128x128xf32, #tpu.memory_space<vmem_shared>>
      %dma_wait3A_157 = arith.constant 0 : i32
      %dma_wait3A_158 = arith.constant 0 : i32
      %dma_wait3A_159 = tpu.memref_slice %arg8[%dma_wait3A_157, %dma_wait3A_158] : memref<128x128xf32, #tpu.memory_space<vmem>> -> memref<128x128xf32, #tpu.memory_space<vmem>>
      tpu.wait_dma2 semaphore(%run_scoped3A : memref<!tpu.dma_semaphore, #tpu.memory_space<semaphore_mem>>) src(%dma_wait3A_159 : memref<128x128xf32, #tpu.memory_space<vmem>>) dst(%dma_wait3A_156 : memref<128x128xf32, #tpu.memory_space<vmem_shared>>)
      tpu.yield
    }) : () -> ()
    %barrier3A = arith.constant 0 : index
    tpu.barrier barrier_id(%barrier3A)
    %mul3A_27 = arith.constant 80 : i32
    %mul3A_28 = arith.muli %add3A, %mul3A_27 : i32
    %sub3A = arith.constant 2500 : i32
    %sub3A_29 = arith.subi %sub3A, %mul3A_28 : i32
    %jit3A = arith.constant 0 : i32
    %jit3A_30 = arith.constant 80 : i32
    %max3A = arith.maxsi %jit3A, %sub3A_29 : i32
    %min3A = arith.minsi %jit3A_30, %max3A : i32
    %sub3A_31 = arith.constant 0 : i32
    %sub3A_32 = arith.subi %min3A, %sub3A_31 : i32
    %jit3A_33 = arith.constant 0 : i32
    %jit3A_34 = arith.constant 40 : i32
    %max3A_35 = arith.maxsi %jit3A_33, %sub3A_32 : i32
    %min3A_36 = arith.minsi %jit3A_34, %max3A_35 : i32
    %mul3A_37 = arith.constant 80 : i32
    %mul3A_38 = arith.muli %add3A, %mul3A_37 : i32
    %add3A_39 = arith.constant 0 : i32
    %add3A_40 = arith.addi %mul3A_38, %add3A_39 : i32
    "tpu.region"() ({
      %run_scoped3A = tpu.sem_alloc : memref<!tpu.dma_semaphore, #tpu.memory_space<semaphore_mem>>
      %dma_start3A = arith.constant 0 : i32
      %dma_start3A_142 = tpu.memref_slice %arg3[%add3A_40, %dma_start3A] : memref<2560x128xi32, #tpu.memory_space<hbm>> -> memref<40x128xi32, #tpu.memory_space<hbm>>
      %dma_start3A_143 = arith.constant 0 : i32
      %dma_start3A_144 = tpu.memref_slice %arg3[%add3A_40, %dma_start3A_143] : memref<2560x128xi32, #tpu.memory_space<hbm>> -> memref<40x128xi32, #tpu.memory_space<hbm>>
      tpu.enqueue_dma source(%dma_start3A_144 : memref<40x128xi32, #tpu.memory_space<hbm>>) target(%arg6 : memref<40x128xi32, #tpu.memory_space<vmem>>) target_semaphore(%run_scoped3A : memref<!tpu.dma_semaphore, #tpu.memory_space<semaphore_mem>>)
      %dma_wait3A = arith.constant 0 : i32
      %dma_wait3A_145 = tpu.memref_slice %arg3[%add3A_40, %dma_wait3A] : memref<2560x128xi32, #tpu.memory_space<hbm>> -> memref<40x128xi32, #tpu.memory_space<hbm>>
      %dma_wait3A_146 = arith.constant 0 : i32
      %dma_wait3A_147 = tpu.memref_slice %arg3[%add3A_40, %dma_wait3A_146] : memref<2560x128xi32, #tpu.memory_space<hbm>> -> memref<40x128xi32, #tpu.memory_space<hbm>>
      tpu.wait_dma2 semaphore(%run_scoped3A : memref<!tpu.dma_semaphore, #tpu.memory_space<semaphore_mem>>) src(%dma_wait3A_147 : memref<40x128xi32, #tpu.memory_space<hbm>>) dst(%arg6 : memref<40x128xi32, #tpu.memory_space<vmem>>)
      tpu.yield
    }) : () -> ()
    %mul3A_41 = arith.constant 80 : i32
    %mul3A_42 = arith.muli %add3A, %mul3A_41 : i32
    %add3A_43 = arith.constant 0 : i32
    %add3A_44 = arith.addi %mul3A_42, %add3A_43 : i32
    "tpu.region"() ({
      %run_scoped3A = tpu.sem_alloc : memref<!tpu.dma_semaphore, #tpu.memory_space<semaphore_mem>>
      %dma_start3A = arith.constant 0 : i32
      %dma_start3A_142 = tpu.memref_slice %arg4[%add3A_44, %dma_start3A] : memref<2560x128xi32, #tpu.memory_space<hbm>> -> memref<40x128xi32, #tpu.memory_space<hbm>>
      %dma_start3A_143 = arith.constant 0 : i32
      %dma_start3A_144 = tpu.memref_slice %arg4[%add3A_44, %dma_start3A_143] : memref<2560x128xi32, #tpu.memory_space<hbm>> -> memref<40x128xi32, #tpu.memory_space<hbm>>
      tpu.enqueue_dma source(%dma_start3A_144 : memref<40x128xi32, #tpu.memory_space<hbm>>) target(%arg7 : memref<40x128xi32, #tpu.memory_space<vmem>>) target_semaphore(%run_scoped3A : memref<!tpu.dma_semaphore, #tpu.memory_space<semaphore_mem>>)
      %dma_wait3A = arith.constant 0 : i32
      %dma_wait3A_145 = tpu.memref_slice %arg4[%add3A_44, %dma_wait3A] : memref<2560x128xi32, #tpu.memory_space<hbm>> -> memref<40x128xi32, #tpu.memory_space<hbm>>
      %dma_wait3A_146 = arith.constant 0 : i32
      %dma_wait3A_147 = tpu.memref_slice %arg4[%add3A_44, %dma_wait3A_146] : memref<2560x128xi32, #tpu.memory_space<hbm>> -> memref<40x128xi32, #tpu.memory_space<hbm>>
      tpu.wait_dma2 semaphore(%run_scoped3A : memref<!tpu.dma_semaphore, #tpu.memory_space<semaphore_mem>>) src(%dma_wait3A_147 : memref<40x128xi32, #tpu.memory_space<hbm>>) dst(%arg7 : memref<40x128xi32, #tpu.memory_space<vmem>>)
      tpu.yield
    }) : () -> ()
    %gt3A = arith.constant 0 : i32
    %gt3A_45 = arith.cmpi sgt, %min3A_36, %gt3A : i32
    %convert_element_type3A = arith.extui %gt3A_45 : i1 to i32
    %cond3A = arith.constant 0 : i32
    %cond3A_46 = arith.cmpi ne, %convert_element_type3A, %cond3A : i32
    scf.if %cond3A_46 {
      %dma_start3A = arith.constant 0 : i32
      %dma_start3A_142 = arith.constant 0 : i32
      %dma_start3A_143 = tpu.memref_slice %arg6[%dma_start3A, %dma_start3A_142] : memref<40x128xi32, #tpu.memory_space<vmem>> -> memref<1x128xi32, #tpu.memory_space<vmem>>
      %dma_start3A_144 = tpu.memref_squeeze %dma_start3A_143 : memref<1x128xi32, #tpu.memory_space<vmem>> -> memref<128xi32, #tpu.memory_space<vmem>>
      %dma_start3A_145 = arith.constant 0 : i32
      %dma_start3A_146 = arith.constant 0 : i32
      %dma_start3A_147 = tpu.memref_slice %arg2[%dma_start3A_145, %dma_start3A_146] : memref<10240x128xf32, #tpu.memory_space<hbm>> -> memref<10240x128xf32, #tpu.memory_space<hbm>>
      tpu.enqueue_indirect_dma source(%dma_start3A_147 : memref<10240x128xf32, #tpu.memory_space<hbm>>) target(%arg8 : memref<128x128xf32, #tpu.memory_space<vmem>>) offsets(%dma_start3A_144 : memref<128xi32, #tpu.memory_space<vmem>>) semaphore(%arg11 : memref<!tpu.dma_semaphore, #tpu.memory_space<semaphore_mem>>)
    } else {
    }
    %gt3A_47 = arith.constant 1 : i32
    %gt3A_48 = arith.cmpi sgt, %min3A_36, %gt3A_47 : i32
    %convert_element_type3A_49 = arith.extui %gt3A_48 : i1 to i32
    %cond3A_50 = arith.constant 0 : i32
    %cond3A_51 = arith.cmpi ne, %convert_element_type3A_49, %cond3A_50 : i32
    scf.if %cond3A_51 {
      %dma_start3A = arith.constant 1 : i32
      %dma_start3A_142 = arith.constant 0 : i32
      %dma_start3A_143 = tpu.memref_slice %arg6[%dma_start3A, %dma_start3A_142] : memref<40x128xi32, #tpu.memory_space<vmem>> -> memref<1x128xi32, #tpu.memory_space<vmem>>
      %dma_start3A_144 = tpu.memref_squeeze %dma_start3A_143 : memref<1x128xi32, #tpu.memory_space<vmem>> -> memref<128xi32, #tpu.memory_space<vmem>>
      %dma_start3A_145 = arith.constant 0 : i32
      %dma_start3A_146 = arith.constant 0 : i32
      %dma_start3A_147 = tpu.memref_slice %arg2[%dma_start3A_145, %dma_start3A_146] : memref<10240x128xf32, #tpu.memory_space<hbm>> -> memref<10240x128xf32, #tpu.memory_space<hbm>>
      tpu.enqueue_indirect_dma source(%dma_start3A_147 : memref<10240x128xf32, #tpu.memory_space<hbm>>) target(%arg9 : memref<128x128xf32, #tpu.memory_space<vmem>>) offsets(%dma_start3A_144 : memref<128xi32, #tpu.memory_space<vmem>>) semaphore(%arg12 : memref<!tpu.dma_semaphore, #tpu.memory_space<semaphore_mem>>)
    } else {
    }
    %jit3A_52 = arith.constant 2 : i32
    %div3A = arith.divsi %min3A_36, %jit3A_52 : i32
    %sign3A = arith.constant 0 : i32
    %sign3A_53 = arith.cmpi sgt, %min3A_36, %sign3A : i32
    %sign3A_54 = arith.extui %sign3A_53 : i1 to i32
    %sign3A_55 = arith.constant 0 : i32
    %sign3A_56 = arith.cmpi slt, %min3A_36, %sign3A_55 : i32
    %sign3A_57 = arith.extui %sign3A_56 : i1 to i32
    %sign3A_58 = arith.subi %sign3A_54, %sign3A_57 : i32
    %sign3A_59 = arith.constant 0 : i32
    %sign3A_60 = arith.cmpi sgt, %jit3A_52, %sign3A_59 : i32
    %sign3A_61 = arith.extui %sign3A_60 : i1 to i32
    %sign3A_62 = arith.constant 0 : i32
    %sign3A_63 = arith.cmpi slt, %jit3A_52, %sign3A_62 : i32
    %sign3A_64 = arith.extui %sign3A_63 : i1 to i32
    %sign3A_65 = arith.subi %sign3A_61, %sign3A_64 : i32
    %ne3A = arith.cmpi ne, %sign3A_58, %sign3A_65 : i32
    %rem3A = arith.remsi %min3A_36, %jit3A_52 : i32
    %ne3A_66 = arith.constant 0 : i32
    %ne3A_67 = arith.cmpi ne, %rem3A, %ne3A_66 : i32
    %and3A = arith.andi %ne3A, %ne3A_67 : i1
    %sub3A_68 = arith.constant 1 : i32
    %sub3A_69 = arith.subi %div3A, %sub3A_68 : i32
    %select_n3A = arith.select %and3A, %sub3A_69, %div3A : i32
    %while3A = arith.constant 0 : i32
    %while3A_70 = arith.constant 0 : i32
    %while3A_71 = arith.subi %select_n3A, %while3A_70 : i32
    %while3A_72 = arith.addi %while3A_70, %while3A_71 : i32
    %while3A_73 = arith.constant 1 : i32
    %while3A_74 = arith.divsi %while3A_71, %while3A_73 : i32
    %while3A_75 = arith.muli %while3A_74, %while3A_73 : i32
    %while3A_76 = arith.addi %while3A_70, %while3A_75 : i32
    %while3A_77 = arith.constant 1 : i32
    scf.for %while3A_142 = %while3A_70 to %while3A_76 step %while3A_77  : i32 {
      %mul3A_143 = arith.constant 2 : i32
      %mul3A_144 = arith.muli %while3A_142, %mul3A_143 : i32
      %dma_wait3A = arith.constant 0 : i32
      %dma_wait3A_145 = arith.constant 0 : i32
      %dma_wait3A_146 = tpu.memref_slice %arg2[%dma_wait3A, %dma_wait3A_145] : memref<10240x128xf32, #tpu.memory_space<hbm>> -> memref<128x128xf32, #tpu.memory_space<hbm>>
      %dma_wait3A_147 = arith.constant 0 : i32
      %dma_wait3A_148 = arith.constant 0 : i32
      %dma_wait3A_149 = tpu.memref_slice %arg2[%dma_wait3A_147, %dma_wait3A_148] : memref<10240x128xf32, #tpu.memory_space<hbm>> -> memref<128x128xf32, #tpu.memory_space<hbm>>
      tpu.wait_dma2 semaphore(%arg11 : memref<!tpu.dma_semaphore, #tpu.memory_space<semaphore_mem>>) src(%dma_wait3A_149 : memref<128x128xf32, #tpu.memory_space<hbm>>) dst(%arg8 : memref<128x128xf32, #tpu.memory_space<vmem>>)
      "tpu.region"() ({
        %run_scoped3A = tpu.sem_alloc : memref<!tpu.dma_semaphore, #tpu.memory_space<semaphore_mem>>
        %dma_start3A = arith.constant 0 : i32
        %dma_start3A_169 = tpu.memref_slice %arg7[%mul3A_144, %dma_start3A] : memref<40x128xi32, #tpu.memory_space<vmem>> -> memref<1x128xi32, #tpu.memory_space<vmem>>
        %dma_start3A_170 = tpu.memref_squeeze %dma_start3A_169 : memref<1x128xi32, #tpu.memory_space<vmem>> -> memref<128xi32, #tpu.memory_space<vmem>>
        %dma_start3A_171 = arith.constant 0 : i32
        %dma_start3A_172 = arith.constant 0 : i32
        %dma_start3A_173 = tpu.memref_slice %arg10[%dma_start3A_171, %dma_start3A_172] : memref<10240x128xf32, #tpu.memory_space<vmem_shared>> -> memref<10240x128xf32, #tpu.memory_space<vmem_shared>>
        tpu.enqueue_indirect_dma source(%arg8 : memref<128x128xf32, #tpu.memory_space<vmem>>) target(%dma_start3A_173 : memref<10240x128xf32, #tpu.memory_space<vmem_shared>>) offsets(%dma_start3A_170 : memref<128xi32, #tpu.memory_space<vmem>>) semaphore(%run_scoped3A : memref<!tpu.dma_semaphore, #tpu.memory_space<semaphore_mem>>) {add = true}
        %dma_wait3A_174 = arith.constant 0 : i32
        %dma_wait3A_175 = tpu.memref_slice %arg7[%mul3A_144, %dma_wait3A_174] : memref<40x128xi32, #tpu.memory_space<vmem>> -> memref<1x128xi32, #tpu.memory_space<vmem>>
        %dma_wait3A_176 = tpu.memref_squeeze %dma_wait3A_175 : memref<1x128xi32, #tpu.memory_space<vmem>> -> memref<128xi32, #tpu.memory_space<vmem>>
        %dma_wait3A_177 = arith.constant 0 : i32
        %dma_wait3A_178 = arith.constant 0 : i32
        %dma_wait3A_179 = tpu.memref_slice %arg10[%dma_wait3A_177, %dma_wait3A_178] : memref<10240x128xf32, #tpu.memory_space<vmem_shared>> -> memref<10240x128xf32, #tpu.memory_space<vmem_shared>>
        tpu.wait_indirect_dma semaphore(%run_scoped3A : memref<!tpu.dma_semaphore, #tpu.memory_space<semaphore_mem>>) src(%arg8 : memref<128x128xf32, #tpu.memory_space<vmem>>) dst(%dma_wait3A_179 : memref<10240x128xf32, #tpu.memory_space<vmem_shared>>)
        tpu.yield
      }) : () -> ()
      %add3A_150 = arith.constant 2 : i32
      %add3A_151 = arith.addi %mul3A_144, %add3A_150 : i32
      %lt3A = arith.cmpi slt, %add3A_151, %min3A_36 : i32
      %convert_element_type3A_152 = arith.extui %lt3A : i1 to i32
      %cond3A_153 = arith.constant 0 : i32
      %cond3A_154 = arith.cmpi ne, %convert_element_type3A_152, %cond3A_153 : i32
      scf.if %cond3A_154 {
        %add3A_169 = arith.constant 2 : i32
        %add3A_170 = arith.addi %mul3A_144, %add3A_169 : i32
        %dma_start3A = arith.constant 0 : i32
        %dma_start3A_171 = tpu.memref_slice %arg6[%add3A_170, %dma_start3A] : memref<40x128xi32, #tpu.memory_space<vmem>> -> memref<1x128xi32, #tpu.memory_space<vmem>>
        %dma_start3A_172 = tpu.memref_squeeze %dma_start3A_171 : memref<1x128xi32, #tpu.memory_space<vmem>> -> memref<128xi32, #tpu.memory_space<vmem>>
        %dma_start3A_173 = arith.constant 0 : i32
        %dma_start3A_174 = arith.constant 0 : i32
        %dma_start3A_175 = tpu.memref_slice %arg2[%dma_start3A_173, %dma_start3A_174] : memref<10240x128xf32, #tpu.memory_space<hbm>> -> memref<10240x128xf32, #tpu.memory_space<hbm>>
        tpu.enqueue_indirect_dma source(%dma_start3A_175 : memref<10240x128xf32, #tpu.memory_space<hbm>>) target(%arg8 : memref<128x128xf32, #tpu.memory_space<vmem>>) offsets(%dma_start3A_172 : memref<128xi32, #tpu.memory_space<vmem>>) semaphore(%arg11 : memref<!tpu.dma_semaphore, #tpu.memory_space<semaphore_mem>>)
      } else {
      }
      %dma_wait3A_155 = arith.constant 0 : i32
      %dma_wait3A_156 = arith.constant 0 : i32
      %dma_wait3A_157 = tpu.memref_slice %arg2[%dma_wait3A_155, %dma_wait3A_156] : memref<10240x128xf32, #tpu.memory_space<hbm>> -> memref<128x128xf32, #tpu.memory_space<hbm>>
      %dma_wait3A_158 = arith.constant 0 : i32
      %dma_wait3A_159 = arith.constant 0 : i32
      %dma_wait3A_160 = tpu.memref_slice %arg2[%dma_wait3A_158, %dma_wait3A_159] : memref<10240x128xf32, #tpu.memory_space<hbm>> -> memref<128x128xf32, #tpu.memory_space<hbm>>
      tpu.wait_dma2 semaphore(%arg12 : memref<!tpu.dma_semaphore, #tpu.memory_space<semaphore_mem>>) src(%dma_wait3A_160 : memref<128x128xf32, #tpu.memory_space<hbm>>) dst(%arg9 : memref<128x128xf32, #tpu.memory_space<vmem>>)
      %add3A_161 = arith.constant 1 : i32
      %add3A_162 = arith.addi %mul3A_144, %add3A_161 : i32
      "tpu.region"() ({
        %run_scoped3A = tpu.sem_alloc : memref<!tpu.dma_semaphore, #tpu.memory_space<semaphore_mem>>
        %dma_start3A = arith.constant 0 : i32
        %dma_start3A_169 = tpu.memref_slice %arg7[%add3A_162, %dma_start3A] : memref<40x128xi32, #tpu.memory_space<vmem>> -> memref<1x128xi32, #tpu.memory_space<vmem>>
        %dma_start3A_170 = tpu.memref_squeeze %dma_start3A_169 : memref<1x128xi32, #tpu.memory_space<vmem>> -> memref<128xi32, #tpu.memory_space<vmem>>
        %dma_start3A_171 = arith.constant 0 : i32
        %dma_start3A_172 = arith.constant 0 : i32
        %dma_start3A_173 = tpu.memref_slice %arg10[%dma_start3A_171, %dma_start3A_172] : memref<10240x128xf32, #tpu.memory_space<vmem_shared>> -> memref<10240x128xf32, #tpu.memory_space<vmem_shared>>
        tpu.enqueue_indirect_dma source(%arg9 : memref<128x128xf32, #tpu.memory_space<vmem>>) target(%dma_start3A_173 : memref<10240x128xf32, #tpu.memory_space<vmem_shared>>) offsets(%dma_start3A_170 : memref<128xi32, #tpu.memory_space<vmem>>) semaphore(%run_scoped3A : memref<!tpu.dma_semaphore, #tpu.memory_space<semaphore_mem>>) {add = true}
        %dma_wait3A_174 = arith.constant 0 : i32
        %dma_wait3A_175 = tpu.memref_slice %arg7[%add3A_162, %dma_wait3A_174] : memref<40x128xi32, #tpu.memory_space<vmem>> -> memref<1x128xi32, #tpu.memory_space<vmem>>
        %dma_wait3A_176 = tpu.memref_squeeze %dma_wait3A_175 : memref<1x128xi32, #tpu.memory_space<vmem>> -> memref<128xi32, #tpu.memory_space<vmem>>
        %dma_wait3A_177 = arith.constant 0 : i32
        %dma_wait3A_178 = arith.constant 0 : i32
        %dma_wait3A_179 = tpu.memref_slice %arg10[%dma_wait3A_177, %dma_wait3A_178] : memref<10240x128xf32, #tpu.memory_space<vmem_shared>> -> memref<10240x128xf32, #tpu.memory_space<vmem_shared>>
        tpu.wait_indirect_dma semaphore(%run_scoped3A : memref<!tpu.dma_semaphore, #tpu.memory_space<semaphore_mem>>) src(%arg9 : memref<128x128xf32, #tpu.memory_space<vmem>>) dst(%dma_wait3A_179 : memref<10240x128xf32, #tpu.memory_space<vmem_shared>>)
        tpu.yield
      }) : () -> ()
      %add3A_163 = arith.constant 3 : i32
      %add3A_164 = arith.addi %mul3A_144, %add3A_163 : i32
      %lt3A_165 = arith.cmpi slt, %add3A_164, %min3A_36 : i32
      %convert_element_type3A_166 = arith.extui %lt3A_165 : i1 to i32
      %cond3A_167 = arith.constant 0 : i32
      %cond3A_168 = arith.cmpi ne, %convert_element_type3A_166, %cond3A_167 : i32
      scf.if %cond3A_168 {
        %add3A_169 = arith.constant 3 : i32
        %add3A_170 = arith.addi %mul3A_144, %add3A_169 : i32
        %dma_start3A = arith.constant 0 : i32
        %dma_start3A_171 = tpu.memref_slice %arg6[%add3A_170, %dma_start3A] : memref<40x128xi32, #tpu.memory_space<vmem>> -> memref<1x128xi32, #tpu.memory_space<vmem>>
        %dma_start3A_172 = tpu.memref_squeeze %dma_start3A_171 : memref<1x128xi32, #tpu.memory_space<vmem>> -> memref<128xi32, #tpu.memory_space<vmem>>
        %dma_start3A_173 = arith.constant 0 : i32
        %dma_start3A_174 = arith.constant 0 : i32
        %dma_start3A_175 = tpu.memref_slice %arg2[%dma_start3A_173, %dma_start3A_174] : memref<10240x128xf32, #tpu.memory_space<hbm>> -> memref<10240x128xf32, #tpu.memory_space<hbm>>
        tpu.enqueue_indirect_dma source(%dma_start3A_175 : memref<10240x128xf32, #tpu.memory_space<hbm>>) target(%arg9 : memref<128x128xf32, #tpu.memory_space<vmem>>) offsets(%dma_start3A_172 : memref<128xi32, #tpu.memory_space<vmem>>) semaphore(%arg12 : memref<!tpu.dma_semaphore, #tpu.memory_space<semaphore_mem>>)
      } else {
      }
    }
    %while3A_78 = arith.constant 1 : i32
    scf.for %while3A_142 = %while3A_76 to %while3A_72 step %while3A_78  : i32 {
      %mul3A_143 = arith.constant 2 : i32
      %mul3A_144 = arith.muli %while3A_142, %mul3A_143 : i32
      %dma_wait3A = arith.constant 0 : i32
      %dma_wait3A_145 = arith.constant 0 : i32
      %dma_wait3A_146 = tpu.memref_slice %arg2[%dma_wait3A, %dma_wait3A_145] : memref<10240x128xf32, #tpu.memory_space<hbm>> -> memref<128x128xf32, #tpu.memory_space<hbm>>
      %dma_wait3A_147 = arith.constant 0 : i32
      %dma_wait3A_148 = arith.constant 0 : i32
      %dma_wait3A_149 = tpu.memref_slice %arg2[%dma_wait3A_147, %dma_wait3A_148] : memref<10240x128xf32, #tpu.memory_space<hbm>> -> memref<128x128xf32, #tpu.memory_space<hbm>>
      tpu.wait_dma2 semaphore(%arg11 : memref<!tpu.dma_semaphore, #tpu.memory_space<semaphore_mem>>) src(%dma_wait3A_149 : memref<128x128xf32, #tpu.memory_space<hbm>>) dst(%arg8 : memref<128x128xf32, #tpu.memory_space<vmem>>)
      "tpu.region"() ({
        %run_scoped3A = tpu.sem_alloc : memref<!tpu.dma_semaphore, #tpu.memory_space<semaphore_mem>>
        %dma_start3A = arith.constant 0 : i32
        %dma_start3A_169 = tpu.memref_slice %arg7[%mul3A_144, %dma_start3A] : memref<40x128xi32, #tpu.memory_space<vmem>> -> memref<1x128xi32, #tpu.memory_space<vmem>>
        %dma_start3A_170 = tpu.memref_squeeze %dma_start3A_169 : memref<1x128xi32, #tpu.memory_space<vmem>> -> memref<128xi32, #tpu.memory_space<vmem>>
        %dma_start3A_171 = arith.constant 0 : i32
        %dma_start3A_172 = arith.constant 0 : i32
        %dma_start3A_173 = tpu.memref_slice %arg10[%dma_start3A_171, %dma_start3A_172] : memref<10240x128xf32, #tpu.memory_space<vmem_shared>> -> memref<10240x128xf32, #tpu.memory_space<vmem_shared>>
        tpu.enqueue_indirect_dma source(%arg8 : memref<128x128xf32, #tpu.memory_space<vmem>>) target(%dma_start3A_173 : memref<10240x128xf32, #tpu.memory_space<vmem_shared>>) offsets(%dma_start3A_170 : memref<128xi32, #tpu.memory_space<vmem>>) semaphore(%run_scoped3A : memref<!tpu.dma_semaphore, #tpu.memory_space<semaphore_mem>>) {add = true}
        %dma_wait3A_174 = arith.constant 0 : i32
        %dma_wait3A_175 = tpu.memref_slice %arg7[%mul3A_144, %dma_wait3A_174] : memref<40x128xi32, #tpu.memory_space<vmem>> -> memref<1x128xi32, #tpu.memory_space<vmem>>
        %dma_wait3A_176 = tpu.memref_squeeze %dma_wait3A_175 : memref<1x128xi32, #tpu.memory_space<vmem>> -> memref<128xi32, #tpu.memory_space<vmem>>
        %dma_wait3A_177 = arith.constant 0 : i32
        %dma_wait3A_178 = arith.constant 0 : i32
        %dma_wait3A_179 = tpu.memref_slice %arg10[%dma_wait3A_177, %dma_wait3A_178] : memref<10240x128xf32, #tpu.memory_space<vmem_shared>> -> memref<10240x128xf32, #tpu.memory_space<vmem_shared>>
        tpu.wait_indirect_dma semaphore(%run_scoped3A : memref<!tpu.dma_semaphore, #tpu.memory_space<semaphore_mem>>) src(%arg8 : memref<128x128xf32, #tpu.memory_space<vmem>>) dst(%dma_wait3A_179 : memref<10240x128xf32, #tpu.memory_space<vmem_shared>>)
        tpu.yield
      }) : () -> ()
      %add3A_150 = arith.constant 2 : i32
      %add3A_151 = arith.addi %mul3A_144, %add3A_150 : i32
      %lt3A = arith.cmpi slt, %add3A_151, %min3A_36 : i32
      %convert_element_type3A_152 = arith.extui %lt3A : i1 to i32
      %cond3A_153 = arith.constant 0 : i32
      %cond3A_154 = arith.cmpi ne, %convert_element_type3A_152, %cond3A_153 : i32
      scf.if %cond3A_154 {
        %add3A_169 = arith.constant 2 : i32
        %add3A_170 = arith.addi %mul3A_144, %add3A_169 : i32
        %dma_start3A = arith.constant 0 : i32
        %dma_start3A_171 = tpu.memref_slice %arg6[%add3A_170, %dma_start3A] : memref<40x128xi32, #tpu.memory_space<vmem>> -> memref<1x128xi32, #tpu.memory_space<vmem>>
        %dma_start3A_172 = tpu.memref_squeeze %dma_start3A_171 : memref<1x128xi32, #tpu.memory_space<vmem>> -> memref<128xi32, #tpu.memory_space<vmem>>
        %dma_start3A_173 = arith.constant 0 : i32
        %dma_start3A_174 = arith.constant 0 : i32
        %dma_start3A_175 = tpu.memref_slice %arg2[%dma_start3A_173, %dma_start3A_174] : memref<10240x128xf32, #tpu.memory_space<hbm>> -> memref<10240x128xf32, #tpu.memory_space<hbm>>
        tpu.enqueue_indirect_dma source(%dma_start3A_175 : memref<10240x128xf32, #tpu.memory_space<hbm>>) target(%arg8 : memref<128x128xf32, #tpu.memory_space<vmem>>) offsets(%dma_start3A_172 : memref<128xi32, #tpu.memory_space<vmem>>) semaphore(%arg11 : memref<!tpu.dma_semaphore, #tpu.memory_space<semaphore_mem>>)
      } else {
      }
      %dma_wait3A_155 = arith.constant 0 : i32
      %dma_wait3A_156 = arith.constant 0 : i32
      %dma_wait3A_157 = tpu.memref_slice %arg2[%dma_wait3A_155, %dma_wait3A_156] : memref<10240x128xf32, #tpu.memory_space<hbm>> -> memref<128x128xf32, #tpu.memory_space<hbm>>
      %dma_wait3A_158 = arith.constant 0 : i32
      %dma_wait3A_159 = arith.constant 0 : i32
      %dma_wait3A_160 = tpu.memref_slice %arg2[%dma_wait3A_158, %dma_wait3A_159] : memref<10240x128xf32, #tpu.memory_space<hbm>> -> memref<128x128xf32, #tpu.memory_space<hbm>>
      tpu.wait_dma2 semaphore(%arg12 : memref<!tpu.dma_semaphore, #tpu.memory_space<semaphore_mem>>) src(%dma_wait3A_160 : memref<128x128xf32, #tpu.memory_space<hbm>>) dst(%arg9 : memref<128x128xf32, #tpu.memory_space<vmem>>)
      %add3A_161 = arith.constant 1 : i32
      %add3A_162 = arith.addi %mul3A_144, %add3A_161 : i32
      "tpu.region"() ({
        %run_scoped3A = tpu.sem_alloc : memref<!tpu.dma_semaphore, #tpu.memory_space<semaphore_mem>>
        %dma_start3A = arith.constant 0 : i32
        %dma_start3A_169 = tpu.memref_slice %arg7[%add3A_162, %dma_start3A] : memref<40x128xi32, #tpu.memory_space<vmem>> -> memref<1x128xi32, #tpu.memory_space<vmem>>
        %dma_start3A_170 = tpu.memref_squeeze %dma_start3A_169 : memref<1x128xi32, #tpu.memory_space<vmem>> -> memref<128xi32, #tpu.memory_space<vmem>>
        %dma_start3A_171 = arith.constant 0 : i32
        %dma_start3A_172 = arith.constant 0 : i32
        %dma_start3A_173 = tpu.memref_slice %arg10[%dma_start3A_171, %dma_start3A_172] : memref<10240x128xf32, #tpu.memory_space<vmem_shared>> -> memref<10240x128xf32, #tpu.memory_space<vmem_shared>>
        tpu.enqueue_indirect_dma source(%arg9 : memref<128x128xf32, #tpu.memory_space<vmem>>) target(%dma_start3A_173 : memref<10240x128xf32, #tpu.memory_space<vmem_shared>>) offsets(%dma_start3A_170 : memref<128xi32, #tpu.memory_space<vmem>>) semaphore(%run_scoped3A : memref<!tpu.dma_semaphore, #tpu.memory_space<semaphore_mem>>) {add = true}
        %dma_wait3A_174 = arith.constant 0 : i32
        %dma_wait3A_175 = tpu.memref_slice %arg7[%add3A_162, %dma_wait3A_174] : memref<40x128xi32, #tpu.memory_space<vmem>> -> memref<1x128xi32, #tpu.memory_space<vmem>>
        %dma_wait3A_176 = tpu.memref_squeeze %dma_wait3A_175 : memref<1x128xi32, #tpu.memory_space<vmem>> -> memref<128xi32, #tpu.memory_space<vmem>>
        %dma_wait3A_177 = arith.constant 0 : i32
        %dma_wait3A_178 = arith.constant 0 : i32
        %dma_wait3A_179 = tpu.memref_slice %arg10[%dma_wait3A_177, %dma_wait3A_178] : memref<10240x128xf32, #tpu.memory_space<vmem_shared>> -> memref<10240x128xf32, #tpu.memory_space<vmem_shared>>
        tpu.wait_indirect_dma semaphore(%run_scoped3A : memref<!tpu.dma_semaphore, #tpu.memory_space<semaphore_mem>>) src(%arg9 : memref<128x128xf32, #tpu.memory_space<vmem>>) dst(%dma_wait3A_179 : memref<10240x128xf32, #tpu.memory_space<vmem_shared>>)
        tpu.yield
      }) : () -> ()
      %add3A_163 = arith.constant 3 : i32
      %add3A_164 = arith.addi %mul3A_144, %add3A_163 : i32
      %lt3A_165 = arith.cmpi slt, %add3A_164, %min3A_36 : i32
      %convert_element_type3A_166 = arith.extui %lt3A_165 : i1 to i32
      %cond3A_167 = arith.constant 0 : i32
      %cond3A_168 = arith.cmpi ne, %convert_element_type3A_166, %cond3A_167 : i32
      scf.if %cond3A_168 {
        %add3A_169 = arith.constant 3 : i32
        %add3A_170 = arith.addi %mul3A_144, %add3A_169 : i32
        %dma_start3A = arith.constant 0 : i32
        %dma_start3A_171 = tpu.memref_slice %arg6[%add3A_170, %dma_start3A] : memref<40x128xi32, #tpu.memory_space<vmem>> -> memref<1x128xi32, #tpu.memory_space<vmem>>
        %dma_start3A_172 = tpu.memref_squeeze %dma_start3A_171 : memref<1x128xi32, #tpu.memory_space<vmem>> -> memref<128xi32, #tpu.memory_space<vmem>>
        %dma_start3A_173 = arith.constant 0 : i32
        %dma_start3A_174 = arith.constant 0 : i32
        %dma_start3A_175 = tpu.memref_slice %arg2[%dma_start3A_173, %dma_start3A_174] : memref<10240x128xf32, #tpu.memory_space<hbm>> -> memref<10240x128xf32, #tpu.memory_space<hbm>>
        tpu.enqueue_indirect_dma source(%dma_start3A_175 : memref<10240x128xf32, #tpu.memory_space<hbm>>) target(%arg9 : memref<128x128xf32, #tpu.memory_space<vmem>>) offsets(%dma_start3A_172 : memref<128xi32, #tpu.memory_space<vmem>>) semaphore(%arg12 : memref<!tpu.dma_semaphore, #tpu.memory_space<semaphore_mem>>)
      } else {
      }
    }
    %sub3A_79 = arith.constant 40 : i32
    %sub3A_80 = arith.subi %min3A, %sub3A_79 : i32
    %jit3A_81 = arith.constant 0 : i32
    %jit3A_82 = arith.constant 40 : i32
    %max3A_83 = arith.maxsi %jit3A_81, %sub3A_80 : i32
    %min3A_84 = arith.minsi %jit3A_82, %max3A_83 : i32
    %mul3A_85 = arith.constant 80 : i32
    %mul3A_86 = arith.muli %add3A, %mul3A_85 : i32
    %add3A_87 = arith.constant 40 : i32
    %add3A_88 = arith.addi %mul3A_86, %add3A_87 : i32
    "tpu.region"() ({
      %run_scoped3A = tpu.sem_alloc : memref<!tpu.dma_semaphore, #tpu.memory_space<semaphore_mem>>
      %dma_start3A = arith.constant 0 : i32
      %dma_start3A_142 = tpu.memref_slice %arg3[%add3A_88, %dma_start3A] : memref<2560x128xi32, #tpu.memory_space<hbm>> -> memref<40x128xi32, #tpu.memory_space<hbm>>
      %dma_start3A_143 = arith.constant 0 : i32
      %dma_start3A_144 = tpu.memref_slice %arg3[%add3A_88, %dma_start3A_143] : memref<2560x128xi32, #tpu.memory_space<hbm>> -> memref<40x128xi32, #tpu.memory_space<hbm>>
      tpu.enqueue_dma source(%dma_start3A_144 : memref<40x128xi32, #tpu.memory_space<hbm>>) target(%arg6 : memref<40x128xi32, #tpu.memory_space<vmem>>) target_semaphore(%run_scoped3A : memref<!tpu.dma_semaphore, #tpu.memory_space<semaphore_mem>>)
      %dma_wait3A = arith.constant 0 : i32
      %dma_wait3A_145 = tpu.memref_slice %arg3[%add3A_88, %dma_wait3A] : memref<2560x128xi32, #tpu.memory_space<hbm>> -> memref<40x128xi32, #tpu.memory_space<hbm>>
      %dma_wait3A_146 = arith.constant 0 : i32
      %dma_wait3A_147 = tpu.memref_slice %arg3[%add3A_88, %dma_wait3A_146] : memref<2560x128xi32, #tpu.memory_space<hbm>> -> memref<40x128xi32, #tpu.memory_space<hbm>>
      tpu.wait_dma2 semaphore(%run_scoped3A : memref<!tpu.dma_semaphore, #tpu.memory_space<semaphore_mem>>) src(%dma_wait3A_147 : memref<40x128xi32, #tpu.memory_space<hbm>>) dst(%arg6 : memref<40x128xi32, #tpu.memory_space<vmem>>)
      tpu.yield
    }) : () -> ()
    %mul3A_89 = arith.constant 80 : i32
    %mul3A_90 = arith.muli %add3A, %mul3A_89 : i32
    %add3A_91 = arith.constant 40 : i32
    %add3A_92 = arith.addi %mul3A_90, %add3A_91 : i32
    "tpu.region"() ({
      %run_scoped3A = tpu.sem_alloc : memref<!tpu.dma_semaphore, #tpu.memory_space<semaphore_mem>>
      %dma_start3A = arith.constant 0 : i32
      %dma_start3A_142 = tpu.memref_slice %arg4[%add3A_92, %dma_start3A] : memref<2560x128xi32, #tpu.memory_space<hbm>> -> memref<40x128xi32, #tpu.memory_space<hbm>>
      %dma_start3A_143 = arith.constant 0 : i32
      %dma_start3A_144 = tpu.memref_slice %arg4[%add3A_92, %dma_start3A_143] : memref<2560x128xi32, #tpu.memory_space<hbm>> -> memref<40x128xi32, #tpu.memory_space<hbm>>
      tpu.enqueue_dma source(%dma_start3A_144 : memref<40x128xi32, #tpu.memory_space<hbm>>) target(%arg7 : memref<40x128xi32, #tpu.memory_space<vmem>>) target_semaphore(%run_scoped3A : memref<!tpu.dma_semaphore, #tpu.memory_space<semaphore_mem>>)
      %dma_wait3A = arith.constant 0 : i32
      %dma_wait3A_145 = tpu.memref_slice %arg4[%add3A_92, %dma_wait3A] : memref<2560x128xi32, #tpu.memory_space<hbm>> -> memref<40x128xi32, #tpu.memory_space<hbm>>
      %dma_wait3A_146 = arith.constant 0 : i32
      %dma_wait3A_147 = tpu.memref_slice %arg4[%add3A_92, %dma_wait3A_146] : memref<2560x128xi32, #tpu.memory_space<hbm>> -> memref<40x128xi32, #tpu.memory_space<hbm>>
      tpu.wait_dma2 semaphore(%run_scoped3A : memref<!tpu.dma_semaphore, #tpu.memory_space<semaphore_mem>>) src(%dma_wait3A_147 : memref<40x128xi32, #tpu.memory_space<hbm>>) dst(%arg7 : memref<40x128xi32, #tpu.memory_space<vmem>>)
      tpu.yield
    }) : () -> ()
    %gt3A_93 = arith.constant 0 : i32
    %gt3A_94 = arith.cmpi sgt, %min3A_84, %gt3A_93 : i32
    %convert_element_type3A_95 = arith.extui %gt3A_94 : i1 to i32
    %cond3A_96 = arith.constant 0 : i32
    %cond3A_97 = arith.cmpi ne, %convert_element_type3A_95, %cond3A_96 : i32
    scf.if %cond3A_97 {
      %dma_start3A = arith.constant 0 : i32
      %dma_start3A_142 = arith.constant 0 : i32
      %dma_start3A_143 = tpu.memref_slice %arg6[%dma_start3A, %dma_start3A_142] : memref<40x128xi32, #tpu.memory_space<vmem>> -> memref<1x128xi32, #tpu.memory_space<vmem>>
      %dma_start3A_144 = tpu.memref_squeeze %dma_start3A_143 : memref<1x128xi32, #tpu.memory_space<vmem>> -> memref<128xi32, #tpu.memory_space<vmem>>
      %dma_start3A_145 = arith.constant 0 : i32
      %dma_start3A_146 = arith.constant 0 : i32
      %dma_start3A_147 = tpu.memref_slice %arg2[%dma_start3A_145, %dma_start3A_146] : memref<10240x128xf32, #tpu.memory_space<hbm>> -> memref<10240x128xf32, #tpu.memory_space<hbm>>
      tpu.enqueue_indirect_dma source(%dma_start3A_147 : memref<10240x128xf32, #tpu.memory_space<hbm>>) target(%arg8 : memref<128x128xf32, #tpu.memory_space<vmem>>) offsets(%dma_start3A_144 : memref<128xi32, #tpu.memory_space<vmem>>) semaphore(%arg11 : memref<!tpu.dma_semaphore, #tpu.memory_space<semaphore_mem>>)
    } else {
    }
    %gt3A_98 = arith.constant 1 : i32
    %gt3A_99 = arith.cmpi sgt, %min3A_84, %gt3A_98 : i32
    %convert_element_type3A_100 = arith.extui %gt3A_99 : i1 to i32
    %cond3A_101 = arith.constant 0 : i32
    %cond3A_102 = arith.cmpi ne, %convert_element_type3A_100, %cond3A_101 : i32
    scf.if %cond3A_102 {
      %dma_start3A = arith.constant 1 : i32
      %dma_start3A_142 = arith.constant 0 : i32
      %dma_start3A_143 = tpu.memref_slice %arg6[%dma_start3A, %dma_start3A_142] : memref<40x128xi32, #tpu.memory_space<vmem>> -> memref<1x128xi32, #tpu.memory_space<vmem>>
      %dma_start3A_144 = tpu.memref_squeeze %dma_start3A_143 : memref<1x128xi32, #tpu.memory_space<vmem>> -> memref<128xi32, #tpu.memory_space<vmem>>
      %dma_start3A_145 = arith.constant 0 : i32
      %dma_start3A_146 = arith.constant 0 : i32
      %dma_start3A_147 = tpu.memref_slice %arg2[%dma_start3A_145, %dma_start3A_146] : memref<10240x128xf32, #tpu.memory_space<hbm>> -> memref<10240x128xf32, #tpu.memory_space<hbm>>
      tpu.enqueue_indirect_dma source(%dma_start3A_147 : memref<10240x128xf32, #tpu.memory_space<hbm>>) target(%arg9 : memref<128x128xf32, #tpu.memory_space<vmem>>) offsets(%dma_start3A_144 : memref<128xi32, #tpu.memory_space<vmem>>) semaphore(%arg12 : memref<!tpu.dma_semaphore, #tpu.memory_space<semaphore_mem>>)
    } else {
    }
    %jit3A_103 = arith.constant 2 : i32
    %div3A_104 = arith.divsi %min3A_84, %jit3A_103 : i32
    %sign3A_105 = arith.constant 0 : i32
    %sign3A_106 = arith.cmpi sgt, %min3A_84, %sign3A_105 : i32
    %sign3A_107 = arith.extui %sign3A_106 : i1 to i32
    %sign3A_108 = arith.constant 0 : i32
    %sign3A_109 = arith.cmpi slt, %min3A_84, %sign3A_108 : i32
    %sign3A_110 = arith.extui %sign3A_109 : i1 to i32
    %sign3A_111 = arith.subi %sign3A_107, %sign3A_110 : i32
    %sign3A_112 = arith.constant 0 : i32
    %sign3A_113 = arith.cmpi sgt, %jit3A_103, %sign3A_112 : i32
    %sign3A_114 = arith.extui %sign3A_113 : i1 to i32
    %sign3A_115 = arith.constant 0 : i32
    %sign3A_116 = arith.cmpi slt, %jit3A_103, %sign3A_115 : i32
    %sign3A_117 = arith.extui %sign3A_116 : i1 to i32
    %sign3A_118 = arith.subi %sign3A_114, %sign3A_117 : i32
    %ne3A_119 = arith.cmpi ne, %sign3A_111, %sign3A_118 : i32
    %rem3A_120 = arith.remsi %min3A_84, %jit3A_103 : i32
    %ne3A_121 = arith.constant 0 : i32
    %ne3A_122 = arith.cmpi ne, %rem3A_120, %ne3A_121 : i32
    %and3A_123 = arith.andi %ne3A_119, %ne3A_122 : i1
    %sub3A_124 = arith.constant 1 : i32
    %sub3A_125 = arith.subi %div3A_104, %sub3A_124 : i32
    %select_n3A_126 = arith.select %and3A_123, %sub3A_125, %div3A_104 : i32
    %while3A_127 = arith.constant 0 : i32
    %while3A_128 = arith.constant 0 : i32
    %while3A_129 = arith.subi %select_n3A_126, %while3A_128 : i32
    %while3A_130 = arith.addi %while3A_128, %while3A_129 : i32
    %while3A_131 = arith.constant 1 : i32
    %while3A_132 = arith.divsi %while3A_129, %while3A_131 : i32
    %while3A_133 = arith.muli %while3A_132, %while3A_131 : i32
    %while3A_134 = arith.addi %while3A_128, %while3A_133 : i32
    %while3A_135 = arith.constant 1 : i32
    scf.for %while3A_142 = %while3A_128 to %while3A_134 step %while3A_135  : i32 {
      %mul3A_143 = arith.constant 2 : i32
      %mul3A_144 = arith.muli %while3A_142, %mul3A_143 : i32
      %dma_wait3A = arith.constant 0 : i32
      %dma_wait3A_145 = arith.constant 0 : i32
      %dma_wait3A_146 = tpu.memref_slice %arg2[%dma_wait3A, %dma_wait3A_145] : memref<10240x128xf32, #tpu.memory_space<hbm>> -> memref<128x128xf32, #tpu.memory_space<hbm>>
      %dma_wait3A_147 = arith.constant 0 : i32
      %dma_wait3A_148 = arith.constant 0 : i32
      %dma_wait3A_149 = tpu.memref_slice %arg2[%dma_wait3A_147, %dma_wait3A_148] : memref<10240x128xf32, #tpu.memory_space<hbm>> -> memref<128x128xf32, #tpu.memory_space<hbm>>
      tpu.wait_dma2 semaphore(%arg11 : memref<!tpu.dma_semaphore, #tpu.memory_space<semaphore_mem>>) src(%dma_wait3A_149 : memref<128x128xf32, #tpu.memory_space<hbm>>) dst(%arg8 : memref<128x128xf32, #tpu.memory_space<vmem>>)
      "tpu.region"() ({
        %run_scoped3A = tpu.sem_alloc : memref<!tpu.dma_semaphore, #tpu.memory_space<semaphore_mem>>
        %dma_start3A = arith.constant 0 : i32
        %dma_start3A_169 = tpu.memref_slice %arg7[%mul3A_144, %dma_start3A] : memref<40x128xi32, #tpu.memory_space<vmem>> -> memref<1x128xi32, #tpu.memory_space<vmem>>
        %dma_start3A_170 = tpu.memref_squeeze %dma_start3A_169 : memref<1x128xi32, #tpu.memory_space<vmem>> -> memref<128xi32, #tpu.memory_space<vmem>>
        %dma_start3A_171 = arith.constant 0 : i32
        %dma_start3A_172 = arith.constant 0 : i32
        %dma_start3A_173 = tpu.memref_slice %arg10[%dma_start3A_171, %dma_start3A_172] : memref<10240x128xf32, #tpu.memory_space<vmem_shared>> -> memref<10240x128xf32, #tpu.memory_space<vmem_shared>>
        tpu.enqueue_indirect_dma source(%arg8 : memref<128x128xf32, #tpu.memory_space<vmem>>) target(%dma_start3A_173 : memref<10240x128xf32, #tpu.memory_space<vmem_shared>>) offsets(%dma_start3A_170 : memref<128xi32, #tpu.memory_space<vmem>>) semaphore(%run_scoped3A : memref<!tpu.dma_semaphore, #tpu.memory_space<semaphore_mem>>) {add = true}
        %dma_wait3A_174 = arith.constant 0 : i32
        %dma_wait3A_175 = tpu.memref_slice %arg7[%mul3A_144, %dma_wait3A_174] : memref<40x128xi32, #tpu.memory_space<vmem>> -> memref<1x128xi32, #tpu.memory_space<vmem>>
        %dma_wait3A_176 = tpu.memref_squeeze %dma_wait3A_175 : memref<1x128xi32, #tpu.memory_space<vmem>> -> memref<128xi32, #tpu.memory_space<vmem>>
        %dma_wait3A_177 = arith.constant 0 : i32
        %dma_wait3A_178 = arith.constant 0 : i32
        %dma_wait3A_179 = tpu.memref_slice %arg10[%dma_wait3A_177, %dma_wait3A_178] : memref<10240x128xf32, #tpu.memory_space<vmem_shared>> -> memref<10240x128xf32, #tpu.memory_space<vmem_shared>>
        tpu.wait_indirect_dma semaphore(%run_scoped3A : memref<!tpu.dma_semaphore, #tpu.memory_space<semaphore_mem>>) src(%arg8 : memref<128x128xf32, #tpu.memory_space<vmem>>) dst(%dma_wait3A_179 : memref<10240x128xf32, #tpu.memory_space<vmem_shared>>)
        tpu.yield
      }) : () -> ()
      %add3A_150 = arith.constant 2 : i32
      %add3A_151 = arith.addi %mul3A_144, %add3A_150 : i32
      %lt3A = arith.cmpi slt, %add3A_151, %min3A_84 : i32
      %convert_element_type3A_152 = arith.extui %lt3A : i1 to i32
      %cond3A_153 = arith.constant 0 : i32
      %cond3A_154 = arith.cmpi ne, %convert_element_type3A_152, %cond3A_153 : i32
      scf.if %cond3A_154 {
        %add3A_169 = arith.constant 2 : i32
        %add3A_170 = arith.addi %mul3A_144, %add3A_169 : i32
        %dma_start3A = arith.constant 0 : i32
        %dma_start3A_171 = tpu.memref_slice %arg6[%add3A_170, %dma_start3A] : memref<40x128xi32, #tpu.memory_space<vmem>> -> memref<1x128xi32, #tpu.memory_space<vmem>>
        %dma_start3A_172 = tpu.memref_squeeze %dma_start3A_171 : memref<1x128xi32, #tpu.memory_space<vmem>> -> memref<128xi32, #tpu.memory_space<vmem>>
        %dma_start3A_173 = arith.constant 0 : i32
        %dma_start3A_174 = arith.constant 0 : i32
        %dma_start3A_175 = tpu.memref_slice %arg2[%dma_start3A_173, %dma_start3A_174] : memref<10240x128xf32, #tpu.memory_space<hbm>> -> memref<10240x128xf32, #tpu.memory_space<hbm>>
        tpu.enqueue_indirect_dma source(%dma_start3A_175 : memref<10240x128xf32, #tpu.memory_space<hbm>>) target(%arg8 : memref<128x128xf32, #tpu.memory_space<vmem>>) offsets(%dma_start3A_172 : memref<128xi32, #tpu.memory_space<vmem>>) semaphore(%arg11 : memref<!tpu.dma_semaphore, #tpu.memory_space<semaphore_mem>>)
      } else {
      }
      %dma_wait3A_155 = arith.constant 0 : i32
      %dma_wait3A_156 = arith.constant 0 : i32
      %dma_wait3A_157 = tpu.memref_slice %arg2[%dma_wait3A_155, %dma_wait3A_156] : memref<10240x128xf32, #tpu.memory_space<hbm>> -> memref<128x128xf32, #tpu.memory_space<hbm>>
      %dma_wait3A_158 = arith.constant 0 : i32
      %dma_wait3A_159 = arith.constant 0 : i32
      %dma_wait3A_160 = tpu.memref_slice %arg2[%dma_wait3A_158, %dma_wait3A_159] : memref<10240x128xf32, #tpu.memory_space<hbm>> -> memref<128x128xf32, #tpu.memory_space<hbm>>
      tpu.wait_dma2 semaphore(%arg12 : memref<!tpu.dma_semaphore, #tpu.memory_space<semaphore_mem>>) src(%dma_wait3A_160 : memref<128x128xf32, #tpu.memory_space<hbm>>) dst(%arg9 : memref<128x128xf32, #tpu.memory_space<vmem>>)
      %add3A_161 = arith.constant 1 : i32
      %add3A_162 = arith.addi %mul3A_144, %add3A_161 : i32
      "tpu.region"() ({
        %run_scoped3A = tpu.sem_alloc : memref<!tpu.dma_semaphore, #tpu.memory_space<semaphore_mem>>
        %dma_start3A = arith.constant 0 : i32
        %dma_start3A_169 = tpu.memref_slice %arg7[%add3A_162, %dma_start3A] : memref<40x128xi32, #tpu.memory_space<vmem>> -> memref<1x128xi32, #tpu.memory_space<vmem>>
        %dma_start3A_170 = tpu.memref_squeeze %dma_start3A_169 : memref<1x128xi32, #tpu.memory_space<vmem>> -> memref<128xi32, #tpu.memory_space<vmem>>
        %dma_start3A_171 = arith.constant 0 : i32
        %dma_start3A_172 = arith.constant 0 : i32
        %dma_start3A_173 = tpu.memref_slice %arg10[%dma_start3A_171, %dma_start3A_172] : memref<10240x128xf32, #tpu.memory_space<vmem_shared>> -> memref<10240x128xf32, #tpu.memory_space<vmem_shared>>
        tpu.enqueue_indirect_dma source(%arg9 : memref<128x128xf32, #tpu.memory_space<vmem>>) target(%dma_start3A_173 : memref<10240x128xf32, #tpu.memory_space<vmem_shared>>) offsets(%dma_start3A_170 : memref<128xi32, #tpu.memory_space<vmem>>) semaphore(%run_scoped3A : memref<!tpu.dma_semaphore, #tpu.memory_space<semaphore_mem>>) {add = true}
        %dma_wait3A_174 = arith.constant 0 : i32
        %dma_wait3A_175 = tpu.memref_slice %arg7[%add3A_162, %dma_wait3A_174] : memref<40x128xi32, #tpu.memory_space<vmem>> -> memref<1x128xi32, #tpu.memory_space<vmem>>
        %dma_wait3A_176 = tpu.memref_squeeze %dma_wait3A_175 : memref<1x128xi32, #tpu.memory_space<vmem>> -> memref<128xi32, #tpu.memory_space<vmem>>
        %dma_wait3A_177 = arith.constant 0 : i32
        %dma_wait3A_178 = arith.constant 0 : i32
        %dma_wait3A_179 = tpu.memref_slice %arg10[%dma_wait3A_177, %dma_wait3A_178] : memref<10240x128xf32, #tpu.memory_space<vmem_shared>> -> memref<10240x128xf32, #tpu.memory_space<vmem_shared>>
        tpu.wait_indirect_dma semaphore(%run_scoped3A : memref<!tpu.dma_semaphore, #tpu.memory_space<semaphore_mem>>) src(%arg9 : memref<128x128xf32, #tpu.memory_space<vmem>>) dst(%dma_wait3A_179 : memref<10240x128xf32, #tpu.memory_space<vmem_shared>>)
        tpu.yield
      }) : () -> ()
      %add3A_163 = arith.constant 3 : i32
      %add3A_164 = arith.addi %mul3A_144, %add3A_163 : i32
      %lt3A_165 = arith.cmpi slt, %add3A_164, %min3A_84 : i32
      %convert_element_type3A_166 = arith.extui %lt3A_165 : i1 to i32
      %cond3A_167 = arith.constant 0 : i32
      %cond3A_168 = arith.cmpi ne, %convert_element_type3A_166, %cond3A_167 : i32
      scf.if %cond3A_168 {
        %add3A_169 = arith.constant 3 : i32
        %add3A_170 = arith.addi %mul3A_144, %add3A_169 : i32
        %dma_start3A = arith.constant 0 : i32
        %dma_start3A_171 = tpu.memref_slice %arg6[%add3A_170, %dma_start3A] : memref<40x128xi32, #tpu.memory_space<vmem>> -> memref<1x128xi32, #tpu.memory_space<vmem>>
        %dma_start3A_172 = tpu.memref_squeeze %dma_start3A_171 : memref<1x128xi32, #tpu.memory_space<vmem>> -> memref<128xi32, #tpu.memory_space<vmem>>
        %dma_start3A_173 = arith.constant 0 : i32
        %dma_start3A_174 = arith.constant 0 : i32
        %dma_start3A_175 = tpu.memref_slice %arg2[%dma_start3A_173, %dma_start3A_174] : memref<10240x128xf32, #tpu.memory_space<hbm>> -> memref<10240x128xf32, #tpu.memory_space<hbm>>
        tpu.enqueue_indirect_dma source(%dma_start3A_175 : memref<10240x128xf32, #tpu.memory_space<hbm>>) target(%arg9 : memref<128x128xf32, #tpu.memory_space<vmem>>) offsets(%dma_start3A_172 : memref<128xi32, #tpu.memory_space<vmem>>) semaphore(%arg12 : memref<!tpu.dma_semaphore, #tpu.memory_space<semaphore_mem>>)
      } else {
      }
    }
    %while3A_136 = arith.constant 1 : i32
    scf.for %while3A_142 = %while3A_134 to %while3A_130 step %while3A_136  : i32 {
      %mul3A_143 = arith.constant 2 : i32
      %mul3A_144 = arith.muli %while3A_142, %mul3A_143 : i32
      %dma_wait3A = arith.constant 0 : i32
      %dma_wait3A_145 = arith.constant 0 : i32
      %dma_wait3A_146 = tpu.memref_slice %arg2[%dma_wait3A, %dma_wait3A_145] : memref<10240x128xf32, #tpu.memory_space<hbm>> -> memref<128x128xf32, #tpu.memory_space<hbm>>
      %dma_wait3A_147 = arith.constant 0 : i32
      %dma_wait3A_148 = arith.constant 0 : i32
      %dma_wait3A_149 = tpu.memref_slice %arg2[%dma_wait3A_147, %dma_wait3A_148] : memref<10240x128xf32, #tpu.memory_space<hbm>> -> memref<128x128xf32, #tpu.memory_space<hbm>>
      tpu.wait_dma2 semaphore(%arg11 : memref<!tpu.dma_semaphore, #tpu.memory_space<semaphore_mem>>) src(%dma_wait3A_149 : memref<128x128xf32, #tpu.memory_space<hbm>>) dst(%arg8 : memref<128x128xf32, #tpu.memory_space<vmem>>)
      "tpu.region"() ({
        %run_scoped3A = tpu.sem_alloc : memref<!tpu.dma_semaphore, #tpu.memory_space<semaphore_mem>>
        %dma_start3A = arith.constant 0 : i32
        %dma_start3A_169 = tpu.memref_slice %arg7[%mul3A_144, %dma_start3A] : memref<40x128xi32, #tpu.memory_space<vmem>> -> memref<1x128xi32, #tpu.memory_space<vmem>>
        %dma_start3A_170 = tpu.memref_squeeze %dma_start3A_169 : memref<1x128xi32, #tpu.memory_space<vmem>> -> memref<128xi32, #tpu.memory_space<vmem>>
        %dma_start3A_171 = arith.constant 0 : i32
        %dma_start3A_172 = arith.constant 0 : i32
        %dma_start3A_173 = tpu.memref_slice %arg10[%dma_start3A_171, %dma_start3A_172] : memref<10240x128xf32, #tpu.memory_space<vmem_shared>> -> memref<10240x128xf32, #tpu.memory_space<vmem_shared>>
        tpu.enqueue_indirect_dma source(%arg8 : memref<128x128xf32, #tpu.memory_space<vmem>>) target(%dma_start3A_173 : memref<10240x128xf32, #tpu.memory_space<vmem_shared>>) offsets(%dma_start3A_170 : memref<128xi32, #tpu.memory_space<vmem>>) semaphore(%run_scoped3A : memref<!tpu.dma_semaphore, #tpu.memory_space<semaphore_mem>>) {add = true}
        %dma_wait3A_174 = arith.constant 0 : i32
        %dma_wait3A_175 = tpu.memref_slice %arg7[%mul3A_144, %dma_wait3A_174] : memref<40x128xi32, #tpu.memory_space<vmem>> -> memref<1x128xi32, #tpu.memory_space<vmem>>
        %dma_wait3A_176 = tpu.memref_squeeze %dma_wait3A_175 : memref<1x128xi32, #tpu.memory_space<vmem>> -> memref<128xi32, #tpu.memory_space<vmem>>
        %dma_wait3A_177 = arith.constant 0 : i32
        %dma_wait3A_178 = arith.constant 0 : i32
        %dma_wait3A_179 = tpu.memref_slice %arg10[%dma_wait3A_177, %dma_wait3A_178] : memref<10240x128xf32, #tpu.memory_space<vmem_shared>> -> memref<10240x128xf32, #tpu.memory_space<vmem_shared>>
        tpu.wait_indirect_dma semaphore(%run_scoped3A : memref<!tpu.dma_semaphore, #tpu.memory_space<semaphore_mem>>) src(%arg8 : memref<128x128xf32, #tpu.memory_space<vmem>>) dst(%dma_wait3A_179 : memref<10240x128xf32, #tpu.memory_space<vmem_shared>>)
        tpu.yield
      }) : () -> ()
      %add3A_150 = arith.constant 2 : i32
      %add3A_151 = arith.addi %mul3A_144, %add3A_150 : i32
      %lt3A = arith.cmpi slt, %add3A_151, %min3A_84 : i32
      %convert_element_type3A_152 = arith.extui %lt3A : i1 to i32
      %cond3A_153 = arith.constant 0 : i32
      %cond3A_154 = arith.cmpi ne, %convert_element_type3A_152, %cond3A_153 : i32
      scf.if %cond3A_154 {
        %add3A_169 = arith.constant 2 : i32
        %add3A_170 = arith.addi %mul3A_144, %add3A_169 : i32
        %dma_start3A = arith.constant 0 : i32
        %dma_start3A_171 = tpu.memref_slice %arg6[%add3A_170, %dma_start3A] : memref<40x128xi32, #tpu.memory_space<vmem>> -> memref<1x128xi32, #tpu.memory_space<vmem>>
        %dma_start3A_172 = tpu.memref_squeeze %dma_start3A_171 : memref<1x128xi32, #tpu.memory_space<vmem>> -> memref<128xi32, #tpu.memory_space<vmem>>
        %dma_start3A_173 = arith.constant 0 : i32
        %dma_start3A_174 = arith.constant 0 : i32
        %dma_start3A_175 = tpu.memref_slice %arg2[%dma_start3A_173, %dma_start3A_174] : memref<10240x128xf32, #tpu.memory_space<hbm>> -> memref<10240x128xf32, #tpu.memory_space<hbm>>
        tpu.enqueue_indirect_dma source(%dma_start3A_175 : memref<10240x128xf32, #tpu.memory_space<hbm>>) target(%arg8 : memref<128x128xf32, #tpu.memory_space<vmem>>) offsets(%dma_start3A_172 : memref<128xi32, #tpu.memory_space<vmem>>) semaphore(%arg11 : memref<!tpu.dma_semaphore, #tpu.memory_space<semaphore_mem>>)
      } else {
      }
      %dma_wait3A_155 = arith.constant 0 : i32
      %dma_wait3A_156 = arith.constant 0 : i32
      %dma_wait3A_157 = tpu.memref_slice %arg2[%dma_wait3A_155, %dma_wait3A_156] : memref<10240x128xf32, #tpu.memory_space<hbm>> -> memref<128x128xf32, #tpu.memory_space<hbm>>
      %dma_wait3A_158 = arith.constant 0 : i32
      %dma_wait3A_159 = arith.constant 0 : i32
      %dma_wait3A_160 = tpu.memref_slice %arg2[%dma_wait3A_158, %dma_wait3A_159] : memref<10240x128xf32, #tpu.memory_space<hbm>> -> memref<128x128xf32, #tpu.memory_space<hbm>>
      tpu.wait_dma2 semaphore(%arg12 : memref<!tpu.dma_semaphore, #tpu.memory_space<semaphore_mem>>) src(%dma_wait3A_160 : memref<128x128xf32, #tpu.memory_space<hbm>>) dst(%arg9 : memref<128x128xf32, #tpu.memory_space<vmem>>)
      %add3A_161 = arith.constant 1 : i32
      %add3A_162 = arith.addi %mul3A_144, %add3A_161 : i32
      "tpu.region"() ({
        %run_scoped3A = tpu.sem_alloc : memref<!tpu.dma_semaphore, #tpu.memory_space<semaphore_mem>>
        %dma_start3A = arith.constant 0 : i32
        %dma_start3A_169 = tpu.memref_slice %arg7[%add3A_162, %dma_start3A] : memref<40x128xi32, #tpu.memory_space<vmem>> -> memref<1x128xi32, #tpu.memory_space<vmem>>
        %dma_start3A_170 = tpu.memref_squeeze %dma_start3A_169 : memref<1x128xi32, #tpu.memory_space<vmem>> -> memref<128xi32, #tpu.memory_space<vmem>>
        %dma_start3A_171 = arith.constant 0 : i32
        %dma_start3A_172 = arith.constant 0 : i32
        %dma_start3A_173 = tpu.memref_slice %arg10[%dma_start3A_171, %dma_start3A_172] : memref<10240x128xf32, #tpu.memory_space<vmem_shared>> -> memref<10240x128xf32, #tpu.memory_space<vmem_shared>>
        tpu.enqueue_indirect_dma source(%arg9 : memref<128x128xf32, #tpu.memory_space<vmem>>) target(%dma_start3A_173 : memref<10240x128xf32, #tpu.memory_space<vmem_shared>>) offsets(%dma_start3A_170 : memref<128xi32, #tpu.memory_space<vmem>>) semaphore(%run_scoped3A : memref<!tpu.dma_semaphore, #tpu.memory_space<semaphore_mem>>) {add = true}
        %dma_wait3A_174 = arith.constant 0 : i32
        %dma_wait3A_175 = tpu.memref_slice %arg7[%add3A_162, %dma_wait3A_174] : memref<40x128xi32, #tpu.memory_space<vmem>> -> memref<1x128xi32, #tpu.memory_space<vmem>>
        %dma_wait3A_176 = tpu.memref_squeeze %dma_wait3A_175 : memref<1x128xi32, #tpu.memory_space<vmem>> -> memref<128xi32, #tpu.memory_space<vmem>>
        %dma_wait3A_177 = arith.constant 0 : i32
        %dma_wait3A_178 = arith.constant 0 : i32
        %dma_wait3A_179 = tpu.memref_slice %arg10[%dma_wait3A_177, %dma_wait3A_178] : memref<10240x128xf32, #tpu.memory_space<vmem_shared>> -> memref<10240x128xf32, #tpu.memory_space<vmem_shared>>
        tpu.wait_indirect_dma semaphore(%run_scoped3A : memref<!tpu.dma_semaphore, #tpu.memory_space<semaphore_mem>>) src(%arg9 : memref<128x128xf32, #tpu.memory_space<vmem>>) dst(%dma_wait3A_179 : memref<10240x128xf32, #tpu.memory_space<vmem_shared>>)
        tpu.yield
      }) : () -> ()
      %add3A_163 = arith.constant 3 : i32
      %add3A_164 = arith.addi %mul3A_144, %add3A_163 : i32
      %lt3A_165 = arith.cmpi slt, %add3A_164, %min3A_84 : i32
      %convert_element_type3A_166 = arith.extui %lt3A_165 : i1 to i32
      %cond3A_167 = arith.constant 0 : i32
      %cond3A_168 = arith.cmpi ne, %convert_element_type3A_166, %cond3A_167 : i32
      scf.if %cond3A_168 {
        %add3A_169 = arith.constant 3 : i32
        %add3A_170 = arith.addi %mul3A_144, %add3A_169 : i32
        %dma_start3A = arith.constant 0 : i32
        %dma_start3A_171 = tpu.memref_slice %arg6[%add3A_170, %dma_start3A] : memref<40x128xi32, #tpu.memory_space<vmem>> -> memref<1x128xi32, #tpu.memory_space<vmem>>
        %dma_start3A_172 = tpu.memref_squeeze %dma_start3A_171 : memref<1x128xi32, #tpu.memory_space<vmem>> -> memref<128xi32, #tpu.memory_space<vmem>>
        %dma_start3A_173 = arith.constant 0 : i32
        %dma_start3A_174 = arith.constant 0 : i32
        %dma_start3A_175 = tpu.memref_slice %arg2[%dma_start3A_173, %dma_start3A_174] : memref<10240x128xf32, #tpu.memory_space<hbm>> -> memref<10240x128xf32, #tpu.memory_space<hbm>>
        tpu.enqueue_indirect_dma source(%dma_start3A_175 : memref<10240x128xf32, #tpu.memory_space<hbm>>) target(%arg9 : memref<128x128xf32, #tpu.memory_space<vmem>>) offsets(%dma_start3A_172 : memref<128xi32, #tpu.memory_space<vmem>>) semaphore(%arg12 : memref<!tpu.dma_semaphore, #tpu.memory_space<semaphore_mem>>)
      } else {
      }
    }
    %barrier3A_137 = arith.constant 0 : index
    tpu.barrier barrier_id(%barrier3A_137)
    %mul3A_138 = arith.constant 640 : i32
    %mul3A_139 = arith.muli %arg1, %mul3A_138 : i32
    %mul3A_140 = arith.constant 640 : i32
    %mul3A_141 = arith.muli %arg1, %mul3A_140 : i32
    "tpu.region"() ({
      %run_scoped3A = tpu.sem_alloc : memref<!tpu.dma_semaphore, #tpu.memory_space<semaphore_mem>>
      %dma_start3A = arith.constant 0 : i32
      %dma_start3A_142 = tpu.memref_slice %arg5[%arg0, %mul3A_141, %dma_start3A] : memref<2x10240x128xf32, #tpu.memory_space<hbm>> -> memref<1x640x128xf32, #tpu.memory_space<hbm>>
      %dma_start3A_143 = tpu.memref_squeeze %dma_start3A_142 : memref<1x640x128xf32, #tpu.memory_space<hbm>> -> memref<640x128xf32, #tpu.memory_space<hbm>>
      %dma_start3A_144 = arith.constant 0 : i32
      %dma_start3A_145 = tpu.memref_slice %arg10[%mul3A_139, %dma_start3A_144] : memref<10240x128xf32, #tpu.memory_space<vmem_shared>> -> memref<640x128xf32, #tpu.memory_space<vmem_shared>>
      tpu.enqueue_dma source(%dma_start3A_145 : memref<640x128xf32, #tpu.memory_space<vmem_shared>>) target(%dma_start3A_143 : memref<640x128xf32, #tpu.memory_space<hbm>>) target_semaphore(%run_scoped3A : memref<!tpu.dma_semaphore, #tpu.memory_space<semaphore_mem>>)
      %dma_wait3A = arith.constant 0 : i32
      %dma_wait3A_146 = tpu.memref_slice %arg5[%arg0, %mul3A_141, %dma_wait3A] : memref<2x10240x128xf32, #tpu.memory_space<hbm>> -> memref<1x640x128xf32, #tpu.memory_space<hbm>>
      %dma_wait3A_147 = tpu.memref_squeeze %dma_wait3A_146 : memref<1x640x128xf32, #tpu.memory_space<hbm>> -> memref<640x128xf32, #tpu.memory_space<hbm>>
      %dma_wait3A_148 = arith.constant 0 : i32
      %dma_wait3A_149 = tpu.memref_slice %arg10[%mul3A_139, %dma_wait3A_148] : memref<10240x128xf32, #tpu.memory_space<vmem_shared>> -> memref<640x128xf32, #tpu.memory_space<vmem_shared>>
      tpu.wait_dma2 semaphore(%run_scoped3A : memref<!tpu.dma_semaphore, #tpu.memory_space<semaphore_mem>>) src(%dma_wait3A_149 : memref<640x128xf32, #tpu.memory_space<vmem_shared>>) dst(%dma_wait3A_147 : memref<640x128xf32, #tpu.memory_space<hbm>>)
      tpu.yield
    }) : () -> ()
    return
  }
}

#map = affine_map<(d0, d1) -> (0, 0)>
#map1 = affine_map<(d0, d1) -> (0)>
module attributes {stable_mosaic.version = 14 : i64} {
  func.func @_sc_degree_body(%arg0: i32, %arg1: i32, %arg2: memref<2560x128xi32, #tpu.memory_space<hbm>>, %arg3: memref<20480xf32, #tpu.memory_space<hbm>>, %arg4: memref<80x128xi32, #tpu.memory_space<vmem>>, %arg5: memref<128xf32, #tpu.memory_space<vmem>>, %arg6: memref<640xf32, #tpu.memory_space<vmem>>, %arg7: memref<10240xf32, #tpu.memory_space<vmem_shared>>) attributes {dimension_semantics = [#tpu.dimension_semantics<core_parallel>, #tpu.dimension_semantics<subcore_parallel>], iteration_bounds = array<i64: 2, 16>, scalar_prefetch = 0 : i64, scratch_operands = 4 : i64, tpu.core_type = #tpu.core_type<sc_vector_subcore>, window_params = [{transform_indices = #map}, {transform_indices = #map1}]} {
    %mul3A = arith.constant 2 : i32
    %mul3A_0 = arith.muli %arg1, %mul3A : i32
    %add3A = arith.addi %mul3A_0, %arg0 : i32
    %broadcast_in_dim3A = arith.constant 1.000000e+00 : f32
    %broadcast_in_dim3A_1 = vector.broadcast %broadcast_in_dim3A : f32 to vector<16xf32>
    %broadcast_in_dim3A_2 = arith.constant 0.000000e+00 : f32
    %broadcast_in_dim3A_3 = vector.broadcast %broadcast_in_dim3A_2 : f32 to vector<16xf32>
    %swap3A = arith.constant 0 : index
    %swap3A_4 = tpu.vector_load %arg5[%swap3A] {strides = array<i32>} : memref<128xf32, #tpu.memory_space<vmem>>, vector<16xf32>,
    %swap3A_5 = vector.shape_cast %swap3A_4 : vector<16xf32> to vector<16xf32>
    %swap3A_6 = vector.shape_cast %broadcast_in_dim3A_1 : vector<16xf32> to vector<16xf32>
    tpu.vector_store %arg5[%swap3A], %swap3A_6 {strides = array<i32>} : memref<128xf32, #tpu.memory_space<vmem>>, vector<16xf32>,
    %swap3A_7 = arith.constant 16 : index
    %swap3A_8 = tpu.vector_load %arg5[%swap3A_7] {strides = array<i32>} : memref<128xf32, #tpu.memory_space<vmem>>, vector<16xf32>,
    %swap3A_9 = vector.shape_cast %swap3A_8 : vector<16xf32> to vector<16xf32>
    %swap3A_10 = vector.shape_cast %broadcast_in_dim3A_1 : vector<16xf32> to vector<16xf32>
    tpu.vector_store %arg5[%swap3A_7], %swap3A_10 {strides = array<i32>} : memref<128xf32, #tpu.memory_space<vmem>>, vector<16xf32>,
    %swap3A_11 = arith.constant 32 : index
    %swap3A_12 = tpu.vector_load %arg5[%swap3A_11] {strides = array<i32>} : memref<128xf32, #tpu.memory_space<vmem>>, vector<16xf32>,
    %swap3A_13 = vector.shape_cast %swap3A_12 : vector<16xf32> to vector<16xf32>
    %swap3A_14 = vector.shape_cast %broadcast_in_dim3A_1 : vector<16xf32> to vector<16xf32>
    tpu.vector_store %arg5[%swap3A_11], %swap3A_14 {strides = array<i32>} : memref<128xf32, #tpu.memory_space<vmem>>, vector<16xf32>,
    %swap3A_15 = arith.constant 48 : index
    %swap3A_16 = tpu.vector_load %arg5[%swap3A_15] {strides = array<i32>} : memref<128xf32, #tpu.memory_space<vmem>>, vector<16xf32>,
    %swap3A_17 = vector.shape_cast %swap3A_16 : vector<16xf32> to vector<16xf32>
    %swap3A_18 = vector.shape_cast %broadcast_in_dim3A_1 : vector<16xf32> to vector<16xf32>
    tpu.vector_store %arg5[%swap3A_15], %swap3A_18 {strides = array<i32>} : memref<128xf32, #tpu.memory_space<vmem>>, vector<16xf32>,
    %swap3A_19 = arith.constant 64 : index
    %swap3A_20 = tpu.vector_load %arg5[%swap3A_19] {strides = array<i32>} : memref<128xf32, #tpu.memory_space<vmem>>, vector<16xf32>,
    %swap3A_21 = vector.shape_cast %swap3A_20 : vector<16xf32> to vector<16xf32>
    %swap3A_22 = vector.shape_cast %broadcast_in_dim3A_1 : vector<16xf32> to vector<16xf32>
    tpu.vector_store %arg5[%swap3A_19], %swap3A_22 {strides = array<i32>} : memref<128xf32, #tpu.memory_space<vmem>>, vector<16xf32>,
    %swap3A_23 = arith.constant 80 : index
    %swap3A_24 = tpu.vector_load %arg5[%swap3A_23] {strides = array<i32>} : memref<128xf32, #tpu.memory_space<vmem>>, vector<16xf32>,
    %swap3A_25 = vector.shape_cast %swap3A_24 : vector<16xf32> to vector<16xf32>
    %swap3A_26 = vector.shape_cast %broadcast_in_dim3A_1 : vector<16xf32> to vector<16xf32>
    tpu.vector_store %arg5[%swap3A_23], %swap3A_26 {strides = array<i32>} : memref<128xf32, #tpu.memory_space<vmem>>, vector<16xf32>,
    %swap3A_27 = arith.constant 96 : index
    %swap3A_28 = tpu.vector_load %arg5[%swap3A_27] {strides = array<i32>} : memref<128xf32, #tpu.memory_space<vmem>>, vector<16xf32>,
    %swap3A_29 = vector.shape_cast %swap3A_28 : vector<16xf32> to vector<16xf32>
    %swap3A_30 = vector.shape_cast %broadcast_in_dim3A_1 : vector<16xf32> to vector<16xf32>
    tpu.vector_store %arg5[%swap3A_27], %swap3A_30 {strides = array<i32>} : memref<128xf32, #tpu.memory_space<vmem>>, vector<16xf32>,
    %swap3A_31 = arith.constant 112 : index
    %swap3A_32 = tpu.vector_load %arg5[%swap3A_31] {strides = array<i32>} : memref<128xf32, #tpu.memory_space<vmem>>, vector<16xf32>,
    %swap3A_33 = vector.shape_cast %swap3A_32 : vector<16xf32> to vector<16xf32>
    %swap3A_34 = vector.shape_cast %broadcast_in_dim3A_1 : vector<16xf32> to vector<16xf32>
    tpu.vector_store %arg5[%swap3A_31], %swap3A_34 {strides = array<i32>} : memref<128xf32, #tpu.memory_space<vmem>>, vector<16xf32>,
    %scan3A = arith.constant 0 : i32
    %scan3A_35 = arith.constant 0 : i32
    %scan3A_36 = arith.constant 40 : i32
    %scan3A_37 = arith.addi %scan3A_35, %scan3A_36 : i32
    %scan3A_38 = arith.constant 1 : i32
    scf.for %scan3A_58 = %scan3A_35 to %scan3A_37 step %scan3A_38  : i32 {
      %mul3A_59 = arith.constant 16 : i32
      %mul3A_60 = arith.muli %scan3A_58, %mul3A_59 : i32
      %swap3A_61 = arith.index_cast %mul3A_60 : i32 to index
      %swap3A_62 = tpu.vector_load %arg6[%swap3A_61] {strides = array<i32>} : memref<640xf32, #tpu.memory_space<vmem>>, vector<16xf32>,
      %swap3A_63 = vector.shape_cast %swap3A_62 : vector<16xf32> to vector<16xf32>
      %swap3A_64 = vector.shape_cast %broadcast_in_dim3A_3 : vector<16xf32> to vector<16xf32>
      tpu.vector_store %arg6[%swap3A_61], %swap3A_64 {strides = array<i32>} : memref<640xf32, #tpu.memory_space<vmem>>, vector<16xf32>,
    }
    %scan3A_39 = arith.constant 40 : i32
    %mul3A_40 = arith.constant 640 : i32
    %mul3A_41 = arith.muli %arg1, %mul3A_40 : i32
    "tpu.region"() ({
      %run_scoped3A = tpu.sem_alloc : memref<!tpu.dma_semaphore, #tpu.memory_space<semaphore_mem>>
      %dma_start3A = tpu.memref_slice %arg7[%mul3A_41] : memref<10240xf32, #tpu.memory_space<vmem_shared>> -> memref<640xf32, #tpu.memory_space<vmem_shared>>
      %dma_start3A_58 = tpu.memref_slice %arg7[%mul3A_41] : memref<10240xf32, #tpu.memory_space<vmem_shared>> -> memref<640xf32, #tpu.memory_space<vmem_shared>>
      tpu.enqueue_dma source(%arg6 : memref<640xf32, #tpu.memory_space<vmem>>) target(%dma_start3A_58 : memref<640xf32, #tpu.memory_space<vmem_shared>>) target_semaphore(%run_scoped3A : memref<!tpu.dma_semaphore, #tpu.memory_space<semaphore_mem>>)
      %dma_wait3A = tpu.memref_slice %arg7[%mul3A_41] : memref<10240xf32, #tpu.memory_space<vmem_shared>> -> memref<640xf32, #tpu.memory_space<vmem_shared>>
      %dma_wait3A_59 = tpu.memref_slice %arg7[%mul3A_41] : memref<10240xf32, #tpu.memory_space<vmem_shared>> -> memref<640xf32, #tpu.memory_space<vmem_shared>>
      tpu.wait_dma2 semaphore(%run_scoped3A : memref<!tpu.dma_semaphore, #tpu.memory_space<semaphore_mem>>) src(%arg6 : memref<640xf32, #tpu.memory_space<vmem>>) dst(%dma_wait3A_59 : memref<640xf32, #tpu.memory_space<vmem_shared>>)
      tpu.yield
    }) : () -> ()
    %barrier3A = arith.constant 0 : index
    tpu.barrier barrier_id(%barrier3A)
    %mul3A_42 = arith.constant 80 : i32
    %mul3A_43 = arith.muli %add3A, %mul3A_42 : i32
    "tpu.region"() ({
      %run_scoped3A = tpu.sem_alloc : memref<!tpu.dma_semaphore, #tpu.memory_space<semaphore_mem>>
      %dma_start3A = arith.constant 0 : i32
      %dma_start3A_58 = tpu.memref_slice %arg2[%mul3A_43, %dma_start3A] : memref<2560x128xi32, #tpu.memory_space<hbm>> -> memref<80x128xi32, #tpu.memory_space<hbm>>
      %dma_start3A_59 = arith.constant 0 : i32
      %dma_start3A_60 = tpu.memref_slice %arg2[%mul3A_43, %dma_start3A_59] : memref<2560x128xi32, #tpu.memory_space<hbm>> -> memref<80x128xi32, #tpu.memory_space<hbm>>
      tpu.enqueue_dma source(%dma_start3A_60 : memref<80x128xi32, #tpu.memory_space<hbm>>) target(%arg4 : memref<80x128xi32, #tpu.memory_space<vmem>>) target_semaphore(%run_scoped3A : memref<!tpu.dma_semaphore, #tpu.memory_space<semaphore_mem>>)
      %dma_wait3A = arith.constant 0 : i32
      %dma_wait3A_61 = tpu.memref_slice %arg2[%mul3A_43, %dma_wait3A] : memref<2560x128xi32, #tpu.memory_space<hbm>> -> memref<80x128xi32, #tpu.memory_space<hbm>>
      %dma_wait3A_62 = arith.constant 0 : i32
      %dma_wait3A_63 = tpu.memref_slice %arg2[%mul3A_43, %dma_wait3A_62] : memref<2560x128xi32, #tpu.memory_space<hbm>> -> memref<80x128xi32, #tpu.memory_space<hbm>>
      tpu.wait_dma2 semaphore(%run_scoped3A : memref<!tpu.dma_semaphore, #tpu.memory_space<semaphore_mem>>) src(%dma_wait3A_63 : memref<80x128xi32, #tpu.memory_space<hbm>>) dst(%arg4 : memref<80x128xi32, #tpu.memory_space<vmem>>)
      tpu.yield
    }) : () -> ()
    %scan3A_44 = arith.constant 0 : i32
    %scan3A_45 = arith.constant 0 : i32
    %scan3A_46 = arith.constant 80 : i32
    %scan3A_47 = arith.addi %scan3A_45, %scan3A_46 : i32
    %scan3A_48 = arith.constant 1 : i32
    scf.for %scan3A_58 = %scan3A_45 to %scan3A_47 step %scan3A_48  : i32 {
      "tpu.region"() ({
        %run_scoped3A = tpu.sem_alloc : memref<!tpu.dma_semaphore, #tpu.memory_space<semaphore_mem>>
        %dma_start3A = arith.constant 0 : i32
        %dma_start3A_59 = tpu.memref_slice %arg4[%scan3A_58, %dma_start3A] : memref<80x128xi32, #tpu.memory_space<vmem>> -> memref<1x128xi32, #tpu.memory_space<vmem>>
        %dma_start3A_60 = tpu.memref_squeeze %dma_start3A_59 : memref<1x128xi32, #tpu.memory_space<vmem>> -> memref<128xi32, #tpu.memory_space<vmem>>
        %dma_start3A_61 = arith.constant 0 : i32
        %dma_start3A_62 = tpu.memref_slice %arg7[%dma_start3A_61] : memref<10240xf32, #tpu.memory_space<vmem_shared>> -> memref<10240xf32, #tpu.memory_space<vmem_shared>>
        tpu.enqueue_indirect_dma source(%arg5 : memref<128xf32, #tpu.memory_space<vmem>>) target(%dma_start3A_62 : memref<10240xf32, #tpu.memory_space<vmem_shared>>) offsets(%dma_start3A_60 : memref<128xi32, #tpu.memory_space<vmem>>) semaphore(%run_scoped3A : memref<!tpu.dma_semaphore, #tpu.memory_space<semaphore_mem>>) {add = true}
        %dma_wait3A = arith.constant 0 : i32
        %dma_wait3A_63 = tpu.memref_slice %arg4[%scan3A_58, %dma_wait3A] : memref<80x128xi32, #tpu.memory_space<vmem>> -> memref<1x128xi32, #tpu.memory_space<vmem>>
        %dma_wait3A_64 = tpu.memref_squeeze %dma_wait3A_63 : memref<1x128xi32, #tpu.memory_space<vmem>> -> memref<128xi32, #tpu.memory_space<vmem>>
        %dma_wait3A_65 = arith.constant 0 : i32
        %dma_wait3A_66 = tpu.memref_slice %arg7[%dma_wait3A_65] : memref<10240xf32, #tpu.memory_space<vmem_shared>> -> memref<10240xf32, #tpu.memory_space<vmem_shared>>
        tpu.wait_indirect_dma semaphore(%run_scoped3A : memref<!tpu.dma_semaphore, #tpu.memory_space<semaphore_mem>>) src(%arg5 : memref<128xf32, #tpu.memory_space<vmem>>) dst(%dma_wait3A_66 : memref<10240xf32, #tpu.memory_space<vmem_shared>>)
        tpu.yield
      }) : () -> ()
    }
    %scan3A_49 = arith.constant 80 : i32
    %barrier3A_50 = arith.constant 0 : index
    tpu.barrier barrier_id(%barrier3A_50)
    %mul3A_51 = arith.constant 640 : i32
    %mul3A_52 = arith.muli %arg1, %mul3A_51 : i32
    %mul3A_53 = arith.constant 10240 : i32
    %mul3A_54 = arith.muli %arg0, %mul3A_53 : i32
    %mul3A_55 = arith.constant 640 : i32
    %mul3A_56 = arith.muli %arg1, %mul3A_55 : i32
    %add3A_57 = arith.addi %mul3A_54, %mul3A_56 : i32
    "tpu.region"() ({
      %run_scoped3A = tpu.sem_alloc : memref<!tpu.dma_semaphore, #tpu.memory_space<semaphore_mem>>
      %dma_start3A = tpu.memref_slice %arg3[%add3A_57] : memref<20480xf32, #tpu.memory_space<hbm>> -> memref<640xf32, #tpu.memory_space<hbm>>
      %dma_start3A_58 = tpu.memref_slice %arg7[%mul3A_52] : memref<10240xf32, #tpu.memory_space<vmem_shared>> -> memref<640xf32, #tpu.memory_space<vmem_shared>>
      tpu.enqueue_dma source(%dma_start3A_58 : memref<640xf32, #tpu.memory_space<vmem_shared>>) target(%dma_start3A : memref<640xf32, #tpu.memory_space<hbm>>) target_semaphore(%run_scoped3A : memref<!tpu.dma_semaphore, #tpu.memory_space<semaphore_mem>>)
      %dma_wait3A = tpu.memref_slice %arg3[%add3A_57] : memref<20480xf32, #tpu.memory_space<hbm>> -> memref<640xf32, #tpu.memory_space<hbm>>
      %dma_wait3A_59 = tpu.memref_slice %arg7[%mul3A_52] : memref<10240xf32, #tpu.memory_space<vmem_shared>> -> memref<640xf32, #tpu.memory_space<vmem_shared>>
      tpu.wait_dma2 semaphore(%run_scoped3A : memref<!tpu.dma_semaphore, #tpu.memory_space<semaphore_mem>>) src(%dma_wait3A_59 : memref<640xf32, #tpu.memory_space<vmem_shared>>) dst(%dma_wait3A : memref<640xf32, #tpu.memory_space<hbm>>)
      tpu.yield
    }) : () -> ()
    return
  }
}

#map = affine_map<(d0, d1) -> (0, 0)>
#map1 = affine_map<(d0, d1) -> (0, 0, 0)>
module attributes {stable_mosaic.version = 14 : i64} {
  func.func @_sc_edge_sum_body(%arg0: i32, %arg1: i32, %arg2: memref<10240x128xf32, #tpu.memory_space<hbm>>, %arg3: memref<2560x128xi32, #tpu.memory_space<hbm>>, %arg4: memref<2560x128xi32, #tpu.memory_space<hbm>>, %arg5: memref<2x10240x128xf32, #tpu.memory_space<hbm>>, %arg6: memref<40x128xi32, #tpu.memory_space<vmem>>, %arg7: memref<40x128xi32, #tpu.memory_space<vmem>>, %arg8: memref<128x128xf32, #tpu.memory_space<vmem>>, %arg9: memref<128x128xf32, #tpu.memory_space<vmem>>, %arg10: memref<10240x128xf32, #tpu.memory_space<vmem_shared>>, %arg11: memref<!tpu.dma_semaphore, #tpu.memory_space<semaphore_mem>>, %arg12: memref<!tpu.dma_semaphore, #tpu.memory_space<semaphore_mem>>) attributes {dimension_semantics = [#tpu.dimension_semantics<core_parallel>, #tpu.dimension_semantics<subcore_parallel>], iteration_bounds = array<i64: 2, 16>, scalar_prefetch = 0 : i64, scratch_operands = 7 : i64, tpu.core_type = #tpu.core_type<sc_vector_subcore>, window_params = [{transform_indices = #map}, {transform_indices = #map}, {transform_indices = #map}, {transform_indices = #map1}]} {
    %mul3A = arith.constant 2 : i32
    %mul3A_0 = arith.muli %arg1, %mul3A : i32
    %add3A = arith.addi %mul3A_0, %arg0 : i32
    %broadcast_in_dim3A = arith.constant 0.000000e+00 : f32
    %broadcast_in_dim3A_1 = vector.broadcast %broadcast_in_dim3A : f32 to vector<16xf32>
    %scan3A = arith.constant 0 : i32
    %scan3A_2 = arith.constant 0 : i32
    %scan3A_3 = arith.constant 128 : i32
    %scan3A_4 = arith.addi %scan3A_2, %scan3A_3 : i32
    %scan3A_5 = arith.constant 1 : i32
    scf.for %scan3A_142 = %scan3A_2 to %scan3A_4 step %scan3A_5  : i32 {
      %swap3A = arith.index_cast %scan3A_142 : i32 to index
      %swap3A_143 = arith.constant 0 : index
      %swap3A_144 = tpu.vector_load %arg8[%swap3A, %swap3A_143] {strides = array<i32>} : memref<128x128xf32, #tpu.memory_space<vmem>>, vector<1x16xf32>,
      %swap3A_145 = vector.shape_cast %swap3A_144 : vector<1x16xf32> to vector<16xf32>
      %swap3A_146 = vector.shape_cast %broadcast_in_dim3A_1 : vector<16xf32> to vector<1x16xf32>
      tpu.vector_store %arg8[%swap3A, %swap3A_143], %swap3A_146 {strides = array<i32>} : memref<128x128xf32, #tpu.memory_space<vmem>>, vector<1x16xf32>,
      %swap3A_147 = arith.index_cast %scan3A_142 : i32 to index
      %swap3A_148 = arith.constant 16 : index
      %swap3A_149 = tpu.vector_load %arg8[%swap3A_147, %swap3A_148] {strides = array<i32>} : memref<128x128xf32, #tpu.memory_space<vmem>>, vector<1x16xf32>,
      %swap3A_150 = vector.shape_cast %swap3A_149 : vector<1x16xf32> to vector<16xf32>
      %swap3A_151 = vector.shape_cast %broadcast_in_dim3A_1 : vector<16xf32> to vector<1x16xf32>
      tpu.vector_store %arg8[%swap3A_147, %swap3A_148], %swap3A_151 {strides = array<i32>} : memref<128x128xf32, #tpu.memory_space<vmem>>, vector<1x16xf32>,
      %swap3A_152 = arith.index_cast %scan3A_142 : i32 to index
      %swap3A_153 = arith.constant 32 : index
      %swap3A_154 = tpu.vector_load %arg8[%swap3A_152, %swap3A_153] {strides = array<i32>} : memref<128x128xf32, #tpu.memory_space<vmem>>, vector<1x16xf32>,
      %swap3A_155 = vector.shape_cast %swap3A_154 : vector<1x16xf32> to vector<16xf32>
      %swap3A_156 = vector.shape_cast %broadcast_in_dim3A_1 : vector<16xf32> to vector<1x16xf32>
      tpu.vector_store %arg8[%swap3A_152, %swap3A_153], %swap3A_156 {strides = array<i32>} : memref<128x128xf32, #tpu.memory_space<vmem>>, vector<1x16xf32>,
      %swap3A_157 = arith.index_cast %scan3A_142 : i32 to index
      %swap3A_158 = arith.constant 48 : index
      %swap3A_159 = tpu.vector_load %arg8[%swap3A_157, %swap3A_158] {strides = array<i32>} : memref<128x128xf32, #tpu.memory_space<vmem>>, vector<1x16xf32>,
      %swap3A_160 = vector.shape_cast %swap3A_159 : vector<1x16xf32> to vector<16xf32>
      %swap3A_161 = vector.shape_cast %broadcast_in_dim3A_1 : vector<16xf32> to vector<1x16xf32>
      tpu.vector_store %arg8[%swap3A_157, %swap3A_158], %swap3A_161 {strides = array<i32>} : memref<128x128xf32, #tpu.memory_space<vmem>>, vector<1x16xf32>,
      %swap3A_162 = arith.index_cast %scan3A_142 : i32 to index
      %swap3A_163 = arith.constant 64 : index
      %swap3A_164 = tpu.vector_load %arg8[%swap3A_162, %swap3A_163] {strides = array<i32>} : memref<128x128xf32, #tpu.memory_space<vmem>>, vector<1x16xf32>,
      %swap3A_165 = vector.shape_cast %swap3A_164 : vector<1x16xf32> to vector<16xf32>
      %swap3A_166 = vector.shape_cast %broadcast_in_dim3A_1 : vector<16xf32> to vector<1x16xf32>
      tpu.vector_store %arg8[%swap3A_162, %swap3A_163], %swap3A_166 {strides = array<i32>} : memref<128x128xf32, #tpu.memory_space<vmem>>, vector<1x16xf32>,
      %swap3A_167 = arith.index_cast %scan3A_142 : i32 to index
      %swap3A_168 = arith.constant 80 : index
      %swap3A_169 = tpu.vector_load %arg8[%swap3A_167, %swap3A_168] {strides = array<i32>} : memref<128x128xf32, #tpu.memory_space<vmem>>, vector<1x16xf32>,
      %swap3A_170 = vector.shape_cast %swap3A_169 : vector<1x16xf32> to vector<16xf32>
      %swap3A_171 = vector.shape_cast %broadcast_in_dim3A_1 : vector<16xf32> to vector<1x16xf32>
      tpu.vector_store %arg8[%swap3A_167, %swap3A_168], %swap3A_171 {strides = array<i32>} : memref<128x128xf32, #tpu.memory_space<vmem>>, vector<1x16xf32>,
      %swap3A_172 = arith.index_cast %scan3A_142 : i32 to index
      %swap3A_173 = arith.constant 96 : index
      %swap3A_174 = tpu.vector_load %arg8[%swap3A_172, %swap3A_173] {strides = array<i32>} : memref<128x128xf32, #tpu.memory_space<vmem>>, vector<1x16xf32>,
      %swap3A_175 = vector.shape_cast %swap3A_174 : vector<1x16xf32> to vector<16xf32>
      %swap3A_176 = vector.shape_cast %broadcast_in_dim3A_1 : vector<16xf32> to vector<1x16xf32>
      tpu.vector_store %arg8[%swap3A_172, %swap3A_173], %swap3A_176 {strides = array<i32>} : memref<128x128xf32, #tpu.memory_space<vmem>>, vector<1x16xf32>,
      %swap3A_177 = arith.index_cast %scan3A_142 : i32 to index
      %swap3A_178 = arith.constant 112 : index
      %swap3A_179 = tpu.vector_load %arg8[%swap3A_177, %swap3A_178] {strides = array<i32>} : memref<128x128xf32, #tpu.memory_space<vmem>>, vector<1x16xf32>,
      %swap3A_180 = vector.shape_cast %swap3A_179 : vector<1x16xf32> to vector<16xf32>
      %swap3A_181 = vector.shape_cast %broadcast_in_dim3A_1 : vector<16xf32> to vector<1x16xf32>
      tpu.vector_store %arg8[%swap3A_177, %swap3A_178], %swap3A_181 {strides = array<i32>} : memref<128x128xf32, #tpu.memory_space<vmem>>, vector<1x16xf32>,
    }
    %scan3A_6 = arith.constant 128 : i32
    %mul3A_7 = arith.constant 640 : i32
    %mul3A_8 = arith.muli %arg1, %mul3A_7 : i32
    %add3A_9 = arith.constant 0 : i32
    %add3A_10 = arith.addi %mul3A_8, %add3A_9 : i32
    "tpu.region"() ({
      %run_scoped3A = tpu.sem_alloc : memref<!tpu.dma_semaphore, #tpu.memory_space<semaphore_mem>>
      %dma_start3A = arith.constant 0 : i32
      %dma_start3A_142 = arith.constant 0 : i32
      %dma_start3A_143 = tpu.memref_slice %arg8[%dma_start3A, %dma_start3A_142] : memref<128x128xf32, #tpu.memory_space<vmem>> -> memref<128x128xf32, #tpu.memory_space<vmem>>
      %dma_start3A_144 = arith.constant 0 : i32
      %dma_start3A_145 = tpu.memref_slice %arg10[%add3A_10, %dma_start3A_144] : memref<10240x128xf32, #tpu.memory_space<vmem_shared>> -> memref<128x128xf32, #tpu.memory_space<vmem_shared>>
      %dma_start3A_146 = arith.constant 0 : i32
      %dma_start3A_147 = tpu.memref_slice %arg10[%add3A_10, %dma_start3A_146] : memref<10240x128xf32, #tpu.memory_space<vmem_shared>> -> memref<128x128xf32, #tpu.memory_space<vmem_shared>>
      %dma_start3A_148 = arith.constant 0 : i32
      %dma_start3A_149 = arith.constant 0 : i32
      %dma_start3A_150 = tpu.memref_slice %arg8[%dma_start3A_148, %dma_start3A_149] : memref<128x128xf32, #tpu.memory_space<vmem>> -> memref<128x128xf32, #tpu.memory_space<vmem>>
      tpu.enqueue_dma source(%dma_start3A_150 : memref<128x128xf32, #tpu.memory_space<vmem>>) target(%dma_start3A_147 : memref<128x128xf32, #tpu.memory_space<vmem_shared>>) target_semaphore(%run_scoped3A : memref<!tpu.dma_semaphore, #tpu.memory_space<semaphore_mem>>)
      %dma_wait3A = arith.constant 0 : i32
      %dma_wait3A_151 = arith.constant 0 : i32
      %dma_wait3A_152 = tpu.memref_slice %arg8[%dma_wait3A, %dma_wait3A_151] : memref<128x128xf32, #tpu.memory_space<vmem>> -> memref<128x128xf32, #tpu.memory_space<vmem>>
      %dma_wait3A_153 = arith.constant 0 : i32
      %dma_wait3A_154 = tpu.memref_slice %arg10[%add3A_10, %dma_wait3A_153] : memref<10240x128xf32, #tpu.memory_space<vmem_shared>> -> memref<128x128xf32, #tpu.memory_space<vmem_shared>>
      %dma_wait3A_155 = arith.constant 0 : i32
      %dma_wait3A_156 = tpu.memref_slice %arg10[%add3A_10, %dma_wait3A_155] : memref<10240x128xf32, #tpu.memory_space<vmem_shared>> -> memref<128x128xf32, #tpu.memory_space<vmem_shared>>
      %dma_wait3A_157 = arith.constant 0 : i32
      %dma_wait3A_158 = arith.constant 0 : i32
      %dma_wait3A_159 = tpu.memref_slice %arg8[%dma_wait3A_157, %dma_wait3A_158] : memref<128x128xf32, #tpu.memory_space<vmem>> -> memref<128x128xf32, #tpu.memory_space<vmem>>
      tpu.wait_dma2 semaphore(%run_scoped3A : memref<!tpu.dma_semaphore, #tpu.memory_space<semaphore_mem>>) src(%dma_wait3A_159 : memref<128x128xf32, #tpu.memory_space<vmem>>) dst(%dma_wait3A_156 : memref<128x128xf32, #tpu.memory_space<vmem_shared>>)
      tpu.yield
    }) : () -> ()
    %mul3A_11 = arith.constant 640 : i32
    %mul3A_12 = arith.muli %arg1, %mul3A_11 : i32
    %add3A_13 = arith.constant 128 : i32
    %add3A_14 = arith.addi %mul3A_12, %add3A_13 : i32
    "tpu.region"() ({
      %run_scoped3A = tpu.sem_alloc : memref<!tpu.dma_semaphore, #tpu.memory_space<semaphore_mem>>
      %dma_start3A = arith.constant 0 : i32
      %dma_start3A_142 = arith.constant 0 : i32
      %dma_start3A_143 = tpu.memref_slice %arg8[%dma_start3A, %dma_start3A_142] : memref<128x128xf32, #tpu.memory_space<vmem>> -> memref<128x128xf32, #tpu.memory_space<vmem>>
      %dma_start3A_144 = arith.constant 0 : i32
      %dma_start3A_145 = tpu.memref_slice %arg10[%add3A_14, %dma_start3A_144] : memref<10240x128xf32, #tpu.memory_space<vmem_shared>> -> memref<128x128xf32, #tpu.memory_space<vmem_shared>>
      %dma_start3A_146 = arith.constant 0 : i32
      %dma_start3A_147 = tpu.memref_slice %arg10[%add3A_14, %dma_start3A_146] : memref<10240x128xf32, #tpu.memory_space<vmem_shared>> -> memref<128x128xf32, #tpu.memory_space<vmem_shared>>
      %dma_start3A_148 = arith.constant 0 : i32
      %dma_start3A_149 = arith.constant 0 : i32
      %dma_start3A_150 = tpu.memref_slice %arg8[%dma_start3A_148, %dma_start3A_149] : memref<128x128xf32, #tpu.memory_space<vmem>> -> memref<128x128xf32, #tpu.memory_space<vmem>>
      tpu.enqueue_dma source(%dma_start3A_150 : memref<128x128xf32, #tpu.memory_space<vmem>>) target(%dma_start3A_147 : memref<128x128xf32, #tpu.memory_space<vmem_shared>>) target_semaphore(%run_scoped3A : memref<!tpu.dma_semaphore, #tpu.memory_space<semaphore_mem>>)
      %dma_wait3A = arith.constant 0 : i32
      %dma_wait3A_151 = arith.constant 0 : i32
      %dma_wait3A_152 = tpu.memref_slice %arg8[%dma_wait3A, %dma_wait3A_151] : memref<128x128xf32, #tpu.memory_space<vmem>> -> memref<128x128xf32, #tpu.memory_space<vmem>>
      %dma_wait3A_153 = arith.constant 0 : i32
      %dma_wait3A_154 = tpu.memref_slice %arg10[%add3A_14, %dma_wait3A_153] : memref<10240x128xf32, #tpu.memory_space<vmem_shared>> -> memref<128x128xf32, #tpu.memory_space<vmem_shared>>
      %dma_wait3A_155 = arith.constant 0 : i32
      %dma_wait3A_156 = tpu.memref_slice %arg10[%add3A_14, %dma_wait3A_155] : memref<10240x128xf32, #tpu.memory_space<vmem_shared>> -> memref<128x128xf32, #tpu.memory_space<vmem_shared>>
      %dma_wait3A_157 = arith.constant 0 : i32
      %dma_wait3A_158 = arith.constant 0 : i32
      %dma_wait3A_159 = tpu.memref_slice %arg8[%dma_wait3A_157, %dma_wait3A_158] : memref<128x128xf32, #tpu.memory_space<vmem>> -> memref<128x128xf32, #tpu.memory_space<vmem>>
      tpu.wait_dma2 semaphore(%run_scoped3A : memref<!tpu.dma_semaphore, #tpu.memory_space<semaphore_mem>>) src(%dma_wait3A_159 : memref<128x128xf32, #tpu.memory_space<vmem>>) dst(%dma_wait3A_156 : memref<128x128xf32, #tpu.memory_space<vmem_shared>>)
      tpu.yield
    }) : () -> ()
    %mul3A_15 = arith.constant 640 : i32
    %mul3A_16 = arith.muli %arg1, %mul3A_15 : i32
    %add3A_17 = arith.constant 256 : i32
    %add3A_18 = arith.addi %mul3A_16, %add3A_17 : i32
    "tpu.region"() ({
      %run_scoped3A = tpu.sem_alloc : memref<!tpu.dma_semaphore, #tpu.memory_space<semaphore_mem>>
      %dma_start3A = arith.constant 0 : i32
      %dma_start3A_142 = arith.constant 0 : i32
      %dma_start3A_143 = tpu.memref_slice %arg8[%dma_start3A, %dma_start3A_142] : memref<128x128xf32, #tpu.memory_space<vmem>> -> memref<128x128xf32, #tpu.memory_space<vmem>>
      %dma_start3A_144 = arith.constant 0 : i32
      %dma_start3A_145 = tpu.memref_slice %arg10[%add3A_18, %dma_start3A_144] : memref<10240x128xf32, #tpu.memory_space<vmem_shared>> -> memref<128x128xf32, #tpu.memory_space<vmem_shared>>
      %dma_start3A_146 = arith.constant 0 : i32
      %dma_start3A_147 = tpu.memref_slice %arg10[%add3A_18, %dma_start3A_146] : memref<10240x128xf32, #tpu.memory_space<vmem_shared>> -> memref<128x128xf32, #tpu.memory_space<vmem_shared>>
      %dma_start3A_148 = arith.constant 0 : i32
      %dma_start3A_149 = arith.constant 0 : i32
      %dma_start3A_150 = tpu.memref_slice %arg8[%dma_start3A_148, %dma_start3A_149] : memref<128x128xf32, #tpu.memory_space<vmem>> -> memref<128x128xf32, #tpu.memory_space<vmem>>
      tpu.enqueue_dma source(%dma_start3A_150 : memref<128x128xf32, #tpu.memory_space<vmem>>) target(%dma_start3A_147 : memref<128x128xf32, #tpu.memory_space<vmem_shared>>) target_semaphore(%run_scoped3A : memref<!tpu.dma_semaphore, #tpu.memory_space<semaphore_mem>>)
      %dma_wait3A = arith.constant 0 : i32
      %dma_wait3A_151 = arith.constant 0 : i32
      %dma_wait3A_152 = tpu.memref_slice %arg8[%dma_wait3A, %dma_wait3A_151] : memref<128x128xf32, #tpu.memory_space<vmem>> -> memref<128x128xf32, #tpu.memory_space<vmem>>
      %dma_wait3A_153 = arith.constant 0 : i32
      %dma_wait3A_154 = tpu.memref_slice %arg10[%add3A_18, %dma_wait3A_153] : memref<10240x128xf32, #tpu.memory_space<vmem_shared>> -> memref<128x128xf32, #tpu.memory_space<vmem_shared>>
      %dma_wait3A_155 = arith.constant 0 : i32
      %dma_wait3A_156 = tpu.memref_slice %arg10[%add3A_18, %dma_wait3A_155] : memref<10240x128xf32, #tpu.memory_space<vmem_shared>> -> memref<128x128xf32, #tpu.memory_space<vmem_shared>>
      %dma_wait3A_157 = arith.constant 0 : i32
      %dma_wait3A_158 = arith.constant 0 : i32
      %dma_wait3A_159 = tpu.memref_slice %arg8[%dma_wait3A_157, %dma_wait3A_158] : memref<128x128xf32, #tpu.memory_space<vmem>> -> memref<128x128xf32, #tpu.memory_space<vmem>>
      tpu.wait_dma2 semaphore(%run_scoped3A : memref<!tpu.dma_semaphore, #tpu.memory_space<semaphore_mem>>) src(%dma_wait3A_159 : memref<128x128xf32, #tpu.memory_space<vmem>>) dst(%dma_wait3A_156 : memref<128x128xf32, #tpu.memory_space<vmem_shared>>)
      tpu.yield
    }) : () -> ()
    %mul3A_19 = arith.constant 640 : i32
    %mul3A_20 = arith.muli %arg1, %mul3A_19 : i32
    %add3A_21 = arith.constant 384 : i32
    %add3A_22 = arith.addi %mul3A_20, %add3A_21 : i32
    "tpu.region"() ({
      %run_scoped3A = tpu.sem_alloc : memref<!tpu.dma_semaphore, #tpu.memory_space<semaphore_mem>>
      %dma_start3A = arith.constant 0 : i32
      %dma_start3A_142 = arith.constant 0 : i32
      %dma_start3A_143 = tpu.memref_slice %arg8[%dma_start3A, %dma_start3A_142] : memref<128x128xf32, #tpu.memory_space<vmem>> -> memref<128x128xf32, #tpu.memory_space<vmem>>
      %dma_start3A_144 = arith.constant 0 : i32
      %dma_start3A_145 = tpu.memref_slice %arg10[%add3A_22, %dma_start3A_144] : memref<10240x128xf32, #tpu.memory_space<vmem_shared>> -> memref<128x128xf32, #tpu.memory_space<vmem_shared>>
      %dma_start3A_146 = arith.constant 0 : i32
      %dma_start3A_147 = tpu.memref_slice %arg10[%add3A_22, %dma_start3A_146] : memref<10240x128xf32, #tpu.memory_space<vmem_shared>> -> memref<128x128xf32, #tpu.memory_space<vmem_shared>>
      %dma_start3A_148 = arith.constant 0 : i32
      %dma_start3A_149 = arith.constant 0 : i32
      %dma_start3A_150 = tpu.memref_slice %arg8[%dma_start3A_148, %dma_start3A_149] : memref<128x128xf32, #tpu.memory_space<vmem>> -> memref<128x128xf32, #tpu.memory_space<vmem>>
      tpu.enqueue_dma source(%dma_start3A_150 : memref<128x128xf32, #tpu.memory_space<vmem>>) target(%dma_start3A_147 : memref<128x128xf32, #tpu.memory_space<vmem_shared>>) target_semaphore(%run_scoped3A : memref<!tpu.dma_semaphore, #tpu.memory_space<semaphore_mem>>)
      %dma_wait3A = arith.constant 0 : i32
      %dma_wait3A_151 = arith.constant 0 : i32
      %dma_wait3A_152 = tpu.memref_slice %arg8[%dma_wait3A, %dma_wait3A_151] : memref<128x128xf32, #tpu.memory_space<vmem>> -> memref<128x128xf32, #tpu.memory_space<vmem>>
      %dma_wait3A_153 = arith.constant 0 : i32
      %dma_wait3A_154 = tpu.memref_slice %arg10[%add3A_22, %dma_wait3A_153] : memref<10240x128xf32, #tpu.memory_space<vmem_shared>> -> memref<128x128xf32, #tpu.memory_space<vmem_shared>>
      %dma_wait3A_155 = arith.constant 0 : i32
      %dma_wait3A_156 = tpu.memref_slice %arg10[%add3A_22, %dma_wait3A_155] : memref<10240x128xf32, #tpu.memory_space<vmem_shared>> -> memref<128x128xf32, #tpu.memory_space<vmem_shared>>
      %dma_wait3A_157 = arith.constant 0 : i32
      %dma_wait3A_158 = arith.constant 0 : i32
      %dma_wait3A_159 = tpu.memref_slice %arg8[%dma_wait3A_157, %dma_wait3A_158] : memref<128x128xf32, #tpu.memory_space<vmem>> -> memref<128x128xf32, #tpu.memory_space<vmem>>
      tpu.wait_dma2 semaphore(%run_scoped3A : memref<!tpu.dma_semaphore, #tpu.memory_space<semaphore_mem>>) src(%dma_wait3A_159 : memref<128x128xf32, #tpu.memory_space<vmem>>) dst(%dma_wait3A_156 : memref<128x128xf32, #tpu.memory_space<vmem_shared>>)
      tpu.yield
    }) : () -> ()
    %mul3A_23 = arith.constant 640 : i32
    %mul3A_24 = arith.muli %arg1, %mul3A_23 : i32
    %add3A_25 = arith.constant 512 : i32
    %add3A_26 = arith.addi %mul3A_24, %add3A_25 : i32
    "tpu.region"() ({
      %run_scoped3A = tpu.sem_alloc : memref<!tpu.dma_semaphore, #tpu.memory_space<semaphore_mem>>
      %dma_start3A = arith.constant 0 : i32
      %dma_start3A_142 = arith.constant 0 : i32
      %dma_start3A_143 = tpu.memref_slice %arg8[%dma_start3A, %dma_start3A_142] : memref<128x128xf32, #tpu.memory_space<vmem>> -> memref<128x128xf32, #tpu.memory_space<vmem>>
      %dma_start3A_144 = arith.constant 0 : i32
      %dma_start3A_145 = tpu.memref_slice %arg10[%add3A_26, %dma_start3A_144] : memref<10240x128xf32, #tpu.memory_space<vmem_shared>> -> memref<128x128xf32, #tpu.memory_space<vmem_shared>>
      %dma_start3A_146 = arith.constant 0 : i32
      %dma_start3A_147 = tpu.memref_slice %arg10[%add3A_26, %dma_start3A_146] : memref<10240x128xf32, #tpu.memory_space<vmem_shared>> -> memref<128x128xf32, #tpu.memory_space<vmem_shared>>
      %dma_start3A_148 = arith.constant 0 : i32
      %dma_start3A_149 = arith.constant 0 : i32
      %dma_start3A_150 = tpu.memref_slice %arg8[%dma_start3A_148, %dma_start3A_149] : memref<128x128xf32, #tpu.memory_space<vmem>> -> memref<128x128xf32, #tpu.memory_space<vmem>>
      tpu.enqueue_dma source(%dma_start3A_150 : memref<128x128xf32, #tpu.memory_space<vmem>>) target(%dma_start3A_147 : memref<128x128xf32, #tpu.memory_space<vmem_shared>>) target_semaphore(%run_scoped3A : memref<!tpu.dma_semaphore, #tpu.memory_space<semaphore_mem>>)
      %dma_wait3A = arith.constant 0 : i32
      %dma_wait3A_151 = arith.constant 0 : i32
      %dma_wait3A_152 = tpu.memref_slice %arg8[%dma_wait3A, %dma_wait3A_151] : memref<128x128xf32, #tpu.memory_space<vmem>> -> memref<128x128xf32, #tpu.memory_space<vmem>>
      %dma_wait3A_153 = arith.constant 0 : i32
      %dma_wait3A_154 = tpu.memref_slice %arg10[%add3A_26, %dma_wait3A_153] : memref<10240x128xf32, #tpu.memory_space<vmem_shared>> -> memref<128x128xf32, #tpu.memory_space<vmem_shared>>
      %dma_wait3A_155 = arith.constant 0 : i32
      %dma_wait3A_156 = tpu.memref_slice %arg10[%add3A_26, %dma_wait3A_155] : memref<10240x128xf32, #tpu.memory_space<vmem_shared>> -> memref<128x128xf32, #tpu.memory_space<vmem_shared>>
      %dma_wait3A_157 = arith.constant 0 : i32
      %dma_wait3A_158 = arith.constant 0 : i32
      %dma_wait3A_159 = tpu.memref_slice %arg8[%dma_wait3A_157, %dma_wait3A_158] : memref<128x128xf32, #tpu.memory_space<vmem>> -> memref<128x128xf32, #tpu.memory_space<vmem>>
      tpu.wait_dma2 semaphore(%run_scoped3A : memref<!tpu.dma_semaphore, #tpu.memory_space<semaphore_mem>>) src(%dma_wait3A_159 : memref<128x128xf32, #tpu.memory_space<vmem>>) dst(%dma_wait3A_156 : memref<128x128xf32, #tpu.memory_space<vmem_shared>>)
      tpu.yield
    }) : () -> ()
    %barrier3A = arith.constant 0 : index
    tpu.barrier barrier_id(%barrier3A)
    %mul3A_27 = arith.constant 80 : i32
    %mul3A_28 = arith.muli %add3A, %mul3A_27 : i32
    %sub3A = arith.constant 2500 : i32
    %sub3A_29 = arith.subi %sub3A, %mul3A_28 : i32
    %jit3A = arith.constant 0 : i32
    %jit3A_30 = arith.constant 80 : i32
    %max3A = arith.maxsi %jit3A, %sub3A_29 : i32
    %min3A = arith.minsi %jit3A_30, %max3A : i32
    %sub3A_31 = arith.constant 0 : i32
    %sub3A_32 = arith.subi %min3A, %sub3A_31 : i32
    %jit3A_33 = arith.constant 0 : i32
    %jit3A_34 = arith.constant 40 : i32
    %max3A_35 = arith.maxsi %jit3A_33, %sub3A_32 : i32
    %min3A_36 = arith.minsi %jit3A_34, %max3A_35 : i32
    %mul3A_37 = arith.constant 80 : i32
    %mul3A_38 = arith.muli %add3A, %mul3A_37 : i32
    %add3A_39 = arith.constant 0 : i32
    %add3A_40 = arith.addi %mul3A_38, %add3A_39 : i32
    "tpu.region"() ({
      %run_scoped3A = tpu.sem_alloc : memref<!tpu.dma_semaphore, #tpu.memory_space<semaphore_mem>>
      %dma_start3A = arith.constant 0 : i32
      %dma_start3A_142 = tpu.memref_slice %arg3[%add3A_40, %dma_start3A] : memref<2560x128xi32, #tpu.memory_space<hbm>> -> memref<40x128xi32, #tpu.memory_space<hbm>>
      %dma_start3A_143 = arith.constant 0 : i32
      %dma_start3A_144 = tpu.memref_slice %arg3[%add3A_40, %dma_start3A_143] : memref<2560x128xi32, #tpu.memory_space<hbm>> -> memref<40x128xi32, #tpu.memory_space<hbm>>
      tpu.enqueue_dma source(%dma_start3A_144 : memref<40x128xi32, #tpu.memory_space<hbm>>) target(%arg6 : memref<40x128xi32, #tpu.memory_space<vmem>>) target_semaphore(%run_scoped3A : memref<!tpu.dma_semaphore, #tpu.memory_space<semaphore_mem>>)
      %dma_wait3A = arith.constant 0 : i32
      %dma_wait3A_145 = tpu.memref_slice %arg3[%add3A_40, %dma_wait3A] : memref<2560x128xi32, #tpu.memory_space<hbm>> -> memref<40x128xi32, #tpu.memory_space<hbm>>
      %dma_wait3A_146 = arith.constant 0 : i32
      %dma_wait3A_147 = tpu.memref_slice %arg3[%add3A_40, %dma_wait3A_146] : memref<2560x128xi32, #tpu.memory_space<hbm>> -> memref<40x128xi32, #tpu.memory_space<hbm>>
      tpu.wait_dma2 semaphore(%run_scoped3A : memref<!tpu.dma_semaphore, #tpu.memory_space<semaphore_mem>>) src(%dma_wait3A_147 : memref<40x128xi32, #tpu.memory_space<hbm>>) dst(%arg6 : memref<40x128xi32, #tpu.memory_space<vmem>>)
      tpu.yield
    }) : () -> ()
    %mul3A_41 = arith.constant 80 : i32
    %mul3A_42 = arith.muli %add3A, %mul3A_41 : i32
    %add3A_43 = arith.constant 0 : i32
    %add3A_44 = arith.addi %mul3A_42, %add3A_43 : i32
    "tpu.region"() ({
      %run_scoped3A = tpu.sem_alloc : memref<!tpu.dma_semaphore, #tpu.memory_space<semaphore_mem>>
      %dma_start3A = arith.constant 0 : i32
      %dma_start3A_142 = tpu.memref_slice %arg4[%add3A_44, %dma_start3A] : memref<2560x128xi32, #tpu.memory_space<hbm>> -> memref<40x128xi32, #tpu.memory_space<hbm>>
      %dma_start3A_143 = arith.constant 0 : i32
      %dma_start3A_144 = tpu.memref_slice %arg4[%add3A_44, %dma_start3A_143] : memref<2560x128xi32, #tpu.memory_space<hbm>> -> memref<40x128xi32, #tpu.memory_space<hbm>>
      tpu.enqueue_dma source(%dma_start3A_144 : memref<40x128xi32, #tpu.memory_space<hbm>>) target(%arg7 : memref<40x128xi32, #tpu.memory_space<vmem>>) target_semaphore(%run_scoped3A : memref<!tpu.dma_semaphore, #tpu.memory_space<semaphore_mem>>)
      %dma_wait3A = arith.constant 0 : i32
      %dma_wait3A_145 = tpu.memref_slice %arg4[%add3A_44, %dma_wait3A] : memref<2560x128xi32, #tpu.memory_space<hbm>> -> memref<40x128xi32, #tpu.memory_space<hbm>>
      %dma_wait3A_146 = arith.constant 0 : i32
      %dma_wait3A_147 = tpu.memref_slice %arg4[%add3A_44, %dma_wait3A_146] : memref<2560x128xi32, #tpu.memory_space<hbm>> -> memref<40x128xi32, #tpu.memory_space<hbm>>
      tpu.wait_dma2 semaphore(%run_scoped3A : memref<!tpu.dma_semaphore, #tpu.memory_space<semaphore_mem>>) src(%dma_wait3A_147 : memref<40x128xi32, #tpu.memory_space<hbm>>) dst(%arg7 : memref<40x128xi32, #tpu.memory_space<vmem>>)
      tpu.yield
    }) : () -> ()
    %gt3A = arith.constant 0 : i32
    %gt3A_45 = arith.cmpi sgt, %min3A_36, %gt3A : i32
    %convert_element_type3A = arith.extui %gt3A_45 : i1 to i32
    %cond3A = arith.constant 0 : i32
    %cond3A_46 = arith.cmpi ne, %convert_element_type3A, %cond3A : i32
    scf.if %cond3A_46 {
      %dma_start3A = arith.constant 0 : i32
      %dma_start3A_142 = arith.constant 0 : i32
      %dma_start3A_143 = tpu.memref_slice %arg6[%dma_start3A, %dma_start3A_142] : memref<40x128xi32, #tpu.memory_space<vmem>> -> memref<1x128xi32, #tpu.memory_space<vmem>>
      %dma_start3A_144 = tpu.memref_squeeze %dma_start3A_143 : memref<1x128xi32, #tpu.memory_space<vmem>> -> memref<128xi32, #tpu.memory_space<vmem>>
      %dma_start3A_145 = arith.constant 0 : i32
      %dma_start3A_146 = arith.constant 0 : i32
      %dma_start3A_147 = tpu.memref_slice %arg2[%dma_start3A_145, %dma_start3A_146] : memref<10240x128xf32, #tpu.memory_space<hbm>> -> memref<10240x128xf32, #tpu.memory_space<hbm>>
      tpu.enqueue_indirect_dma source(%dma_start3A_147 : memref<10240x128xf32, #tpu.memory_space<hbm>>) target(%arg8 : memref<128x128xf32, #tpu.memory_space<vmem>>) offsets(%dma_start3A_144 : memref<128xi32, #tpu.memory_space<vmem>>) semaphore(%arg11 : memref<!tpu.dma_semaphore, #tpu.memory_space<semaphore_mem>>)
    } else {
    }
    %gt3A_47 = arith.constant 1 : i32
    %gt3A_48 = arith.cmpi sgt, %min3A_36, %gt3A_47 : i32
    %convert_element_type3A_49 = arith.extui %gt3A_48 : i1 to i32
    %cond3A_50 = arith.constant 0 : i32
    %cond3A_51 = arith.cmpi ne, %convert_element_type3A_49, %cond3A_50 : i32
    scf.if %cond3A_51 {
      %dma_start3A = arith.constant 1 : i32
      %dma_start3A_142 = arith.constant 0 : i32
      %dma_start3A_143 = tpu.memref_slice %arg6[%dma_start3A, %dma_start3A_142] : memref<40x128xi32, #tpu.memory_space<vmem>> -> memref<1x128xi32, #tpu.memory_space<vmem>>
      %dma_start3A_144 = tpu.memref_squeeze %dma_start3A_143 : memref<1x128xi32, #tpu.memory_space<vmem>> -> memref<128xi32, #tpu.memory_space<vmem>>
      %dma_start3A_145 = arith.constant 0 : i32
      %dma_start3A_146 = arith.constant 0 : i32
      %dma_start3A_147 = tpu.memref_slice %arg2[%dma_start3A_145, %dma_start3A_146] : memref<10240x128xf32, #tpu.memory_space<hbm>> -> memref<10240x128xf32, #tpu.memory_space<hbm>>
      tpu.enqueue_indirect_dma source(%dma_start3A_147 : memref<10240x128xf32, #tpu.memory_space<hbm>>) target(%arg9 : memref<128x128xf32, #tpu.memory_space<vmem>>) offsets(%dma_start3A_144 : memref<128xi32, #tpu.memory_space<vmem>>) semaphore(%arg12 : memref<!tpu.dma_semaphore, #tpu.memory_space<semaphore_mem>>)
    } else {
    }
    %jit3A_52 = arith.constant 2 : i32
    %div3A = arith.divsi %min3A_36, %jit3A_52 : i32
    %sign3A = arith.constant 0 : i32
    %sign3A_53 = arith.cmpi sgt, %min3A_36, %sign3A : i32
    %sign3A_54 = arith.extui %sign3A_53 : i1 to i32
    %sign3A_55 = arith.constant 0 : i32
    %sign3A_56 = arith.cmpi slt, %min3A_36, %sign3A_55 : i32
    %sign3A_57 = arith.extui %sign3A_56 : i1 to i32
    %sign3A_58 = arith.subi %sign3A_54, %sign3A_57 : i32
    %sign3A_59 = arith.constant 0 : i32
    %sign3A_60 = arith.cmpi sgt, %jit3A_52, %sign3A_59 : i32
    %sign3A_61 = arith.extui %sign3A_60 : i1 to i32
    %sign3A_62 = arith.constant 0 : i32
    %sign3A_63 = arith.cmpi slt, %jit3A_52, %sign3A_62 : i32
    %sign3A_64 = arith.extui %sign3A_63 : i1 to i32
    %sign3A_65 = arith.subi %sign3A_61, %sign3A_64 : i32
    %ne3A = arith.cmpi ne, %sign3A_58, %sign3A_65 : i32
    %rem3A = arith.remsi %min3A_36, %jit3A_52 : i32
    %ne3A_66 = arith.constant 0 : i32
    %ne3A_67 = arith.cmpi ne, %rem3A, %ne3A_66 : i32
    %and3A = arith.andi %ne3A, %ne3A_67 : i1
    %sub3A_68 = arith.constant 1 : i32
    %sub3A_69 = arith.subi %div3A, %sub3A_68 : i32
    %select_n3A = arith.select %and3A, %sub3A_69, %div3A : i32
    %while3A = arith.constant 0 : i32
    %while3A_70 = arith.constant 0 : i32
    %while3A_71 = arith.subi %select_n3A, %while3A_70 : i32
    %while3A_72 = arith.addi %while3A_70, %while3A_71 : i32
    %while3A_73 = arith.constant 1 : i32
    %while3A_74 = arith.divsi %while3A_71, %while3A_73 : i32
    %while3A_75 = arith.muli %while3A_74, %while3A_73 : i32
    %while3A_76 = arith.addi %while3A_70, %while3A_75 : i32
    %while3A_77 = arith.constant 1 : i32
    scf.for %while3A_142 = %while3A_70 to %while3A_76 step %while3A_77  : i32 {
      %mul3A_143 = arith.constant 2 : i32
      %mul3A_144 = arith.muli %while3A_142, %mul3A_143 : i32
      %dma_wait3A = arith.constant 0 : i32
      %dma_wait3A_145 = arith.constant 0 : i32
      %dma_wait3A_146 = tpu.memref_slice %arg2[%dma_wait3A, %dma_wait3A_145] : memref<10240x128xf32, #tpu.memory_space<hbm>> -> memref<128x128xf32, #tpu.memory_space<hbm>>
      %dma_wait3A_147 = arith.constant 0 : i32
      %dma_wait3A_148 = arith.constant 0 : i32
      %dma_wait3A_149 = tpu.memref_slice %arg2[%dma_wait3A_147, %dma_wait3A_148] : memref<10240x128xf32, #tpu.memory_space<hbm>> -> memref<128x128xf32, #tpu.memory_space<hbm>>
      tpu.wait_dma2 semaphore(%arg11 : memref<!tpu.dma_semaphore, #tpu.memory_space<semaphore_mem>>) src(%dma_wait3A_149 : memref<128x128xf32, #tpu.memory_space<hbm>>) dst(%arg8 : memref<128x128xf32, #tpu.memory_space<vmem>>)
      "tpu.region"() ({
        %run_scoped3A = tpu.sem_alloc : memref<!tpu.dma_semaphore, #tpu.memory_space<semaphore_mem>>
        %dma_start3A = arith.constant 0 : i32
        %dma_start3A_169 = tpu.memref_slice %arg7[%mul3A_144, %dma_start3A] : memref<40x128xi32, #tpu.memory_space<vmem>> -> memref<1x128xi32, #tpu.memory_space<vmem>>
        %dma_start3A_170 = tpu.memref_squeeze %dma_start3A_169 : memref<1x128xi32, #tpu.memory_space<vmem>> -> memref<128xi32, #tpu.memory_space<vmem>>
        %dma_start3A_171 = arith.constant 0 : i32
        %dma_start3A_172 = arith.constant 0 : i32
        %dma_start3A_173 = tpu.memref_slice %arg10[%dma_start3A_171, %dma_start3A_172] : memref<10240x128xf32, #tpu.memory_space<vmem_shared>> -> memref<10240x128xf32, #tpu.memory_space<vmem_shared>>
        tpu.enqueue_indirect_dma source(%arg8 : memref<128x128xf32, #tpu.memory_space<vmem>>) target(%dma_start3A_173 : memref<10240x128xf32, #tpu.memory_space<vmem_shared>>) offsets(%dma_start3A_170 : memref<128xi32, #tpu.memory_space<vmem>>) semaphore(%run_scoped3A : memref<!tpu.dma_semaphore, #tpu.memory_space<semaphore_mem>>) {add = true}
        %dma_wait3A_174 = arith.constant 0 : i32
        %dma_wait3A_175 = tpu.memref_slice %arg7[%mul3A_144, %dma_wait3A_174] : memref<40x128xi32, #tpu.memory_space<vmem>> -> memref<1x128xi32, #tpu.memory_space<vmem>>
        %dma_wait3A_176 = tpu.memref_squeeze %dma_wait3A_175 : memref<1x128xi32, #tpu.memory_space<vmem>> -> memref<128xi32, #tpu.memory_space<vmem>>
        %dma_wait3A_177 = arith.constant 0 : i32
        %dma_wait3A_178 = arith.constant 0 : i32
        %dma_wait3A_179 = tpu.memref_slice %arg10[%dma_wait3A_177, %dma_wait3A_178] : memref<10240x128xf32, #tpu.memory_space<vmem_shared>> -> memref<10240x128xf32, #tpu.memory_space<vmem_shared>>
        tpu.wait_indirect_dma semaphore(%run_scoped3A : memref<!tpu.dma_semaphore, #tpu.memory_space<semaphore_mem>>) src(%arg8 : memref<128x128xf32, #tpu.memory_space<vmem>>) dst(%dma_wait3A_179 : memref<10240x128xf32, #tpu.memory_space<vmem_shared>>)
        tpu.yield
      }) : () -> ()
      %add3A_150 = arith.constant 2 : i32
      %add3A_151 = arith.addi %mul3A_144, %add3A_150 : i32
      %lt3A = arith.cmpi slt, %add3A_151, %min3A_36 : i32
      %convert_element_type3A_152 = arith.extui %lt3A : i1 to i32
      %cond3A_153 = arith.constant 0 : i32
      %cond3A_154 = arith.cmpi ne, %convert_element_type3A_152, %cond3A_153 : i32
      scf.if %cond3A_154 {
        %add3A_169 = arith.constant 2 : i32
        %add3A_170 = arith.addi %mul3A_144, %add3A_169 : i32
        %dma_start3A = arith.constant 0 : i32
        %dma_start3A_171 = tpu.memref_slice %arg6[%add3A_170, %dma_start3A] : memref<40x128xi32, #tpu.memory_space<vmem>> -> memref<1x128xi32, #tpu.memory_space<vmem>>
        %dma_start3A_172 = tpu.memref_squeeze %dma_start3A_171 : memref<1x128xi32, #tpu.memory_space<vmem>> -> memref<128xi32, #tpu.memory_space<vmem>>
        %dma_start3A_173 = arith.constant 0 : i32
        %dma_start3A_174 = arith.constant 0 : i32
        %dma_start3A_175 = tpu.memref_slice %arg2[%dma_start3A_173, %dma_start3A_174] : memref<10240x128xf32, #tpu.memory_space<hbm>> -> memref<10240x128xf32, #tpu.memory_space<hbm>>
        tpu.enqueue_indirect_dma source(%dma_start3A_175 : memref<10240x128xf32, #tpu.memory_space<hbm>>) target(%arg8 : memref<128x128xf32, #tpu.memory_space<vmem>>) offsets(%dma_start3A_172 : memref<128xi32, #tpu.memory_space<vmem>>) semaphore(%arg11 : memref<!tpu.dma_semaphore, #tpu.memory_space<semaphore_mem>>)
      } else {
      }
      %dma_wait3A_155 = arith.constant 0 : i32
      %dma_wait3A_156 = arith.constant 0 : i32
      %dma_wait3A_157 = tpu.memref_slice %arg2[%dma_wait3A_155, %dma_wait3A_156] : memref<10240x128xf32, #tpu.memory_space<hbm>> -> memref<128x128xf32, #tpu.memory_space<hbm>>
      %dma_wait3A_158 = arith.constant 0 : i32
      %dma_wait3A_159 = arith.constant 0 : i32
      %dma_wait3A_160 = tpu.memref_slice %arg2[%dma_wait3A_158, %dma_wait3A_159] : memref<10240x128xf32, #tpu.memory_space<hbm>> -> memref<128x128xf32, #tpu.memory_space<hbm>>
      tpu.wait_dma2 semaphore(%arg12 : memref<!tpu.dma_semaphore, #tpu.memory_space<semaphore_mem>>) src(%dma_wait3A_160 : memref<128x128xf32, #tpu.memory_space<hbm>>) dst(%arg9 : memref<128x128xf32, #tpu.memory_space<vmem>>)
      %add3A_161 = arith.constant 1 : i32
      %add3A_162 = arith.addi %mul3A_144, %add3A_161 : i32
      "tpu.region"() ({
        %run_scoped3A = tpu.sem_alloc : memref<!tpu.dma_semaphore, #tpu.memory_space<semaphore_mem>>
        %dma_start3A = arith.constant 0 : i32
        %dma_start3A_169 = tpu.memref_slice %arg7[%add3A_162, %dma_start3A] : memref<40x128xi32, #tpu.memory_space<vmem>> -> memref<1x128xi32, #tpu.memory_space<vmem>>
        %dma_start3A_170 = tpu.memref_squeeze %dma_start3A_169 : memref<1x128xi32, #tpu.memory_space<vmem>> -> memref<128xi32, #tpu.memory_space<vmem>>
        %dma_start3A_171 = arith.constant 0 : i32
        %dma_start3A_172 = arith.constant 0 : i32
        %dma_start3A_173 = tpu.memref_slice %arg10[%dma_start3A_171, %dma_start3A_172] : memref<10240x128xf32, #tpu.memory_space<vmem_shared>> -> memref<10240x128xf32, #tpu.memory_space<vmem_shared>>
        tpu.enqueue_indirect_dma source(%arg9 : memref<128x128xf32, #tpu.memory_space<vmem>>) target(%dma_start3A_173 : memref<10240x128xf32, #tpu.memory_space<vmem_shared>>) offsets(%dma_start3A_170 : memref<128xi32, #tpu.memory_space<vmem>>) semaphore(%run_scoped3A : memref<!tpu.dma_semaphore, #tpu.memory_space<semaphore_mem>>) {add = true}
        %dma_wait3A_174 = arith.constant 0 : i32
        %dma_wait3A_175 = tpu.memref_slice %arg7[%add3A_162, %dma_wait3A_174] : memref<40x128xi32, #tpu.memory_space<vmem>> -> memref<1x128xi32, #tpu.memory_space<vmem>>
        %dma_wait3A_176 = tpu.memref_squeeze %dma_wait3A_175 : memref<1x128xi32, #tpu.memory_space<vmem>> -> memref<128xi32, #tpu.memory_space<vmem>>
        %dma_wait3A_177 = arith.constant 0 : i32
        %dma_wait3A_178 = arith.constant 0 : i32
        %dma_wait3A_179 = tpu.memref_slice %arg10[%dma_wait3A_177, %dma_wait3A_178] : memref<10240x128xf32, #tpu.memory_space<vmem_shared>> -> memref<10240x128xf32, #tpu.memory_space<vmem_shared>>
        tpu.wait_indirect_dma semaphore(%run_scoped3A : memref<!tpu.dma_semaphore, #tpu.memory_space<semaphore_mem>>) src(%arg9 : memref<128x128xf32, #tpu.memory_space<vmem>>) dst(%dma_wait3A_179 : memref<10240x128xf32, #tpu.memory_space<vmem_shared>>)
        tpu.yield
      }) : () -> ()
      %add3A_163 = arith.constant 3 : i32
      %add3A_164 = arith.addi %mul3A_144, %add3A_163 : i32
      %lt3A_165 = arith.cmpi slt, %add3A_164, %min3A_36 : i32
      %convert_element_type3A_166 = arith.extui %lt3A_165 : i1 to i32
      %cond3A_167 = arith.constant 0 : i32
      %cond3A_168 = arith.cmpi ne, %convert_element_type3A_166, %cond3A_167 : i32
      scf.if %cond3A_168 {
        %add3A_169 = arith.constant 3 : i32
        %add3A_170 = arith.addi %mul3A_144, %add3A_169 : i32
        %dma_start3A = arith.constant 0 : i32
        %dma_start3A_171 = tpu.memref_slice %arg6[%add3A_170, %dma_start3A] : memref<40x128xi32, #tpu.memory_space<vmem>> -> memref<1x128xi32, #tpu.memory_space<vmem>>
        %dma_start3A_172 = tpu.memref_squeeze %dma_start3A_171 : memref<1x128xi32, #tpu.memory_space<vmem>> -> memref<128xi32, #tpu.memory_space<vmem>>
        %dma_start3A_173 = arith.constant 0 : i32
        %dma_start3A_174 = arith.constant 0 : i32
        %dma_start3A_175 = tpu.memref_slice %arg2[%dma_start3A_173, %dma_start3A_174] : memref<10240x128xf32, #tpu.memory_space<hbm>> -> memref<10240x128xf32, #tpu.memory_space<hbm>>
        tpu.enqueue_indirect_dma source(%dma_start3A_175 : memref<10240x128xf32, #tpu.memory_space<hbm>>) target(%arg9 : memref<128x128xf32, #tpu.memory_space<vmem>>) offsets(%dma_start3A_172 : memref<128xi32, #tpu.memory_space<vmem>>) semaphore(%arg12 : memref<!tpu.dma_semaphore, #tpu.memory_space<semaphore_mem>>)
      } else {
      }
    }
    %while3A_78 = arith.constant 1 : i32
    scf.for %while3A_142 = %while3A_76 to %while3A_72 step %while3A_78  : i32 {
      %mul3A_143 = arith.constant 2 : i32
      %mul3A_144 = arith.muli %while3A_142, %mul3A_143 : i32
      %dma_wait3A = arith.constant 0 : i32
      %dma_wait3A_145 = arith.constant 0 : i32
      %dma_wait3A_146 = tpu.memref_slice %arg2[%dma_wait3A, %dma_wait3A_145] : memref<10240x128xf32, #tpu.memory_space<hbm>> -> memref<128x128xf32, #tpu.memory_space<hbm>>
      %dma_wait3A_147 = arith.constant 0 : i32
      %dma_wait3A_148 = arith.constant 0 : i32
      %dma_wait3A_149 = tpu.memref_slice %arg2[%dma_wait3A_147, %dma_wait3A_148] : memref<10240x128xf32, #tpu.memory_space<hbm>> -> memref<128x128xf32, #tpu.memory_space<hbm>>
      tpu.wait_dma2 semaphore(%arg11 : memref<!tpu.dma_semaphore, #tpu.memory_space<semaphore_mem>>) src(%dma_wait3A_149 : memref<128x128xf32, #tpu.memory_space<hbm>>) dst(%arg8 : memref<128x128xf32, #tpu.memory_space<vmem>>)
      "tpu.region"() ({
        %run_scoped3A = tpu.sem_alloc : memref<!tpu.dma_semaphore, #tpu.memory_space<semaphore_mem>>
        %dma_start3A = arith.constant 0 : i32
        %dma_start3A_169 = tpu.memref_slice %arg7[%mul3A_144, %dma_start3A] : memref<40x128xi32, #tpu.memory_space<vmem>> -> memref<1x128xi32, #tpu.memory_space<vmem>>
        %dma_start3A_170 = tpu.memref_squeeze %dma_start3A_169 : memref<1x128xi32, #tpu.memory_space<vmem>> -> memref<128xi32, #tpu.memory_space<vmem>>
        %dma_start3A_171 = arith.constant 0 : i32
        %dma_start3A_172 = arith.constant 0 : i32
        %dma_start3A_173 = tpu.memref_slice %arg10[%dma_start3A_171, %dma_start3A_172] : memref<10240x128xf32, #tpu.memory_space<vmem_shared>> -> memref<10240x128xf32, #tpu.memory_space<vmem_shared>>
        tpu.enqueue_indirect_dma source(%arg8 : memref<128x128xf32, #tpu.memory_space<vmem>>) target(%dma_start3A_173 : memref<10240x128xf32, #tpu.memory_space<vmem_shared>>) offsets(%dma_start3A_170 : memref<128xi32, #tpu.memory_space<vmem>>) semaphore(%run_scoped3A : memref<!tpu.dma_semaphore, #tpu.memory_space<semaphore_mem>>) {add = true}
        %dma_wait3A_174 = arith.constant 0 : i32
        %dma_wait3A_175 = tpu.memref_slice %arg7[%mul3A_144, %dma_wait3A_174] : memref<40x128xi32, #tpu.memory_space<vmem>> -> memref<1x128xi32, #tpu.memory_space<vmem>>
        %dma_wait3A_176 = tpu.memref_squeeze %dma_wait3A_175 : memref<1x128xi32, #tpu.memory_space<vmem>> -> memref<128xi32, #tpu.memory_space<vmem>>
        %dma_wait3A_177 = arith.constant 0 : i32
        %dma_wait3A_178 = arith.constant 0 : i32
        %dma_wait3A_179 = tpu.memref_slice %arg10[%dma_wait3A_177, %dma_wait3A_178] : memref<10240x128xf32, #tpu.memory_space<vmem_shared>> -> memref<10240x128xf32, #tpu.memory_space<vmem_shared>>
        tpu.wait_indirect_dma semaphore(%run_scoped3A : memref<!tpu.dma_semaphore, #tpu.memory_space<semaphore_mem>>) src(%arg8 : memref<128x128xf32, #tpu.memory_space<vmem>>) dst(%dma_wait3A_179 : memref<10240x128xf32, #tpu.memory_space<vmem_shared>>)
        tpu.yield
      }) : () -> ()
      %add3A_150 = arith.constant 2 : i32
      %add3A_151 = arith.addi %mul3A_144, %add3A_150 : i32
      %lt3A = arith.cmpi slt, %add3A_151, %min3A_36 : i32
      %convert_element_type3A_152 = arith.extui %lt3A : i1 to i32
      %cond3A_153 = arith.constant 0 : i32
      %cond3A_154 = arith.cmpi ne, %convert_element_type3A_152, %cond3A_153 : i32
      scf.if %cond3A_154 {
        %add3A_169 = arith.constant 2 : i32
        %add3A_170 = arith.addi %mul3A_144, %add3A_169 : i32
        %dma_start3A = arith.constant 0 : i32
        %dma_start3A_171 = tpu.memref_slice %arg6[%add3A_170, %dma_start3A] : memref<40x128xi32, #tpu.memory_space<vmem>> -> memref<1x128xi32, #tpu.memory_space<vmem>>
        %dma_start3A_172 = tpu.memref_squeeze %dma_start3A_171 : memref<1x128xi32, #tpu.memory_space<vmem>> -> memref<128xi32, #tpu.memory_space<vmem>>
        %dma_start3A_173 = arith.constant 0 : i32
        %dma_start3A_174 = arith.constant 0 : i32
        %dma_start3A_175 = tpu.memref_slice %arg2[%dma_start3A_173, %dma_start3A_174] : memref<10240x128xf32, #tpu.memory_space<hbm>> -> memref<10240x128xf32, #tpu.memory_space<hbm>>
        tpu.enqueue_indirect_dma source(%dma_start3A_175 : memref<10240x128xf32, #tpu.memory_space<hbm>>) target(%arg8 : memref<128x128xf32, #tpu.memory_space<vmem>>) offsets(%dma_start3A_172 : memref<128xi32, #tpu.memory_space<vmem>>) semaphore(%arg11 : memref<!tpu.dma_semaphore, #tpu.memory_space<semaphore_mem>>)
      } else {
      }
      %dma_wait3A_155 = arith.constant 0 : i32
      %dma_wait3A_156 = arith.constant 0 : i32
      %dma_wait3A_157 = tpu.memref_slice %arg2[%dma_wait3A_155, %dma_wait3A_156] : memref<10240x128xf32, #tpu.memory_space<hbm>> -> memref<128x128xf32, #tpu.memory_space<hbm>>
      %dma_wait3A_158 = arith.constant 0 : i32
      %dma_wait3A_159 = arith.constant 0 : i32
      %dma_wait3A_160 = tpu.memref_slice %arg2[%dma_wait3A_158, %dma_wait3A_159] : memref<10240x128xf32, #tpu.memory_space<hbm>> -> memref<128x128xf32, #tpu.memory_space<hbm>>
      tpu.wait_dma2 semaphore(%arg12 : memref<!tpu.dma_semaphore, #tpu.memory_space<semaphore_mem>>) src(%dma_wait3A_160 : memref<128x128xf32, #tpu.memory_space<hbm>>) dst(%arg9 : memref<128x128xf32, #tpu.memory_space<vmem>>)
      %add3A_161 = arith.constant 1 : i32
      %add3A_162 = arith.addi %mul3A_144, %add3A_161 : i32
      "tpu.region"() ({
        %run_scoped3A = tpu.sem_alloc : memref<!tpu.dma_semaphore, #tpu.memory_space<semaphore_mem>>
        %dma_start3A = arith.constant 0 : i32
        %dma_start3A_169 = tpu.memref_slice %arg7[%add3A_162, %dma_start3A] : memref<40x128xi32, #tpu.memory_space<vmem>> -> memref<1x128xi32, #tpu.memory_space<vmem>>
        %dma_start3A_170 = tpu.memref_squeeze %dma_start3A_169 : memref<1x128xi32, #tpu.memory_space<vmem>> -> memref<128xi32, #tpu.memory_space<vmem>>
        %dma_start3A_171 = arith.constant 0 : i32
        %dma_start3A_172 = arith.constant 0 : i32
        %dma_start3A_173 = tpu.memref_slice %arg10[%dma_start3A_171, %dma_start3A_172] : memref<10240x128xf32, #tpu.memory_space<vmem_shared>> -> memref<10240x128xf32, #tpu.memory_space<vmem_shared>>
        tpu.enqueue_indirect_dma source(%arg9 : memref<128x128xf32, #tpu.memory_space<vmem>>) target(%dma_start3A_173 : memref<10240x128xf32, #tpu.memory_space<vmem_shared>>) offsets(%dma_start3A_170 : memref<128xi32, #tpu.memory_space<vmem>>) semaphore(%run_scoped3A : memref<!tpu.dma_semaphore, #tpu.memory_space<semaphore_mem>>) {add = true}
        %dma_wait3A_174 = arith.constant 0 : i32
        %dma_wait3A_175 = tpu.memref_slice %arg7[%add3A_162, %dma_wait3A_174] : memref<40x128xi32, #tpu.memory_space<vmem>> -> memref<1x128xi32, #tpu.memory_space<vmem>>
        %dma_wait3A_176 = tpu.memref_squeeze %dma_wait3A_175 : memref<1x128xi32, #tpu.memory_space<vmem>> -> memref<128xi32, #tpu.memory_space<vmem>>
        %dma_wait3A_177 = arith.constant 0 : i32
        %dma_wait3A_178 = arith.constant 0 : i32
        %dma_wait3A_179 = tpu.memref_slice %arg10[%dma_wait3A_177, %dma_wait3A_178] : memref<10240x128xf32, #tpu.memory_space<vmem_shared>> -> memref<10240x128xf32, #tpu.memory_space<vmem_shared>>
        tpu.wait_indirect_dma semaphore(%run_scoped3A : memref<!tpu.dma_semaphore, #tpu.memory_space<semaphore_mem>>) src(%arg9 : memref<128x128xf32, #tpu.memory_space<vmem>>) dst(%dma_wait3A_179 : memref<10240x128xf32, #tpu.memory_space<vmem_shared>>)
        tpu.yield
      }) : () -> ()
      %add3A_163 = arith.constant 3 : i32
      %add3A_164 = arith.addi %mul3A_144, %add3A_163 : i32
      %lt3A_165 = arith.cmpi slt, %add3A_164, %min3A_36 : i32
      %convert_element_type3A_166 = arith.extui %lt3A_165 : i1 to i32
      %cond3A_167 = arith.constant 0 : i32
      %cond3A_168 = arith.cmpi ne, %convert_element_type3A_166, %cond3A_167 : i32
      scf.if %cond3A_168 {
        %add3A_169 = arith.constant 3 : i32
        %add3A_170 = arith.addi %mul3A_144, %add3A_169 : i32
        %dma_start3A = arith.constant 0 : i32
        %dma_start3A_171 = tpu.memref_slice %arg6[%add3A_170, %dma_start3A] : memref<40x128xi32, #tpu.memory_space<vmem>> -> memref<1x128xi32, #tpu.memory_space<vmem>>
        %dma_start3A_172 = tpu.memref_squeeze %dma_start3A_171 : memref<1x128xi32, #tpu.memory_space<vmem>> -> memref<128xi32, #tpu.memory_space<vmem>>
        %dma_start3A_173 = arith.constant 0 : i32
        %dma_start3A_174 = arith.constant 0 : i32
        %dma_start3A_175 = tpu.memref_slice %arg2[%dma_start3A_173, %dma_start3A_174] : memref<10240x128xf32, #tpu.memory_space<hbm>> -> memref<10240x128xf32, #tpu.memory_space<hbm>>
        tpu.enqueue_indirect_dma source(%dma_start3A_175 : memref<10240x128xf32, #tpu.memory_space<hbm>>) target(%arg9 : memref<128x128xf32, #tpu.memory_space<vmem>>) offsets(%dma_start3A_172 : memref<128xi32, #tpu.memory_space<vmem>>) semaphore(%arg12 : memref<!tpu.dma_semaphore, #tpu.memory_space<semaphore_mem>>)
      } else {
      }
    }
    %sub3A_79 = arith.constant 40 : i32
    %sub3A_80 = arith.subi %min3A, %sub3A_79 : i32
    %jit3A_81 = arith.constant 0 : i32
    %jit3A_82 = arith.constant 40 : i32
    %max3A_83 = arith.maxsi %jit3A_81, %sub3A_80 : i32
    %min3A_84 = arith.minsi %jit3A_82, %max3A_83 : i32
    %mul3A_85 = arith.constant 80 : i32
    %mul3A_86 = arith.muli %add3A, %mul3A_85 : i32
    %add3A_87 = arith.constant 40 : i32
    %add3A_88 = arith.addi %mul3A_86, %add3A_87 : i32
    "tpu.region"() ({
      %run_scoped3A = tpu.sem_alloc : memref<!tpu.dma_semaphore, #tpu.memory_space<semaphore_mem>>
      %dma_start3A = arith.constant 0 : i32
      %dma_start3A_142 = tpu.memref_slice %arg3[%add3A_88, %dma_start3A] : memref<2560x128xi32, #tpu.memory_space<hbm>> -> memref<40x128xi32, #tpu.memory_space<hbm>>
      %dma_start3A_143 = arith.constant 0 : i32
      %dma_start3A_144 = tpu.memref_slice %arg3[%add3A_88, %dma_start3A_143] : memref<2560x128xi32, #tpu.memory_space<hbm>> -> memref<40x128xi32, #tpu.memory_space<hbm>>
      tpu.enqueue_dma source(%dma_start3A_144 : memref<40x128xi32, #tpu.memory_space<hbm>>) target(%arg6 : memref<40x128xi32, #tpu.memory_space<vmem>>) target_semaphore(%run_scoped3A : memref<!tpu.dma_semaphore, #tpu.memory_space<semaphore_mem>>)
      %dma_wait3A = arith.constant 0 : i32
      %dma_wait3A_145 = tpu.memref_slice %arg3[%add3A_88, %dma_wait3A] : memref<2560x128xi32, #tpu.memory_space<hbm>> -> memref<40x128xi32, #tpu.memory_space<hbm>>
      %dma_wait3A_146 = arith.constant 0 : i32
      %dma_wait3A_147 = tpu.memref_slice %arg3[%add3A_88, %dma_wait3A_146] : memref<2560x128xi32, #tpu.memory_space<hbm>> -> memref<40x128xi32, #tpu.memory_space<hbm>>
      tpu.wait_dma2 semaphore(%run_scoped3A : memref<!tpu.dma_semaphore, #tpu.memory_space<semaphore_mem>>) src(%dma_wait3A_147 : memref<40x128xi32, #tpu.memory_space<hbm>>) dst(%arg6 : memref<40x128xi32, #tpu.memory_space<vmem>>)
      tpu.yield
    }) : () -> ()
    %mul3A_89 = arith.constant 80 : i32
    %mul3A_90 = arith.muli %add3A, %mul3A_89 : i32
    %add3A_91 = arith.constant 40 : i32
    %add3A_92 = arith.addi %mul3A_90, %add3A_91 : i32
    "tpu.region"() ({
      %run_scoped3A = tpu.sem_alloc : memref<!tpu.dma_semaphore, #tpu.memory_space<semaphore_mem>>
      %dma_start3A = arith.constant 0 : i32
      %dma_start3A_142 = tpu.memref_slice %arg4[%add3A_92, %dma_start3A] : memref<2560x128xi32, #tpu.memory_space<hbm>> -> memref<40x128xi32, #tpu.memory_space<hbm>>
      %dma_start3A_143 = arith.constant 0 : i32
      %dma_start3A_144 = tpu.memref_slice %arg4[%add3A_92, %dma_start3A_143] : memref<2560x128xi32, #tpu.memory_space<hbm>> -> memref<40x128xi32, #tpu.memory_space<hbm>>
      tpu.enqueue_dma source(%dma_start3A_144 : memref<40x128xi32, #tpu.memory_space<hbm>>) target(%arg7 : memref<40x128xi32, #tpu.memory_space<vmem>>) target_semaphore(%run_scoped3A : memref<!tpu.dma_semaphore, #tpu.memory_space<semaphore_mem>>)
      %dma_wait3A = arith.constant 0 : i32
      %dma_wait3A_145 = tpu.memref_slice %arg4[%add3A_92, %dma_wait3A] : memref<2560x128xi32, #tpu.memory_space<hbm>> -> memref<40x128xi32, #tpu.memory_space<hbm>>
      %dma_wait3A_146 = arith.constant 0 : i32
      %dma_wait3A_147 = tpu.memref_slice %arg4[%add3A_92, %dma_wait3A_146] : memref<2560x128xi32, #tpu.memory_space<hbm>> -> memref<40x128xi32, #tpu.memory_space<hbm>>
      tpu.wait_dma2 semaphore(%run_scoped3A : memref<!tpu.dma_semaphore, #tpu.memory_space<semaphore_mem>>) src(%dma_wait3A_147 : memref<40x128xi32, #tpu.memory_space<hbm>>) dst(%arg7 : memref<40x128xi32, #tpu.memory_space<vmem>>)
      tpu.yield
    }) : () -> ()
    %gt3A_93 = arith.constant 0 : i32
    %gt3A_94 = arith.cmpi sgt, %min3A_84, %gt3A_93 : i32
    %convert_element_type3A_95 = arith.extui %gt3A_94 : i1 to i32
    %cond3A_96 = arith.constant 0 : i32
    %cond3A_97 = arith.cmpi ne, %convert_element_type3A_95, %cond3A_96 : i32
    scf.if %cond3A_97 {
      %dma_start3A = arith.constant 0 : i32
      %dma_start3A_142 = arith.constant 0 : i32
      %dma_start3A_143 = tpu.memref_slice %arg6[%dma_start3A, %dma_start3A_142] : memref<40x128xi32, #tpu.memory_space<vmem>> -> memref<1x128xi32, #tpu.memory_space<vmem>>
      %dma_start3A_144 = tpu.memref_squeeze %dma_start3A_143 : memref<1x128xi32, #tpu.memory_space<vmem>> -> memref<128xi32, #tpu.memory_space<vmem>>
      %dma_start3A_145 = arith.constant 0 : i32
      %dma_start3A_146 = arith.constant 0 : i32
      %dma_start3A_147 = tpu.memref_slice %arg2[%dma_start3A_145, %dma_start3A_146] : memref<10240x128xf32, #tpu.memory_space<hbm>> -> memref<10240x128xf32, #tpu.memory_space<hbm>>
      tpu.enqueue_indirect_dma source(%dma_start3A_147 : memref<10240x128xf32, #tpu.memory_space<hbm>>) target(%arg8 : memref<128x128xf32, #tpu.memory_space<vmem>>) offsets(%dma_start3A_144 : memref<128xi32, #tpu.memory_space<vmem>>) semaphore(%arg11 : memref<!tpu.dma_semaphore, #tpu.memory_space<semaphore_mem>>)
    } else {
    }
    %gt3A_98 = arith.constant 1 : i32
    %gt3A_99 = arith.cmpi sgt, %min3A_84, %gt3A_98 : i32
    %convert_element_type3A_100 = arith.extui %gt3A_99 : i1 to i32
    %cond3A_101 = arith.constant 0 : i32
    %cond3A_102 = arith.cmpi ne, %convert_element_type3A_100, %cond3A_101 : i32
    scf.if %cond3A_102 {
      %dma_start3A = arith.constant 1 : i32
      %dma_start3A_142 = arith.constant 0 : i32
      %dma_start3A_143 = tpu.memref_slice %arg6[%dma_start3A, %dma_start3A_142] : memref<40x128xi32, #tpu.memory_space<vmem>> -> memref<1x128xi32, #tpu.memory_space<vmem>>
      %dma_start3A_144 = tpu.memref_squeeze %dma_start3A_143 : memref<1x128xi32, #tpu.memory_space<vmem>> -> memref<128xi32, #tpu.memory_space<vmem>>
      %dma_start3A_145 = arith.constant 0 : i32
      %dma_start3A_146 = arith.constant 0 : i32
      %dma_start3A_147 = tpu.memref_slice %arg2[%dma_start3A_145, %dma_start3A_146] : memref<10240x128xf32, #tpu.memory_space<hbm>> -> memref<10240x128xf32, #tpu.memory_space<hbm>>
      tpu.enqueue_indirect_dma source(%dma_start3A_147 : memref<10240x128xf32, #tpu.memory_space<hbm>>) target(%arg9 : memref<128x128xf32, #tpu.memory_space<vmem>>) offsets(%dma_start3A_144 : memref<128xi32, #tpu.memory_space<vmem>>) semaphore(%arg12 : memref<!tpu.dma_semaphore, #tpu.memory_space<semaphore_mem>>)
    } else {
    }
    %jit3A_103 = arith.constant 2 : i32
    %div3A_104 = arith.divsi %min3A_84, %jit3A_103 : i32
    %sign3A_105 = arith.constant 0 : i32
    %sign3A_106 = arith.cmpi sgt, %min3A_84, %sign3A_105 : i32
    %sign3A_107 = arith.extui %sign3A_106 : i1 to i32
    %sign3A_108 = arith.constant 0 : i32
    %sign3A_109 = arith.cmpi slt, %min3A_84, %sign3A_108 : i32
    %sign3A_110 = arith.extui %sign3A_109 : i1 to i32
    %sign3A_111 = arith.subi %sign3A_107, %sign3A_110 : i32
    %sign3A_112 = arith.constant 0 : i32
    %sign3A_113 = arith.cmpi sgt, %jit3A_103, %sign3A_112 : i32
    %sign3A_114 = arith.extui %sign3A_113 : i1 to i32
    %sign3A_115 = arith.constant 0 : i32
    %sign3A_116 = arith.cmpi slt, %jit3A_103, %sign3A_115 : i32
    %sign3A_117 = arith.extui %sign3A_116 : i1 to i32
    %sign3A_118 = arith.subi %sign3A_114, %sign3A_117 : i32
    %ne3A_119 = arith.cmpi ne, %sign3A_111, %sign3A_118 : i32
    %rem3A_120 = arith.remsi %min3A_84, %jit3A_103 : i32
    %ne3A_121 = arith.constant 0 : i32
    %ne3A_122 = arith.cmpi ne, %rem3A_120, %ne3A_121 : i32
    %and3A_123 = arith.andi %ne3A_119, %ne3A_122 : i1
    %sub3A_124 = arith.constant 1 : i32
    %sub3A_125 = arith.subi %div3A_104, %sub3A_124 : i32
    %select_n3A_126 = arith.select %and3A_123, %sub3A_125, %div3A_104 : i32
    %while3A_127 = arith.constant 0 : i32
    %while3A_128 = arith.constant 0 : i32
    %while3A_129 = arith.subi %select_n3A_126, %while3A_128 : i32
    %while3A_130 = arith.addi %while3A_128, %while3A_129 : i32
    %while3A_131 = arith.constant 1 : i32
    %while3A_132 = arith.divsi %while3A_129, %while3A_131 : i32
    %while3A_133 = arith.muli %while3A_132, %while3A_131 : i32
    %while3A_134 = arith.addi %while3A_128, %while3A_133 : i32
    %while3A_135 = arith.constant 1 : i32
    scf.for %while3A_142 = %while3A_128 to %while3A_134 step %while3A_135  : i32 {
      %mul3A_143 = arith.constant 2 : i32
      %mul3A_144 = arith.muli %while3A_142, %mul3A_143 : i32
      %dma_wait3A = arith.constant 0 : i32
      %dma_wait3A_145 = arith.constant 0 : i32
      %dma_wait3A_146 = tpu.memref_slice %arg2[%dma_wait3A, %dma_wait3A_145] : memref<10240x128xf32, #tpu.memory_space<hbm>> -> memref<128x128xf32, #tpu.memory_space<hbm>>
      %dma_wait3A_147 = arith.constant 0 : i32
      %dma_wait3A_148 = arith.constant 0 : i32
      %dma_wait3A_149 = tpu.memref_slice %arg2[%dma_wait3A_147, %dma_wait3A_148] : memref<10240x128xf32, #tpu.memory_space<hbm>> -> memref<128x128xf32, #tpu.memory_space<hbm>>
      tpu.wait_dma2 semaphore(%arg11 : memref<!tpu.dma_semaphore, #tpu.memory_space<semaphore_mem>>) src(%dma_wait3A_149 : memref<128x128xf32, #tpu.memory_space<hbm>>) dst(%arg8 : memref<128x128xf32, #tpu.memory_space<vmem>>)
      "tpu.region"() ({
        %run_scoped3A = tpu.sem_alloc : memref<!tpu.dma_semaphore, #tpu.memory_space<semaphore_mem>>
        %dma_start3A = arith.constant 0 : i32
        %dma_start3A_169 = tpu.memref_slice %arg7[%mul3A_144, %dma_start3A] : memref<40x128xi32, #tpu.memory_space<vmem>> -> memref<1x128xi32, #tpu.memory_space<vmem>>
        %dma_start3A_170 = tpu.memref_squeeze %dma_start3A_169 : memref<1x128xi32, #tpu.memory_space<vmem>> -> memref<128xi32, #tpu.memory_space<vmem>>
        %dma_start3A_171 = arith.constant 0 : i32
        %dma_start3A_172 = arith.constant 0 : i32
        %dma_start3A_173 = tpu.memref_slice %arg10[%dma_start3A_171, %dma_start3A_172] : memref<10240x128xf32, #tpu.memory_space<vmem_shared>> -> memref<10240x128xf32, #tpu.memory_space<vmem_shared>>
        tpu.enqueue_indirect_dma source(%arg8 : memref<128x128xf32, #tpu.memory_space<vmem>>) target(%dma_start3A_173 : memref<10240x128xf32, #tpu.memory_space<vmem_shared>>) offsets(%dma_start3A_170 : memref<128xi32, #tpu.memory_space<vmem>>) semaphore(%run_scoped3A : memref<!tpu.dma_semaphore, #tpu.memory_space<semaphore_mem>>) {add = true}
        %dma_wait3A_174 = arith.constant 0 : i32
        %dma_wait3A_175 = tpu.memref_slice %arg7[%mul3A_144, %dma_wait3A_174] : memref<40x128xi32, #tpu.memory_space<vmem>> -> memref<1x128xi32, #tpu.memory_space<vmem>>
        %dma_wait3A_176 = tpu.memref_squeeze %dma_wait3A_175 : memref<1x128xi32, #tpu.memory_space<vmem>> -> memref<128xi32, #tpu.memory_space<vmem>>
        %dma_wait3A_177 = arith.constant 0 : i32
        %dma_wait3A_178 = arith.constant 0 : i32
        %dma_wait3A_179 = tpu.memref_slice %arg10[%dma_wait3A_177, %dma_wait3A_178] : memref<10240x128xf32, #tpu.memory_space<vmem_shared>> -> memref<10240x128xf32, #tpu.memory_space<vmem_shared>>
        tpu.wait_indirect_dma semaphore(%run_scoped3A : memref<!tpu.dma_semaphore, #tpu.memory_space<semaphore_mem>>) src(%arg8 : memref<128x128xf32, #tpu.memory_space<vmem>>) dst(%dma_wait3A_179 : memref<10240x128xf32, #tpu.memory_space<vmem_shared>>)
        tpu.yield
      }) : () -> ()
      %add3A_150 = arith.constant 2 : i32
      %add3A_151 = arith.addi %mul3A_144, %add3A_150 : i32
      %lt3A = arith.cmpi slt, %add3A_151, %min3A_84 : i32
      %convert_element_type3A_152 = arith.extui %lt3A : i1 to i32
      %cond3A_153 = arith.constant 0 : i32
      %cond3A_154 = arith.cmpi ne, %convert_element_type3A_152, %cond3A_153 : i32
      scf.if %cond3A_154 {
        %add3A_169 = arith.constant 2 : i32
        %add3A_170 = arith.addi %mul3A_144, %add3A_169 : i32
        %dma_start3A = arith.constant 0 : i32
        %dma_start3A_171 = tpu.memref_slice %arg6[%add3A_170, %dma_start3A] : memref<40x128xi32, #tpu.memory_space<vmem>> -> memref<1x128xi32, #tpu.memory_space<vmem>>
        %dma_start3A_172 = tpu.memref_squeeze %dma_start3A_171 : memref<1x128xi32, #tpu.memory_space<vmem>> -> memref<128xi32, #tpu.memory_space<vmem>>
        %dma_start3A_173 = arith.constant 0 : i32
        %dma_start3A_174 = arith.constant 0 : i32
        %dma_start3A_175 = tpu.memref_slice %arg2[%dma_start3A_173, %dma_start3A_174] : memref<10240x128xf32, #tpu.memory_space<hbm>> -> memref<10240x128xf32, #tpu.memory_space<hbm>>
        tpu.enqueue_indirect_dma source(%dma_start3A_175 : memref<10240x128xf32, #tpu.memory_space<hbm>>) target(%arg8 : memref<128x128xf32, #tpu.memory_space<vmem>>) offsets(%dma_start3A_172 : memref<128xi32, #tpu.memory_space<vmem>>) semaphore(%arg11 : memref<!tpu.dma_semaphore, #tpu.memory_space<semaphore_mem>>)
      } else {
      }
      %dma_wait3A_155 = arith.constant 0 : i32
      %dma_wait3A_156 = arith.constant 0 : i32
      %dma_wait3A_157 = tpu.memref_slice %arg2[%dma_wait3A_155, %dma_wait3A_156] : memref<10240x128xf32, #tpu.memory_space<hbm>> -> memref<128x128xf32, #tpu.memory_space<hbm>>
      %dma_wait3A_158 = arith.constant 0 : i32
      %dma_wait3A_159 = arith.constant 0 : i32
      %dma_wait3A_160 = tpu.memref_slice %arg2[%dma_wait3A_158, %dma_wait3A_159] : memref<10240x128xf32, #tpu.memory_space<hbm>> -> memref<128x128xf32, #tpu.memory_space<hbm>>
      tpu.wait_dma2 semaphore(%arg12 : memref<!tpu.dma_semaphore, #tpu.memory_space<semaphore_mem>>) src(%dma_wait3A_160 : memref<128x128xf32, #tpu.memory_space<hbm>>) dst(%arg9 : memref<128x128xf32, #tpu.memory_space<vmem>>)
      %add3A_161 = arith.constant 1 : i32
      %add3A_162 = arith.addi %mul3A_144, %add3A_161 : i32
      "tpu.region"() ({
        %run_scoped3A = tpu.sem_alloc : memref<!tpu.dma_semaphore, #tpu.memory_space<semaphore_mem>>
        %dma_start3A = arith.constant 0 : i32
        %dma_start3A_169 = tpu.memref_slice %arg7[%add3A_162, %dma_start3A] : memref<40x128xi32, #tpu.memory_space<vmem>> -> memref<1x128xi32, #tpu.memory_space<vmem>>
        %dma_start3A_170 = tpu.memref_squeeze %dma_start3A_169 : memref<1x128xi32, #tpu.memory_space<vmem>> -> memref<128xi32, #tpu.memory_space<vmem>>
        %dma_start3A_171 = arith.constant 0 : i32
        %dma_start3A_172 = arith.constant 0 : i32
        %dma_start3A_173 = tpu.memref_slice %arg10[%dma_start3A_171, %dma_start3A_172] : memref<10240x128xf32, #tpu.memory_space<vmem_shared>> -> memref<10240x128xf32, #tpu.memory_space<vmem_shared>>
        tpu.enqueue_indirect_dma source(%arg9 : memref<128x128xf32, #tpu.memory_space<vmem>>) target(%dma_start3A_173 : memref<10240x128xf32, #tpu.memory_space<vmem_shared>>) offsets(%dma_start3A_170 : memref<128xi32, #tpu.memory_space<vmem>>) semaphore(%run_scoped3A : memref<!tpu.dma_semaphore, #tpu.memory_space<semaphore_mem>>) {add = true}
        %dma_wait3A_174 = arith.constant 0 : i32
        %dma_wait3A_175 = tpu.memref_slice %arg7[%add3A_162, %dma_wait3A_174] : memref<40x128xi32, #tpu.memory_space<vmem>> -> memref<1x128xi32, #tpu.memory_space<vmem>>
        %dma_wait3A_176 = tpu.memref_squeeze %dma_wait3A_175 : memref<1x128xi32, #tpu.memory_space<vmem>> -> memref<128xi32, #tpu.memory_space<vmem>>
        %dma_wait3A_177 = arith.constant 0 : i32
        %dma_wait3A_178 = arith.constant 0 : i32
        %dma_wait3A_179 = tpu.memref_slice %arg10[%dma_wait3A_177, %dma_wait3A_178] : memref<10240x128xf32, #tpu.memory_space<vmem_shared>> -> memref<10240x128xf32, #tpu.memory_space<vmem_shared>>
        tpu.wait_indirect_dma semaphore(%run_scoped3A : memref<!tpu.dma_semaphore, #tpu.memory_space<semaphore_mem>>) src(%arg9 : memref<128x128xf32, #tpu.memory_space<vmem>>) dst(%dma_wait3A_179 : memref<10240x128xf32, #tpu.memory_space<vmem_shared>>)
        tpu.yield
      }) : () -> ()
      %add3A_163 = arith.constant 3 : i32
      %add3A_164 = arith.addi %mul3A_144, %add3A_163 : i32
      %lt3A_165 = arith.cmpi slt, %add3A_164, %min3A_84 : i32
      %convert_element_type3A_166 = arith.extui %lt3A_165 : i1 to i32
      %cond3A_167 = arith.constant 0 : i32
      %cond3A_168 = arith.cmpi ne, %convert_element_type3A_166, %cond3A_167 : i32
      scf.if %cond3A_168 {
        %add3A_169 = arith.constant 3 : i32
        %add3A_170 = arith.addi %mul3A_144, %add3A_169 : i32
        %dma_start3A = arith.constant 0 : i32
        %dma_start3A_171 = tpu.memref_slice %arg6[%add3A_170, %dma_start3A] : memref<40x128xi32, #tpu.memory_space<vmem>> -> memref<1x128xi32, #tpu.memory_space<vmem>>
        %dma_start3A_172 = tpu.memref_squeeze %dma_start3A_171 : memref<1x128xi32, #tpu.memory_space<vmem>> -> memref<128xi32, #tpu.memory_space<vmem>>
        %dma_start3A_173 = arith.constant 0 : i32
        %dma_start3A_174 = arith.constant 0 : i32
        %dma_start3A_175 = tpu.memref_slice %arg2[%dma_start3A_173, %dma_start3A_174] : memref<10240x128xf32, #tpu.memory_space<hbm>> -> memref<10240x128xf32, #tpu.memory_space<hbm>>
        tpu.enqueue_indirect_dma source(%dma_start3A_175 : memref<10240x128xf32, #tpu.memory_space<hbm>>) target(%arg9 : memref<128x128xf32, #tpu.memory_space<vmem>>) offsets(%dma_start3A_172 : memref<128xi32, #tpu.memory_space<vmem>>) semaphore(%arg12 : memref<!tpu.dma_semaphore, #tpu.memory_space<semaphore_mem>>)
      } else {
      }
    }
    %while3A_136 = arith.constant 1 : i32
    scf.for %while3A_142 = %while3A_134 to %while3A_130 step %while3A_136  : i32 {
      %mul3A_143 = arith.constant 2 : i32
      %mul3A_144 = arith.muli %while3A_142, %mul3A_143 : i32
      %dma_wait3A = arith.constant 0 : i32
      %dma_wait3A_145 = arith.constant 0 : i32
      %dma_wait3A_146 = tpu.memref_slice %arg2[%dma_wait3A, %dma_wait3A_145] : memref<10240x128xf32, #tpu.memory_space<hbm>> -> memref<128x128xf32, #tpu.memory_space<hbm>>
      %dma_wait3A_147 = arith.constant 0 : i32
      %dma_wait3A_148 = arith.constant 0 : i32
      %dma_wait3A_149 = tpu.memref_slice %arg2[%dma_wait3A_147, %dma_wait3A_148] : memref<10240x128xf32, #tpu.memory_space<hbm>> -> memref<128x128xf32, #tpu.memory_space<hbm>>
      tpu.wait_dma2 semaphore(%arg11 : memref<!tpu.dma_semaphore, #tpu.memory_space<semaphore_mem>>) src(%dma_wait3A_149 : memref<128x128xf32, #tpu.memory_space<hbm>>) dst(%arg8 : memref<128x128xf32, #tpu.memory_space<vmem>>)
      "tpu.region"() ({
        %run_scoped3A = tpu.sem_alloc : memref<!tpu.dma_semaphore, #tpu.memory_space<semaphore_mem>>
        %dma_start3A = arith.constant 0 : i32
        %dma_start3A_169 = tpu.memref_slice %arg7[%mul3A_144, %dma_start3A] : memref<40x128xi32, #tpu.memory_space<vmem>> -> memref<1x128xi32, #tpu.memory_space<vmem>>
        %dma_start3A_170 = tpu.memref_squeeze %dma_start3A_169 : memref<1x128xi32, #tpu.memory_space<vmem>> -> memref<128xi32, #tpu.memory_space<vmem>>
        %dma_start3A_171 = arith.constant 0 : i32
        %dma_start3A_172 = arith.constant 0 : i32
        %dma_start3A_173 = tpu.memref_slice %arg10[%dma_start3A_171, %dma_start3A_172] : memref<10240x128xf32, #tpu.memory_space<vmem_shared>> -> memref<10240x128xf32, #tpu.memory_space<vmem_shared>>
        tpu.enqueue_indirect_dma source(%arg8 : memref<128x128xf32, #tpu.memory_space<vmem>>) target(%dma_start3A_173 : memref<10240x128xf32, #tpu.memory_space<vmem_shared>>) offsets(%dma_start3A_170 : memref<128xi32, #tpu.memory_space<vmem>>) semaphore(%run_scoped3A : memref<!tpu.dma_semaphore, #tpu.memory_space<semaphore_mem>>) {add = true}
        %dma_wait3A_174 = arith.constant 0 : i32
        %dma_wait3A_175 = tpu.memref_slice %arg7[%mul3A_144, %dma_wait3A_174] : memref<40x128xi32, #tpu.memory_space<vmem>> -> memref<1x128xi32, #tpu.memory_space<vmem>>
        %dma_wait3A_176 = tpu.memref_squeeze %dma_wait3A_175 : memref<1x128xi32, #tpu.memory_space<vmem>> -> memref<128xi32, #tpu.memory_space<vmem>>
        %dma_wait3A_177 = arith.constant 0 : i32
        %dma_wait3A_178 = arith.constant 0 : i32
        %dma_wait3A_179 = tpu.memref_slice %arg10[%dma_wait3A_177, %dma_wait3A_178] : memref<10240x128xf32, #tpu.memory_space<vmem_shared>> -> memref<10240x128xf32, #tpu.memory_space<vmem_shared>>
        tpu.wait_indirect_dma semaphore(%run_scoped3A : memref<!tpu.dma_semaphore, #tpu.memory_space<semaphore_mem>>) src(%arg8 : memref<128x128xf32, #tpu.memory_space<vmem>>) dst(%dma_wait3A_179 : memref<10240x128xf32, #tpu.memory_space<vmem_shared>>)
        tpu.yield
      }) : () -> ()
      %add3A_150 = arith.constant 2 : i32
      %add3A_151 = arith.addi %mul3A_144, %add3A_150 : i32
      %lt3A = arith.cmpi slt, %add3A_151, %min3A_84 : i32
      %convert_element_type3A_152 = arith.extui %lt3A : i1 to i32
      %cond3A_153 = arith.constant 0 : i32
      %cond3A_154 = arith.cmpi ne, %convert_element_type3A_152, %cond3A_153 : i32
      scf.if %cond3A_154 {
        %add3A_169 = arith.constant 2 : i32
        %add3A_170 = arith.addi %mul3A_144, %add3A_169 : i32
        %dma_start3A = arith.constant 0 : i32
        %dma_start3A_171 = tpu.memref_slice %arg6[%add3A_170, %dma_start3A] : memref<40x128xi32, #tpu.memory_space<vmem>> -> memref<1x128xi32, #tpu.memory_space<vmem>>
        %dma_start3A_172 = tpu.memref_squeeze %dma_start3A_171 : memref<1x128xi32, #tpu.memory_space<vmem>> -> memref<128xi32, #tpu.memory_space<vmem>>
        %dma_start3A_173 = arith.constant 0 : i32
        %dma_start3A_174 = arith.constant 0 : i32
        %dma_start3A_175 = tpu.memref_slice %arg2[%dma_start3A_173, %dma_start3A_174] : memref<10240x128xf32, #tpu.memory_space<hbm>> -> memref<10240x128xf32, #tpu.memory_space<hbm>>
        tpu.enqueue_indirect_dma source(%dma_start3A_175 : memref<10240x128xf32, #tpu.memory_space<hbm>>) target(%arg8 : memref<128x128xf32, #tpu.memory_space<vmem>>) offsets(%dma_start3A_172 : memref<128xi32, #tpu.memory_space<vmem>>) semaphore(%arg11 : memref<!tpu.dma_semaphore, #tpu.memory_space<semaphore_mem>>)
      } else {
      }
      %dma_wait3A_155 = arith.constant 0 : i32
      %dma_wait3A_156 = arith.constant 0 : i32
      %dma_wait3A_157 = tpu.memref_slice %arg2[%dma_wait3A_155, %dma_wait3A_156] : memref<10240x128xf32, #tpu.memory_space<hbm>> -> memref<128x128xf32, #tpu.memory_space<hbm>>
      %dma_wait3A_158 = arith.constant 0 : i32
      %dma_wait3A_159 = arith.constant 0 : i32
      %dma_wait3A_160 = tpu.memref_slice %arg2[%dma_wait3A_158, %dma_wait3A_159] : memref<10240x128xf32, #tpu.memory_space<hbm>> -> memref<128x128xf32, #tpu.memory_space<hbm>>
      tpu.wait_dma2 semaphore(%arg12 : memref<!tpu.dma_semaphore, #tpu.memory_space<semaphore_mem>>) src(%dma_wait3A_160 : memref<128x128xf32, #tpu.memory_space<hbm>>) dst(%arg9 : memref<128x128xf32, #tpu.memory_space<vmem>>)
      %add3A_161 = arith.constant 1 : i32
      %add3A_162 = arith.addi %mul3A_144, %add3A_161 : i32
      "tpu.region"() ({
        %run_scoped3A = tpu.sem_alloc : memref<!tpu.dma_semaphore, #tpu.memory_space<semaphore_mem>>
        %dma_start3A = arith.constant 0 : i32
        %dma_start3A_169 = tpu.memref_slice %arg7[%add3A_162, %dma_start3A] : memref<40x128xi32, #tpu.memory_space<vmem>> -> memref<1x128xi32, #tpu.memory_space<vmem>>
        %dma_start3A_170 = tpu.memref_squeeze %dma_start3A_169 : memref<1x128xi32, #tpu.memory_space<vmem>> -> memref<128xi32, #tpu.memory_space<vmem>>
        %dma_start3A_171 = arith.constant 0 : i32
        %dma_start3A_172 = arith.constant 0 : i32
        %dma_start3A_173 = tpu.memref_slice %arg10[%dma_start3A_171, %dma_start3A_172] : memref<10240x128xf32, #tpu.memory_space<vmem_shared>> -> memref<10240x128xf32, #tpu.memory_space<vmem_shared>>
        tpu.enqueue_indirect_dma source(%arg9 : memref<128x128xf32, #tpu.memory_space<vmem>>) target(%dma_start3A_173 : memref<10240x128xf32, #tpu.memory_space<vmem_shared>>) offsets(%dma_start3A_170 : memref<128xi32, #tpu.memory_space<vmem>>) semaphore(%run_scoped3A : memref<!tpu.dma_semaphore, #tpu.memory_space<semaphore_mem>>) {add = true}
        %dma_wait3A_174 = arith.constant 0 : i32
        %dma_wait3A_175 = tpu.memref_slice %arg7[%add3A_162, %dma_wait3A_174] : memref<40x128xi32, #tpu.memory_space<vmem>> -> memref<1x128xi32, #tpu.memory_space<vmem>>
        %dma_wait3A_176 = tpu.memref_squeeze %dma_wait3A_175 : memref<1x128xi32, #tpu.memory_space<vmem>> -> memref<128xi32, #tpu.memory_space<vmem>>
        %dma_wait3A_177 = arith.constant 0 : i32
        %dma_wait3A_178 = arith.constant 0 : i32
        %dma_wait3A_179 = tpu.memref_slice %arg10[%dma_wait3A_177, %dma_wait3A_178] : memref<10240x128xf32, #tpu.memory_space<vmem_shared>> -> memref<10240x128xf32, #tpu.memory_space<vmem_shared>>
        tpu.wait_indirect_dma semaphore(%run_scoped3A : memref<!tpu.dma_semaphore, #tpu.memory_space<semaphore_mem>>) src(%arg9 : memref<128x128xf32, #tpu.memory_space<vmem>>) dst(%dma_wait3A_179 : memref<10240x128xf32, #tpu.memory_space<vmem_shared>>)
        tpu.yield
      }) : () -> ()
      %add3A_163 = arith.constant 3 : i32
      %add3A_164 = arith.addi %mul3A_144, %add3A_163 : i32
      %lt3A_165 = arith.cmpi slt, %add3A_164, %min3A_84 : i32
      %convert_element_type3A_166 = arith.extui %lt3A_165 : i1 to i32
      %cond3A_167 = arith.constant 0 : i32
      %cond3A_168 = arith.cmpi ne, %convert_element_type3A_166, %cond3A_167 : i32
      scf.if %cond3A_168 {
        %add3A_169 = arith.constant 3 : i32
        %add3A_170 = arith.addi %mul3A_144, %add3A_169 : i32
        %dma_start3A = arith.constant 0 : i32
        %dma_start3A_171 = tpu.memref_slice %arg6[%add3A_170, %dma_start3A] : memref<40x128xi32, #tpu.memory_space<vmem>> -> memref<1x128xi32, #tpu.memory_space<vmem>>
        %dma_start3A_172 = tpu.memref_squeeze %dma_start3A_171 : memref<1x128xi32, #tpu.memory_space<vmem>> -> memref<128xi32, #tpu.memory_space<vmem>>
        %dma_start3A_173 = arith.constant 0 : i32
        %dma_start3A_174 = arith.constant 0 : i32
        %dma_start3A_175 = tpu.memref_slice %arg2[%dma_start3A_173, %dma_start3A_174] : memref<10240x128xf32, #tpu.memory_space<hbm>> -> memref<10240x128xf32, #tpu.memory_space<hbm>>
        tpu.enqueue_indirect_dma source(%dma_start3A_175 : memref<10240x128xf32, #tpu.memory_space<hbm>>) target(%arg9 : memref<128x128xf32, #tpu.memory_space<vmem>>) offsets(%dma_start3A_172 : memref<128xi32, #tpu.memory_space<vmem>>) semaphore(%arg12 : memref<!tpu.dma_semaphore, #tpu.memory_space<semaphore_mem>>)
      } else {
      }
    }
    %barrier3A_137 = arith.constant 0 : index
    tpu.barrier barrier_id(%barrier3A_137)
    %mul3A_138 = arith.constant 640 : i32
    %mul3A_139 = arith.muli %arg1, %mul3A_138 : i32
    %mul3A_140 = arith.constant 640 : i32
    %mul3A_141 = arith.muli %arg1, %mul3A_140 : i32
    "tpu.region"() ({
      %run_scoped3A = tpu.sem_alloc : memref<!tpu.dma_semaphore, #tpu.memory_space<semaphore_mem>>
      %dma_start3A = arith.constant 0 : i32
      %dma_start3A_142 = tpu.memref_slice %arg5[%arg0, %mul3A_141, %dma_start3A] : memref<2x10240x128xf32, #tpu.memory_space<hbm>> -> memref<1x640x128xf32, #tpu.memory_space<hbm>>
      %dma_start3A_143 = tpu.memref_squeeze %dma_start3A_142 : memref<1x640x128xf32, #tpu.memory_space<hbm>> -> memref<640x128xf32, #tpu.memory_space<hbm>>
      %dma_start3A_144 = arith.constant 0 : i32
      %dma_start3A_145 = tpu.memref_slice %arg10[%mul3A_139, %dma_start3A_144] : memref<10240x128xf32, #tpu.memory_space<vmem_shared>> -> memref<640x128xf32, #tpu.memory_space<vmem_shared>>
      tpu.enqueue_dma source(%dma_start3A_145 : memref<640x128xf32, #tpu.memory_space<vmem_shared>>) target(%dma_start3A_143 : memref<640x128xf32, #tpu.memory_space<hbm>>) target_semaphore(%run_scoped3A : memref<!tpu.dma_semaphore, #tpu.memory_space<semaphore_mem>>)
      %dma_wait3A = arith.constant 0 : i32
      %dma_wait3A_146 = tpu.memref_slice %arg5[%arg0, %mul3A_141, %dma_wait3A] : memref<2x10240x128xf32, #tpu.memory_space<hbm>> -> memref<1x640x128xf32, #tpu.memory_space<hbm>>
      %dma_wait3A_147 = tpu.memref_squeeze %dma_wait3A_146 : memref<1x640x128xf32, #tpu.memory_space<hbm>> -> memref<640x128xf32, #tpu.memory_space<hbm>>
      %dma_wait3A_148 = arith.constant 0 : i32
      %dma_wait3A_149 = tpu.memref_slice %arg10[%mul3A_139, %dma_wait3A_148] : memref<10240x128xf32, #tpu.memory_space<vmem_shared>> -> memref<640x128xf32, #tpu.memory_space<vmem_shared>>
      tpu.wait_dma2 semaphore(%run_scoped3A : memref<!tpu.dma_semaphore, #tpu.memory_space<semaphore_mem>>) src(%dma_wait3A_149 : memref<640x128xf32, #tpu.memory_space<vmem_shared>>) dst(%dma_wait3A_147 : memref<640x128xf32, #tpu.memory_space<hbm>>)
      tpu.yield
    }) : () -> ()
    return
  }
}

module attributes {stable_mosaic.version = 14 : i64} {
  func.func @_tc_head_body(%arg0: i32, %arg1: memref<2000x128xf32, #tpu.memory_space<vmem>>, %arg2: memref<2x2000x1xf32, #tpu.memory_space<vmem>>, %arg3: memref<128x128xf32, #tpu.memory_space<vmem>>, %arg4: memref<1x128xf32, #tpu.memory_space<vmem>>, %arg5: memref<128x128xf32, #tpu.memory_space<vmem>>, %arg6: memref<2000x128xf32, #tpu.memory_space<vmem>>) attributes {dimension_semantics = [#tpu.dimension_semantics<arbitrary>], iteration_bounds = array<i64: 5>, scalar_prefetch = 0 : i64, scratch_operands = 0 : i64, tpu.core_type = #tpu.core_type<tc>, window_params = [{transform_indices = @transform_0, window_bounds = array<i64: 2000, 128>}, {transform_indices = @transform_1, window_bounds = array<i64: 2, 2000, 1>}, {pipeline_mode = #tpu.pipeline_mode<synchronous>, transform_indices = @transform_2, window_bounds = array<i64: 128, 128>}, {pipeline_mode = #tpu.pipeline_mode<synchronous>, transform_indices = @transform_3, window_bounds = array<i64: 1, 128>}, {pipeline_mode = #tpu.pipeline_mode<synchronous>, transform_indices = @transform_4, window_bounds = array<i64: 128, 128>}, {transform_indices = @transform_5, window_bounds = array<i64: 2000, 128>}]} {
    %get3A = arith.constant 0 : index
    %get3A_0 = arith.constant 0 : index
    %get3A_1 = arith.constant 0 : index
    %get3A_2 = vector.load %arg2[%get3A, %get3A_0, %get3A_1] : memref<2x2000x1xf32, #tpu.memory_space<vmem>>, vector<1x2000x1xf32>
    %get3A_3 = vector.shape_cast %get3A_2 : vector<1x2000x1xf32> to vector<2000x1xf32>
    %get3A_4 = arith.constant 1 : index
    %get3A_5 = arith.constant 0 : index
    %get3A_6 = arith.constant 0 : index
    %get3A_7 = vector.load %arg2[%get3A_4, %get3A_5, %get3A_6] : memref<2x2000x1xf32, #tpu.memory_space<vmem>>, vector<1x2000x1xf32>
    %get3A_8 = vector.shape_cast %get3A_7 : vector<1x2000x1xf32> to vector<2000x1xf32>
    %add3A = arith.addf %get3A_3, %get3A_8 : vector<2000x1xf32>
    %add3A_9 = arith.constant 1.000000e+00 : f32
    %add3A_10 = vector.broadcast %add3A_9 : f32 to vector<2000x1xf32>
    %add3A_11 = arith.addf %add3A, %add3A_10 : vector<2000x1xf32>
    %rsqrt3A = math.rsqrt %add3A_11 : vector<2000x1xf32>
    %get3A_12 = arith.constant 0 : index
    %get3A_13 = arith.constant 0 : index
    %get3A_14 = vector.load %arg1[%get3A_12, %get3A_13] : memref<2000x128xf32, #tpu.memory_space<vmem>>, vector<2000x128xf32>
    %get3A_15 = arith.constant 0 : index
    %get3A_16 = arith.constant 0 : index
    %get3A_17 = vector.load %arg3[%get3A_15, %get3A_16] : memref<128x128xf32, #tpu.memory_space<vmem>>, vector<128x128xf32>
    %dot_general3A = arith.constant dense<0.000000e+00> : vector<2000x128xf32>
    %dot_general3A_18 = tpu.matmul %get3A_14, %get3A_17, %dot_general3A {dimension_numbers = #tpu.dot_dimension_numbers<[1], [0], [0], [1], [0, 0, 1, 1], [], []>, transpose_lhs_hint = false} : vector<2000x128xf32>, vector<128x128xf32>, vector<2000x128xf32> -> vector<2000x128xf32>
    %get3A_19 = arith.constant 0 : index
    %get3A_20 = arith.constant 0 : index
    %get3A_21 = vector.load %arg4[%get3A_19, %get3A_20] : memref<1x128xf32, #tpu.memory_space<vmem>>, vector<1x128xf32>
    %add3A_22 = vector.broadcast %get3A_21 : vector<1x128xf32> to vector<2000x128xf32>
    %add3A_23 = arith.addf %dot_general3A_18, %add3A_22 : vector<2000x128xf32>
    %logistic3A = arith.negf %add3A_23 : vector<2000x128xf32>
    %logistic3A_24 = math.exp %logistic3A : vector<2000x128xf32>
    %logistic3A_25 = arith.constant 1.000000e+00 : f32
    %logistic3A_26 = vector.broadcast %logistic3A_25 : f32 to vector<2000x128xf32>
    %logistic3A_27 = arith.addf %logistic3A_26, %logistic3A_24 : vector<2000x128xf32>
    %logistic3A_28 = arith.divf %logistic3A_26, %logistic3A_27 : vector<2000x128xf32>
    %get3A_29 = arith.constant 0 : index
    %get3A_30 = arith.constant 0 : index
    %get3A_31 = vector.load %arg5[%get3A_29, %get3A_30] : memref<128x128xf32, #tpu.memory_space<vmem>>, vector<128x128xf32>
    %dot_general3A_32 = arith.constant dense<0.000000e+00> : vector<2000x128xf32>
    %dot_general3A_33 = tpu.matmul %logistic3A_28, %get3A_31, %dot_general3A_32 {dimension_numbers = #tpu.dot_dimension_numbers<[1], [0], [0], [1], [0, 0, 1, 1], [], []>, transpose_lhs_hint = false} : vector<2000x128xf32>, vector<128x128xf32>, vector<2000x128xf32> -> vector<2000x128xf32>
    %mul3A = vector.broadcast %rsqrt3A : vector<2000x1xf32> to vector<2000x128xf32>
    %mul3A_34 = arith.mulf %mul3A, %dot_general3A_33 : vector<2000x128xf32>
    %swap3A = arith.constant 0 : index
    %swap3A_35 = arith.constant 0 : index
    %swap3A_36 = vector.load %arg6[%swap3A, %swap3A_35] : memref<2000x128xf32, #tpu.memory_space<vmem>>, vector<2000x128xf32>
    tpu.vector_store %arg6[%swap3A, %swap3A_35], %mul3A_34 {strides = array<i32>} : memref<2000x128xf32, #tpu.memory_space<vmem>>, vector<2000x128xf32>,
    return
  }
  func.func @transform_0(%arg0: i32) -> (i32, i32) {
    %c0_i32 = arith.constant 0 : i32
    %c0_i32_0 = arith.constant 0 : i32
    return %arg0, %c0_i32 : i32, i32
  }
  func.func @transform_1(%arg0: i32) -> (i32, i32, i32) {
    %c0_i32 = arith.constant 0 : i32
    %c0_i32_0 = arith.constant 0 : i32
    %c0_i32_1 = arith.constant 0 : i32
    return %c0_i32, %arg0, %c0_i32_0 : i32, i32, i32
  }
  func.func @transform_2(%arg0: i32) -> (i32, i32) {
    %c0_i32 = arith.constant 0 : i32
    %c0_i32_0 = arith.constant 0 : i32
    %c0_i32_1 = arith.constant 0 : i32
    return %c0_i32, %c0_i32_0 : i32, i32
  }
  func.func @transform_3(%arg0: i32) -> (i32, i32) {
    %c0_i32 = arith.constant 0 : i32
    %c0_i32_0 = arith.constant 0 : i32
    %c0_i32_1 = arith.constant 0 : i32
    return %c0_i32, %c0_i32_0 : i32, i32
  }
  func.func @transform_4(%arg0: i32) -> (i32, i32) {
    %c0_i32 = arith.constant 0 : i32
    %c0_i32_0 = arith.constant 0 : i32
    %c0_i32_1 = arith.constant 0 : i32
    return %c0_i32, %c0_i32_0 : i32, i32
  }
  func.func @transform_5(%arg0: i32) -> (i32, i32) {
    %c0_i32 = arith.constant 0 : i32
    %c0_i32_0 = arith.constant 0 : i32
    return %arg0, %c0_i32 : i32, i32
  }
}

module attributes {stable_mosaic.version = 14 : i64} {
  func.func @_tc_mid_body(%arg0: i32, %arg1: memref<2x2000x128xf32, #tpu.memory_space<vmem>>, %arg2: memref<2000x128xf32, #tpu.memory_space<vmem>>, %arg3: memref<2x2000x1xf32, #tpu.memory_space<vmem>>, %arg4: memref<1x128xf32, #tpu.memory_space<vmem>>, %arg5: memref<128x128xf32, #tpu.memory_space<vmem>>, %arg6: memref<2000x128xf32, #tpu.memory_space<vmem>>) attributes {dimension_semantics = [#tpu.dimension_semantics<arbitrary>], iteration_bounds = array<i64: 5>, scalar_prefetch = 0 : i64, scratch_operands = 0 : i64, tpu.core_type = #tpu.core_type<tc>, window_params = [{transform_indices = @transform_0, window_bounds = array<i64: 2, 2000, 128>}, {transform_indices = @transform_1, window_bounds = array<i64: 2000, 128>}, {transform_indices = @transform_2, window_bounds = array<i64: 2, 2000, 1>}, {pipeline_mode = #tpu.pipeline_mode<synchronous>, transform_indices = @transform_3, window_bounds = array<i64: 1, 128>}, {pipeline_mode = #tpu.pipeline_mode<synchronous>, transform_indices = @transform_4, window_bounds = array<i64: 128, 128>}, {transform_indices = @transform_5, window_bounds = array<i64: 2000, 128>}]} {
    %get3A = arith.constant 0 : index
    %get3A_0 = arith.constant 0 : index
    %get3A_1 = arith.constant 0 : index
    %get3A_2 = vector.load %arg3[%get3A, %get3A_0, %get3A_1] : memref<2x2000x1xf32, #tpu.memory_space<vmem>>, vector<1x2000x1xf32>
    %get3A_3 = vector.shape_cast %get3A_2 : vector<1x2000x1xf32> to vector<2000x1xf32>
    %get3A_4 = arith.constant 1 : index
    %get3A_5 = arith.constant 0 : index
    %get3A_6 = arith.constant 0 : index
    %get3A_7 = vector.load %arg3[%get3A_4, %get3A_5, %get3A_6] : memref<2x2000x1xf32, #tpu.memory_space<vmem>>, vector<1x2000x1xf32>
    %get3A_8 = vector.shape_cast %get3A_7 : vector<1x2000x1xf32> to vector<2000x1xf32>
    %add3A = arith.addf %get3A_3, %get3A_8 : vector<2000x1xf32>
    %add3A_9 = arith.constant 1.000000e+00 : f32
    %add3A_10 = vector.broadcast %add3A_9 : f32 to vector<2000x1xf32>
    %add3A_11 = arith.addf %add3A, %add3A_10 : vector<2000x1xf32>
    %rsqrt3A = math.rsqrt %add3A_11 : vector<2000x1xf32>
    %get3A_12 = arith.constant 0 : index
    %get3A_13 = arith.constant 0 : index
    %get3A_14 = arith.constant 0 : index
    %get3A_15 = vector.load %arg1[%get3A_12, %get3A_13, %get3A_14] : memref<2x2000x128xf32, #tpu.memory_space<vmem>>, vector<1x2000x128xf32>
    %get3A_16 = vector.shape_cast %get3A_15 : vector<1x2000x128xf32> to vector<2000x128xf32>
    %get3A_17 = arith.constant 1 : index
    %get3A_18 = arith.constant 0 : index
    %get3A_19 = arith.constant 0 : index
    %get3A_20 = vector.load %arg1[%get3A_17, %get3A_18, %get3A_19] : memref<2x2000x128xf32, #tpu.memory_space<vmem>>, vector<1x2000x128xf32>
    %get3A_21 = vector.shape_cast %get3A_20 : vector<1x2000x128xf32> to vector<2000x128xf32>
    %add3A_22 = arith.addf %get3A_16, %get3A_21 : vector<2000x128xf32>
    %get3A_23 = arith.constant 0 : index
    %get3A_24 = arith.constant 0 : index
    %get3A_25 = vector.load %arg2[%get3A_23, %get3A_24] : memref<2000x128xf32, #tpu.memory_space<vmem>>, vector<2000x128xf32>
    %add3A_26 = arith.addf %add3A_22, %get3A_25 : vector<2000x128xf32>
    %mul3A = vector.broadcast %rsqrt3A : vector<2000x1xf32> to vector<2000x128xf32>
    %mul3A_27 = arith.mulf %mul3A, %add3A_26 : vector<2000x128xf32>
    %get3A_28 = arith.constant 0 : index
    %get3A_29 = arith.constant 0 : index
    %get3A_30 = vector.load %arg4[%get3A_28, %get3A_29] : memref<1x128xf32, #tpu.memory_space<vmem>>, vector<1x128xf32>
    %add3A_31 = vector.broadcast %get3A_30 : vector<1x128xf32> to vector<2000x128xf32>
    %add3A_32 = arith.addf %mul3A_27, %add3A_31 : vector<2000x128xf32>
    %logistic3A = arith.negf %add3A_32 : vector<2000x128xf32>
    %logistic3A_33 = math.exp %logistic3A : vector<2000x128xf32>
    %logistic3A_34 = arith.constant 1.000000e+00 : f32
    %logistic3A_35 = vector.broadcast %logistic3A_34 : f32 to vector<2000x128xf32>
    %logistic3A_36 = arith.addf %logistic3A_35, %logistic3A_33 : vector<2000x128xf32>
    %logistic3A_37 = arith.divf %logistic3A_35, %logistic3A_36 : vector<2000x128xf32>
    %get3A_38 = arith.constant 0 : index
    %get3A_39 = arith.constant 0 : index
    %get3A_40 = vector.load %arg5[%get3A_38, %get3A_39] : memref<128x128xf32, #tpu.memory_space<vmem>>, vector<128x128xf32>
    %dot_general3A = arith.constant dense<0.000000e+00> : vector<2000x128xf32>
    %dot_general3A_41 = tpu.matmul %logistic3A_37, %get3A_40, %dot_general3A {dimension_numbers = #tpu.dot_dimension_numbers<[1], [0], [0], [1], [0, 0, 1, 1], [], []>, transpose_lhs_hint = false} : vector<2000x128xf32>, vector<128x128xf32>, vector<2000x128xf32> -> vector<2000x128xf32>
    %mul3A_42 = vector.broadcast %rsqrt3A : vector<2000x1xf32> to vector<2000x128xf32>
    %mul3A_43 = arith.mulf %mul3A_42, %dot_general3A_41 : vector<2000x128xf32>
    %swap3A = arith.constant 0 : index
    %swap3A_44 = arith.constant 0 : index
    %swap3A_45 = vector.load %arg6[%swap3A, %swap3A_44] : memref<2000x128xf32, #tpu.memory_space<vmem>>, vector<2000x128xf32>
    tpu.vector_store %arg6[%swap3A, %swap3A_44], %mul3A_43 {strides = array<i32>} : memref<2000x128xf32, #tpu.memory_space<vmem>>, vector<2000x128xf32>,
    return
  }
  func.func @transform_0(%arg0: i32) -> (i32, i32, i32) {
    %c0_i32 = arith.constant 0 : i32
    %c0_i32_0 = arith.constant 0 : i32
    %c0_i32_1 = arith.constant 0 : i32
    return %c0_i32, %arg0, %c0_i32_0 : i32, i32, i32
  }
  func.func @transform_1(%arg0: i32) -> (i32, i32) {
    %c0_i32 = arith.constant 0 : i32
    %c0_i32_0 = arith.constant 0 : i32
    return %arg0, %c0_i32 : i32, i32
  }
  func.func @transform_2(%arg0: i32) -> (i32, i32, i32) {
    %c0_i32 = arith.constant 0 : i32
    %c0_i32_0 = arith.constant 0 : i32
    %c0_i32_1 = arith.constant 0 : i32
    return %c0_i32, %arg0, %c0_i32_0 : i32, i32, i32
  }
  func.func @transform_3(%arg0: i32) -> (i32, i32) {
    %c0_i32 = arith.constant 0 : i32
    %c0_i32_0 = arith.constant 0 : i32
    %c0_i32_1 = arith.constant 0 : i32
    return %c0_i32, %c0_i32_0 : i32, i32
  }
  func.func @transform_4(%arg0: i32) -> (i32, i32) {
    %c0_i32 = arith.constant 0 : i32
    %c0_i32_0 = arith.constant 0 : i32
    %c0_i32_1 = arith.constant 0 : i32
    return %c0_i32, %c0_i32_0 : i32, i32
  }
  func.func @transform_5(%arg0: i32) -> (i32, i32) {
    %c0_i32 = arith.constant 0 : i32
    %c0_i32_0 = arith.constant 0 : i32
    return %arg0, %c0_i32 : i32, i32
  }
}

module attributes {stable_mosaic.version = 14 : i64} {
  func.func @_tc_tail_body(%arg0: i32, %arg1: memref<2x2000x128xf32, #tpu.memory_space<vmem>>, %arg2: memref<2000x128xf32, #tpu.memory_space<vmem>>, %arg3: memref<2x2000x1xf32, #tpu.memory_space<vmem>>, %arg4: memref<1x128xf32, #tpu.memory_space<vmem>>, %arg5: memref<128x256xf32, #tpu.memory_space<vmem>>, %arg6: memref<1x256xf32, #tpu.memory_space<vmem>>, %arg7: memref<256x1xf32, #tpu.memory_space<vmem>>, %arg8: memref<1x1xf32, #tpu.memory_space<vmem>>, %arg9: memref<2000x1xf32, #tpu.memory_space<vmem>>) attributes {dimension_semantics = [#tpu.dimension_semantics<arbitrary>], iteration_bounds = array<i64: 5>, scalar_prefetch = 0 : i64, scratch_operands = 0 : i64, tpu.core_type = #tpu.core_type<tc>, window_params = [{transform_indices = @transform_0, window_bounds = array<i64: 2, 2000, 128>}, {transform_indices = @transform_1, window_bounds = array<i64: 2000, 128>}, {transform_indices = @transform_2, window_bounds = array<i64: 2, 2000, 1>}, {pipeline_mode = #tpu.pipeline_mode<synchronous>, transform_indices = @transform_3, window_bounds = array<i64: 1, 128>}, {pipeline_mode = #tpu.pipeline_mode<synchronous>, transform_indices = @transform_4, window_bounds = array<i64: 128, 256>}, {pipeline_mode = #tpu.pipeline_mode<synchronous>, transform_indices = @transform_5, window_bounds = array<i64: 1, 256>}, {pipeline_mode = #tpu.pipeline_mode<synchronous>, transform_indices = @transform_6, window_bounds = array<i64: 256, 1>}, {pipeline_mode = #tpu.pipeline_mode<synchronous>, transform_indices = @transform_7, window_bounds = array<i64: 1, 1>}, {transform_indices = @transform_8, window_bounds = array<i64: 2000, 1>}]} {
    %get3A = arith.constant 0 : index
    %get3A_0 = arith.constant 0 : index
    %get3A_1 = arith.constant 0 : index
    %get3A_2 = vector.load %arg3[%get3A, %get3A_0, %get3A_1] : memref<2x2000x1xf32, #tpu.memory_space<vmem>>, vector<1x2000x1xf32>
    %get3A_3 = vector.shape_cast %get3A_2 : vector<1x2000x1xf32> to vector<2000x1xf32>
    %get3A_4 = arith.constant 1 : index
    %get3A_5 = arith.constant 0 : index
    %get3A_6 = arith.constant 0 : index
    %get3A_7 = vector.load %arg3[%get3A_4, %get3A_5, %get3A_6] : memref<2x2000x1xf32, #tpu.memory_space<vmem>>, vector<1x2000x1xf32>
    %get3A_8 = vector.shape_cast %get3A_7 : vector<1x2000x1xf32> to vector<2000x1xf32>
    %add3A = arith.addf %get3A_3, %get3A_8 : vector<2000x1xf32>
    %add3A_9 = arith.constant 1.000000e+00 : f32
    %add3A_10 = vector.broadcast %add3A_9 : f32 to vector<2000x1xf32>
    %add3A_11 = arith.addf %add3A, %add3A_10 : vector<2000x1xf32>
    %rsqrt3A = math.rsqrt %add3A_11 : vector<2000x1xf32>
    %get3A_12 = arith.constant 0 : index
    %get3A_13 = arith.constant 0 : index
    %get3A_14 = arith.constant 0 : index
    %get3A_15 = vector.load %arg1[%get3A_12, %get3A_13, %get3A_14] : memref<2x2000x128xf32, #tpu.memory_space<vmem>>, vector<1x2000x128xf32>
    %get3A_16 = vector.shape_cast %get3A_15 : vector<1x2000x128xf32> to vector<2000x128xf32>
    %get3A_17 = arith.constant 1 : index
    %get3A_18 = arith.constant 0 : index
    %get3A_19 = arith.constant 0 : index
    %get3A_20 = vector.load %arg1[%get3A_17, %get3A_18, %get3A_19] : memref<2x2000x128xf32, #tpu.memory_space<vmem>>, vector<1x2000x128xf32>
    %get3A_21 = vector.shape_cast %get3A_20 : vector<1x2000x128xf32> to vector<2000x128xf32>
    %add3A_22 = arith.addf %get3A_16, %get3A_21 : vector<2000x128xf32>
    %get3A_23 = arith.constant 0 : index
    %get3A_24 = arith.constant 0 : index
    %get3A_25 = vector.load %arg2[%get3A_23, %get3A_24] : memref<2000x128xf32, #tpu.memory_space<vmem>>, vector<2000x128xf32>
    %add3A_26 = arith.addf %add3A_22, %get3A_25 : vector<2000x128xf32>
    %mul3A = vector.broadcast %rsqrt3A : vector<2000x1xf32> to vector<2000x128xf32>
    %mul3A_27 = arith.mulf %mul3A, %add3A_26 : vector<2000x128xf32>
    %get3A_28 = arith.constant 0 : index
    %get3A_29 = arith.constant 0 : index
    %get3A_30 = vector.load %arg4[%get3A_28, %get3A_29] : memref<1x128xf32, #tpu.memory_space<vmem>>, vector<1x128xf32>
    %add3A_31 = vector.broadcast %get3A_30 : vector<1x128xf32> to vector<2000x128xf32>
    %add3A_32 = arith.addf %mul3A_27, %add3A_31 : vector<2000x128xf32>
    %logistic3A = arith.negf %add3A_32 : vector<2000x128xf32>
    %logistic3A_33 = math.exp %logistic3A : vector<2000x128xf32>
    %logistic3A_34 = arith.constant 1.000000e+00 : f32
    %logistic3A_35 = vector.broadcast %logistic3A_34 : f32 to vector<2000x128xf32>
    %logistic3A_36 = arith.addf %logistic3A_35, %logistic3A_33 : vector<2000x128xf32>
    %logistic3A_37 = arith.divf %logistic3A_35, %logistic3A_36 : vector<2000x128xf32>
    %get3A_38 = arith.constant 0 : index
    %get3A_39 = arith.constant 0 : index
    %get3A_40 = vector.load %arg5[%get3A_38, %get3A_39] : memref<128x256xf32, #tpu.memory_space<vmem>>, vector<128x256xf32>
    %dot_general3A = arith.constant dense<0.000000e+00> : vector<2000x256xf32>
    %dot_general3A_41 = tpu.matmul %logistic3A_37, %get3A_40, %dot_general3A {dimension_numbers = #tpu.dot_dimension_numbers<[1], [0], [0], [1], [0, 0, 1, 1], [], []>, transpose_lhs_hint = false} : vector<2000x128xf32>, vector<128x256xf32>, vector<2000x256xf32> -> vector<2000x256xf32>
    %get3A_42 = arith.constant 0 : index
    %get3A_43 = arith.constant 0 : index
    %get3A_44 = vector.load %arg6[%get3A_42, %get3A_43] : memref<1x256xf32, #tpu.memory_space<vmem>>, vector<1x256xf32>
    %add3A_45 = vector.broadcast %get3A_44 : vector<1x256xf32> to vector<2000x256xf32>
    %add3A_46 = arith.addf %dot_general3A_41, %add3A_45 : vector<2000x256xf32>
    %logistic3A_47 = arith.negf %add3A_46 : vector<2000x256xf32>
    %logistic3A_48 = math.exp %logistic3A_47 : vector<2000x256xf32>
    %logistic3A_49 = arith.constant 1.000000e+00 : f32
    %logistic3A_50 = vector.broadcast %logistic3A_49 : f32 to vector<2000x256xf32>
    %logistic3A_51 = arith.addf %logistic3A_50, %logistic3A_48 : vector<2000x256xf32>
    %logistic3A_52 = arith.divf %logistic3A_50, %logistic3A_51 : vector<2000x256xf32>
    %get3A_53 = arith.constant 0 : index
    %get3A_54 = arith.constant 0 : index
    %get3A_55 = vector.load %arg7[%get3A_53, %get3A_54] : memref<256x1xf32, #tpu.memory_space<vmem>>, vector<256x1xf32>
    %dot_general3A_56 = arith.constant dense<0.000000e+00> : vector<2000x1xf32>
    %dot_general3A_57 = tpu.matmul %logistic3A_52, %get3A_55, %dot_general3A_56 {dimension_numbers = #tpu.dot_dimension_numbers<[1], [0], [0], [1], [0, 0, 1, 1], [], []>, transpose_lhs_hint = false} : vector<2000x256xf32>, vector<256x1xf32>, vector<2000x1xf32> -> vector<2000x1xf32>
    %get3A_58 = arith.constant 0 : index
    %get3A_59 = arith.constant 0 : index
    %get3A_60 = vector.load %arg8[%get3A_58, %get3A_59] : memref<1x1xf32, #tpu.memory_space<vmem>>, vector<1x1xf32>
    %add3A_61 = vector.broadcast %get3A_60 : vector<1x1xf32> to vector<2000x1xf32>
    %add3A_62 = arith.addf %dot_general3A_57, %add3A_61 : vector<2000x1xf32>
    %swap3A = arith.constant 0 : index
    %swap3A_63 = arith.constant 0 : index
    %swap3A_64 = vector.load %arg9[%swap3A, %swap3A_63] : memref<2000x1xf32, #tpu.memory_space<vmem>>, vector<2000x1xf32>
    tpu.vector_store %arg9[%swap3A, %swap3A_63], %add3A_62 {strides = array<i32>} : memref<2000x1xf32, #tpu.memory_space<vmem>>, vector<2000x1xf32>,
    return
  }
  func.func @transform_0(%arg0: i32) -> (i32, i32, i32) {
    %c0_i32 = arith.constant 0 : i32
    %c0_i32_0 = arith.constant 0 : i32
    %c0_i32_1 = arith.constant 0 : i32
    return %c0_i32, %arg0, %c0_i32_0 : i32, i32, i32
  }
  func.func @transform_1(%arg0: i32) -> (i32, i32) {
    %c0_i32 = arith.constant 0 : i32
    %c0_i32_0 = arith.constant 0 : i32
    return %arg0, %c0_i32 : i32, i32
  }
  func.func @transform_2(%arg0: i32) -> (i32, i32, i32) {
    %c0_i32 = arith.constant 0 : i32
    %c0_i32_0 = arith.constant 0 : i32
    %c0_i32_1 = arith.constant 0 : i32
    return %c0_i32, %arg0, %c0_i32_0 : i32, i32, i32
  }
  func.func @transform_3(%arg0: i32) -> (i32, i32) {
    %c0_i32 = arith.constant 0 : i32
    %c0_i32_0 = arith.constant 0 : i32
    %c0_i32_1 = arith.constant 0 : i32
    return %c0_i32, %c0_i32_0 : i32, i32
  }
  func.func @transform_4(%arg0: i32) -> (i32, i32) {
    %c0_i32 = arith.constant 0 : i32
    %c0_i32_0 = arith.constant 0 : i32
    %c0_i32_1 = arith.constant 0 : i32
    return %c0_i32, %c0_i32_0 : i32, i32
  }
  func.func @transform_5(%arg0: i32) -> (i32, i32) {
    %c0_i32 = arith.constant 0 : i32
    %c0_i32_0 = arith.constant 0 : i32
    %c0_i32_1 = arith.constant 0 : i32
    return %c0_i32, %c0_i32_0 : i32, i32
  }
  func.func @transform_6(%arg0: i32) -> (i32, i32) {
    %c0_i32 = arith.constant 0 : i32
    %c0_i32_0 = arith.constant 0 : i32
    %c0_i32_1 = arith.constant 0 : i32
    return %c0_i32, %c0_i32_0 : i32, i32
  }
  func.func @transform_7(%arg0: i32) -> (i32, i32) {
    %c0_i32 = arith.constant 0 : i32
    %c0_i32_0 = arith.constant 0 : i32
    %c0_i32_1 = arith.constant 0 : i32
    return %c0_i32, %c0_i32_0 : i32, i32
  }
  func.func @transform_8(%arg0: i32) -> (i32, i32) {
    %c0_i32 = arith.constant 0 : i32
    %c0_i32_0 = arith.constant 0 : i32
    return %arg0, %c0_i32 : i32, i32
  }
}

</mosaic_0001>

<sc_bundles>
// kernel: kernel.10.cloned.1.call-start
scs
__scs_entry_jumppad:
0x0: {  	(pc) =	sbr.rel $0x88, $3  }
0x1: {  	(tag) =	ssettag $0x0;
	lr =	simm.s32 $0x1  }
0x2: {  	[smem:$0x3F93] =	sst lr;
	_ =	strace $0xD0000000  }
0x3: {  	_ = 	snop  }
0x4: {  	_ = 	snop  }
0x5: {  	_ = 	snop  }
0x6: {  	_ = 	snop  }
0x7: {  	_ = 	snop  }
__scs_overlays_trampoline_lowered:
0x8: {  	[smem:$0x3FA2] =	sst s0  }
0x9: {  	[smem:$0x3FA3] =	sst s1  }
0xa: {  	[smem:$0x3FA4] =	sst s2  }
0xb: {  	[smem:$0x3FA5] =	sst s3  }
0xc: {  	[smem:$0x3FA6] =	sst s4  }
0xd: {  	[smem:$0x3FA7] =	sst s5  }
0xe: {  	[smem:$0x3FA8] =	sst s6  }
0xf: {  	[smem:$0x3FA9] =	sst s7  }
0x10: {  	[smem:$0x3FAA] =	sst s8  }
0x11: {  	[smem:$0x3FAB] =	sst s9;
	s0 =	simm.s32 @!p0 $0x0  }
0x12: {  	s1 =	sld [smem:$0x3F91];
	s0 =	simm.s32 @p0 $0x1  }
0x13: {  	[smem:$0x3FAC] =	sst s0;
	s0 =	simm.s32 @!p1 $0x0  }
0x14: {  	s2 =	sld [smem:$0x3F90];
	s0 =	simm.s32 @p1 $0x1  }
0x15: {  	[smem:$0x3FAD] =	sst s0;
	s0 =	simm.s32 @!p2 $0x0  }
0x16: {  	s3 =	sld [smem:$0x3FDB];
	s0 =	simm.s32 @p2 $0x1  }
0x17: {  	s4 =	simm.s32 $0x1BF5;
	[smem:$0x3FAF] =	sst s0  }
0x18: {  	s0 =	sld [smem:$0x3F92];
	_ =	swait.ge [sflag:s4], $0x0  }
0x19: {  	s7 =	sld [smem:$0x3F93]  }
0x1a: {  	s8 =	sadd.s32 $0xFFFFE003, lr  }
0x1b: {  	s9 =	sadd.s32 $0xFFFFFEF7, lr;
	s5 =	simm.s32 $0xFFFFFFFF;
	p2 =	slt.u32 s8, $0xFFFFF086  }
0x1c: {  	p1 =	slt.u32 s9, $0xF7A;
	s5 =	simm.s32 @!p2 $0x0  }
0x1d: {  	s5 =	simm.s32 @p1 $0x1;
	p0 =	seq.s32 s7, s2  }
0x1e: {  	s7 =	smul.u32 @!p0 $0xF7A, s2;
	p2 =	seq.s32 @!p0 s5, $0x0  }
0x1f: {  	s9 =	smul.u32 $0xF7A, s1;
	s8 =	simm.s32 @!p0 $0x1BF5;
	p2 =	por !p2, p0  }
0x20: {  	[sflag:s8] =	ssyncset.s32 @!p0 $0xFFFFF086;
	s6 =	sadd.s32 @!p0 s3, s7;
	s7 =	simm.s32 @!p0 $0x108  }
0x21: {  	s3 =	sadd.s32 s3, s9;
	s6 =	sadd.s32 @!p0 $0x88, s6;
	s7 =	simm.s32 @p2 $0x1082  }
0x22: {  	[simem:s7], [sflag:s8] =	dma.local @!p0 [hbm:s6], $0xF7A  }
0x23: {  	s9 =	sor.u32 $0xD0000000, s2;
	s6 =	simm.s32 $0x108;
	_ =	swait.ge @!p0 [sflag:s8], $0x0  }
0x24: {  	s3 =	sadd.s32 $0x88, s3;
	s6 =	simm.s32 @!p1 $0x1082;
	[sflag:s4] =	ssyncset.s32 $0xFFFFF086  }
0x25: {  	[simem:s6], [sflag:s4] =	dma.local [hbm:s3], $0xF7A  }
0x26: {  	[smem:$0x3F93] =	sst s1;
	(tag) =	ssettag s2;
	_ =	strace s9  }
0x27: {  	s1 =	sld [smem:$0x3FA3]  }
0x28: {  	s2 =	sld [smem:$0x3FA4]  }
0x29: {  	s4 =	sld [smem:$0x3FA6]  }
0x2a: {  	p0 =	seq.s32 s5, $0x0;
	s5 =	sld [smem:$0x3FA7]  }
0x2b: {  	s6 =	sld [smem:$0x3FA8]  }
0x2c: {  	s7 =	sld [smem:$0x3FA9]  }
0x2d: {  	s3 =	simm.s32 $0x108;
	s8 =	sld [smem:$0x3FAA]  }
0x2e: {  	s3 =	simm.s32 @!p0 $0x1082;
	s9 =	sld [smem:$0x3FAB]  }
0x2f: {  	lr =	sadd.s32 s0, s3;
	s0 =	sld [smem:$0x3FA2]  }
0x30: {  	s3 =	sld [smem:$0x3FA5]  }
0x31: {  	[smem:$0x3FAE] =	sst s10  }
0x32: {  	s10 =	sld [smem:$0x3FAC];
	_ =	sdelay $0x3  }
0x33: {  	p0 =	seq.s32 s10, $0x1;
	s10 =	sld [smem:$0x3FAE];
	_ =	sdelay $0x3  }
0x34: {  	[smem:$0x3FAE] =	sst s10  }
0x35: {  	s10 =	sld [smem:$0x3FAD];
	_ =	sdelay $0x3  }
0x36: {  	p1 =	seq.s32 s10, $0x1;
	s10 =	sld [smem:$0x3FAE];
	_ =	sdelay $0x3  }
0x37: {  	[smem:$0x3FAE] =	sst s10  }
0x38: {  	s10 =	sld [smem:$0x3FAF]  }
0x39: {  	_ = 	snop;
	(pc) =	sbr.ind lr, $3  }
0x3a: {  	_ = 	snop  }
0x3b: {  	_ = 	snop  }
0x3c: {  	p2 =	seq.s32 s10, $0x1;
	s10 =	sld [smem:$0x3FAE]  }
0x3d: {  	_ =	shalt  }
0x3e: {  	_ =	shalt  }
0x3f: {  	_ =	shalt  }
0x40: {  	_ =	shalt  }
0x41: {  	_ =	shalt  }
0x42: {  	_ =	shalt  }
0x43: {  	_ =	shalt  }
0x44: {  	_ =	shalt  }
0x45: {  	_ =	shalt  }
0x46: {  	_ =	shalt  }
0x47: {  	_ =	shalt  }
0x48: {  	_ =	shalt  }
0x49: {  	_ =	shalt  }
0x4a: {  	_ =	shalt  }
0x4b: {  	_ =	shalt  }
0x4c: {  	_ =	shalt  }
0x4d: {  	_ =	shalt  }
0x4e: {  	_ =	shalt  }
0x4f: {  	_ =	shalt  }
0x50: {  	_ =	shalt  }
0x51: {  	_ =	shalt  }
0x52: {  	_ =	shalt  }
0x53: {  	_ =	shalt  }
0x54: {  	_ =	shalt  }
0x55: {  	_ =	shalt  }
0x56: {  	_ =	shalt  }
0x57: {  	_ =	shalt  }
0x58: {  	_ =	shalt  }
0x59: {  	_ =	shalt  }
0x5a: {  	_ =	shalt  }
0x5b: {  	_ =	shalt  }
0x5c: {  	_ =	shalt  }
0x5d: {  	_ =	shalt  }
0x5e: {  	_ =	shalt  }
0x5f: {  	_ =	shalt  }
0x60: {  	_ =	shalt  }
0x61: {  	_ =	shalt  }
0x62: {  	_ =	shalt  }
0x63: {  	_ =	shalt  }
0x64: {  	_ =	shalt  }
0x65: {  	_ =	shalt  }
0x66: {  	_ =	shalt  }
0x67: {  	_ =	shalt  }
0x68: {  	_ =	shalt  }
0x69: {  	_ =	shalt  }
0x6a: {  	_ =	shalt  }
0x6b: {  	_ =	shalt  }
0x6c: {  	_ =	shalt  }
0x6d: {  	_ =	shalt  }
0x6e: {  	_ =	shalt  }
0x6f: {  	_ =	shalt  }
0x70: {  	_ =	shalt  }
0x71: {  	_ =	shalt  }
0x72: {  	_ =	shalt  }
0x73: {  	_ =	shalt  }
0x74: {  	_ =	shalt  }
0x75: {  	_ =	shalt  }
0x76: {  	_ =	shalt  }
0x77: {  	_ =	shalt  }
0x78: {  	_ =	shalt  }
0x79: {  	_ =	shalt  }
0x7a: {  	_ =	shalt  }
0x7b: {  	_ =	shalt  }
0x7c: {  	_ =	shalt  }
0x7d: {  	_ =	shalt  }
0x7e: {  	_ =	shalt  }
0x7f: {  	_ =	shalt  }
0x80: {  	_ =	shalt  }
0x81: {  	_ =	shalt  }
0x82: {  	_ =	shalt  }
0x83: {  	_ =	shalt  }
0x84: {  	_ =	shalt  }
0x85: {  	_ =	shalt  }
0x86: {  	_ =	shalt  }
0x87: {  	_ =	shalt  }
.Lfunc_end0:
.L_simem_size_0:
called_computation_lowered:
.L_overlay_start_0:
0x88: {  	s2 =	sld [smem:$0x3FD9]  }
0x89: {  	s3 =	sld [smem:$0x3FFE];
	_ =	sdelay $0x1  }
0x8a: {  	s1 =	srdreg.scid  }
0x8b: {  	s0 =	sand.u32 $0x1, s1  }
0x8c: {  	s16 =	sshll.u32 s0, $0xA;
	s2 =	sadd.s32 s3, s2  }
0x8d: {  	s2 =	sadd.s32 s2, s16  }
0x8e: {  	[smem:$0x3FBA] =	sst s2  }
0x8f: {  	_ = 	snop  }
0x90: {  	(tm) =	ssettm $0x1  }
0x91: {  	s17 =	sld [smem:$0x3FFB];
	_ =	sdelay $0x3  }
0x92: {  	_ =	strace s17  }
0x93: {  	s2 =	sld [smem:$0x3FFC];
	_ =	sdelay $0x3  }
0x94: {  	_ =	strace s2  }
0x95: {  	s2 =	sld [smem:$0x3FFD];
	_ =	sdelay $0x3  }
0x96: {  	_ =	strace s2  }
0x97: {  	_ =	strace $0x8FFFFFFF  }
0x98: {  	s18 =	sld [smem:$0x3FDB];
	_ =	sdelay $0x1  }
0x99: {  	s19 =	simm.s32 $_scs_section_size  }
0x9a: {  	s4 =	simm.s32 $_size__tile_overlayer_lowered;
	s5 =	simm.s32 $_tile_overlayer_lowered  }
0x9b: {  	s22 =	simm.s32 $0x1BFF;
	s21 =	sshll.u32 s5, $0x1;
	s2 =	sadd.s32 s19, s18  }
0x9c: {  	s6 =	simm.s32 $0x0;
	s20 =	sshll.u32 s4, $0x1;
	s4 =	sadd.s32 s21, s2  }
0x9d: {  	[timem:s6], [sflag:s22] =	dma.local [hbm:s4], s20  }
0x9e: {  	_ =	swait.ge [sflag:s22], s20  }
0x9f: {  	s3 =	ssub.s32 $0x0, s20;
	[sflag:s22] =	ssyncset.done $0x0  }
0xa0: {  	[sflag:s22] =	ssyncadd.s32 s3;
	_ =	sdelay $0x1  }
0xa1: {  	s23 =	simm.s32 $0x1B8B  }
0xa2: {  	_ =	swait.ge [sflag:s23], $0x1  }
0xa3: {  	[sflag:s23] =	ssyncset.done $0x0  }
0xa4: {  	s25 =	simm.s32 $0x1B8E;
	s24 =	sld [smem:$0x3FFE];
	[sflag:s23] =	ssyncadd.s32 $0xFFFFFFFF  }
0xa5: {  	s26 =	simm.s32 $execute0_lowered;
	[smem:$0x3FD2] =	sst s25  }
0xa6: {  	s4 =	sshll.u32 s26, $0x1;
	_ =	strace $0x80000046;
	[dreg:$0x1] =	wrdreg $0xFFFFFFFF  }
0xa7: {  	s28 =	simm.s32 $_size_execute0_lowered;
	s2 =	sadd.s32 s2, s4;
	[dreg:$0x0] =	wrdreg $0x0  }
0xa8: {  	s4 =	sshll.u32 s28, $0x1;
	[dreg:$0x2] =	wrdreg s2  }
0xa9: {  	[dreg:$0x3] =	wrdreg s4  }
0xaa: {  	[dreg:$0x4] =	wrdreg $0xC0  }
0xab: {  	_ =	task [dreg:s6], $0x5FFFF  }
0xac: {  	[dreg:$0x1] =	wrdreg $0xFFFFFFFF  }
0xad: {  	[dreg:$0x0] =	wrdreg $0x60  }
0xae: {  	[dreg:$0x2] =	wrdreg s24  }
0xaf: {  	[dreg:$0x3] =	wrdreg $0x2B000  }
0xb0: {  	[dreg:$0x4] =	wrdreg $0x9  }
0xb1: {  	_ =	task.clear_ibuf [dreg:s6], $0x5FFFF;
	_ =	strace $0x90000046  }
0xb2: {  	s29 =	simm.s32 $0x9;
	_ =	strace $0x80000048  }
0xb3: {  	_ =	swait.ge [sflag:s29], $0x1  }
0xb4: {  	[sflag:s29] =	ssyncadd.s32 $0xFFFFFFFF  }
0xb5: {  	_ =	strace $0x90000048  }
0xb6: {  	_ =	sfence  }
0xb7: {  	s30 =	sld [smem:$0x0];
	_ =	sdelay $0x2  }
0xb8: {  	s31 =	sshll.u32 s1, $0xD;
	s1 =	sshrl.u32 s1, $0x2  }
0xb9: {  	s3 =	sand.u32 $0x4000, s31;
	s1 =	sadd.s32 s1, s30  }
0xba: {  	s0 =	sor.u32 s3, s0;
	s1 =	sshll.u32 s1, $0x11  }
0xbb: {  	s0 =	sor.u32 s1, s0  }
0xbc: {  	s0 =	sadd.s32 $0x8F2B, s0  }
0xbd: {  	[sflag:s0] =	ssyncadd.remote.s32 $0x1  }
0xbe: {  	_ =	sfence.sel $0xFFFF  }
0xbf: {  	[dreg:$0x0] =	wrdreg $0xFFFFFFFF;
	(pc) =	sbr.abs _section_cstart, $3  }
0xc0: {  	[dreg:$0x1] =	wrdreg $0xFFFFFFFF  }
0xc1: {  	_ =	task.clear_ibuf [dreg:s6], $0x2FFFF;
	_ =	strace $0x9FFFFFFF  }
0xc2: {  	(tm) =	ssettm $0x7FFFFFFF  }
0xc3: {  	_ =	shalt  }
tec
execute0_lowered:
.L_overlay_start_1:
0x0: {  	(tag) =	ssettag $0x1  }
0x1: {  	s4 =	rddreg [dreg:$0x0]  }
0x2: {  	s2 =	rddreg [dreg:$0x1];
	s3 =	srdreg.scid  }
0x3: {  	s1 =	stileid.u32;
	s0 =	rddreg [dreg:$0x2];
	s10 =	simm.s32 $0x80  }
0x4: {  	s11 =	simm.s32 $0x2800;
	s14 =	simm.s32 $0x0;
	s5 =	sand.u32 $0x1, s3  }
0x5: {  	s6 =	smul.u32 $0x280, s1;
	s3 =	simm.s32 $0x0;
	s7 =	sshll.u32 s1, $0x1  }
0x6: {  	s12 =	sshll.u32 s1, $0x6;
	s8 =	smul.u32 $0x2800, s5;
	[smem:$0x7FF] =	sst s3  }
0x7: {  	s7 =	sor.u32 s5, s7;
	s5 =	ssub.s32 $0x2, s5;
	s12 =	sor.u32 $0x1C01, s12  }
0x8: {  	s7 =	smul.u32 $0x500, s7;
	s9 =	sshrl.u32 s5, $0x1;
	s8 =	sadd.s32 s6, s8  }
0x9: {  	_ =	strace $0x80000047;
	s9 =	ssub.s32 s5, s9;
	s8 =	sshrl.u32 s8, $0x3  }
0xa: {  	s7 =	sadd.s32 s7, s4;
	s8 =	sadd.s32 s8, s4;
	s4 =	sadd.s32 s6, s2  }
0xb: {  	s5 =	sadd.s32 $0xEA00, s7;
	s7 =	smax.u32 s9, $0x1;
	s9 =	simm.s32 $0x1  }
0xc: {  	v0 =	vimm.f32 $1.000000000e+00;
	v1 =	vimm.f32 $0.0e+00;
	s6 =	sadd.s32 $0x18A00, s8;
	s8 =	simm.s32 $0x2880;
	s13 =	sshrl.u32 s4, $0x3  }
.LBB2_1:
0xd: {  	[tilespmem:$0x2800] =	vst v0  }
0xe: {  	[tilespmem:$0x2810] =	vst v0  }
0xf: {  	[tilespmem:$0x2820] =	vst v0  }
0x10: {  	[tilespmem:$0x2830] =	vst v0  }
0x11: {  	[tilespmem:$0x2840] =	vst v0  }
0x12: {  	[tilespmem:$0x2850] =	vst v0  }
0x13: {  	[tilespmem:$0x2860] =	vst v0  }
0x14: {  	[tilespmem:$0x2870] =	vst v0  }
0x15: {  	[tilespmem:$0x2880] =	vst v1  }
0x16: {  	[tilespmem:$0x2890] =	vst v1  }
0x17: {  	[tilespmem:$0x28A0] =	vst v1  }
0x18: {  	[tilespmem:$0x28B0] =	vst v1  }
0x19: {  	[tilespmem:$0x28C0] =	vst v1  }
0x1a: {  	[tilespmem:$0x28D0] =	vst v1  }
0x1b: {  	[tilespmem:$0x28E0] =	vst v1  }
0x1c: {  	[tilespmem:$0x28F0] =	vst v1  }
0x1d: {  	[tilespmem:$0x2900] =	vst v1  }
0x1e: {  	[tilespmem:$0x2910] =	vst v1  }
0x1f: {  	[tilespmem:$0x2920] =	vst v1  }
0x20: {  	[tilespmem:$0x2930] =	vst v1  }
0x21: {  	[tilespmem:$0x2940] =	vst v1  }
0x22: {  	[tilespmem:$0x2950] =	vst v1  }
0x23: {  	[tilespmem:$0x2960] =	vst v1  }
0x24: {  	[tilespmem:$0x2970] =	vst v1  }
0x25: {  	[tilespmem:$0x2980] =	vst v1  }
0x26: {  	[tilespmem:$0x2990] =	vst v1  }
0x27: {  	[tilespmem:$0x29A0] =	vst v1  }
0x28: {  	[tilespmem:$0x29B0] =	vst v1  }
0x29: {  	[tilespmem:$0x29C0] =	vst v1  }
0x2a: {  	[tilespmem:$0x29D0] =	vst v1  }
0x2b: {  	[tilespmem:$0x29E0] =	vst v1  }
0x2c: {  	[tilespmem:$0x29F0] =	vst v1  }
0x2d: {  	[tilespmem:$0x2A00] =	vst v1  }
0x2e: {  	[tilespmem:$0x2A10] =	vst v1  }
0x2f: {  	[tilespmem:$0x2A20] =	vst v1  }
0x30: {  	[tilespmem:$0x2A30] =	vst v1  }
0x31: {  	[tilespmem:$0x2A40] =	vst v1  }
0x32: {  	[tilespmem:$0x2A50] =	vst v1  }
0x33: {  	[tilespmem:$0x2A60] =	vst v1  }
0x34: {  	[tilespmem:$0x2A70] =	vst v1  }
0x35: {  	[tilespmem:$0x2A80] =	vst v1  }
0x36: {  	[tilespmem:$0x2A90] =	vst v1  }
0x37: {  	[tilespmem:$0x2AA0] =	vst v1  }
0x38: {  	[tilespmem:$0x2AB0] =	vst v1  }
0x39: {  	[tilespmem:$0x2AC0] =	vst v1  }
0x3a: {  	[tilespmem:$0x2AD0] =	vst v1  }
0x3b: {  	[tilespmem:$0x2AE0] =	vst v1  }
0x3c: {  	[tilespmem:$0x2AF0] =	vst v1  }
0x3d: {  	[spmem:s4] =	stream.linear.scatter [tilespmem:s8], [sflag:$0x1], $0x280, $0x38;
	[tilespmem:$0x2D80] =	vst v63  }
0x3e: {  	_ =	swait.ge [sflag:s9], $0x280  }
0x3f: {  	[sflag:s9] =	ssyncset.done $0x0  }
0x40: {  	[sflag:s9] =	ssyncadd.s32 $0xFFFFFD80  }
0x41: {  	[bflag:$0x0] =	sbarrier.arrive $0xFFFF  }
0x42: {  	[tilespmem:s3], [sflag:$0x1] =	stream.linear.gather [hbm4b:s5+s3], $0x2800, $0x38;
	[tilespmem:$0x2D80] =	vst v63  }
0x43: {  	_ =	swait.ge [sflag:s9], $0x2800  }
0x44: {  	[sflag:s9] =	ssyncset.done $0x0  }
0x45: {  	s15 =	simm.s32 $0x0;
	[sflag:s9] =	ssyncadd.s32 $0xFFFFD800  }
0x46: {  	[spmem:s2] =	stream.indirect.scatter.add.f32 [tilespmem:s11], [sflag:$0x1], $0x1, s15, s10, $0xb8;
	[tilespmem:$0x2D80] =	vst v63  }
0x47: {  	_ =	swait.ge [sflag:s9], $0x80  }
0x48: {  	s15 =	simm.s32 $0x200;
	[sflag:s9] =	ssyncset.done $0x0  }
.LBB2_2:
0x49: {  	s16 =	sshra.s32 s15, $0x2;
	[sflag:s9] =	ssyncadd.s32 $0xFFFFFF80;
	p0 =	sne.s32 s15, $0x9E00  }
0x4a: {  	[spmem:s2] =	stream.indirect.scatter.add.f32 [tilespmem:s11], [sflag:$0x1], $0x1, s16, s10, $0xb8;
	[tilespmem:$0x2D80] =	vst v63  }
.Ltmp0:
0x4b: {  	_ = 	snop;
	(pc) =	sbr.rel @p0 .LBB2_2-.Ltmp0, $4  }
0x4c: {  	_ = 	snop  }
0x4d: {  	s15 =	sadd.s32 $0x200, s15  }
0x4e: {  	_ =	swait.ge [sflag:s9], $0x80  }
0x4f: {  	[sflag:s9] =	ssyncset.done $0x0  }
0x50: {  	s14 =	sadd.s32 $0x1, s14  }
0x51: {  	[sflag:s9] =	ssyncadd.s32 $0xFFFFFF80;
	p0 =	sne.s32 s14, s7  }
.Ltmp1:
0x52: {  	[bflag:$0x0] =	sbarrier.arrive $0xFFFF;
	(pc) =	sbr.rel @p0 .LBB2_1-.Ltmp1, $4  }
0x53: {  	[hbm:s6], [sflag:s12] =	dma.local [spmem:s13], $0x50  }
0x54: {  	_ =	swait.ge [sflag:s9], $0x50  }
0x55: {  	[sflag:s9] =	ssyncset.done $0x0  }
0x56: {  	[sflag:s9] =	ssyncadd.s32 $0xFFFFFFB0  }
0x57: {  	_ =	sfence.sel $0x180000  }
0x58: {  	[bflag:$0x0] =	sbarrier.arrive $0xFFFF  }
0x59: {  	p0 =	sne.s32 s1, $0x0;
	_ =	strace $0x90000047  }
0x5a: {  	s0 =	sadd.s32 @!p0 $0x100000, s0;
	[bflag:$0x2] =	sbarrier.arrive $0xFFFF  }
0x5b: {  	[sflag:s0] =	ssyncadd.tile.s32 @!p0 $0x1;
	_ =	shalt  }
.Lfunc_end2:
_tile_overlayer_lowered:
.L_overlay_start_2:
0x5c: {  	(tag) =	ssettag $0x2  }
0x5d: {  	s0 =	rddreg [dreg:$0x0];
	s2 =	stileid.u32  }
0x5e: {  	s1 =	rddreg [dreg:$0x1];
	p0 =	sne.s32 s2, $0x0  }
0x5f: {  	s3 =	rddreg [dreg:$0x2];
	[bflag:$0x3] =	sbarrier.arrive $0xFFFF;
	s2 =	simm.s32 @!p0 $0x1C01  }
0x60: {  	[timem:s3], [sflag:s2] =	dma.local @!p0 [hbm:s0], s1  }
0x61: {  	s0 =	simm.s32 @!p0 $0x1  }
0x62: {  	_ =	swait.ge @!p0 [sflag:s0], s1  }
0x63: {  	s1 =	ssub.s32 @!p0 $0x0, s1;
	[sflag:s0] =	ssyncset.done @!p0 $0x0  }
0x64: {  	[sflag:s0] =	ssyncadd.s32 @!p0 s1  }
0x65: {  	[bflag:$0x3] =	sbarrier.arrive $0xFFFF  }
0x66: {  	_ =	shalt  }

// kernel: kernel.13.cloned.1.call-start
scs
__scs_entry_jumppad:
0x0: {  	(pc) =	sbr.rel $0x88, $3  }
0x1: {  	(tag) =	ssettag $0x0;
	lr =	simm.s32 $0x1  }
0x2: {  	[smem:$0x3F93] =	sst lr;
	_ =	strace $0xD0000000  }
0x3: {  	_ = 	snop  }
0x4: {  	_ = 	snop  }
0x5: {  	_ = 	snop  }
0x6: {  	_ = 	snop  }
0x7: {  	_ = 	snop  }
__scs_overlays_trampoline_lowered:
0x8: {  	[smem:$0x3FA2] =	sst s0  }
0x9: {  	[smem:$0x3FA3] =	sst s1  }
0xa: {  	[smem:$0x3FA4] =	sst s2  }
0xb: {  	[smem:$0x3FA5] =	sst s3  }
0xc: {  	[smem:$0x3FA6] =	sst s4  }
0xd: {  	[smem:$0x3FA7] =	sst s5  }
0xe: {  	[smem:$0x3FA8] =	sst s6  }
0xf: {  	[smem:$0x3FA9] =	sst s7  }
0x10: {  	[smem:$0x3FAA] =	sst s8  }
0x11: {  	[smem:$0x3FAB] =	sst s9;
	s0 =	simm.s32 @!p0 $0x0  }
0x12: {  	s1 =	sld [smem:$0x3F91];
	s0 =	simm.s32 @p0 $0x1  }
0x13: {  	[smem:$0x3FAC] =	sst s0;
	s0 =	simm.s32 @!p1 $0x0  }
0x14: {  	s2 =	sld [smem:$0x3F90];
	s0 =	simm.s32 @p1 $0x1  }
0x15: {  	[smem:$0x3FAD] =	sst s0;
	s0 =	simm.s32 @!p2 $0x0  }
0x16: {  	s3 =	sld [smem:$0x3FDB];
	s0 =	simm.s32 @p2 $0x1  }
0x17: {  	s4 =	simm.s32 $0x1BF5;
	[smem:$0x3FAF] =	sst s0  }
0x18: {  	s0 =	sld [smem:$0x3F92];
	_ =	swait.ge [sflag:s4], $0x0  }
0x19: {  	s7 =	sld [smem:$0x3F93]  }
0x1a: {  	s8 =	sadd.s32 $0xFFFFE003, lr  }
0x1b: {  	s9 =	sadd.s32 $0xFFFFFEF7, lr;
	s5 =	simm.s32 $0xFFFFFFFF;
	p2 =	slt.u32 s8, $0xFFFFF086  }
0x1c: {  	p1 =	slt.u32 s9, $0xF7A;
	s5 =	simm.s32 @!p2 $0x0  }
0x1d: {  	s5 =	simm.s32 @p1 $0x1;
	p0 =	seq.s32 s7, s2  }
0x1e: {  	s7 =	smul.u32 @!p0 $0xF7A, s2;
	p2 =	seq.s32 @!p0 s5, $0x0  }
0x1f: {  	s9 =	smul.u32 $0xF7A, s1;
	s8 =	simm.s32 @!p0 $0x1BF5;
	p2 =	por !p2, p0  }
0x20: {  	[sflag:s8] =	ssyncset.s32 @!p0 $0xFFFFF086;
	s6 =	sadd.s32 @!p0 s3, s7;
	s7 =	simm.s32 @!p0 $0x108  }
0x21: {  	s3 =	sadd.s32 s3, s9;
	s6 =	sadd.s32 @!p0 $0x88, s6;
	s7 =	simm.s32 @p2 $0x1082  }
0x22: {  	[simem:s7], [sflag:s8] =	dma.local @!p0 [hbm:s6], $0xF7A  }
0x23: {  	s9 =	sor.u32 $0xD0000000, s2;
	s6 =	simm.s32 $0x108;
	_ =	swait.ge @!p0 [sflag:s8], $0x0  }
0x24: {  	s3 =	sadd.s32 $0x88, s3;
	s6 =	simm.s32 @!p1 $0x1082;
	[sflag:s4] =	ssyncset.s32 $0xFFFFF086  }
0x25: {  	[simem:s6], [sflag:s4] =	dma.local [hbm:s3], $0xF7A  }
0x26: {  	[smem:$0x3F93] =	sst s1;
	(tag) =	ssettag s2;
	_ =	strace s9  }
0x27: {  	s1 =	sld [smem:$0x3FA3]  }
0x28: {  	s2 =	sld [smem:$0x3FA4]  }
0x29: {  	s4 =	sld [smem:$0x3FA6]  }
0x2a: {  	p0 =	seq.s32 s5, $0x0;
	s5 =	sld [smem:$0x3FA7]  }
0x2b: {  	s6 =	sld [smem:$0x3FA8]  }
0x2c: {  	s7 =	sld [smem:$0x3FA9]  }
0x2d: {  	s3 =	simm.s32 $0x108;
	s8 =	sld [smem:$0x3FAA]  }
0x2e: {  	s3 =	simm.s32 @!p0 $0x1082;
	s9 =	sld [smem:$0x3FAB]  }
0x2f: {  	lr =	sadd.s32 s0, s3;
	s0 =	sld [smem:$0x3FA2]  }
0x30: {  	s3 =	sld [smem:$0x3FA5]  }
0x31: {  	[smem:$0x3FAE] =	sst s10  }
0x32: {  	s10 =	sld [smem:$0x3FAC];
	_ =	sdelay $0x3  }
0x33: {  	p0 =	seq.s32 s10, $0x1;
	s10 =	sld [smem:$0x3FAE];
	_ =	sdelay $0x3  }
0x34: {  	[smem:$0x3FAE] =	sst s10  }
0x35: {  	s10 =	sld [smem:$0x3FAD];
	_ =	sdelay $0x3  }
0x36: {  	p1 =	seq.s32 s10, $0x1;
	s10 =	sld [smem:$0x3FAE];
	_ =	sdelay $0x3  }
0x37: {  	[smem:$0x3FAE] =	sst s10  }
0x38: {  	s10 =	sld [smem:$0x3FAF]  }
0x39: {  	_ = 	snop;
	(pc) =	sbr.ind lr, $3  }
0x3a: {  	_ = 	snop  }
0x3b: {  	_ = 	snop  }
0x3c: {  	p2 =	seq.s32 s10, $0x1;
	s10 =	sld [smem:$0x3FAE]  }
0x3d: {  	_ =	shalt  }
0x3e: {  	_ =	shalt  }
0x3f: {  	_ =	shalt  }
0x40: {  	_ =	shalt  }
0x41: {  	_ =	shalt  }
0x42: {  	_ =	shalt  }
0x43: {  	_ =	shalt  }
0x44: {  	_ =	shalt  }
0x45: {  	_ =	shalt  }
0x46: {  	_ =	shalt  }
0x47: {  	_ =	shalt  }
0x48: {  	_ =	shalt  }
0x49: {  	_ =	shalt  }
0x4a: {  	_ =	shalt  }
0x4b: {  	_ =	shalt  }
0x4c: {  	_ =	shalt  }
0x4d: {  	_ =	shalt  }
0x4e: {  	_ =	shalt  }
0x4f: {  	_ =	shalt  }
0x50: {  	_ =	shalt  }
0x51: {  	_ =	shalt  }
0x52: {  	_ =	shalt  }
0x53: {  	_ =	shalt  }
0x54: {  	_ =	shalt  }
0x55: {  	_ =	shalt  }
0x56: {  	_ =	shalt  }
0x57: {  	_ =	shalt  }
0x58: {  	_ =	shalt  }
0x59: {  	_ =	shalt  }
0x5a: {  	_ =	shalt  }
0x5b: {  	_ =	shalt  }
0x5c: {  	_ =	shalt  }
0x5d: {  	_ =	shalt  }
0x5e: {  	_ =	shalt  }
0x5f: {  	_ =	shalt  }
0x60: {  	_ =	shalt  }
0x61: {  	_ =	shalt  }
0x62: {  	_ =	shalt  }
0x63: {  	_ =	shalt  }
0x64: {  	_ =	shalt  }
0x65: {  	_ =	shalt  }
0x66: {  	_ =	shalt  }
0x67: {  	_ =	shalt  }
0x68: {  	_ =	shalt  }
0x69: {  	_ =	shalt  }
0x6a: {  	_ =	shalt  }
0x6b: {  	_ =	shalt  }
0x6c: {  	_ =	shalt  }
0x6d: {  	_ =	shalt  }
0x6e: {  	_ =	shalt  }
0x6f: {  	_ =	shalt  }
0x70: {  	_ =	shalt  }
0x71: {  	_ =	shalt  }
0x72: {  	_ =	shalt  }
0x73: {  	_ =	shalt  }
0x74: {  	_ =	shalt  }
0x75: {  	_ =	shalt  }
0x76: {  	_ =	shalt  }
0x77: {  	_ =	shalt  }
0x78: {  	_ =	shalt  }
0x79: {  	_ =	shalt  }
0x7a: {  	_ =	shalt  }
0x7b: {  	_ =	shalt  }
0x7c: {  	_ =	shalt  }
0x7d: {  	_ =	shalt  }
0x7e: {  	_ =	shalt  }
0x7f: {  	_ =	shalt  }
0x80: {  	_ =	shalt  }
0x81: {  	_ =	shalt  }
0x82: {  	_ =	shalt  }
0x83: {  	_ =	shalt  }
0x84: {  	_ =	shalt  }
0x85: {  	_ =	shalt  }
0x86: {  	_ =	shalt  }
0x87: {  	_ =	shalt  }
.Lfunc_end0:
.L_simem_size_0:
called_computation.1_lowered:
.L_overlay_start_0:
0x88: {  	s2 =	sld [smem:$0x3FD9]  }
0x89: {  	s3 =	sld [smem:$0x3FFE];
	_ =	sdelay $0x1  }
0x8a: {  	s1 =	srdreg.scid  }
0x8b: {  	s0 =	sand.u32 $0x1, s1  }
0x8c: {  	s16 =	sshll.u32 s0, $0xA;
	s2 =	sadd.s32 s3, s2  }
0x8d: {  	s2 =	sadd.s32 s2, s16  }
0x8e: {  	[smem:$0x3FBA] =	sst s2  }
0x8f: {  	_ = 	snop  }
0x90: {  	(tm) =	ssettm $0x1  }
0x91: {  	s17 =	sld [smem:$0x3FFB];
	_ =	sdelay $0x3  }
0x92: {  	_ =	strace s17  }
0x93: {  	s2 =	sld [smem:$0x3FFC];
	_ =	sdelay $0x3  }
0x94: {  	_ =	strace s2  }
0x95: {  	s2 =	sld [smem:$0x3FFD];
	_ =	sdelay $0x3  }
0x96: {  	_ =	strace s2  }
0x97: {  	_ =	strace $0x8FFFFFFF  }
0x98: {  	s18 =	sld [smem:$0x3FDB];
	_ =	sdelay $0x1  }
0x99: {  	s19 =	simm.s32 $_scs_section_size  }
0x9a: {  	s4 =	simm.s32 $_size__tile_overlayer_lowered;
	s5 =	simm.s32 $_tile_overlayer_lowered  }
0x9b: {  	s22 =	simm.s32 $0x1BFF;
	s21 =	sshll.u32 s5, $0x1;
	s2 =	sadd.s32 s19, s18  }
0x9c: {  	s6 =	simm.s32 $0x0;
	s20 =	sshll.u32 s4, $0x1;
	s4 =	sadd.s32 s21, s2  }
0x9d: {  	[timem:s6], [sflag:s22] =	dma.local [hbm:s4], s20  }
0x9e: {  	_ =	swait.ge [sflag:s22], s20  }
0x9f: {  	s3 =	ssub.s32 $0x0, s20;
	[sflag:s22] =	ssyncset.done $0x0  }
0xa0: {  	[sflag:s22] =	ssyncadd.s32 s3;
	_ =	sdelay $0x1  }
0xa1: {  	s23 =	simm.s32 $0x1B8B  }
0xa2: {  	_ =	swait.ge [sflag:s23], $0x1  }
0xa3: {  	[sflag:s23] =	ssyncset.done $0x0  }
0xa4: {  	s25 =	simm.s32 $0x1B8E;
	s24 =	sld [smem:$0x3FFE];
	[sflag:s23] =	ssyncadd.s32 $0xFFFFFFFF  }
0xa5: {  	s26 =	simm.s32 $execute0_lowered;
	[smem:$0x3FD2] =	sst s25  }
0xa6: {  	s4 =	sshll.u32 s26, $0x1;
	_ =	strace $0x80000049;
	[dreg:$0x1] =	wrdreg $0xFFFFFFFF  }
0xa7: {  	s28 =	simm.s32 $_size_execute0_lowered;
	s2 =	sadd.s32 s2, s4;
	[dreg:$0x0] =	wrdreg $0x0  }
0xa8: {  	s4 =	sshll.u32 s28, $0x1;
	[dreg:$0x2] =	wrdreg s2  }
0xa9: {  	[dreg:$0x3] =	wrdreg s4  }
0xaa: {  	[dreg:$0x4] =	wrdreg $0xC0  }
0xab: {  	_ =	task [dreg:s6], $0x5FFFF  }
0xac: {  	[dreg:$0x1] =	wrdreg $0xFFFFFFFF  }
0xad: {  	[dreg:$0x0] =	wrdreg $0x60  }
0xae: {  	[dreg:$0x2] =	wrdreg s24  }
0xaf: {  	[dreg:$0x3] =	wrdreg $0xA8000  }
0xb0: {  	[dreg:$0x4] =	wrdreg $0x9  }
0xb1: {  	_ =	task.clear_ibuf [dreg:s6], $0x5FFFF;
	_ =	strace $0x90000049  }
0xb2: {  	s29 =	simm.s32 $0x9;
	_ =	strace $0x8000004B  }
0xb3: {  	_ =	swait.ge [sflag:s29], $0x1  }
0xb4: {  	[sflag:s29] =	ssyncadd.s32 $0xFFFFFFFF  }
0xb5: {  	_ =	strace $0x9000004B  }
0xb6: {  	_ =	sfence  }
0xb7: {  	s30 =	sld [smem:$0x0];
	_ =	sdelay $0x2  }
0xb8: {  	s31 =	sshll.u32 s1, $0xD;
	s1 =	sshrl.u32 s1, $0x2  }
0xb9: {  	s3 =	sand.u32 $0x4000, s31;
	s1 =	sadd.s32 s1, s30  }
0xba: {  	s0 =	sor.u32 s3, s0;
	s1 =	sshll.u32 s1, $0x11  }
0xbb: {  	s0 =	sor.u32 s1, s0  }
0xbc: {  	s0 =	sadd.s32 $0x8F2B, s0  }
0xbd: {  	[sflag:s0] =	ssyncadd.remote.s32 $0x1  }
0xbe: {  	_ =	sfence.sel $0xFFFF  }
0xbf: {  	[dreg:$0x0] =	wrdreg $0xFFFFFFFF;
	(pc) =	sbr.abs _section_cstart, $3  }
0xc0: {  	[dreg:$0x1] =	wrdreg $0xFFFFFFFF  }
0xc1: {  	_ =	task.clear_ibuf [dreg:s6], $0x2FFFF;
	_ =	strace $0x9FFFFFFF  }
0xc2: {  	(tm) =	ssettm $0x7FFFFFFF  }
0xc3: {  	_ =	shalt  }
tec
execute0_lowered:
.L_overlay_start_1:
0x0: {  	(tag) =	ssettag $0x1  }
0x1: {  	s0 =	rddreg [dreg:$0x0];
	s1 =	srdreg.scid  }
0x2: {  	s2 =	rddreg [dreg:$0x1];
	s9 =	stileid.u32  }
0x3: {  	s3 =	simm.s32 $0x0;
	s28 =	simm.s32 $0x0;
	s6 =	smul.u32 $0x14000, s9  }
0x4: {  	s1 =	sand.u32 $0x1, s1;
	[smem:$0x7FF] =	sst s3;
	s7 =	smul.u32 $0x50000, s9  }
0x5: {  	s4 =	sadd.s32 $0x68A00, s0;
	s20 =	sadd.s32 $0x4A00, s0;
	s11 =	smul.u32 $0xFFFFFF60, s9  }
0x6: {  	s15 =	sadd.s32 $0xEA00, s0;
	s21 =	sshll.u32 s9, $0x1;
	s5 =	smul.u32 $0x140000, s1  }
0x7: {  	s8 =	ssub.s32 $0x2, s1;
	s25 =	sor.u32 s1, s21;
	s1 =	smul.u32 $0xFFFFFFB0, s1  }
0x8: {  	_ =	strace $0x8000004A;
	s21 =	simm.s32 $0x3;
	s10 =	smul.u32 $0xFFFFFFB0, s25  }
0x9: {  	s22 =	sshrl.u32 s7, $0x2;
	s23 =	sshrl.u32 s8, $0x1;
	s12 =	smul.u32 $0x500, s25  }
0xa: {  	s14 =	smul.u32 $0x2800, s25;
	p0 =	seq.s32 s25, $0x1F;
	s25 =	simm.s32 $0x1  }
0xb: {  	s5 =	sadd.s32 s6, s5;
	s17 =	ssub.s32 s8, s23;
	s1 =	sadd.s32 s11, s1  }
0xc: {  	s23 =	simm.s32 $0x80;
	s5 =	sshrl.u32 s5, $0x3;
	s13 =	sadd.s32 $0x9C4, s10  }
0xd: {  	s11 =	sadd.s32 s20, s12;
	s12 =	sadd.s32 s15, s12;
	s1 =	sadd.s32 $0x9C4, s1  }
0xe: {  	s14 =	sshrl.u32 s14, $0x3;
	s17 =	smax.u32 s17, $0x1;
	s0 =	sadd.s32 s5, s0  }
0xf: {  	s5 =	sadd.s32 s22, s2;
	s10 =	smin.u32 s13, $0x28;
	s13 =	smax.u32 s13, $0x28  }
0x10: {  	s16 =	smax.u32 s1, $0x28;
	s18 =	sadd.s32 $0x280, s14;
	s1 =	smin.u32 s1, $0x28  }
0x11: {  	s22 =	simm.s32 $0x1400;
	s24 =	sadd.s32 $0x4000, s5;
	s26 =	sadd.s32 $0x8000, s5  }
0x12: {  	s29 =	sadd.s32 $0xC000, s5;
	s9 =	sadd.s32 $0x10000, s5;
	s13 =	smin.u32 s13, $0x50  }
0x13: {  	s16 =	smin.u32 s16, $0x50;
	s14 =	sadd.s32 s20, s18;
	s15 =	sadd.s32 s15, s18  }
.Ltmp0:
0x14: {  	s18 =	sshll.u32 s1, $0x9;
	[dreg:$0x3] =	wrdreg s24;
	(pc) =	sbr.rel .LBB2_1-.Ltmp0, $4  }
0x15: {  	s20 =	simm.s32 $0x2800;
	[dreg:$0x4] =	wrdreg s26;
	s30 =	sadd.s32 $0xFFFFFFD8, s16  }
0x16: {  	[dreg:$0x5] =	wrdreg s29;
	s13 =	sadd.s32 $0xFFFFFFD8, s13;
	s31 =	sshrl.u32 s30, $0x1  }
0x17: {  	s16 =	sadd.s32 $0x90A00, s0;
	s24 =	simm.s32 $0x6800;
	s0 =	smax.u32 s31, $0x1  }
0x18: {  	v0 =	vimm.f32 $0.0e+00;
	s26 =	simm.s32 $0x2;
	p1 =	seq.s32 s13, $0x0;
	s19 =	sshll.u32 s0, $0x1  }
.LBB2_8:
0x19: {  	[sflag:s21] =	ssyncadd.s32 $0xFFFFC000;
	s0 =	simm.s32 @!p3 $0x6800  }
0x1a: {  	[tilespmem:s0], [sflag:$0x2] =	stream.indirect.gather @!p3 [hbm4b:s4+s1], $0x80, s31, s1, $0xb8;
	[tilespmem:$0x1E800] =	vst v63  }
.LBB2_9:
0x1b: {  	s0 =	stileid.u32;
	s28 =	sadd.s32 $0x1, s28  }
0x1c: {  	[bflag:$0x0] =	sbarrier.arrive $0xFFFF;
	s0 =	sshll.u32 s0, $0x6;
	p2 =	sne.s32 s28, s17  }
.Ltmp1:
0x1d: {  	s1 =	sshrl.u32 s5, $0x3;
	s0 =	sor.u32 $0x1C03, s0;
	(pc) =	sbr.rel @!p2 .LBB2_10-.Ltmp1, $4  }
0x1e: {  	[hbm:s16], [sflag:s0] =	dma.local [spmem:s1], $0x2800  }
0x1f: {  	_ =	swait.ge [sflag:s21], $0x2800  }
0x20: {  	[sflag:s21] =	ssyncset.done $0x0  }
0x21: {  	[sflag:s21] =	ssyncadd.s32 $0xFFFFD800  }
.LBB2_1:
0x22: {  	s0 =	simm.s32 $0x0;
	s29 =	simm.s32 $0x200  }
.LBB2_2:
0x23: {  	p2 =	sne.s32 s29, $0xFE00;
	[tilespmem:s0+$0x2870] =	vst v0  }
0x24: {  	[tilespmem:s0+$0x2800] =	vst v0  }
0x25: {  	[tilespmem:s0+$0x2810] =	vst v0  }
.Ltmp2:
0x26: {  	[tilespmem:s0+$0x2820] =	vst v0;
	(pc) =	sbr.rel @p2 .LBB2_2-.Ltmp2, $4  }
0x27: {  	[tilespmem:s0+$0x2830] =	vst v0  }
0x28: {  	[tilespmem:s0+$0x2840] =	vst v0  }
0x29: {  	[tilespmem:s0+$0x2850] =	vst v0  }
0x2a: {  	[tilespmem:s0+$0x2860] =	vst v0;
	s0 =	sshra.s32 s29, $0x2;
	s29 =	sadd.s32 $0x200, s29  }
0x2b: {  	[tilespmem:s0+$0x2870] =	vst v0  }
0x2c: {  	[tilespmem:s0+$0x2800] =	vst v0  }
0x2d: {  	[tilespmem:s0+$0x2810] =	vst v0  }
0x2e: {  	[tilespmem:s0+$0x2820] =	vst v0  }
0x2f: {  	[tilespmem:s0+$0x2830] =	vst v0  }
0x30: {  	[tilespmem:s0+$0x2840] =	vst v0  }
0x31: {  	[tilespmem:s0+$0x2850] =	vst v0  }
0x32: {  	[tilespmem:s0+$0x2860] =	vst v0  }
0x33: {  	[spmem:s5] =	stream.linear.scatter [tilespmem:s20], [sflag:$0x3], $0x4000, $0x38;
	[tilespmem:$0x1E800] =	vst v63  }
0x34: {  	_ =	swait.ge [sflag:s21], $0x4000  }
0x35: {  	[sflag:s21] =	ssyncset.done $0x0  }
0x36: {  	s8 =	rddreg [dreg:$0x3];
	[sflag:s21] =	ssyncadd.s32 $0xFFFFC000  }
0x37: {  	[spmem:s8] =	stream.linear.scatter [tilespmem:s20], [sflag:$0x3], $0x4000, $0x38;
	[tilespmem:$0x1E800] =	vst v63  }
0x38: {  	_ =	swait.ge [sflag:s21], $0x4000  }
0x39: {  	[sflag:s21] =	ssyncset.done $0x0  }
0x3a: {  	s1 =	rddreg [dreg:$0x4];
	[sflag:s21] =	ssyncadd.s32 $0xFFFFC000  }
0x3b: {  	[spmem:s1] =	stream.linear.scatter [tilespmem:s20], [sflag:$0x3], $0x4000, $0x38;
	[tilespmem:$0x1E800] =	vst v63  }
0x3c: {  	_ =	swait.ge [sflag:s21], $0x4000  }
0x3d: {  	[sflag:s21] =	ssyncset.done $0x0  }
0x3e: {  	s6 =	rddreg [dreg:$0x5];
	[sflag:s21] =	ssyncadd.s32 $0xFFFFC000  }
0x3f: {  	[spmem:s6] =	stream.linear.scatter [tilespmem:s20], [sflag:$0x3], $0x4000, $0x38;
	[tilespmem:$0x1E800] =	vst v63  }
0x40: {  	_ =	swait.ge [sflag:s21], $0x4000  }
0x41: {  	[sflag:s21] =	ssyncset.done $0x0  }
0x42: {  	[sflag:s21] =	ssyncadd.s32 $0xFFFFC000  }
0x43: {  	[spmem:s9] =	stream.linear.scatter [tilespmem:s20], [sflag:$0x3], $0x4000, $0x38;
	[tilespmem:$0x1E800] =	vst v63  }
0x44: {  	_ =	swait.ge [sflag:s21], $0x4000  }
0x45: {  	[sflag:s21] =	ssyncset.done $0x0  }
0x46: {  	[sflag:s21] =	ssyncadd.s32 $0xFFFFC000  }
0x47: {  	[bflag:$0x0] =	sbarrier.arrive $0xFFFF  }
0x48: {  	[tilespmem:s3], [sflag:$0x3] =	stream.linear.gather [hbm4b:s11+s3], $0x1400, $0x38;
	[tilespmem:$0x1E800] =	vst v63  }
0x49: {  	_ =	swait.ge [sflag:s21], $0x1400  }
0x4a: {  	[sflag:s21] =	ssyncset.done $0x0  }
0x4b: {  	[sflag:s21] =	ssyncadd.s32 $0xFFFFEC00  }
0x4c: {  	[tilespmem:s22], [sflag:$0x3] =	stream.linear.gather [hbm4b:s12+s3], $0x1400, $0x38;
	[tilespmem:$0x1E800] =	vst v63  }
0x4d: {  	_ =	swait.ge [sflag:s21], $0x1400  }
0x4e: {  	[sflag:s21] =	ssyncset.done $0x0  }
0x4f: {  	[sflag:s21] =	ssyncadd.s32 $0xFFFFEC00  }
0x50: {  	[tilespmem:s20], [sflag:$0x1] =	stream.indirect.gather [hbm4b:s4+s23], $0x80, s3, s23, $0xb8;
	[tilespmem:$0x1E800] =	vst v63  }
0x51: {  	_ = 	snop  }
0x52: {  	[tilespmem:s24], [sflag:$0x2] =	stream.indirect.gather [hbm4b:s4+s23], $0x80, s23, s23, $0xb8;
	[tilespmem:$0x1E800] =	vst v63  }
0x53: {  	_ =	swait.ge [sflag:s25], $0x4000  }
0x54: {  	[sflag:s25] =	ssyncset.done $0x0  }
0x55: {  	s7 =	simm.s32 $0x1400;
	[sflag:s25] =	ssyncadd.s32 $0xFFFFC000  }
0x56: {  	[spmem:s2] =	stream.indirect.scatter.add.f32 [tilespmem:s20], [sflag:$0x3], $0x80, s7, s23, $0xb8;
	[tilespmem:$0x1E800] =	vst v63  }
0x57: {  	s0 =	simm.s32 $0x100;
	_ =	swait.ge [sflag:s21], $0x4000  }
0x58: {  	p2 =	sle.u32 s10, $0x2;
	s29 =	sadd.s32 $0xFFFFFC00, s18;
	[sflag:s21] =	ssyncset.done $0x0  }
0x59: {  	s1 =	simm.s32 @!p2 $0x80;
	s6 =	simm.s32 @!p2 $0x2800;
	[sflag:s21] =	ssyncadd.s32 $0xFFFFC000  }
0x5a: {  	[tilespmem:s6], [sflag:$0x1] =	stream.indirect.gather @!p2 [hbm4b:s4+s1], $0x80, s0, s1, $0xb8;
	[tilespmem:$0x1E800] =	vst v63  }
0x5b: {  	p2 =	sne.s32 s29, $0x0;
	_ =	swait.ge [sflag:s26], $0x4000  }
.Ltmp3:
0x5c: {  	s30 =	simm.s32 $0x4;
	[sflag:s26] =	ssyncset.done $0x0;
	(pc) =	sbr.rel @!p2 .LBB2_5-.Ltmp3, $4  }
0x5d: {  	s31 =	simm.s32 $0x200;
	s8 =	simm.s32 $0x1480;
	[sflag:s26] =	ssyncadd.s32 $0xFFFFC000  }
0x5e: {  	[spmem:s2] =	stream.indirect.scatter.add.f32 [tilespmem:s24], [sflag:$0x3], $0x80, s8, s23, $0xb8;
	[tilespmem:$0x1E800] =	vst v63  }
0x5f: {  	p3 =	sle.u32 s10, $0x3;
	s0 =	simm.s32 $0x1580;
	_ =	swait.ge [sflag:s21], $0x4000  }
0x60: {  	s1 =	simm.s32 @!p3 $0x180;
	s6 =	simm.s32 @!p3 $0x80;
	[sflag:s21] =	ssyncset.done $0x0  }
.LBB2_4:
0x61: {  	s29 =	sadd.s32 $0xFFFFFC00, s29;
	[sflag:s21] =	ssyncadd.s32 $0xFFFFC000;
	s7 =	simm.s32 @!p3 $0x6800  }
0x62: {  	[tilespmem:s7], [sflag:$0x2] =	stream.indirect.gather @!p3 [hbm4b:s4+s6], $0x80, s1, s6, $0xb8;
	[tilespmem:$0x1E800] =	vst v63  }
0x63: {  	p2 =	sne.s32 s29, $0x0;
	s1 =	smov.u32 s30;
	_ =	swait.ge [sflag:s25], $0x4000  }
0x64: {  	s6 =	sadd.s32 $0xFFFFFF80, s0;
	s7 =	smov.u32 s31;
	[sflag:s25] =	ssyncset.done $0x0  }
0x65: {  	[sflag:s25] =	ssyncadd.s32 $0xFFFFC000  }
0x66: {  	[spmem:s2] =	stream.indirect.scatter.add.f32 [tilespmem:s20], [sflag:$0x3], $0x80, s6, s23, $0xb8;
	[tilespmem:$0x1E800] =	vst v63  }
0x67: {  	p3 =	sge.u32 s30, s10;
	_ =	swait.ge [sflag:s21], $0x4000  }
0x68: {  	s8 =	simm.s32 @!p3 $0x2800;
	s6 =	simm.s32 @!p3 $0x80;
	[sflag:s21] =	ssyncset.done $0x0  }
0x69: {  	[sflag:s21] =	ssyncadd.s32 $0xFFFFC000  }
0x6a: {  	[tilespmem:s8], [sflag:$0x1] =	stream.indirect.gather @!p3 [hbm4b:s4+s6], $0x80, s31, s6, $0xb8;
	[tilespmem:$0x1E800] =	vst v63  }
0x6b: {  	_ =	swait.ge [sflag:s26], $0x4000  }
.Ltmp4:
0x6c: {  	s30 =	sadd.s32 $0x2, s30;
	[sflag:s26] =	ssyncset.done $0x0;
	(pc) =	sbr.rel @p2 .LBB2_4-.Ltmp4, $4  }
0x6d: {  	s1 =	sadd.s32 $0x1, s1;
	s31 =	sadd.s32 $0x100, s31;
	[sflag:s26] =	ssyncadd.s32 $0xFFFFC000  }
0x6e: {  	[spmem:s2] =	stream.indirect.scatter.add.f32 [tilespmem:s24], [sflag:$0x3], $0x80, s0, s23, $0xb8;
	[tilespmem:$0x1E800] =	vst v63  }
0x6f: {  	p3 =	sge.u32 s1, s10;
	s0 =	sadd.s32 $0x100, s0;
	_ =	swait.ge [sflag:s21], $0x4000  }
0x70: {  	s1 =	sadd.s32 @!p3 $0x80, s7;
	s6 =	simm.s32 @!p3 $0x80;
	[sflag:s21] =	ssyncset.done $0x0  }
.LBB2_5:
0x71: {  	[sflag:s21] =	ssyncadd.s32 $0xFFFFC000;
	s0 =	simm.s32 @!p3 $0x6800  }
0x72: {  	[tilespmem:s0], [sflag:$0x2] =	stream.indirect.gather @!p3 [hbm4b:s4+s6], $0x80, s1, s6, $0xb8;
	[tilespmem:$0x1E800] =	vst v63  }
0x73: {  	_ = 	snop  }
0x74: {  	[tilespmem:s3], [sflag:$0x3] =	stream.linear.gather [hbm4b:s14+s3], $0x1400, $0x38;
	[tilespmem:$0x1E800] =	vst v63  }
0x75: {  	_ =	swait.ge [sflag:s21], $0x1400  }
0x76: {  	[sflag:s21] =	ssyncset.done $0x0  }
0x77: {  	[sflag:s21] =	ssyncadd.s32 $0xFFFFEC00  }
0x78: {  	[tilespmem:s22], [sflag:$0x3] =	stream.linear.gather [hbm4b:s15+s3], $0x1400, $0x38;
	[tilespmem:$0x1E800] =	vst v63  }
0x79: {  	_ =	swait.ge [sflag:s21], $0x1400  }
.Ltmp5:
0x7a: {  	s0 =	simm.s32 @!p0 $0x80;
	[sflag:s21] =	ssyncset.done $0x0;
	(pc) =	sbr.rel @p1 .LBB2_9-.Ltmp5, $4  }
0x7b: {  	s1 =	simm.s32 @!p0 $0x0;
	s6 =	simm.s32 @!p0 $0x2800;
	[sflag:s21] =	ssyncadd.s32 $0xFFFFEC00  }
0x7c: {  	[tilespmem:s6], [sflag:$0x1] =	stream.indirect.gather @!p0 [hbm4b:s4+s0], $0x80, s1, s0, $0xb8;
	[tilespmem:$0x1E800] =	vst v63  }
0x7d: {  	s1 =	simm.s32 @!p0 $0x6800  }
0x7e: {  	[tilespmem:s1], [sflag:$0x2] =	stream.indirect.gather @!p0 [hbm4b:s4+s0], $0x80, s0, s0, $0xb8;
	[tilespmem:$0x1E800] =	vst v63  }
0x7f: {  	_ =	swait.ge [sflag:s25], $0x4000  }
0x80: {  	[sflag:s25] =	ssyncset.done $0x0  }
0x81: {  	s0 =	simm.s32 $0x1400;
	[sflag:s25] =	ssyncadd.s32 $0xFFFFC000  }
0x82: {  	[spmem:s2] =	stream.indirect.scatter.add.f32 [tilespmem:s20], [sflag:$0x3], $0x80, s0, s23, $0xb8;
	[tilespmem:$0x1E800] =	vst v63  }
0x83: {  	p2 =	sle.u32 s13, $0x2;
	_ =	swait.ge [sflag:s21], $0x4000  }
0x84: {  	s1 =	simm.s32 @!p2 $0x80;
	[sflag:s21] =	ssyncset.done $0x0  }
0x85: {  	s6 =	simm.s32 @!p2 $0x2800;
	s0 =	simm.s32 $0x100;
	[sflag:s21] =	ssyncadd.s32 $0xFFFFC000  }
0x86: {  	[tilespmem:s6], [sflag:$0x1] =	stream.indirect.gather @!p2 [hbm4b:s4+s1], $0x80, s0, s1, $0xb8;
	[tilespmem:$0x1E800] =	vst v63  }
0x87: {  	p2 =	sne.s32 s19, $0x2;
	_ =	swait.ge [sflag:s26], $0x4000  }
.Ltmp6:
0x88: {  	s8 =	simm.s32 $0x1480;
	[sflag:s26] =	ssyncset.done $0x0;
	(pc) =	sbr.rel @!p2 .LBB2_8-.Ltmp6, $4  }
0x89: {  	s29 =	simm.s32 $0x2;
	p3 =	sle.u32 s13, $0x3;
	[sflag:s26] =	ssyncadd.s32 $0xFFFFC000  }
0x8a: {  	[spmem:s2] =	stream.indirect.scatter.add.f32 [tilespmem:s24], [sflag:$0x3], $0x80, s8, s23, $0xb8;
	[tilespmem:$0x1E800] =	vst v63  }
0x8b: {  	s30 =	simm.s32 $0x200;
	s31 =	simm.s32 @!p3 $0x180;
	_ =	swait.ge [sflag:s21], $0x4000  }
0x8c: {  	s0 =	simm.s32 $0x1580;
	s1 =	simm.s32 @!p3 $0x80;
	[sflag:s21] =	ssyncset.done $0x0  }
.LBB2_7:
0x8d: {  	[sflag:s21] =	ssyncadd.s32 $0xFFFFC000;
	s6 =	simm.s32 @!p3 $0x6800  }
0x8e: {  	s7 =	smov.u32 s29;
	s29 =	sadd.s32 $0x2, s29;
	s8 =	smov.u32 s30  }
0x8f: {  	[tilespmem:s6], [sflag:$0x2] =	stream.indirect.gather @!p3 [hbm4b:s4+s1], $0x80, s31, s1, $0xb8;
	[tilespmem:$0x1E800] =	vst v63  }
0x90: {  	p2 =	sne.s32 s19, s29;
	_ =	swait.ge [sflag:s25], $0x4000  }
0x91: {  	s1 =	sadd.s32 $0xFFFFFF80, s0;
	[sflag:s25] =	ssyncset.done $0x0  }
0x92: {  	[sflag:s25] =	ssyncadd.s32 $0xFFFFC000  }
0x93: {  	[spmem:s2] =	stream.indirect.scatter.add.f32 [tilespmem:s20], [sflag:$0x3], $0x80, s1, s23, $0xb8;
	[tilespmem:$0x1E800] =	vst v63  }
0x94: {  	p3 =	sge.u32 s29, s13;
	_ =	swait.ge [sflag:s21], $0x4000  }
0x95: {  	s6 =	simm.s32 @!p3 $0x2800;
	s1 =	simm.s32 @!p3 $0x80;
	[sflag:s21] =	ssyncset.done $0x0  }
0x96: {  	[sflag:s21] =	ssyncadd.s32 $0xFFFFC000  }
0x97: {  	[tilespmem:s6], [sflag:$0x1] =	stream.indirect.gather @!p3 [hbm4b:s4+s1], $0x80, s30, s1, $0xb8;
	[tilespmem:$0x1E800] =	vst v63  }
0x98: {  	_ =	swait.ge [sflag:s26], $0x4000  }
.Ltmp7:
0x99: {  	[sflag:s26] =	ssyncset.done $0x0;
	(pc) =	sbr.rel @p2 .LBB2_7-.Ltmp7, $4  }
0x9a: {  	s1 =	sadd.s32 $0x3, s7;
	s30 =	sadd.s32 $0x100, s30;
	[sflag:s26] =	ssyncadd.s32 $0xFFFFC000  }
0x9b: {  	[spmem:s2] =	stream.indirect.scatter.add.f32 [tilespmem:s24], [sflag:$0x3], $0x80, s0, s23, $0xb8;
	[tilespmem:$0x1E800] =	vst v63  }
0x9c: {  	p3 =	sge.u32 s1, s13;
	s0 =	sadd.s32 $0x100, s0;
	_ =	swait.ge [sflag:s21], $0x4000  }
0x9d: {  	s31 =	sadd.s32 @!p3 $0x80, s8;
	s1 =	simm.s32 @!p3 $0x80;
	[sflag:s21] =	ssyncset.done $0x0  }
.Ltmp8:
0x9e: {  	_ = 	snop;
	(pc) =	sbr.rel .LBB2_8-.Ltmp8, $1  }
0x9f: {  	_ =	sdelay $0x3  }
.LBB2_10:
0xa0: {  	_ =	sfence.sel $0x180000  }
0xa1: {  	[bflag:$0x0] =	sbarrier.arrive $0xFFFF  }
0xa2: {  	_ =	strace $0x9000004A  }
0xa3: {  	s0 =	stileid.u32;
	[bflag:$0x2] =	sbarrier.arrive $0xFFFF  }
0xa4: {  	p0 =	sne.s32 s0, $0x0;
	s0 =	rddreg [dreg:$0x2]  }
0xa5: {  	s0 =	sadd.s32 @!p0 $0x100000, s0  }
0xa6: {  	[sflag:s0] =	ssyncadd.tile.s32 @!p0 $0x1;
	_ =	shalt  }
.Lfunc_end2:
_tile_overlayer_lowered:
.L_overlay_start_2:
0xa7: {  	(tag) =	ssettag $0x2  }
0xa8: {  	s0 =	rddreg [dreg:$0x0];
	s2 =	stileid.u32  }
0xa9: {  	s1 =	rddreg [dreg:$0x1];
	p0 =	sne.s32 s2, $0x0  }
0xaa: {  	s3 =	rddreg [dreg:$0x2];
	[bflag:$0x3] =	sbarrier.arrive $0xFFFF;
	s2 =	simm.s32 @!p0 $0x1C03  }
0xab: {  	[timem:s3], [sflag:s2] =	dma.local @!p0 [hbm:s0], s1  }
0xac: {  	s0 =	simm.s32 @!p0 $0x3  }
0xad: {  	_ =	swait.ge @!p0 [sflag:s0], s1  }
0xae: {  	s1 =	ssub.s32 @!p0 $0x0, s1;
	[sflag:s0] =	ssyncset.done @!p0 $0x0  }
0xaf: {  	[sflag:s0] =	ssyncadd.s32 @!p0 s1  }
0xb0: {  	[bflag:$0x3] =	sbarrier.arrive $0xFFFF  }
0xb1: {  	_ =	shalt  }

// kernel: kernel.16.cloned.1.call-start
scs
__scs_entry_jumppad:
0x0: {  	(pc) =	sbr.rel $0x88, $3  }
0x1: {  	(tag) =	ssettag $0x0;
	lr =	simm.s32 $0x1  }
0x2: {  	[smem:$0x3F93] =	sst lr;
	_ =	strace $0xD0000000  }
0x3: {  	_ = 	snop  }
0x4: {  	_ = 	snop  }
0x5: {  	_ = 	snop  }
0x6: {  	_ = 	snop  }
0x7: {  	_ = 	snop  }
__scs_overlays_trampoline_lowered:
0x8: {  	[smem:$0x3FA2] =	sst s0  }
0x9: {  	[smem:$0x3FA3] =	sst s1  }
0xa: {  	[smem:$0x3FA4] =	sst s2  }
0xb: {  	[smem:$0x3FA5] =	sst s3  }
0xc: {  	[smem:$0x3FA6] =	sst s4  }
0xd: {  	[smem:$0x3FA7] =	sst s5  }
0xe: {  	[smem:$0x3FA8] =	sst s6  }
0xf: {  	[smem:$0x3FA9] =	sst s7  }
0x10: {  	[smem:$0x3FAA] =	sst s8  }
0x11: {  	[smem:$0x3FAB] =	sst s9;
	s0 =	simm.s32 @!p0 $0x0  }
0x12: {  	s1 =	sld [smem:$0x3F91];
	s0 =	simm.s32 @p0 $0x1  }
0x13: {  	[smem:$0x3FAC] =	sst s0;
	s0 =	simm.s32 @!p1 $0x0  }
0x14: {  	s2 =	sld [smem:$0x3F90];
	s0 =	simm.s32 @p1 $0x1  }
0x15: {  	[smem:$0x3FAD] =	sst s0;
	s0 =	simm.s32 @!p2 $0x0  }
0x16: {  	s3 =	sld [smem:$0x3FDB];
	s0 =	simm.s32 @p2 $0x1  }
0x17: {  	s4 =	simm.s32 $0x1BF5;
	[smem:$0x3FAF] =	sst s0  }
0x18: {  	s0 =	sld [smem:$0x3F92];
	_ =	swait.ge [sflag:s4], $0x0  }
0x19: {  	s7 =	sld [smem:$0x3F93]  }
0x1a: {  	s8 =	sadd.s32 $0xFFFFE003, lr  }
0x1b: {  	s9 =	sadd.s32 $0xFFFFFEF7, lr;
	s5 =	simm.s32 $0xFFFFFFFF;
	p2 =	slt.u32 s8, $0xFFFFF086  }
0x1c: {  	p1 =	slt.u32 s9, $0xF7A;
	s5 =	simm.s32 @!p2 $0x0  }
0x1d: {  	s5 =	simm.s32 @p1 $0x1;
	p0 =	seq.s32 s7, s2  }
0x1e: {  	s7 =	smul.u32 @!p0 $0xF7A, s2;
	p2 =	seq.s32 @!p0 s5, $0x0  }
0x1f: {  	s9 =	smul.u32 $0xF7A, s1;
	s8 =	simm.s32 @!p0 $0x1BF5;
	p2 =	por !p2, p0  }
0x20: {  	[sflag:s8] =	ssyncset.s32 @!p0 $0xFFFFF086;
	s6 =	sadd.s32 @!p0 s3, s7;
	s7 =	simm.s32 @!p0 $0x108  }
0x21: {  	s3 =	sadd.s32 s3, s9;
	s6 =	sadd.s32 @!p0 $0x88, s6;
	s7 =	simm.s32 @p2 $0x1082  }
0x22: {  	[simem:s7], [sflag:s8] =	dma.local @!p0 [hbm:s6], $0xF7A  }
0x23: {  	s9 =	sor.u32 $0xD0000000, s2;
	s6 =	simm.s32 $0x108;
	_ =	swait.ge @!p0 [sflag:s8], $0x0  }
0x24: {  	s3 =	sadd.s32 $0x88, s3;
	s6 =	simm.s32 @!p1 $0x1082;
	[sflag:s4] =	ssyncset.s32 $0xFFFFF086  }
0x25: {  	[simem:s6], [sflag:s4] =	dma.local [hbm:s3], $0xF7A  }
0x26: {  	[smem:$0x3F93] =	sst s1;
	(tag) =	ssettag s2;
	_ =	strace s9  }
0x27: {  	s1 =	sld [smem:$0x3FA3]  }
0x28: {  	s2 =	sld [smem:$0x3FA4]  }
0x29: {  	s4 =	sld [smem:$0x3FA6]  }
0x2a: {  	p0 =	seq.s32 s5, $0x0;
	s5 =	sld [smem:$0x3FA7]  }
0x2b: {  	s6 =	sld [smem:$0x3FA8]  }
0x2c: {  	s7 =	sld [smem:$0x3FA9]  }
0x2d: {  	s3 =	simm.s32 $0x108;
	s8 =	sld [smem:$0x3FAA]  }
0x2e: {  	s3 =	simm.s32 @!p0 $0x1082;
	s9 =	sld [smem:$0x3FAB]  }
0x2f: {  	lr =	sadd.s32 s0, s3;
	s0 =	sld [smem:$0x3FA2]  }
0x30: {  	s3 =	sld [smem:$0x3FA5]  }
0x31: {  	[smem:$0x3FAE] =	sst s10  }
0x32: {  	s10 =	sld [smem:$0x3FAC];
	_ =	sdelay $0x3  }
0x33: {  	p0 =	seq.s32 s10, $0x1;
	s10 =	sld [smem:$0x3FAE];
	_ =	sdelay $0x3  }
0x34: {  	[smem:$0x3FAE] =	sst s10  }
0x35: {  	s10 =	sld [smem:$0x3FAD];
	_ =	sdelay $0x3  }
0x36: {  	p1 =	seq.s32 s10, $0x1;
	s10 =	sld [smem:$0x3FAE];
	_ =	sdelay $0x3  }
0x37: {  	[smem:$0x3FAE] =	sst s10  }
0x38: {  	s10 =	sld [smem:$0x3FAF]  }
0x39: {  	_ = 	snop;
	(pc) =	sbr.ind lr, $3  }
0x3a: {  	_ = 	snop  }
0x3b: {  	_ = 	snop  }
0x3c: {  	p2 =	seq.s32 s10, $0x1;
	s10 =	sld [smem:$0x3FAE]  }
0x3d: {  	_ =	shalt  }
0x3e: {  	_ =	shalt  }
0x3f: {  	_ =	shalt  }
0x40: {  	_ =	shalt  }
0x41: {  	_ =	shalt  }
0x42: {  	_ =	shalt  }
0x43: {  	_ =	shalt  }
0x44: {  	_ =	shalt  }
0x45: {  	_ =	shalt  }
0x46: {  	_ =	shalt  }
0x47: {  	_ =	shalt  }
0x48: {  	_ =	shalt  }
0x49: {  	_ =	shalt  }
0x4a: {  	_ =	shalt  }
0x4b: {  	_ =	shalt  }
0x4c: {  	_ =	shalt  }
0x4d: {  	_ =	shalt  }
0x4e: {  	_ =	shalt  }
0x4f: {  	_ =	shalt  }
0x50: {  	_ =	shalt  }
0x51: {  	_ =	shalt  }
0x52: {  	_ =	shalt  }
0x53: {  	_ =	shalt  }
0x54: {  	_ =	shalt  }
0x55: {  	_ =	shalt  }
0x56: {  	_ =	shalt  }
0x57: {  	_ =	shalt  }
0x58: {  	_ =	shalt  }
0x59: {  	_ =	shalt  }
0x5a: {  	_ =	shalt  }
0x5b: {  	_ =	shalt  }
0x5c: {  	_ =	shalt  }
0x5d: {  	_ =	shalt  }
0x5e: {  	_ =	shalt  }
0x5f: {  	_ =	shalt  }
0x60: {  	_ =	shalt  }
0x61: {  	_ =	shalt  }
0x62: {  	_ =	shalt  }
0x63: {  	_ =	shalt  }
0x64: {  	_ =	shalt  }
0x65: {  	_ =	shalt  }
0x66: {  	_ =	shalt  }
0x67: {  	_ =	shalt  }
0x68: {  	_ =	shalt  }
0x69: {  	_ =	shalt  }
0x6a: {  	_ =	shalt  }
0x6b: {  	_ =	shalt  }
0x6c: {  	_ =	shalt  }
0x6d: {  	_ =	shalt  }
0x6e: {  	_ =	shalt  }
0x6f: {  	_ =	shalt  }
0x70: {  	_ =	shalt  }
0x71: {  	_ =	shalt  }
0x72: {  	_ =	shalt  }
0x73: {  	_ =	shalt  }
0x74: {  	_ =	shalt  }
0x75: {  	_ =	shalt  }
0x76: {  	_ =	shalt  }
0x77: {  	_ =	shalt  }
0x78: {  	_ =	shalt  }
0x79: {  	_ =	shalt  }
0x7a: {  	_ =	shalt  }
0x7b: {  	_ =	shalt  }
0x7c: {  	_ =	shalt  }
0x7d: {  	_ =	shalt  }
0x7e: {  	_ =	shalt  }
0x7f: {  	_ =	shalt  }
0x80: {  	_ =	shalt  }
0x81: {  	_ =	shalt  }
0x82: {  	_ =	shalt  }
0x83: {  	_ =	shalt  }
0x84: {  	_ =	shalt  }
0x85: {  	_ =	shalt  }
0x86: {  	_ =	shalt  }
0x87: {  	_ =	shalt  }
.Lfunc_end0:
.L_simem_size_0:
called_computation.2_lowered:
.L_overlay_start_0:
0x88: {  	s2 =	sld [smem:$0x3FD9]  }
0x89: {  	s3 =	sld [smem:$0x3FFE];
	_ =	sdelay $0x1  }
0x8a: {  	s1 =	srdreg.scid  }
0x8b: {  	s0 =	sand.u32 $0x1, s1  }
0x8c: {  	s16 =	sshll.u32 s0, $0xA;
	s2 =	sadd.s32 s3, s2  }
0x8d: {  	s2 =	sadd.s32 s2, s16  }
0x8e: {  	[smem:$0x3FBA] =	sst s2  }
0x8f: {  	_ = 	snop  }
0x90: {  	(tm) =	ssettm $0x1  }
0x91: {  	s17 =	sld [smem:$0x3FFB];
	_ =	sdelay $0x3  }
0x92: {  	_ =	strace s17  }
0x93: {  	s2 =	sld [smem:$0x3FFC];
	_ =	sdelay $0x3  }
0x94: {  	_ =	strace s2  }
0x95: {  	s2 =	sld [smem:$0x3FFD];
	_ =	sdelay $0x3  }
0x96: {  	_ =	strace s2  }
0x97: {  	_ =	strace $0x8FFFFFFF  }
0x98: {  	s18 =	sld [smem:$0x3FDB];
	_ =	sdelay $0x1  }
0x99: {  	s19 =	simm.s32 $_scs_section_size  }
0x9a: {  	s4 =	simm.s32 $_size__tile_overlayer_lowered;
	s5 =	simm.s32 $_tile_overlayer_lowered  }
0x9b: {  	s22 =	simm.s32 $0x1BFF;
	s21 =	sshll.u32 s5, $0x1;
	s2 =	sadd.s32 s19, s18  }
0x9c: {  	s6 =	simm.s32 $0x0;
	s20 =	sshll.u32 s4, $0x1;
	s4 =	sadd.s32 s21, s2  }
0x9d: {  	[timem:s6], [sflag:s22] =	dma.local [hbm:s4], s20  }
0x9e: {  	_ =	swait.ge [sflag:s22], s20  }
0x9f: {  	s3 =	ssub.s32 $0x0, s20;
	[sflag:s22] =	ssyncset.done $0x0  }
0xa0: {  	[sflag:s22] =	ssyncadd.s32 s3;
	_ =	sdelay $0x1  }
0xa1: {  	s23 =	simm.s32 $0x1B8B  }
0xa2: {  	_ =	swait.ge [sflag:s23], $0x1  }
0xa3: {  	[sflag:s23] =	ssyncset.done $0x0  }
0xa4: {  	s25 =	simm.s32 $0x1B8E;
	s24 =	sld [smem:$0x3FFE];
	[sflag:s23] =	ssyncadd.s32 $0xFFFFFFFF  }
0xa5: {  	s26 =	simm.s32 $execute0_lowered;
	[smem:$0x3FD2] =	sst s25  }
0xa6: {  	s4 =	sshll.u32 s26, $0x1;
	_ =	strace $0x8000004C;
	[dreg:$0x1] =	wrdreg $0xFFFFFFFF  }
0xa7: {  	s28 =	simm.s32 $_size_execute0_lowered;
	s2 =	sadd.s32 s2, s4;
	[dreg:$0x0] =	wrdreg $0x0  }
0xa8: {  	s4 =	sshll.u32 s28, $0x1;
	[dreg:$0x2] =	wrdreg s2  }
0xa9: {  	[dreg:$0x3] =	wrdreg s4  }
0xaa: {  	[dreg:$0x4] =	wrdreg $0xC0  }
0xab: {  	_ =	task [dreg:s6], $0x5FFFF  }
0xac: {  	[dreg:$0x1] =	wrdreg $0xFFFFFFFF  }
0xad: {  	[dreg:$0x0] =	wrdreg $0x60  }
0xae: {  	[dreg:$0x2] =	wrdreg s24  }
0xaf: {  	[dreg:$0x3] =	wrdreg $0xA8000  }
0xb0: {  	[dreg:$0x4] =	wrdreg $0x9  }
0xb1: {  	_ =	task.clear_ibuf [dreg:s6], $0x5FFFF;
	_ =	strace $0x9000004C  }
0xb2: {  	s29 =	simm.s32 $0x9;
	_ =	strace $0x8000004E  }
0xb3: {  	_ =	swait.ge [sflag:s29], $0x1  }
0xb4: {  	[sflag:s29] =	ssyncadd.s32 $0xFFFFFFFF  }
0xb5: {  	_ =	strace $0x9000004E  }
0xb6: {  	_ =	sfence  }
0xb7: {  	s30 =	sld [smem:$0x0];
	_ =	sdelay $0x2  }
0xb8: {  	s31 =	sshll.u32 s1, $0xD;
	s1 =	sshrl.u32 s1, $0x2  }
0xb9: {  	s3 =	sand.u32 $0x4000, s31;
	s1 =	sadd.s32 s1, s30  }
0xba: {  	s0 =	sor.u32 s3, s0;
	s1 =	sshll.u32 s1, $0x11  }
0xbb: {  	s0 =	sor.u32 s1, s0  }
0xbc: {  	s0 =	sadd.s32 $0x8F2B, s0  }
0xbd: {  	[sflag:s0] =	ssyncadd.remote.s32 $0x1  }
0xbe: {  	_ =	sfence.sel $0xFFFF  }
0xbf: {  	[dreg:$0x0] =	wrdreg $0xFFFFFFFF;
	(pc) =	sbr.abs _section_cstart, $3  }
0xc0: {  	[dreg:$0x1] =	wrdreg $0xFFFFFFFF  }
0xc1: {  	_ =	task.clear_ibuf [dreg:s6], $0x2FFFF;
	_ =	strace $0x9FFFFFFF  }
0xc2: {  	(tm) =	ssettm $0x7FFFFFFF  }
0xc3: {  	_ =	shalt  }
tec
execute0_lowered:
.L_overlay_start_1:
0x0: {  	(tag) =	ssettag $0x1  }
0x1: {  	s0 =	rddreg [dreg:$0x0];
	s1 =	srdreg.scid  }
0x2: {  	s2 =	rddreg [dreg:$0x1];
	s9 =	stileid.u32  }
0x3: {  	s3 =	simm.s32 $0x0;
	s28 =	simm.s32 $0x0;
	s6 =	smul.u32 $0x14000, s9  }
0x4: {  	s1 =	sand.u32 $0x1, s1;
	[smem:$0x7FF] =	sst s3;
	s7 =	smul.u32 $0x50000, s9  }
0x5: {  	s4 =	sadd.s32 $0x68A00, s0;
	s20 =	sadd.s32 $0x4A00, s0;
	s11 =	smul.u32 $0xFFFFFF60, s9  }
0x6: {  	s15 =	sadd.s32 $0xEA00, s0;
	s21 =	sshll.u32 s9, $0x1;
	s5 =	smul.u32 $0x140000, s1  }
0x7: {  	s8 =	ssub.s32 $0x2, s1;
	s25 =	sor.u32 s1, s21;
	s1 =	smul.u32 $0xFFFFFFB0, s1  }
0x8: {  	_ =	strace $0x8000004D;
	s21 =	simm.s32 $0x3;
	s10 =	smul.u32 $0xFFFFFFB0, s25  }
0x9: {  	s22 =	sshrl.u32 s7, $0x2;
	s23 =	sshrl.u32 s8, $0x1;
	s12 =	smul.u32 $0x500, s25  }
0xa: {  	s14 =	smul.u32 $0x2800, s25;
	p0 =	seq.s32 s25, $0x1F;
	s25 =	simm.s32 $0x1  }
0xb: {  	s5 =	sadd.s32 s6, s5;
	s17 =	ssub.s32 s8, s23;
	s1 =	sadd.s32 s11, s1  }
0xc: {  	s23 =	simm.s32 $0x80;
	s5 =	sshrl.u32 s5, $0x3;
	s13 =	sadd.s32 $0x9C4, s10  }
0xd: {  	s11 =	sadd.s32 s20, s12;
	s12 =	sadd.s32 s15, s12;
	s1 =	sadd.s32 $0x9C4, s1  }
0xe: {  	s14 =	sshrl.u32 s14, $0x3;
	s17 =	smax.u32 s17, $0x1;
	s0 =	sadd.s32 s5, s0  }
0xf: {  	s5 =	sadd.s32 s22, s2;
	s10 =	smin.u32 s13, $0x28;
	s13 =	smax.u32 s13, $0x28  }
0x10: {  	s16 =	smax.u32 s1, $0x28;
	s18 =	sadd.s32 $0x280, s14;
	s1 =	smin.u32 s1, $0x28  }
0x11: {  	s22 =	simm.s32 $0x1400;
	s24 =	sadd.s32 $0x4000, s5;
	s26 =	sadd.s32 $0x8000, s5  }
0x12: {  	s29 =	sadd.s32 $0xC000, s5;
	s9 =	sadd.s32 $0x10000, s5;
	s13 =	smin.u32 s13, $0x50  }
0x13: {  	s16 =	smin.u32 s16, $0x50;
	s14 =	sadd.s32 s20, s18;
	s15 =	sadd.s32 s15, s18  }
.Ltmp0:
0x14: {  	s18 =	sshll.u32 s1, $0x9;
	[dreg:$0x3] =	wrdreg s24;
	(pc) =	sbr.rel .LBB2_1-.Ltmp0, $4  }
0x15: {  	s20 =	simm.s32 $0x2800;
	[dreg:$0x4] =	wrdreg s26;
	s30 =	sadd.s32 $0xFFFFFFD8, s16  }
0x16: {  	[dreg:$0x5] =	wrdreg s29;
	s13 =	sadd.s32 $0xFFFFFFD8, s13;
	s31 =	sshrl.u32 s30, $0x1  }
0x17: {  	s16 =	sadd.s32 $0x90A00, s0;
	s24 =	simm.s32 $0x6800;
	s0 =	smax.u32 s31, $0x1  }
0x18: {  	v0 =	vimm.f32 $0.0e+00;
	s26 =	simm.s32 $0x2;
	p1 =	seq.s32 s13, $0x0;
	s19 =	sshll.u32 s0, $0x1  }
.LBB2_8:
0x19: {  	[sflag:s21] =	ssyncadd.s32 $0xFFFFC000;
	s0 =	simm.s32 @!p3 $0x6800  }
0x1a: {  	[tilespmem:s0], [sflag:$0x2] =	stream.indirect.gather @!p3 [hbm4b:s4+s1], $0x80, s31, s1, $0xb8;
	[tilespmem:$0x1E800] =	vst v63  }
.LBB2_9:
0x1b: {  	s0 =	stileid.u32;
	s28 =	sadd.s32 $0x1, s28  }
0x1c: {  	[bflag:$0x0] =	sbarrier.arrive $0xFFFF;
	s0 =	sshll.u32 s0, $0x6;
	p2 =	sne.s32 s28, s17  }
.Ltmp1:
0x1d: {  	s1 =	sshrl.u32 s5, $0x3;
	s0 =	sor.u32 $0x1C03, s0;
	(pc) =	sbr.rel @!p2 .LBB2_10-.Ltmp1, $4  }
0x1e: {  	[hbm:s16], [sflag:s0] =	dma.local [spmem:s1], $0x2800  }
0x1f: {  	_ =	swait.ge [sflag:s21], $0x2800  }
0x20: {  	[sflag:s21] =	ssyncset.done $0x0  }
0x21: {  	[sflag:s21] =	ssyncadd.s32 $0xFFFFD800  }
.LBB2_1:
0x22: {  	s0 =	simm.s32 $0x0;
	s29 =	simm.s32 $0x200  }
.LBB2_2:
0x23: {  	p2 =	sne.s32 s29, $0xFE00;
	[tilespmem:s0+$0x2870] =	vst v0  }
0x24: {  	[tilespmem:s0+$0x2800] =	vst v0  }
0x25: {  	[tilespmem:s0+$0x2810] =	vst v0  }
.Ltmp2:
0x26: {  	[tilespmem:s0+$0x2820] =	vst v0;
	(pc) =	sbr.rel @p2 .LBB2_2-.Ltmp2, $4  }
0x27: {  	[tilespmem:s0+$0x2830] =	vst v0  }
0x28: {  	[tilespmem:s0+$0x2840] =	vst v0  }
0x29: {  	[tilespmem:s0+$0x2850] =	vst v0  }
0x2a: {  	[tilespmem:s0+$0x2860] =	vst v0;
	s0 =	sshra.s32 s29, $0x2;
	s29 =	sadd.s32 $0x200, s29  }
0x2b: {  	[tilespmem:s0+$0x2870] =	vst v0  }
0x2c: {  	[tilespmem:s0+$0x2800] =	vst v0  }
0x2d: {  	[tilespmem:s0+$0x2810] =	vst v0  }
0x2e: {  	[tilespmem:s0+$0x2820] =	vst v0  }
0x2f: {  	[tilespmem:s0+$0x2830] =	vst v0  }
0x30: {  	[tilespmem:s0+$0x2840] =	vst v0  }
0x31: {  	[tilespmem:s0+$0x2850] =	vst v0  }
0x32: {  	[tilespmem:s0+$0x2860] =	vst v0  }
0x33: {  	[spmem:s5] =	stream.linear.scatter [tilespmem:s20], [sflag:$0x3], $0x4000, $0x38;
	[tilespmem:$0x1E800] =	vst v63  }
0x34: {  	_ =	swait.ge [sflag:s21], $0x4000  }
0x35: {  	[sflag:s21] =	ssyncset.done $0x0  }
0x36: {  	s8 =	rddreg [dreg:$0x3];
	[sflag:s21] =	ssyncadd.s32 $0xFFFFC000  }
0x37: {  	[spmem:s8] =	stream.linear.scatter [tilespmem:s20], [sflag:$0x3], $0x4000, $0x38;
	[tilespmem:$0x1E800] =	vst v63  }
0x38: {  	_ =	swait.ge [sflag:s21], $0x4000  }
0x39: {  	[sflag:s21] =	ssyncset.done $0x0  }
0x3a: {  	s1 =	rddreg [dreg:$0x4];
	[sflag:s21] =	ssyncadd.s32 $0xFFFFC000  }
0x3b: {  	[spmem:s1] =	stream.linear.scatter [tilespmem:s20], [sflag:$0x3], $0x4000, $0x38;
	[tilespmem:$0x1E800] =	vst v63  }
0x3c: {  	_ =	swait.ge [sflag:s21], $0x4000  }
0x3d: {  	[sflag:s21] =	ssyncset.done $0x0  }
0x3e: {  	s6 =	rddreg [dreg:$0x5];
	[sflag:s21] =	ssyncadd.s32 $0xFFFFC000  }
0x3f: {  	[spmem:s6] =	stream.linear.scatter [tilespmem:s20], [sflag:$0x3], $0x4000, $0x38;
	[tilespmem:$0x1E800] =	vst v63  }
0x40: {  	_ =	swait.ge [sflag:s21], $0x4000  }
0x41: {  	[sflag:s21] =	ssyncset.done $0x0  }
0x42: {  	[sflag:s21] =	ssyncadd.s32 $0xFFFFC000  }
0x43: {  	[spmem:s9] =	stream.linear.scatter [tilespmem:s20], [sflag:$0x3], $0x4000, $0x38;
	[tilespmem:$0x1E800] =	vst v63  }
0x44: {  	_ =	swait.ge [sflag:s21], $0x4000  }
0x45: {  	[sflag:s21] =	ssyncset.done $0x0  }
0x46: {  	[sflag:s21] =	ssyncadd.s32 $0xFFFFC000  }
0x47: {  	[bflag:$0x0] =	sbarrier.arrive $0xFFFF  }
0x48: {  	[tilespmem:s3], [sflag:$0x3] =	stream.linear.gather [hbm4b:s11+s3], $0x1400, $0x38;
	[tilespmem:$0x1E800] =	vst v63  }
0x49: {  	_ =	swait.ge [sflag:s21], $0x1400  }
0x4a: {  	[sflag:s21] =	ssyncset.done $0x0  }
0x4b: {  	[sflag:s21] =	ssyncadd.s32 $0xFFFFEC00  }
0x4c: {  	[tilespmem:s22], [sflag:$0x3] =	stream.linear.gather [hbm4b:s12+s3], $0x1400, $0x38;
	[tilespmem:$0x1E800] =	vst v63  }
0x4d: {  	_ =	swait.ge [sflag:s21], $0x1400  }
0x4e: {  	[sflag:s21] =	ssyncset.done $0x0  }
0x4f: {  	[sflag:s21] =	ssyncadd.s32 $0xFFFFEC00  }
0x50: {  	[tilespmem:s20], [sflag:$0x1] =	stream.indirect.gather [hbm4b:s4+s23], $0x80, s3, s23, $0xb8;
	[tilespmem:$0x1E800] =	vst v63  }
0x51: {  	_ = 	snop  }
0x52: {  	[tilespmem:s24], [sflag:$0x2] =	stream.indirect.gather [hbm4b:s4+s23], $0x80, s23, s23, $0xb8;
	[tilespmem:$0x1E800] =	vst v63  }
0x53: {  	_ =	swait.ge [sflag:s25], $0x4000  }
0x54: {  	[sflag:s25] =	ssyncset.done $0x0  }
0x55: {  	s7 =	simm.s32 $0x1400;
	[sflag:s25] =	ssyncadd.s32 $0xFFFFC000  }
0x56: {  	[spmem:s2] =	stream.indirect.scatter.add.f32 [tilespmem:s20], [sflag:$0x3], $0x80, s7, s23, $0xb8;
	[tilespmem:$0x1E800] =	vst v63  }
0x57: {  	s0 =	simm.s32 $0x100;
	_ =	swait.ge [sflag:s21], $0x4000  }
0x58: {  	p2 =	sle.u32 s10, $0x2;
	s29 =	sadd.s32 $0xFFFFFC00, s18;
	[sflag:s21] =	ssyncset.done $0x0  }
0x59: {  	s1 =	simm.s32 @!p2 $0x80;
	s6 =	simm.s32 @!p2 $0x2800;
	[sflag:s21] =	ssyncadd.s32 $0xFFFFC000  }
0x5a: {  	[tilespmem:s6], [sflag:$0x1] =	stream.indirect.gather @!p2 [hbm4b:s4+s1], $0x80, s0, s1, $0xb8;
	[tilespmem:$0x1E800] =	vst v63  }
0x5b: {  	p2 =	sne.s32 s29, $0x0;
	_ =	swait.ge [sflag:s26], $0x4000  }
.Ltmp3:
0x5c: {  	s30 =	simm.s32 $0x4;
	[sflag:s26] =	ssyncset.done $0x0;
	(pc) =	sbr.rel @!p2 .LBB2_5-.Ltmp3, $4  }
0x5d: {  	s31 =	simm.s32 $0x200;
	s8 =	simm.s32 $0x1480;
	[sflag:s26] =	ssyncadd.s32 $0xFFFFC000  }
0x5e: {  	[spmem:s2] =	stream.indirect.scatter.add.f32 [tilespmem:s24], [sflag:$0x3], $0x80, s8, s23, $0xb8;
	[tilespmem:$0x1E800] =	vst v63  }
0x5f: {  	p3 =	sle.u32 s10, $0x3;
	s0 =	simm.s32 $0x1580;
	_ =	swait.ge [sflag:s21], $0x4000  }
0x60: {  	s1 =	simm.s32 @!p3 $0x180;
	s6 =	simm.s32 @!p3 $0x80;
	[sflag:s21] =	ssyncset.done $0x0  }
.LBB2_4:
0x61: {  	s29 =	sadd.s32 $0xFFFFFC00, s29;
	[sflag:s21] =	ssyncadd.s32 $0xFFFFC000;
	s7 =	simm.s32 @!p3 $0x6800  }
0x62: {  	[tilespmem:s7], [sflag:$0x2] =	stream.indirect.gather @!p3 [hbm4b:s4+s6], $0x80, s1, s6, $0xb8;
	[tilespmem:$0x1E800] =	vst v63  }
0x63: {  	p2 =	sne.s32 s29, $0x0;
	s1 =	smov.u32 s30;
	_ =	swait.ge [sflag:s25], $0x4000  }
0x64: {  	s6 =	sadd.s32 $0xFFFFFF80, s0;
	s7 =	smov.u32 s31;
	[sflag:s25] =	ssyncset.done $0x0  }
0x65: {  	[sflag:s25] =	ssyncadd.s32 $0xFFFFC000  }
0x66: {  	[spmem:s2] =	stream.indirect.scatter.add.f32 [tilespmem:s20], [sflag:$0x3], $0x80, s6, s23, $0xb8;
	[tilespmem:$0x1E800] =	vst v63  }
0x67: {  	p3 =	sge.u32 s30, s10;
	_ =	swait.ge [sflag:s21], $0x4000  }
0x68: {  	s8 =	simm.s32 @!p3 $0x2800;
	s6 =	simm.s32 @!p3 $0x80;
	[sflag:s21] =	ssyncset.done $0x0  }
0x69: {  	[sflag:s21] =	ssyncadd.s32 $0xFFFFC000  }
0x6a: {  	[tilespmem:s8], [sflag:$0x1] =	stream.indirect.gather @!p3 [hbm4b:s4+s6], $0x80, s31, s6, $0xb8;
	[tilespmem:$0x1E800] =	vst v63  }
0x6b: {  	_ =	swait.ge [sflag:s26], $0x4000  }
.Ltmp4:
0x6c: {  	s30 =	sadd.s32 $0x2, s30;
	[sflag:s26] =	ssyncset.done $0x0;
	(pc) =	sbr.rel @p2 .LBB2_4-.Ltmp4, $4  }
0x6d: {  	s1 =	sadd.s32 $0x1, s1;
	s31 =	sadd.s32 $0x100, s31;
	[sflag:s26] =	ssyncadd.s32 $0xFFFFC000  }
0x6e: {  	[spmem:s2] =	stream.indirect.scatter.add.f32 [tilespmem:s24], [sflag:$0x3], $0x80, s0, s23, $0xb8;
	[tilespmem:$0x1E800] =	vst v63  }
0x6f: {  	p3 =	sge.u32 s1, s10;
	s0 =	sadd.s32 $0x100, s0;
	_ =	swait.ge [sflag:s21], $0x4000  }
0x70: {  	s1 =	sadd.s32 @!p3 $0x80, s7;
	s6 =	simm.s32 @!p3 $0x80;
	[sflag:s21] =	ssyncset.done $0x0  }
.LBB2_5:
0x71: {  	[sflag:s21] =	ssyncadd.s32 $0xFFFFC000;
	s0 =	simm.s32 @!p3 $0x6800  }
0x72: {  	[tilespmem:s0], [sflag:$0x2] =	stream.indirect.gather @!p3 [hbm4b:s4+s6], $0x80, s1, s6, $0xb8;
	[tilespmem:$0x1E800] =	vst v63  }
0x73: {  	_ = 	snop  }
0x74: {  	[tilespmem:s3], [sflag:$0x3] =	stream.linear.gather [hbm4b:s14+s3], $0x1400, $0x38;
	[tilespmem:$0x1E800] =	vst v63  }
0x75: {  	_ =	swait.ge [sflag:s21], $0x1400  }
0x76: {  	[sflag:s21] =	ssyncset.done $0x0  }
0x77: {  	[sflag:s21] =	ssyncadd.s32 $0xFFFFEC00  }
0x78: {  	[tilespmem:s22], [sflag:$0x3] =	stream.linear.gather [hbm4b:s15+s3], $0x1400, $0x38;
	[tilespmem:$0x1E800] =	vst v63  }
0x79: {  	_ =	swait.ge [sflag:s21], $0x1400  }
.Ltmp5:
0x7a: {  	s0 =	simm.s32 @!p0 $0x80;
	[sflag:s21] =	ssyncset.done $0x0;
	(pc) =	sbr.rel @p1 .LBB2_9-.Ltmp5, $4  }
0x7b: {  	s1 =	simm.s32 @!p0 $0x0;
	s6 =	simm.s32 @!p0 $0x2800;
	[sflag:s21] =	ssyncadd.s32 $0xFFFFEC00  }
0x7c: {  	[tilespmem:s6], [sflag:$0x1] =	stream.indirect.gather @!p0 [hbm4b:s4+s0], $0x80, s1, s0, $0xb8;
	[tilespmem:$0x1E800] =	vst v63  }
0x7d: {  	s1 =	simm.s32 @!p0 $0x6800  }
0x7e: {  	[tilespmem:s1], [sflag:$0x2] =	stream.indirect.gather @!p0 [hbm4b:s4+s0], $0x80, s0, s0, $0xb8;
	[tilespmem:$0x1E800] =	vst v63  }
0x7f: {  	_ =	swait.ge [sflag:s25], $0x4000  }
0x80: {  	[sflag:s25] =	ssyncset.done $0x0  }
0x81: {  	s0 =	simm.s32 $0x1400;
	[sflag:s25] =	ssyncadd.s32 $0xFFFFC000  }
0x82: {  	[spmem:s2] =	stream.indirect.scatter.add.f32 [tilespmem:s20], [sflag:$0x3], $0x80, s0, s23, $0xb8;
	[tilespmem:$0x1E800] =	vst v63  }
0x83: {  	p2 =	sle.u32 s13, $0x2;
	_ =	swait.ge [sflag:s21], $0x4000  }
0x84: {  	s1 =	simm.s32 @!p2 $0x80;
	[sflag:s21] =	ssyncset.done $0x0  }
0x85: {  	s6 =	simm.s32 @!p2 $0x2800;
	s0 =	simm.s32 $0x100;
	[sflag:s21] =	ssyncadd.s32 $0xFFFFC000  }
0x86: {  	[tilespmem:s6], [sflag:$0x1] =	stream.indirect.gather @!p2 [hbm4b:s4+s1], $0x80, s0, s1, $0xb8;
	[tilespmem:$0x1E800] =	vst v63  }
0x87: {  	p2 =	sne.s32 s19, $0x2;
	_ =	swait.ge [sflag:s26], $0x4000  }
.Ltmp6:
0x88: {  	s8 =	simm.s32 $0x1480;
	[sflag:s26] =	ssyncset.done $0x0;
	(pc) =	sbr.rel @!p2 .LBB2_8-.Ltmp6, $4  }
0x89: {  	s29 =	simm.s32 $0x2;
	p3 =	sle.u32 s13, $0x3;
	[sflag:s26] =	ssyncadd.s32 $0xFFFFC000  }
0x8a: {  	[spmem:s2] =	stream.indirect.scatter.add.f32 [tilespmem:s24], [sflag:$0x3], $0x80, s8, s23, $0xb8;
	[tilespmem:$0x1E800] =	vst v63  }
0x8b: {  	s30 =	simm.s32 $0x200;
	s31 =	simm.s32 @!p3 $0x180;
	_ =	swait.ge [sflag:s21], $0x4000  }
0x8c: {  	s0 =	simm.s32 $0x1580;
	s1 =	simm.s32 @!p3 $0x80;
	[sflag:s21] =	ssyncset.done $0x0  }
.LBB2_7:
0x8d: {  	[sflag:s21] =	ssyncadd.s32 $0xFFFFC000;
	s6 =	simm.s32 @!p3 $0x6800  }
0x8e: {  	s7 =	smov.u32 s29;
	s29 =	sadd.s32 $0x2, s29;
	s8 =	smov.u32 s30  }
0x8f: {  	[tilespmem:s6], [sflag:$0x2] =	stream.indirect.gather @!p3 [hbm4b:s4+s1], $0x80, s31, s1, $0xb8;
	[tilespmem:$0x1E800] =	vst v63  }
0x90: {  	p2 =	sne.s32 s19, s29;
	_ =	swait.ge [sflag:s25], $0x4000  }
0x91: {  	s1 =	sadd.s32 $0xFFFFFF80, s0;
	[sflag:s25] =	ssyncset.done $0x0  }
0x92: {  	[sflag:s25] =	ssyncadd.s32 $0xFFFFC000  }
0x93: {  	[spmem:s2] =	stream.indirect.scatter.add.f32 [tilespmem:s20], [sflag:$0x3], $0x80, s1, s23, $0xb8;
	[tilespmem:$0x1E800] =	vst v63  }
0x94: {  	p3 =	sge.u32 s29, s13;
	_ =	swait.ge [sflag:s21], $0x4000  }
0x95: {  	s6 =	simm.s32 @!p3 $0x2800;
	s1 =	simm.s32 @!p3 $0x80;
	[sflag:s21] =	ssyncset.done $0x0  }
0x96: {  	[sflag:s21] =	ssyncadd.s32 $0xFFFFC000  }
0x97: {  	[tilespmem:s6], [sflag:$0x1] =	stream.indirect.gather @!p3 [hbm4b:s4+s1], $0x80, s30, s1, $0xb8;
	[tilespmem:$0x1E800] =	vst v63  }
0x98: {  	_ =	swait.ge [sflag:s26], $0x4000  }
.Ltmp7:
0x99: {  	[sflag:s26] =	ssyncset.done $0x0;
	(pc) =	sbr.rel @p2 .LBB2_7-.Ltmp7, $4  }
0x9a: {  	s1 =	sadd.s32 $0x3, s7;
	s30 =	sadd.s32 $0x100, s30;
	[sflag:s26] =	ssyncadd.s32 $0xFFFFC000  }
0x9b: {  	[spmem:s2] =	stream.indirect.scatter.add.f32 [tilespmem:s24], [sflag:$0x3], $0x80, s0, s23, $0xb8;
	[tilespmem:$0x1E800] =	vst v63  }
0x9c: {  	p3 =	sge.u32 s1, s13;
	s0 =	sadd.s32 $0x100, s0;
	_ =	swait.ge [sflag:s21], $0x4000  }
0x9d: {  	s31 =	sadd.s32 @!p3 $0x80, s8;
	s1 =	simm.s32 @!p3 $0x80;
	[sflag:s21] =	ssyncset.done $0x0  }
.Ltmp8:
0x9e: {  	_ = 	snop;
	(pc) =	sbr.rel .LBB2_8-.Ltmp8, $1  }
0x9f: {  	_ =	sdelay $0x3  }
.LBB2_10:
0xa0: {  	_ =	sfence.sel $0x180000  }
0xa1: {  	[bflag:$0x0] =	sbarrier.arrive $0xFFFF  }
0xa2: {  	_ =	strace $0x9000004D  }
0xa3: {  	s0 =	stileid.u32;
	[bflag:$0x2] =	sbarrier.arrive $0xFFFF  }
0xa4: {  	p0 =	sne.s32 s0, $0x0;
	s0 =	rddreg [dreg:$0x2]  }
0xa5: {  	s0 =	sadd.s32 @!p0 $0x100000, s0  }
0xa6: {  	[sflag:s0] =	ssyncadd.tile.s32 @!p0 $0x1;
	_ =	shalt  }
.Lfunc_end2:
_tile_overlayer_lowered:
.L_overlay_start_2:
0xa7: {  	(tag) =	ssettag $0x2  }
0xa8: {  	s0 =	rddreg [dreg:$0x0];
	s2 =	stileid.u32  }
0xa9: {  	s1 =	rddreg [dreg:$0x1];
	p0 =	sne.s32 s2, $0x0  }
0xaa: {  	s3 =	rddreg [dreg:$0x2];
	[bflag:$0x3] =	sbarrier.arrive $0xFFFF;
	s2 =	simm.s32 @!p0 $0x1C03  }
0xab: {  	[timem:s3], [sflag:s2] =	dma.local @!p0 [hbm:s0], s1  }
0xac: {  	s0 =	simm.s32 @!p0 $0x3  }
0xad: {  	_ =	swait.ge @!p0 [sflag:s0], s1  }
0xae: {  	s1 =	ssub.s32 @!p0 $0x0, s1;
	[sflag:s0] =	ssyncset.done @!p0 $0x0  }
0xaf: {  	[sflag:s0] =	ssyncadd.s32 @!p0 s1  }
0xb0: {  	[bflag:$0x3] =	sbarrier.arrive $0xFFFF  }
0xb1: {  	_ =	shalt  }

// kernel: kernel.19.cloned.1.call-start
scs
__scs_entry_jumppad:
0x0: {  	(pc) =	sbr.rel $0x88, $3  }
0x1: {  	(tag) =	ssettag $0x0;
	lr =	simm.s32 $0x1  }
0x2: {  	[smem:$0x3F93] =	sst lr;
	_ =	strace $0xD0000000  }
0x3: {  	_ = 	snop  }
0x4: {  	_ = 	snop  }
0x5: {  	_ = 	snop  }
0x6: {  	_ = 	snop  }
0x7: {  	_ = 	snop  }
__scs_overlays_trampoline_lowered:
0x8: {  	[smem:$0x3FA2] =	sst s0  }
0x9: {  	[smem:$0x3FA3] =	sst s1  }
0xa: {  	[smem:$0x3FA4] =	sst s2  }
0xb: {  	[smem:$0x3FA5] =	sst s3  }
0xc: {  	[smem:$0x3FA6] =	sst s4  }
0xd: {  	[smem:$0x3FA7] =	sst s5  }
0xe: {  	[smem:$0x3FA8] =	sst s6  }
0xf: {  	[smem:$0x3FA9] =	sst s7  }
0x10: {  	[smem:$0x3FAA] =	sst s8  }
0x11: {  	[smem:$0x3FAB] =	sst s9;
	s0 =	simm.s32 @!p0 $0x0  }
0x12: {  	s1 =	sld [smem:$0x3F91];
	s0 =	simm.s32 @p0 $0x1  }
0x13: {  	[smem:$0x3FAC] =	sst s0;
	s0 =	simm.s32 @!p1 $0x0  }
0x14: {  	s2 =	sld [smem:$0x3F90];
	s0 =	simm.s32 @p1 $0x1  }
0x15: {  	[smem:$0x3FAD] =	sst s0;
	s0 =	simm.s32 @!p2 $0x0  }
0x16: {  	s3 =	sld [smem:$0x3FDB];
	s0 =	simm.s32 @p2 $0x1  }
0x17: {  	s4 =	simm.s32 $0x1BF5;
	[smem:$0x3FAF] =	sst s0  }
0x18: {  	s0 =	sld [smem:$0x3F92];
	_ =	swait.ge [sflag:s4], $0x0  }
0x19: {  	s7 =	sld [smem:$0x3F93]  }
0x1a: {  	s8 =	sadd.s32 $0xFFFFE003, lr  }
0x1b: {  	s9 =	sadd.s32 $0xFFFFFEF7, lr;
	s5 =	simm.s32 $0xFFFFFFFF;
	p2 =	slt.u32 s8, $0xFFFFF086  }
0x1c: {  	p1 =	slt.u32 s9, $0xF7A;
	s5 =	simm.s32 @!p2 $0x0  }
0x1d: {  	s5 =	simm.s32 @p1 $0x1;
	p0 =	seq.s32 s7, s2  }
0x1e: {  	s7 =	smul.u32 @!p0 $0xF7A, s2;
	p2 =	seq.s32 @!p0 s5, $0x0  }
0x1f: {  	s9 =	smul.u32 $0xF7A, s1;
	s8 =	simm.s32 @!p0 $0x1BF5;
	p2 =	por !p2, p0  }
0x20: {  	[sflag:s8] =	ssyncset.s32 @!p0 $0xFFFFF086;
	s6 =	sadd.s32 @!p0 s3, s7;
	s7 =	simm.s32 @!p0 $0x108  }
0x21: {  	s3 =	sadd.s32 s3, s9;
	s6 =	sadd.s32 @!p0 $0x88, s6;
	s7 =	simm.s32 @p2 $0x1082  }
0x22: {  	[simem:s7], [sflag:s8] =	dma.local @!p0 [hbm:s6], $0xF7A  }
0x23: {  	s9 =	sor.u32 $0xD0000000, s2;
	s6 =	simm.s32 $0x108;
	_ =	swait.ge @!p0 [sflag:s8], $0x0  }
0x24: {  	s3 =	sadd.s32 $0x88, s3;
	s6 =	simm.s32 @!p1 $0x1082;
	[sflag:s4] =	ssyncset.s32 $0xFFFFF086  }
0x25: {  	[simem:s6], [sflag:s4] =	dma.local [hbm:s3], $0xF7A  }
0x26: {  	[smem:$0x3F93] =	sst s1;
	(tag) =	ssettag s2;
	_ =	strace s9  }
0x27: {  	s1 =	sld [smem:$0x3FA3]  }
0x28: {  	s2 =	sld [smem:$0x3FA4]  }
0x29: {  	s4 =	sld [smem:$0x3FA6]  }
0x2a: {  	p0 =	seq.s32 s5, $0x0;
	s5 =	sld [smem:$0x3FA7]  }
0x2b: {  	s6 =	sld [smem:$0x3FA8]  }
0x2c: {  	s7 =	sld [smem:$0x3FA9]  }
0x2d: {  	s3 =	simm.s32 $0x108;
	s8 =	sld [smem:$0x3FAA]  }
0x2e: {  	s3 =	simm.s32 @!p0 $0x1082;
	s9 =	sld [smem:$0x3FAB]  }
0x2f: {  	lr =	sadd.s32 s0, s3;
	s0 =	sld [smem:$0x3FA2]  }
0x30: {  	s3 =	sld [smem:$0x3FA5]  }
0x31: {  	[smem:$0x3FAE] =	sst s10  }
0x32: {  	s10 =	sld [smem:$0x3FAC];
	_ =	sdelay $0x3  }
0x33: {  	p0 =	seq.s32 s10, $0x1;
	s10 =	sld [smem:$0x3FAE];
	_ =	sdelay $0x3  }
0x34: {  	[smem:$0x3FAE] =	sst s10  }
0x35: {  	s10 =	sld [smem:$0x3FAD];
	_ =	sdelay $0x3  }
0x36: {  	p1 =	seq.s32 s10, $0x1;
	s10 =	sld [smem:$0x3FAE];
	_ =	sdelay $0x3  }
0x37: {  	[smem:$0x3FAE] =	sst s10  }
0x38: {  	s10 =	sld [smem:$0x3FAF]  }
0x39: {  	_ = 	snop;
	(pc) =	sbr.ind lr, $3  }
0x3a: {  	_ = 	snop  }
0x3b: {  	_ = 	snop  }
0x3c: {  	p2 =	seq.s32 s10, $0x1;
	s10 =	sld [smem:$0x3FAE]  }
0x3d: {  	_ =	shalt  }
0x3e: {  	_ =	shalt  }
0x3f: {  	_ =	shalt  }
0x40: {  	_ =	shalt  }
0x41: {  	_ =	shalt  }
0x42: {  	_ =	shalt  }
0x43: {  	_ =	shalt  }
0x44: {  	_ =	shalt  }
0x45: {  	_ =	shalt  }
0x46: {  	_ =	shalt  }
0x47: {  	_ =	shalt  }
0x48: {  	_ =	shalt  }
0x49: {  	_ =	shalt  }
0x4a: {  	_ =	shalt  }
0x4b: {  	_ =	shalt  }
0x4c: {  	_ =	shalt  }
0x4d: {  	_ =	shalt  }
0x4e: {  	_ =	shalt  }
0x4f: {  	_ =	shalt  }
0x50: {  	_ =	shalt  }
0x51: {  	_ =	shalt  }
0x52: {  	_ =	shalt  }
0x53: {  	_ =	shalt  }
0x54: {  	_ =	shalt  }
0x55: {  	_ =	shalt  }
0x56: {  	_ =	shalt  }
0x57: {  	_ =	shalt  }
0x58: {  	_ =	shalt  }
0x59: {  	_ =	shalt  }
0x5a: {  	_ =	shalt  }
0x5b: {  	_ =	shalt  }
0x5c: {  	_ =	shalt  }
0x5d: {  	_ =	shalt  }
0x5e: {  	_ =	shalt  }
0x5f: {  	_ =	shalt  }
0x60: {  	_ =	shalt  }
0x61: {  	_ =	shalt  }
0x62: {  	_ =	shalt  }
0x63: {  	_ =	shalt  }
0x64: {  	_ =	shalt  }
0x65: {  	_ =	shalt  }
0x66: {  	_ =	shalt  }
0x67: {  	_ =	shalt  }
0x68: {  	_ =	shalt  }
0x69: {  	_ =	shalt  }
0x6a: {  	_ =	shalt  }
0x6b: {  	_ =	shalt  }
0x6c: {  	_ =	shalt  }
0x6d: {  	_ =	shalt  }
0x6e: {  	_ =	shalt  }
0x6f: {  	_ =	shalt  }
0x70: {  	_ =	shalt  }
0x71: {  	_ =	shalt  }
0x72: {  	_ =	shalt  }
0x73: {  	_ =	shalt  }
0x74: {  	_ =	shalt  }
0x75: {  	_ =	shalt  }
0x76: {  	_ =	shalt  }
0x77: {  	_ =	shalt  }
0x78: {  	_ =	shalt  }
0x79: {  	_ =	shalt  }
0x7a: {  	_ =	shalt  }
0x7b: {  	_ =	shalt  }
0x7c: {  	_ =	shalt  }
0x7d: {  	_ =	shalt  }
0x7e: {  	_ =	shalt  }
0x7f: {  	_ =	shalt  }
0x80: {  	_ =	shalt  }
0x81: {  	_ =	shalt  }
0x82: {  	_ =	shalt  }
0x83: {  	_ =	shalt  }
0x84: {  	_ =	shalt  }
0x85: {  	_ =	shalt  }
0x86: {  	_ =	shalt  }
0x87: {  	_ =	shalt  }
.Lfunc_end0:
.L_simem_size_0:
called_computation.3_lowered:
.L_overlay_start_0:
0x88: {  	s2 =	sld [smem:$0x3FD9]  }
0x89: {  	s3 =	sld [smem:$0x3FFE];
	_ =	sdelay $0x1  }
0x8a: {  	s1 =	srdreg.scid  }
0x8b: {  	s0 =	sand.u32 $0x1, s1  }
0x8c: {  	s16 =	sshll.u32 s0, $0xA;
	s2 =	sadd.s32 s3, s2  }
0x8d: {  	s2 =	sadd.s32 s2, s16  }
0x8e: {  	[smem:$0x3FBA] =	sst s2  }
0x8f: {  	_ = 	snop  }
0x90: {  	(tm) =	ssettm $0x1  }
0x91: {  	s17 =	sld [smem:$0x3FFB];
	_ =	sdelay $0x3  }
0x92: {  	_ =	strace s17  }
0x93: {  	s2 =	sld [smem:$0x3FFC];
	_ =	sdelay $0x3  }
0x94: {  	_ =	strace s2  }
0x95: {  	s2 =	sld [smem:$0x3FFD];
	_ =	sdelay $0x3  }
0x96: {  	_ =	strace s2  }
0x97: {  	_ =	strace $0x8FFFFFFF  }
0x98: {  	s18 =	sld [smem:$0x3FDB];
	_ =	sdelay $0x1  }
0x99: {  	s19 =	simm.s32 $_scs_section_size  }
0x9a: {  	s4 =	simm.s32 $_size__tile_overlayer_lowered;
	s5 =	simm.s32 $_tile_overlayer_lowered  }
0x9b: {  	s22 =	simm.s32 $0x1BFF;
	s21 =	sshll.u32 s5, $0x1;
	s2 =	sadd.s32 s19, s18  }
0x9c: {  	s6 =	simm.s32 $0x0;
	s20 =	sshll.u32 s4, $0x1;
	s4 =	sadd.s32 s21, s2  }
0x9d: {  	[timem:s6], [sflag:s22] =	dma.local [hbm:s4], s20  }
0x9e: {  	_ =	swait.ge [sflag:s22], s20  }
0x9f: {  	s3 =	ssub.s32 $0x0, s20;
	[sflag:s22] =	ssyncset.done $0x0  }
0xa0: {  	[sflag:s22] =	ssyncadd.s32 s3;
	_ =	sdelay $0x1  }
0xa1: {  	s23 =	simm.s32 $0x1B8B  }
0xa2: {  	_ =	swait.ge [sflag:s23], $0x1  }
0xa3: {  	[sflag:s23] =	ssyncset.done $0x0  }
0xa4: {  	s25 =	simm.s32 $0x1B8E;
	s24 =	sld [smem:$0x3FFE];
	[sflag:s23] =	ssyncadd.s32 $0xFFFFFFFF  }
0xa5: {  	s26 =	simm.s32 $execute0_lowered;
	[smem:$0x3FD2] =	sst s25  }
0xa6: {  	s4 =	sshll.u32 s26, $0x1;
	_ =	strace $0x8000004F;
	[dreg:$0x1] =	wrdreg $0xFFFFFFFF  }
0xa7: {  	s28 =	simm.s32 $_size_execute0_lowered;
	s2 =	sadd.s32 s2, s4;
	[dreg:$0x0] =	wrdreg $0x0  }
0xa8: {  	s4 =	sshll.u32 s28, $0x1;
	[dreg:$0x2] =	wrdreg s2  }
0xa9: {  	[dreg:$0x3] =	wrdreg s4  }
0xaa: {  	[dreg:$0x4] =	wrdreg $0xC0  }
0xab: {  	_ =	task [dreg:s6], $0x5FFFF  }
0xac: {  	[dreg:$0x1] =	wrdreg $0xFFFFFFFF  }
0xad: {  	[dreg:$0x0] =	wrdreg $0x60  }
0xae: {  	[dreg:$0x2] =	wrdreg s24  }
0xaf: {  	[dreg:$0x3] =	wrdreg $0xA8000  }
0xb0: {  	[dreg:$0x4] =	wrdreg $0x9  }
0xb1: {  	_ =	task.clear_ibuf [dreg:s6], $0x5FFFF;
	_ =	strace $0x9000004F  }
0xb2: {  	s29 =	simm.s32 $0x9;
	_ =	strace $0x80000051  }
0xb3: {  	_ =	swait.ge [sflag:s29], $0x1  }
0xb4: {  	[sflag:s29] =	ssyncadd.s32 $0xFFFFFFFF  }
0xb5: {  	_ =	strace $0x90000051  }
0xb6: {  	_ =	sfence  }
0xb7: {  	s30 =	sld [smem:$0x0];
	_ =	sdelay $0x2  }
0xb8: {  	s31 =	sshll.u32 s1, $0xD;
	s1 =	sshrl.u32 s1, $0x2  }
0xb9: {  	s3 =	sand.u32 $0x4000, s31;
	s1 =	sadd.s32 s1, s30  }
0xba: {  	s0 =	sor.u32 s3, s0;
	s1 =	sshll.u32 s1, $0x11  }
0xbb: {  	s0 =	sor.u32 s1, s0  }
0xbc: {  	s0 =	sadd.s32 $0x8F2B, s0  }
0xbd: {  	[sflag:s0] =	ssyncadd.remote.s32 $0x1  }
0xbe: {  	_ =	sfence.sel $0xFFFF  }
0xbf: {  	[dreg:$0x0] =	wrdreg $0xFFFFFFFF;
	(pc) =	sbr.abs _section_cstart, $3  }
0xc0: {  	[dreg:$0x1] =	wrdreg $0xFFFFFFFF  }
0xc1: {  	_ =	task.clear_ibuf [dreg:s6], $0x2FFFF;
	_ =	strace $0x9FFFFFFF  }
0xc2: {  	(tm) =	ssettm $0x7FFFFFFF  }
0xc3: {  	_ =	shalt  }
tec
execute0_lowered:
.L_overlay_start_1:
0x0: {  	(tag) =	ssettag $0x1  }
0x1: {  	s0 =	rddreg [dreg:$0x0];
	s1 =	srdreg.scid  }
0x2: {  	s2 =	rddreg [dreg:$0x1];
	s9 =	stileid.u32  }
0x3: {  	s3 =	simm.s32 $0x0;
	s28 =	simm.s32 $0x0;
	s6 =	smul.u32 $0x14000, s9  }
0x4: {  	s1 =	sand.u32 $0x1, s1;
	[smem:$0x7FF] =	sst s3;
	s7 =	smul.u32 $0x50000, s9  }
0x5: {  	s4 =	sadd.s32 $0x68A00, s0;
	s20 =	sadd.s32 $0x4A00, s0;
	s11 =	smul.u32 $0xFFFFFF60, s9  }
0x6: {  	s15 =	sadd.s32 $0xEA00, s0;
	s21 =	sshll.u32 s9, $0x1;
	s5 =	smul.u32 $0x140000, s1  }
0x7: {  	s8 =	ssub.s32 $0x2, s1;
	s25 =	sor.u32 s1, s21;
	s1 =	smul.u32 $0xFFFFFFB0, s1  }
0x8: {  	_ =	strace $0x80000050;
	s21 =	simm.s32 $0x3;
	s10 =	smul.u32 $0xFFFFFFB0, s25  }
0x9: {  	s22 =	sshrl.u32 s7, $0x2;
	s23 =	sshrl.u32 s8, $0x1;
	s12 =	smul.u32 $0x500, s25  }
0xa: {  	s14 =	smul.u32 $0x2800, s25;
	p0 =	seq.s32 s25, $0x1F;
	s25 =	simm.s32 $0x1  }
0xb: {  	s5 =	sadd.s32 s6, s5;
	s17 =	ssub.s32 s8, s23;
	s1 =	sadd.s32 s11, s1  }
0xc: {  	s23 =	simm.s32 $0x80;
	s5 =	sshrl.u32 s5, $0x3;
	s13 =	sadd.s32 $0x9C4, s10  }
0xd: {  	s11 =	sadd.s32 s20, s12;
	s12 =	sadd.s32 s15, s12;
	s1 =	sadd.s32 $0x9C4, s1  }
0xe: {  	s14 =	sshrl.u32 s14, $0x3;
	s17 =	smax.u32 s17, $0x1;
	s0 =	sadd.s32 s5, s0  }
0xf: {  	s5 =	sadd.s32 s22, s2;
	s10 =	smin.u32 s13, $0x28;
	s13 =	smax.u32 s13, $0x28  }
0x10: {  	s16 =	smax.u32 s1, $0x28;
	s18 =	sadd.s32 $0x280, s14;
	s1 =	smin.u32 s1, $0x28  }
0x11: {  	s22 =	simm.s32 $0x1400;
	s24 =	sadd.s32 $0x4000, s5;
	s26 =	sadd.s32 $0x8000, s5  }
0x12: {  	s29 =	sadd.s32 $0xC000, s5;
	s9 =	sadd.s32 $0x10000, s5;
	s13 =	smin.u32 s13, $0x50  }
0x13: {  	s16 =	smin.u32 s16, $0x50;
	s14 =	sadd.s32 s20, s18;
	s15 =	sadd.s32 s15, s18  }
.Ltmp0:
0x14: {  	s18 =	sshll.u32 s1, $0x9;
	[dreg:$0x3] =	wrdreg s24;
	(pc) =	sbr.rel .LBB2_1-.Ltmp0, $4  }
0x15: {  	s20 =	simm.s32 $0x2800;
	[dreg:$0x4] =	wrdreg s26;
	s30 =	sadd.s32 $0xFFFFFFD8, s16  }
0x16: {  	[dreg:$0x5] =	wrdreg s29;
	s13 =	sadd.s32 $0xFFFFFFD8, s13;
	s31 =	sshrl.u32 s30, $0x1  }
0x17: {  	s16 =	sadd.s32 $0x90A00, s0;
	s24 =	simm.s32 $0x6800;
	s0 =	smax.u32 s31, $0x1  }
0x18: {  	v0 =	vimm.f32 $0.0e+00;
	s26 =	simm.s32 $0x2;
	p1 =	seq.s32 s13, $0x0;
	s19 =	sshll.u32 s0, $0x1  }
.LBB2_8:
0x19: {  	[sflag:s21] =	ssyncadd.s32 $0xFFFFC000;
	s0 =	simm.s32 @!p3 $0x6800  }
0x1a: {  	[tilespmem:s0], [sflag:$0x2] =	stream.indirect.gather @!p3 [hbm4b:s4+s1], $0x80, s31, s1, $0xb8;
	[tilespmem:$0x1E800] =	vst v63  }
.LBB2_9:
0x1b: {  	s0 =	stileid.u32;
	s28 =	sadd.s32 $0x1, s28  }
0x1c: {  	[bflag:$0x0] =	sbarrier.arrive $0xFFFF;
	s0 =	sshll.u32 s0, $0x6;
	p2 =	sne.s32 s28, s17  }
.Ltmp1:
0x1d: {  	s1 =	sshrl.u32 s5, $0x3;
	s0 =	sor.u32 $0x1C03, s0;
	(pc) =	sbr.rel @!p2 .LBB2_10-.Ltmp1, $4  }
0x1e: {  	[hbm:s16], [sflag:s0] =	dma.local [spmem:s1], $0x2800  }
0x1f: {  	_ =	swait.ge [sflag:s21], $0x2800  }
0x20: {  	[sflag:s21] =	ssyncset.done $0x0  }
0x21: {  	[sflag:s21] =	ssyncadd.s32 $0xFFFFD800  }
.LBB2_1:
0x22: {  	s0 =	simm.s32 $0x0;
	s29 =	simm.s32 $0x200  }
.LBB2_2:
0x23: {  	p2 =	sne.s32 s29, $0xFE00;
	[tilespmem:s0+$0x2870] =	vst v0  }
0x24: {  	[tilespmem:s0+$0x2800] =	vst v0  }
0x25: {  	[tilespmem:s0+$0x2810] =	vst v0  }
.Ltmp2:
0x26: {  	[tilespmem:s0+$0x2820] =	vst v0;
	(pc) =	sbr.rel @p2 .LBB2_2-.Ltmp2, $4  }
0x27: {  	[tilespmem:s0+$0x2830] =	vst v0  }
0x28: {  	[tilespmem:s0+$0x2840] =	vst v0  }
0x29: {  	[tilespmem:s0+$0x2850] =	vst v0  }
0x2a: {  	[tilespmem:s0+$0x2860] =	vst v0;
	s0 =	sshra.s32 s29, $0x2;
	s29 =	sadd.s32 $0x200, s29  }
0x2b: {  	[tilespmem:s0+$0x2870] =	vst v0  }
0x2c: {  	[tilespmem:s0+$0x2800] =	vst v0  }
0x2d: {  	[tilespmem:s0+$0x2810] =	vst v0  }
0x2e: {  	[tilespmem:s0+$0x2820] =	vst v0  }
0x2f: {  	[tilespmem:s0+$0x2830] =	vst v0  }
0x30: {  	[tilespmem:s0+$0x2840] =	vst v0  }
0x31: {  	[tilespmem:s0+$0x2850] =	vst v0  }
0x32: {  	[tilespmem:s0+$0x2860] =	vst v0  }
0x33: {  	[spmem:s5] =	stream.linear.scatter [tilespmem:s20], [sflag:$0x3], $0x4000, $0x38;
	[tilespmem:$0x1E800] =	vst v63  }
0x34: {  	_ =	swait.ge [sflag:s21], $0x4000  }
0x35: {  	[sflag:s21] =	ssyncset.done $0x0  }
0x36: {  	s8 =	rddreg [dreg:$0x3];
	[sflag:s21] =	ssyncadd.s32 $0xFFFFC000  }
0x37: {  	[spmem:s8] =	stream.linear.scatter [tilespmem:s20], [sflag:$0x3], $0x4000, $0x38;
	[tilespmem:$0x1E800] =	vst v63  }
0x38: {  	_ =	swait.ge [sflag:s21], $0x4000  }
0x39: {  	[sflag:s21] =	ssyncset.done $0x0  }
0x3a: {  	s1 =	rddreg [dreg:$0x4];
	[sflag:s21] =	ssyncadd.s32 $0xFFFFC000  }
0x3b: {  	[spmem:s1] =	stream.linear.scatter [tilespmem:s20], [sflag:$0x3], $0x4000, $0x38;
	[tilespmem:$0x1E800] =	vst v63  }
0x3c: {  	_ =	swait.ge [sflag:s21], $0x4000  }
0x3d: {  	[sflag:s21] =	ssyncset.done $0x0  }
0x3e: {  	s6 =	rddreg [dreg:$0x5];
	[sflag:s21] =	ssyncadd.s32 $0xFFFFC000  }
0x3f: {  	[spmem:s6] =	stream.linear.scatter [tilespmem:s20], [sflag:$0x3], $0x4000, $0x38;
	[tilespmem:$0x1E800] =	vst v63  }
0x40: {  	_ =	swait.ge [sflag:s21], $0x4000  }
0x41: {  	[sflag:s21] =	ssyncset.done $0x0  }
0x42: {  	[sflag:s21] =	ssyncadd.s32 $0xFFFFC000  }
0x43: {  	[spmem:s9] =	stream.linear.scatter [tilespmem:s20], [sflag:$0x3], $0x4000, $0x38;
	[tilespmem:$0x1E800] =	vst v63  }
0x44: {  	_ =	swait.ge [sflag:s21], $0x4000  }
0x45: {  	[sflag:s21] =	ssyncset.done $0x0  }
0x46: {  	[sflag:s21] =	ssyncadd.s32 $0xFFFFC000  }
0x47: {  	[bflag:$0x0] =	sbarrier.arrive $0xFFFF  }
0x48: {  	[tilespmem:s3], [sflag:$0x3] =	stream.linear.gather [hbm4b:s11+s3], $0x1400, $0x38;
	[tilespmem:$0x1E800] =	vst v63  }
0x49: {  	_ =	swait.ge [sflag:s21], $0x1400  }
0x4a: {  	[sflag:s21] =	ssyncset.done $0x0  }
0x4b: {  	[sflag:s21] =	ssyncadd.s32 $0xFFFFEC00  }
0x4c: {  	[tilespmem:s22], [sflag:$0x3] =	stream.linear.gather [hbm4b:s12+s3], $0x1400, $0x38;
	[tilespmem:$0x1E800] =	vst v63  }
0x4d: {  	_ =	swait.ge [sflag:s21], $0x1400  }
0x4e: {  	[sflag:s21] =	ssyncset.done $0x0  }
0x4f: {  	[sflag:s21] =	ssyncadd.s32 $0xFFFFEC00  }
0x50: {  	[tilespmem:s20], [sflag:$0x1] =	stream.indirect.gather [hbm4b:s4+s23], $0x80, s3, s23, $0xb8;
	[tilespmem:$0x1E800] =	vst v63  }
0x51: {  	_ = 	snop  }
0x52: {  	[tilespmem:s24], [sflag:$0x2] =	stream.indirect.gather [hbm4b:s4+s23], $0x80, s23, s23, $0xb8;
	[tilespmem:$0x1E800] =	vst v63  }
0x53: {  	_ =	swait.ge [sflag:s25], $0x4000  }
0x54: {  	[sflag:s25] =	ssyncset.done $0x0  }
0x55: {  	s7 =	simm.s32 $0x1400;
	[sflag:s25] =	ssyncadd.s32 $0xFFFFC000  }
0x56: {  	[spmem:s2] =	stream.indirect.scatter.add.f32 [tilespmem:s20], [sflag:$0x3], $0x80, s7, s23, $0xb8;
	[tilespmem:$0x1E800] =	vst v63  }
0x57: {  	s0 =	simm.s32 $0x100;
	_ =	swait.ge [sflag:s21], $0x4000  }
0x58: {  	p2 =	sle.u32 s10, $0x2;
	s29 =	sadd.s32 $0xFFFFFC00, s18;
	[sflag:s21] =	ssyncset.done $0x0  }
0x59: {  	s1 =	simm.s32 @!p2 $0x80;
	s6 =	simm.s32 @!p2 $0x2800;
	[sflag:s21] =	ssyncadd.s32 $0xFFFFC000  }
0x5a: {  	[tilespmem:s6], [sflag:$0x1] =	stream.indirect.gather @!p2 [hbm4b:s4+s1], $0x80, s0, s1, $0xb8;
	[tilespmem:$0x1E800] =	vst v63  }
0x5b: {  	p2 =	sne.s32 s29, $0x0;
	_ =	swait.ge [sflag:s26], $0x4000  }
.Ltmp3:
0x5c: {  	s30 =	simm.s32 $0x4;
	[sflag:s26] =	ssyncset.done $0x0;
	(pc) =	sbr.rel @!p2 .LBB2_5-.Ltmp3, $4  }
0x5d: {  	s31 =	simm.s32 $0x200;
	s8 =	simm.s32 $0x1480;
	[sflag:s26] =	ssyncadd.s32 $0xFFFFC000  }
0x5e: {  	[spmem:s2] =	stream.indirect.scatter.add.f32 [tilespmem:s24], [sflag:$0x3], $0x80, s8, s23, $0xb8;
	[tilespmem:$0x1E800] =	vst v63  }
0x5f: {  	p3 =	sle.u32 s10, $0x3;
	s0 =	simm.s32 $0x1580;
	_ =	swait.ge [sflag:s21], $0x4000  }
0x60: {  	s1 =	simm.s32 @!p3 $0x180;
	s6 =	simm.s32 @!p3 $0x80;
	[sflag:s21] =	ssyncset.done $0x0  }
.LBB2_4:
0x61: {  	s29 =	sadd.s32 $0xFFFFFC00, s29;
	[sflag:s21] =	ssyncadd.s32 $0xFFFFC000;
	s7 =	simm.s32 @!p3 $0x6800  }
0x62: {  	[tilespmem:s7], [sflag:$0x2] =	stream.indirect.gather @!p3 [hbm4b:s4+s6], $0x80, s1, s6, $0xb8;
	[tilespmem:$0x1E800] =	vst v63  }
0x63: {  	p2 =	sne.s32 s29, $0x0;
	s1 =	smov.u32 s30;
	_ =	swait.ge [sflag:s25], $0x4000  }
0x64: {  	s6 =	sadd.s32 $0xFFFFFF80, s0;
	s7 =	smov.u32 s31;
	[sflag:s25] =	ssyncset.done $0x0  }
0x65: {  	[sflag:s25] =	ssyncadd.s32 $0xFFFFC000  }
0x66: {  	[spmem:s2] =	stream.indirect.scatter.add.f32 [tilespmem:s20], [sflag:$0x3], $0x80, s6, s23, $0xb8;
	[tilespmem:$0x1E800] =	vst v63  }
0x67: {  	p3 =	sge.u32 s30, s10;
	_ =	swait.ge [sflag:s21], $0x4000  }
0x68: {  	s8 =	simm.s32 @!p3 $0x2800;
	s6 =	simm.s32 @!p3 $0x80;
	[sflag:s21] =	ssyncset.done $0x0  }
0x69: {  	[sflag:s21] =	ssyncadd.s32 $0xFFFFC000  }
0x6a: {  	[tilespmem:s8], [sflag:$0x1] =	stream.indirect.gather @!p3 [hbm4b:s4+s6], $0x80, s31, s6, $0xb8;
	[tilespmem:$0x1E800] =	vst v63  }
0x6b: {  	_ =	swait.ge [sflag:s26], $0x4000  }
.Ltmp4:
0x6c: {  	s30 =	sadd.s32 $0x2, s30;
	[sflag:s26] =	ssyncset.done $0x0;
	(pc) =	sbr.rel @p2 .LBB2_4-.Ltmp4, $4  }
0x6d: {  	s1 =	sadd.s32 $0x1, s1;
	s31 =	sadd.s32 $0x100, s31;
	[sflag:s26] =	ssyncadd.s32 $0xFFFFC000  }
0x6e: {  	[spmem:s2] =	stream.indirect.scatter.add.f32 [tilespmem:s24], [sflag:$0x3], $0x80, s0, s23, $0xb8;
	[tilespmem:$0x1E800] =	vst v63  }
0x6f: {  	p3 =	sge.u32 s1, s10;
	s0 =	sadd.s32 $0x100, s0;
	_ =	swait.ge [sflag:s21], $0x4000  }
0x70: {  	s1 =	sadd.s32 @!p3 $0x80, s7;
	s6 =	simm.s32 @!p3 $0x80;
	[sflag:s21] =	ssyncset.done $0x0  }
.LBB2_5:
0x71: {  	[sflag:s21] =	ssyncadd.s32 $0xFFFFC000;
	s0 =	simm.s32 @!p3 $0x6800  }
0x72: {  	[tilespmem:s0], [sflag:$0x2] =	stream.indirect.gather @!p3 [hbm4b:s4+s6], $0x80, s1, s6, $0xb8;
	[tilespmem:$0x1E800] =	vst v63  }
0x73: {  	_ = 	snop  }
0x74: {  	[tilespmem:s3], [sflag:$0x3] =	stream.linear.gather [hbm4b:s14+s3], $0x1400, $0x38;
	[tilespmem:$0x1E800] =	vst v63  }
0x75: {  	_ =	swait.ge [sflag:s21], $0x1400  }
0x76: {  	[sflag:s21] =	ssyncset.done $0x0  }
0x77: {  	[sflag:s21] =	ssyncadd.s32 $0xFFFFEC00  }
0x78: {  	[tilespmem:s22], [sflag:$0x3] =	stream.linear.gather [hbm4b:s15+s3], $0x1400, $0x38;
	[tilespmem:$0x1E800] =	vst v63  }
0x79: {  	_ =	swait.ge [sflag:s21], $0x1400  }
.Ltmp5:
0x7a: {  	s0 =	simm.s32 @!p0 $0x80;
	[sflag:s21] =	ssyncset.done $0x0;
	(pc) =	sbr.rel @p1 .LBB2_9-.Ltmp5, $4  }
0x7b: {  	s1 =	simm.s32 @!p0 $0x0;
	s6 =	simm.s32 @!p0 $0x2800;
	[sflag:s21] =	ssyncadd.s32 $0xFFFFEC00  }
0x7c: {  	[tilespmem:s6], [sflag:$0x1] =	stream.indirect.gather @!p0 [hbm4b:s4+s0], $0x80, s1, s0, $0xb8;
	[tilespmem:$0x1E800] =	vst v63  }
0x7d: {  	s1 =	simm.s32 @!p0 $0x6800  }
0x7e: {  	[tilespmem:s1], [sflag:$0x2] =	stream.indirect.gather @!p0 [hbm4b:s4+s0], $0x80, s0, s0, $0xb8;
	[tilespmem:$0x1E800] =	vst v63  }
0x7f: {  	_ =	swait.ge [sflag:s25], $0x4000  }
0x80: {  	[sflag:s25] =	ssyncset.done $0x0  }
0x81: {  	s0 =	simm.s32 $0x1400;
	[sflag:s25] =	ssyncadd.s32 $0xFFFFC000  }
0x82: {  	[spmem:s2] =	stream.indirect.scatter.add.f32 [tilespmem:s20], [sflag:$0x3], $0x80, s0, s23, $0xb8;
	[tilespmem:$0x1E800] =	vst v63  }
0x83: {  	p2 =	sle.u32 s13, $0x2;
	_ =	swait.ge [sflag:s21], $0x4000  }
0x84: {  	s1 =	simm.s32 @!p2 $0x80;
	[sflag:s21] =	ssyncset.done $0x0  }
0x85: {  	s6 =	simm.s32 @!p2 $0x2800;
	s0 =	simm.s32 $0x100;
	[sflag:s21] =	ssyncadd.s32 $0xFFFFC000  }
0x86: {  	[tilespmem:s6], [sflag:$0x1] =	stream.indirect.gather @!p2 [hbm4b:s4+s1], $0x80, s0, s1, $0xb8;
	[tilespmem:$0x1E800] =	vst v63  }
0x87: {  	p2 =	sne.s32 s19, $0x2;
	_ =	swait.ge [sflag:s26], $0x4000  }
.Ltmp6:
0x88: {  	s8 =	simm.s32 $0x1480;
	[sflag:s26] =	ssyncset.done $0x0;
	(pc) =	sbr.rel @!p2 .LBB2_8-.Ltmp6, $4  }
0x89: {  	s29 =	simm.s32 $0x2;
	p3 =	sle.u32 s13, $0x3;
	[sflag:s26] =	ssyncadd.s32 $0xFFFFC000  }
0x8a: {  	[spmem:s2] =	stream.indirect.scatter.add.f32 [tilespmem:s24], [sflag:$0x3], $0x80, s8, s23, $0xb8;
	[tilespmem:$0x1E800] =	vst v63  }
0x8b: {  	s30 =	simm.s32 $0x200;
	s31 =	simm.s32 @!p3 $0x180;
	_ =	swait.ge [sflag:s21], $0x4000  }
0x8c: {  	s0 =	simm.s32 $0x1580;
	s1 =	simm.s32 @!p3 $0x80;
	[sflag:s21] =	ssyncset.done $0x0  }
.LBB2_7:
0x8d: {  	[sflag:s21] =	ssyncadd.s32 $0xFFFFC000;
	s6 =	simm.s32 @!p3 $0x6800  }
0x8e: {  	s7 =	smov.u32 s29;
	s29 =	sadd.s32 $0x2, s29;
	s8 =	smov.u32 s30  }
0x8f: {  	[tilespmem:s6], [sflag:$0x2] =	stream.indirect.gather @!p3 [hbm4b:s4+s1], $0x80, s31, s1, $0xb8;
	[tilespmem:$0x1E800] =	vst v63  }
0x90: {  	p2 =	sne.s32 s19, s29;
	_ =	swait.ge [sflag:s25], $0x4000  }
0x91: {  	s1 =	sadd.s32 $0xFFFFFF80, s0;
	[sflag:s25] =	ssyncset.done $0x0  }
0x92: {  	[sflag:s25] =	ssyncadd.s32 $0xFFFFC000  }
0x93: {  	[spmem:s2] =	stream.indirect.scatter.add.f32 [tilespmem:s20], [sflag:$0x3], $0x80, s1, s23, $0xb8;
	[tilespmem:$0x1E800] =	vst v63  }
0x94: {  	p3 =	sge.u32 s29, s13;
	_ =	swait.ge [sflag:s21], $0x4000  }
0x95: {  	s6 =	simm.s32 @!p3 $0x2800;
	s1 =	simm.s32 @!p3 $0x80;
	[sflag:s21] =	ssyncset.done $0x0  }
0x96: {  	[sflag:s21] =	ssyncadd.s32 $0xFFFFC000  }
0x97: {  	[tilespmem:s6], [sflag:$0x1] =	stream.indirect.gather @!p3 [hbm4b:s4+s1], $0x80, s30, s1, $0xb8;
	[tilespmem:$0x1E800] =	vst v63  }
0x98: {  	_ =	swait.ge [sflag:s26], $0x4000  }
.Ltmp7:
0x99: {  	[sflag:s26] =	ssyncset.done $0x0;
	(pc) =	sbr.rel @p2 .LBB2_7-.Ltmp7, $4  }
0x9a: {  	s1 =	sadd.s32 $0x3, s7;
	s30 =	sadd.s32 $0x100, s30;
	[sflag:s26] =	ssyncadd.s32 $0xFFFFC000  }
0x9b: {  	[spmem:s2] =	stream.indirect.scatter.add.f32 [tilespmem:s24], [sflag:$0x3], $0x80, s0, s23, $0xb8;
	[tilespmem:$0x1E800] =	vst v63  }
0x9c: {  	p3 =	sge.u32 s1, s13;
	s0 =	sadd.s32 $0x100, s0;
	_ =	swait.ge [sflag:s21], $0x4000  }
0x9d: {  	s31 =	sadd.s32 @!p3 $0x80, s8;
	s1 =	simm.s32 @!p3 $0x80;
	[sflag:s21] =	ssyncset.done $0x0  }
.Ltmp8:
0x9e: {  	_ = 	snop;
	(pc) =	sbr.rel .LBB2_8-.Ltmp8, $1  }
0x9f: {  	_ =	sdelay $0x3  }
.LBB2_10:
0xa0: {  	_ =	sfence.sel $0x180000  }
0xa1: {  	[bflag:$0x0] =	sbarrier.arrive $0xFFFF  }
0xa2: {  	_ =	strace $0x90000050  }
0xa3: {  	s0 =	stileid.u32;
	[bflag:$0x2] =	sbarrier.arrive $0xFFFF  }
0xa4: {  	p0 =	sne.s32 s0, $0x0;
	s0 =	rddreg [dreg:$0x2]  }
0xa5: {  	s0 =	sadd.s32 @!p0 $0x100000, s0  }
0xa6: {  	[sflag:s0] =	ssyncadd.tile.s32 @!p0 $0x1;
	_ =	shalt  }
.Lfunc_end2:
_tile_overlayer_lowered:
.L_overlay_start_2:
0xa7: {  	(tag) =	ssettag $0x2  }
0xa8: {  	s0 =	rddreg [dreg:$0x0];
	s2 =	stileid.u32  }
0xa9: {  	s1 =	rddreg [dreg:$0x1];
	p0 =	sne.s32 s2, $0x0  }
0xaa: {  	s3 =	rddreg [dreg:$0x2];
	[bflag:$0x3] =	sbarrier.arrive $0xFFFF;
	s2 =	simm.s32 @!p0 $0x1C03  }
0xab: {  	[timem:s3], [sflag:s2] =	dma.local @!p0 [hbm:s0], s1  }
0xac: {  	s0 =	simm.s32 @!p0 $0x3  }
0xad: {  	_ =	swait.ge @!p0 [sflag:s0], s1  }
0xae: {  	s1 =	ssub.s32 @!p0 $0x0, s1;
	[sflag:s0] =	ssyncset.done @!p0 $0x0  }
0xaf: {  	[sflag:s0] =	ssyncadd.s32 @!p0 s1  }
0xb0: {  	[bflag:$0x3] =	sbarrier.arrive $0xFFFF  }
0xb1: {  	_ =	shalt  }

</sc_bundles>
